<compile_context>
chip_gen: v7x
topology: tpu7x:2x2x1
jax: 0.10.2.dev20260603
libtpu: 0.0.44.dev20260713+nightly
codegen_flags: <defaults>
</compile_context>

<pallas_src>
import functools

import jax
import jax.numpy as jnp
from jax import lax
from jax.experimental import pallas as pl
from jax.experimental.pallas import tpu as pltpu
from jax.experimental.pallas import tpu_sc as plsc

_NC = 2
_NS = 16
_LANES = 16


def _eproj_body(a_ref, w_ref, b_ref, o_ref):
    o_ref[...] = (
        jnp.dot(a_ref[...], w_ref[...], preferred_element_type=jnp.float32)
        + b_ref[...]
    )


def _edge_projection(edge_attr, We, be):
    E, DE = edge_attr.shape
    D = We.shape[1]
    BE = 12800
    assert E % BE == 0
    return pl.pallas_call(
        _eproj_body,
        grid=(E // BE,),
        in_specs=[
            pl.BlockSpec((BE, DE), lambda i: (i, 0)),
            pl.BlockSpec((DE, D), lambda i: (0, 0)),
            pl.BlockSpec((1, D), lambda i: (0, 0)),
        ],
        out_specs=pl.BlockSpec((BE, D), lambda i: (i, 0)),
        out_shape=jax.ShapeDtypeStruct((E, D), jnp.float32),
    )(edge_attr, We, be.reshape(1, D))


_NB = 4


def _sc_edge_body(N, D, E, C, x_hbm, src_hbm, dst_hbm, e_hbm, out_hbm, *sc):
    src_v = sc[0:_NB]
    dst_v = sc[_NB:2 * _NB]
    ebuf = sc[2 * _NB:3 * _NB]
    zbuf = sc[3 * _NB]
    aggr_sh = sc[3 * _NB + 1]
    sem_i = sc[3 * _NB + 2:3 * _NB + 2 + _NB]
    sem_e = sc[3 * _NB + 2 + _NB:3 * _NB + 2 + 2 * _NB]
    sem_g = sc[3 * _NB + 2 + 2 * _NB:3 * _NB + 2 + 3 * _NB]
    sem_s = sc[3 * _NB + 2 + 3 * _NB:3 * _NB + 2 + 4 * _NB]
    cid = lax.axis_index("c")
    sid = lax.axis_index("s")
    wid = cid * _NS + sid

    epw = E // (_NC * _NS)
    nchunk = epw // C
    zrows = zbuf.shape[0]
    nrow_chunks = N // zrows

    zvec = jnp.zeros((_LANES,), jnp.float32)

    def _zero_row(i, _):
        for j in range(D // _LANES):
            zbuf[i, pl.ds(j * _LANES, _LANES)] = zvec
        return 0

    lax.fori_loop(0, zrows, _zero_row, 0)
    for k in range((nrow_chunks + _NS - 1) // _NS):
        c = sid + k * _NS

        @pl.when(c < nrow_chunks)
        def _():
            pltpu.sync_copy(zbuf, aggr_sh.at[pl.ds(pl.multiple_of(c * zrows, 8), zrows)])

    plsc.subcore_barrier()

    def _base(j):
        return pl.multiple_of(wid * epw + j * C, 8)

    def issue_idx(j, b):
        pltpu.async_copy(src_hbm.at[pl.ds(_base(j), C)], src_v[b], sem_i[b])
        pltpu.async_copy(dst_hbm.at[pl.ds(_base(j), C)], dst_v[b], sem_i[b])

    def wait_idx(j, b):
        pltpu.make_async_copy(src_hbm.at[pl.ds(_base(j), C)], src_v[b], sem_i[b]).wait()
        pltpu.make_async_copy(dst_hbm.at[pl.ds(_base(j), C)], dst_v[b], sem_i[b]).wait()

    def issue_e(j, b):
        pltpu.async_copy(e_hbm.at[pl.ds(_base(j), C)], ebuf[b], sem_e[b])

    def wait_e(j, b):
        pltpu.make_async_copy(e_hbm.at[pl.ds(_base(j), C)], ebuf[b], sem_e[b]).wait()

    def issue_g(b):
        pltpu.async_copy(x_hbm.at[src_v[b]], ebuf[b], sem_g[b], add=True)

    def wait_g(b):
        pltpu.make_async_copy(x_hbm.at[src_v[b]], ebuf[b], sem_g[b]).wait()

    def issue_s(b):
        pltpu.async_copy(ebuf[b], aggr_sh.at[dst_v[b]], sem_s[b], add=True)

    def wait_s(b):
        pltpu.make_async_copy(ebuf[b], aggr_sh.at[dst_v[b]], sem_s[b]).wait()

    def relu(b):
        eb = ebuf[b]

        @plsc.parallel_loop(0, C, step=1, unroll=4)
        def _row(i):
            for jj in range(D // _LANES):
                sl = pl.ds(jj * _LANES, _LANES)
                eb[i, sl] = jnp.maximum(eb[i, sl], 0.0)

    assert nchunk % _NB == 1 and nchunk >= _NB + 1
    nquad = nchunk // _NB

    for b in range(_NB - 1):
        issue_idx(b, b)
        issue_e(b, b)
    wait_idx(0, 0)
    wait_e(0, 0)
    issue_g(0)

    def _step(j, b):
        wait_g(b)
        b1 = (b + 1) % _NB
        wait_idx(j + 1, b1)
        wait_e(j + 1, b1)
        issue_g(b1)
        relu(b)
        issue_s(b)
        b3 = (b + _NB - 1) % _NB

        @pl.when(j > 0)
        def _():
            wait_s(b3)

        @pl.when(j + _NB - 1 < nchunk)
        def _():
            issue_e(j + _NB - 1, b3)
            issue_idx(j + _NB - 1, b3)

    def _quad(t, _):
        for k in range(_NB):
            _step(_NB * t + k, k)
        return 0

    lax.fori_loop(0, nquad, _quad, 0)
    wait_g(0)
    relu(0)
    issue_s(0)
    wait_s(_NB - 1)
    wait_s(0)
    plsc.subcore_barrier()

    for k in range((nrow_chunks + _NS - 1) // _NS):
        c = sid + k * _NS

        @pl.when(c < nrow_chunks)
        def _():
            base = pl.multiple_of(c * zrows, 8)
            pltpu.sync_copy(aggr_sh.at[pl.ds(base, zrows)], zbuf)
            pltpu.sync_copy(zbuf, out_hbm.at[cid, pl.ds(base, zrows)])


def _sc_aggregate(x, edge_index, e, C):
    N, D = x.shape
    E = edge_index.shape[1]
    assert E % (_NC * _NS) == 0 and (E // (_NC * _NS)) % C == 0
    zrows = 40
    assert N % zrows == 0
    mesh = plsc.VectorSubcoreMesh(core_axis_name="c", subcore_axis_name="s")
    kern = functools.partial(
        pl.kernel,
        mesh=mesh,
        out_type=jax.ShapeDtypeStruct((_NC, N, D), jnp.float32),
        scratch_types=(
            [pltpu.VMEM((C,), jnp.int32) for _ in range(2 * _NB)]
            + [pltpu.VMEM((C, D), jnp.float32) for _ in range(_NB)]
            + [
                pltpu.VMEM((zrows, D), jnp.float32),
                pltpu.VMEM_SHARED((N, D), jnp.float32),
            ]
            + [pltpu.SemaphoreType.DMA for _ in range(4 * _NB)]
        ),
    )(functools.partial(_sc_edge_body, N, D, E, C))
    return kern(x, edge_index[0], edge_index[1], e)


def _mlp_body(x_ref, p_ref, w1_ref, b1_ref, w2_ref, b2_ref, o_ref):
    h = x_ref[...] + p_ref[0] + p_ref[1]
    h = jnp.maximum(
        jnp.dot(h, w1_ref[...], preferred_element_type=jnp.float32) + b1_ref[...],
        0.0,
    )
    o_ref[...] = (
        jnp.dot(h, w2_ref[...], preferred_element_type=jnp.float32) + b2_ref[...]
    )


def _node_mlp(x, partials, W1, b1, W2, b2):
    N, D = x.shape
    BN = 2000
    assert N % BN == 0
    return pl.pallas_call(
        _mlp_body,
        grid=(N // BN,),
        in_specs=[
            pl.BlockSpec((BN, D), lambda i: (i, 0)),
            pl.BlockSpec((_NC, BN, D), lambda i: (0, i, 0)),
            pl.BlockSpec((D, D), lambda i: (0, 0)),
            pl.BlockSpec((1, D), lambda i: (0, 0)),
            pl.BlockSpec((D, D), lambda i: (0, 0)),
            pl.BlockSpec((1, D), lambda i: (0, 0)),
        ],
        out_specs=pl.BlockSpec((BN, D), lambda i: (i, 0)),
        out_shape=jax.ShapeDtypeStruct((N, D), jnp.float32),
    )(x, partials, W1, b1.reshape(1, D), W2, b2.reshape(1, D))


def kernel(x, edge_index, edge_attr, We, be, W1, b1, W2, b2):
    e = _edge_projection(edge_attr, We, be)
    partials = _sc_aggregate(x, edge_index, e, C=80)
    return _node_mlp(x, partials, W1, b1, W2, b2)

# --- scband reference (transcript-rebuilt; emitter-appended) ---
"""Pipeline reference for scband-ginelayer-55843164783468 (READ-ONLY COPY).

The authoritative reference and input builder live on the scoring server;
editing this copy changes nothing except your own understanding.
"""

import jax, jax.numpy as jnp
import numpy as np

N, E, D, DE = 10000, 320000, 128, 16

def setup_inputs(seed: int = 0) -> dict:
    key = jax.random.key(seed)
    ks = jax.random.split(key, 10)
    x = jax.random.normal(ks[0], (N, D), dtype=jnp.float32)
    edge_index = jax.random.randint(ks[1], (2, E), 0, N, dtype=jnp.int32)
    edge_attr = jax.random.normal(ks[2], (E, DE), dtype=jnp.float32)
    # GINEConv edge linear: edge_dim -> in_features
    We = jax.random.normal(ks[3], (DE, D), dtype=jnp.float32) * (1.0 / np.sqrt(DE))
    be = jnp.zeros((D,), dtype=jnp.float32)
    # MLP: Linear(D,D) -> ReLU -> Linear(D,D)
    W1 = jax.random.normal(ks[4], (D, D), dtype=jnp.float32) * (1.0 / np.sqrt(D))
    b1 = jnp.zeros((D,), dtype=jnp.float32)
    W2 = jax.random.normal(ks[5], (D, D), dtype=jnp.float32) * (1.0 / np.sqrt(D))
    b2 = jnp.zeros((D,), dtype=jnp.float32)
    return {"x": x, "edge_index": edge_index, "edge_attr": edge_attr,
            "We": We, "be": be, "W1": W1, "b1": b1, "W2": W2, "b2": b2}

def reference(x, edge_index, edge_attr, We, be, W1, b1, W2, b2):
    # GINEConv: message = relu(x_j + lin(edge_attr)); aggregate=sum at dst
    src = edge_index[0]
    dst = edge_index[1]
    e = edge_attr @ We + be                      # [E, D] edge projection
    m = jax.nn.relu(jnp.take(x, src, axis=0) + e)  # gather x_j + edge feat
    aggr = jnp.zeros_like(x).at[dst].add(m)        # scatter-add to dst nodes
    h = (1.0 + 0.0) * x + aggr                     # eps = 0 (train_eps=False)
    # nn_mlp: Linear -> ReLU -> Linear
    h = jax.nn.relu(h @ W1 + b1)
    out = h @ W2 + b2
    # dropout is identity in eval mode
    return out

if __name__ == "__main__":
    import jax
    _d = setup_inputs()
    print(jax.jit(kernel)(*tuple(_d.values())))

</pallas_src>

<mosaic_0001>
#map = affine_map<(d0, d1) -> (0, 0)>
#map1 = affine_map<(d0, d1) -> (0)>
#map2 = affine_map<(d0, d1) -> (0, 0, 0)>
module attributes {stable_mosaic.version = 14 : i64} {
  func.func @_sc_edge_body(%arg0: i32, %arg1: i32, %arg2: memref<10000x128xf32, #tpu.memory_space<hbm>>, %arg3: memref<320000xi32, #tpu.memory_space<hbm>>, %arg4: memref<320000xi32, #tpu.memory_space<hbm>>, %arg5: memref<320000x128xf32, #tpu.memory_space<hbm>>, %arg6: memref<2x10000x128xf32, #tpu.memory_space<hbm>>, %arg7: memref<80xi32, #tpu.memory_space<vmem>>, %arg8: memref<80xi32, #tpu.memory_space<vmem>>, %arg9: memref<80xi32, #tpu.memory_space<vmem>>, %arg10: memref<80xi32, #tpu.memory_space<vmem>>, %arg11: memref<80xi32, #tpu.memory_space<vmem>>, %arg12: memref<80xi32, #tpu.memory_space<vmem>>, %arg13: memref<80xi32, #tpu.memory_space<vmem>>, %arg14: memref<80xi32, #tpu.memory_space<vmem>>, %arg15: memref<80x128xf32, #tpu.memory_space<vmem>>, %arg16: memref<80x128xf32, #tpu.memory_space<vmem>>, %arg17: memref<80x128xf32, #tpu.memory_space<vmem>>, %arg18: memref<80x128xf32, #tpu.memory_space<vmem>>, %arg19: memref<40x128xf32, #tpu.memory_space<vmem>>, %arg20: memref<10000x128xf32, #tpu.memory_space<vmem_shared>>, %arg21: memref<!tpu.dma_semaphore, #tpu.memory_space<semaphore_mem>>, %arg22: memref<!tpu.dma_semaphore, #tpu.memory_space<semaphore_mem>>, %arg23: memref<!tpu.dma_semaphore, #tpu.memory_space<semaphore_mem>>, %arg24: memref<!tpu.dma_semaphore, #tpu.memory_space<semaphore_mem>>, %arg25: memref<!tpu.dma_semaphore, #tpu.memory_space<semaphore_mem>>, %arg26: memref<!tpu.dma_semaphore, #tpu.memory_space<semaphore_mem>>, %arg27: memref<!tpu.dma_semaphore, #tpu.memory_space<semaphore_mem>>, %arg28: memref<!tpu.dma_semaphore, #tpu.memory_space<semaphore_mem>>, %arg29: memref<!tpu.dma_semaphore, #tpu.memory_space<semaphore_mem>>, %arg30: memref<!tpu.dma_semaphore, #tpu.memory_space<semaphore_mem>>, %arg31: memref<!tpu.dma_semaphore, #tpu.memory_space<semaphore_mem>>, %arg32: memref<!tpu.dma_semaphore, #tpu.memory_space<semaphore_mem>>, %arg33: memref<!tpu.dma_semaphore, #tpu.memory_space<semaphore_mem>>, %arg34: memref<!tpu.dma_semaphore, #tpu.memory_space<semaphore_mem>>, %arg35: memref<!tpu.dma_semaphore, #tpu.memory_space<semaphore_mem>>, %arg36: memref<!tpu.dma_semaphore, #tpu.memory_space<semaphore_mem>>) attributes {dimension_semantics = [#tpu.dimension_semantics<core_parallel>, #tpu.dimension_semantics<subcore_parallel>], iteration_bounds = array<i64: 2, 16>, scalar_prefetch = 0 : i64, scratch_operands = 30 : i64, tpu.core_type = #tpu.core_type<sc_vector_subcore>, window_params = [{transform_indices = #map}, {transform_indices = #map1}, {transform_indices = #map1}, {transform_indices = #map}, {transform_indices = #map2}]} {
    %mul3A = arith.constant 16 : i32
    %mul3A_0 = arith.muli %arg0, %mul3A : i32
    %add3A = arith.addi %mul3A_0, %arg1 : i32
    %broadcast_in_dim3A = arith.constant 0.000000e+00 : f32
    %broadcast_in_dim3A_1 = vector.broadcast %broadcast_in_dim3A : f32 to vector<16xf32>
    %scan3A = arith.constant 0 : i32
    %scan3A_2 = arith.constant 0 : i32
    %scan3A_3 = arith.constant 40 : i32
    %scan3A_4 = arith.addi %scan3A_2, %scan3A_3 : i32
    %scan3A_5 = arith.constant 1 : i32
    %scan3A_6 = scf.for %scan3A_343 = %scan3A_2 to %scan3A_4 step %scan3A_5 iter_args(%scan3A_344 = %scan3A) -> (i32)  : i32 {
      %swap3A = arith.index_cast %scan3A_343 : i32 to index
      %swap3A_345 = arith.constant 0 : index
      %swap3A_346 = tpu.vector_load %arg19[%swap3A, %swap3A_345] {strides = array<i32>} : memref<40x128xf32, #tpu.memory_space<vmem>>, vector<1x16xf32>,
      %swap3A_347 = vector.shape_cast %swap3A_346 : vector<1x16xf32> to vector<16xf32>
      %swap3A_348 = vector.shape_cast %broadcast_in_dim3A_1 : vector<16xf32> to vector<1x16xf32>
      tpu.vector_store %arg19[%swap3A, %swap3A_345], %swap3A_348 {strides = array<i32>} : memref<40x128xf32, #tpu.memory_space<vmem>>, vector<1x16xf32>,
      %swap3A_349 = arith.index_cast %scan3A_343 : i32 to index
      %swap3A_350 = arith.constant 16 : index
      %swap3A_351 = tpu.vector_load %arg19[%swap3A_349, %swap3A_350] {strides = array<i32>} : memref<40x128xf32, #tpu.memory_space<vmem>>, vector<1x16xf32>,
      %swap3A_352 = vector.shape_cast %swap3A_351 : vector<1x16xf32> to vector<16xf32>
      %swap3A_353 = vector.shape_cast %broadcast_in_dim3A_1 : vector<16xf32> to vector<1x16xf32>
      tpu.vector_store %arg19[%swap3A_349, %swap3A_350], %swap3A_353 {strides = array<i32>} : memref<40x128xf32, #tpu.memory_space<vmem>>, vector<1x16xf32>,
      %swap3A_354 = arith.index_cast %scan3A_343 : i32 to index
      %swap3A_355 = arith.constant 32 : index
      %swap3A_356 = tpu.vector_load %arg19[%swap3A_354, %swap3A_355] {strides = array<i32>} : memref<40x128xf32, #tpu.memory_space<vmem>>, vector<1x16xf32>,
      %swap3A_357 = vector.shape_cast %swap3A_356 : vector<1x16xf32> to vector<16xf32>
      %swap3A_358 = vector.shape_cast %broadcast_in_dim3A_1 : vector<16xf32> to vector<1x16xf32>
      tpu.vector_store %arg19[%swap3A_354, %swap3A_355], %swap3A_358 {strides = array<i32>} : memref<40x128xf32, #tpu.memory_space<vmem>>, vector<1x16xf32>,
      %swap3A_359 = arith.index_cast %scan3A_343 : i32 to index
      %swap3A_360 = arith.constant 48 : index
      %swap3A_361 = tpu.vector_load %arg19[%swap3A_359, %swap3A_360] {strides = array<i32>} : memref<40x128xf32, #tpu.memory_space<vmem>>, vector<1x16xf32>,
      %swap3A_362 = vector.shape_cast %swap3A_361 : vector<1x16xf32> to vector<16xf32>
      %swap3A_363 = vector.shape_cast %broadcast_in_dim3A_1 : vector<16xf32> to vector<1x16xf32>
      tpu.vector_store %arg19[%swap3A_359, %swap3A_360], %swap3A_363 {strides = array<i32>} : memref<40x128xf32, #tpu.memory_space<vmem>>, vector<1x16xf32>,
      %swap3A_364 = arith.index_cast %scan3A_343 : i32 to index
      %swap3A_365 = arith.constant 64 : index
      %swap3A_366 = tpu.vector_load %arg19[%swap3A_364, %swap3A_365] {strides = array<i32>} : memref<40x128xf32, #tpu.memory_space<vmem>>, vector<1x16xf32>,
      %swap3A_367 = vector.shape_cast %swap3A_366 : vector<1x16xf32> to vector<16xf32>
      %swap3A_368 = vector.shape_cast %broadcast_in_dim3A_1 : vector<16xf32> to vector<1x16xf32>
      tpu.vector_store %arg19[%swap3A_364, %swap3A_365], %swap3A_368 {strides = array<i32>} : memref<40x128xf32, #tpu.memory_space<vmem>>, vector<1x16xf32>,
      %swap3A_369 = arith.index_cast %scan3A_343 : i32 to index
      %swap3A_370 = arith.constant 80 : index
      %swap3A_371 = tpu.vector_load %arg19[%swap3A_369, %swap3A_370] {strides = array<i32>} : memref<40x128xf32, #tpu.memory_space<vmem>>, vector<1x16xf32>,
      %swap3A_372 = vector.shape_cast %swap3A_371 : vector<1x16xf32> to vector<16xf32>
      %swap3A_373 = vector.shape_cast %broadcast_in_dim3A_1 : vector<16xf32> to vector<1x16xf32>
      tpu.vector_store %arg19[%swap3A_369, %swap3A_370], %swap3A_373 {strides = array<i32>} : memref<40x128xf32, #tpu.memory_space<vmem>>, vector<1x16xf32>,
      %swap3A_374 = arith.index_cast %scan3A_343 : i32 to index
      %swap3A_375 = arith.constant 96 : index
      %swap3A_376 = tpu.vector_load %arg19[%swap3A_374, %swap3A_375] {strides = array<i32>} : memref<40x128xf32, #tpu.memory_space<vmem>>, vector<1x16xf32>,
      %swap3A_377 = vector.shape_cast %swap3A_376 : vector<1x16xf32> to vector<16xf32>
      %swap3A_378 = vector.shape_cast %broadcast_in_dim3A_1 : vector<16xf32> to vector<1x16xf32>
      tpu.vector_store %arg19[%swap3A_374, %swap3A_375], %swap3A_378 {strides = array<i32>} : memref<40x128xf32, #tpu.memory_space<vmem>>, vector<1x16xf32>,
      %swap3A_379 = arith.index_cast %scan3A_343 : i32 to index
      %swap3A_380 = arith.constant 112 : index
      %swap3A_381 = tpu.vector_load %arg19[%swap3A_379, %swap3A_380] {strides = array<i32>} : memref<40x128xf32, #tpu.memory_space<vmem>>, vector<1x16xf32>,
      %swap3A_382 = vector.shape_cast %swap3A_381 : vector<1x16xf32> to vector<16xf32>
      %swap3A_383 = vector.shape_cast %broadcast_in_dim3A_1 : vector<16xf32> to vector<1x16xf32>
      tpu.vector_store %arg19[%swap3A_379, %swap3A_380], %swap3A_383 {strides = array<i32>} : memref<40x128xf32, #tpu.memory_space<vmem>>, vector<1x16xf32>,
      %scan3A_384 = arith.constant 0 : i32
      scf.yield %scan3A_384 : i32
    }
    %scan3A_7 = arith.constant 40 : i32
    %add3A_8 = arith.constant 0 : i32
    %add3A_9 = arith.addi %arg1, %add3A_8 : i32
    %lt3A = arith.constant 250 : i32
    %lt3A_10 = arith.cmpi slt, %add3A_9, %lt3A : i32
    %convert_element_type3A = arith.extui %lt3A_10 : i1 to i32
    %cond3A = arith.constant 0 : i32
    %cond3A_11 = arith.cmpi ne, %convert_element_type3A, %cond3A : i32
    scf.if %cond3A_11 {
      %mul3A_343 = arith.constant 40 : i32
      %mul3A_344 = arith.muli %add3A_9, %mul3A_343 : i32
      %multiple_of3A_345 = tpu.assume_multiple %mul3A_344, 8 : i32
      "tpu.region"() ({
        %run_scoped3A = tpu.sem_alloc : memref<!tpu.dma_semaphore, #tpu.memory_space<semaphore_mem>>
        %dma_start3A_346 = arith.constant 0 : i32
        %dma_start3A_347 = tpu.memref_slice %arg20[%multiple_of3A_345, %dma_start3A_346] : memref<10000x128xf32, #tpu.memory_space<vmem_shared>> -> memref<40x128xf32, #tpu.memory_space<vmem_shared>>
        %dma_start3A_348 = arith.constant 0 : i32
        %dma_start3A_349 = tpu.memref_slice %arg20[%multiple_of3A_345, %dma_start3A_348] : memref<10000x128xf32, #tpu.memory_space<vmem_shared>> -> memref<40x128xf32, #tpu.memory_space<vmem_shared>>
        tpu.enqueue_dma source(%arg19 : memref<40x128xf32, #tpu.memory_space<vmem>>) target(%dma_start3A_349 : memref<40x128xf32, #tpu.memory_space<vmem_shared>>) target_semaphore(%run_scoped3A : memref<!tpu.dma_semaphore, #tpu.memory_space<semaphore_mem>>)
        %dma_wait3A_350 = arith.constant 0 : i32
        %dma_wait3A_351 = tpu.memref_slice %arg20[%multiple_of3A_345, %dma_wait3A_350] : memref<10000x128xf32, #tpu.memory_space<vmem_shared>> -> memref<40x128xf32, #tpu.memory_space<vmem_shared>>
        %dma_wait3A_352 = arith.constant 0 : i32
        %dma_wait3A_353 = tpu.memref_slice %arg20[%multiple_of3A_345, %dma_wait3A_352] : memref<10000x128xf32, #tpu.memory_space<vmem_shared>> -> memref<40x128xf32, #tpu.memory_space<vmem_shared>>
        tpu.wait_dma2 semaphore(%run_scoped3A : memref<!tpu.dma_semaphore, #tpu.memory_space<semaphore_mem>>) src(%arg19 : memref<40x128xf32, #tpu.memory_space<vmem>>) dst(%dma_wait3A_353 : memref<40x128xf32, #tpu.memory_space<vmem_shared>>)
        tpu.yield
      }) : () -> ()
    } else {
    }
    %add3A_12 = arith.constant 16 : i32
    %add3A_13 = arith.addi %arg1, %add3A_12 : i32
    %lt3A_14 = arith.constant 250 : i32
    %lt3A_15 = arith.cmpi slt, %add3A_13, %lt3A_14 : i32
    %convert_element_type3A_16 = arith.extui %lt3A_15 : i1 to i32
    %cond3A_17 = arith.constant 0 : i32
    %cond3A_18 = arith.cmpi ne, %convert_element_type3A_16, %cond3A_17 : i32
    scf.if %cond3A_18 {
      %mul3A_343 = arith.constant 40 : i32
      %mul3A_344 = arith.muli %add3A_13, %mul3A_343 : i32
      %multiple_of3A_345 = tpu.assume_multiple %mul3A_344, 8 : i32
      "tpu.region"() ({
        %run_scoped3A = tpu.sem_alloc : memref<!tpu.dma_semaphore, #tpu.memory_space<semaphore_mem>>
        %dma_start3A_346 = arith.constant 0 : i32
        %dma_start3A_347 = tpu.memref_slice %arg20[%multiple_of3A_345, %dma_start3A_346] : memref<10000x128xf32, #tpu.memory_space<vmem_shared>> -> memref<40x128xf32, #tpu.memory_space<vmem_shared>>
        %dma_start3A_348 = arith.constant 0 : i32
        %dma_start3A_349 = tpu.memref_slice %arg20[%multiple_of3A_345, %dma_start3A_348] : memref<10000x128xf32, #tpu.memory_space<vmem_shared>> -> memref<40x128xf32, #tpu.memory_space<vmem_shared>>
        tpu.enqueue_dma source(%arg19 : memref<40x128xf32, #tpu.memory_space<vmem>>) target(%dma_start3A_349 : memref<40x128xf32, #tpu.memory_space<vmem_shared>>) target_semaphore(%run_scoped3A : memref<!tpu.dma_semaphore, #tpu.memory_space<semaphore_mem>>)
        %dma_wait3A_350 = arith.constant 0 : i32
        %dma_wait3A_351 = tpu.memref_slice %arg20[%multiple_of3A_345, %dma_wait3A_350] : memref<10000x128xf32, #tpu.memory_space<vmem_shared>> -> memref<40x128xf32, #tpu.memory_space<vmem_shared>>
        %dma_wait3A_352 = arith.constant 0 : i32
        %dma_wait3A_353 = tpu.memref_slice %arg20[%multiple_of3A_345, %dma_wait3A_352] : memref<10000x128xf32, #tpu.memory_space<vmem_shared>> -> memref<40x128xf32, #tpu.memory_space<vmem_shared>>
        tpu.wait_dma2 semaphore(%run_scoped3A : memref<!tpu.dma_semaphore, #tpu.memory_space<semaphore_mem>>) src(%arg19 : memref<40x128xf32, #tpu.memory_space<vmem>>) dst(%dma_wait3A_353 : memref<40x128xf32, #tpu.memory_space<vmem_shared>>)
        tpu.yield
      }) : () -> ()
    } else {
    }
    %add3A_19 = arith.constant 32 : i32
    %add3A_20 = arith.addi %arg1, %add3A_19 : i32
    %lt3A_21 = arith.constant 250 : i32
    %lt3A_22 = arith.cmpi slt, %add3A_20, %lt3A_21 : i32
    %convert_element_type3A_23 = arith.extui %lt3A_22 : i1 to i32
    %cond3A_24 = arith.constant 0 : i32
    %cond3A_25 = arith.cmpi ne, %convert_element_type3A_23, %cond3A_24 : i32
    scf.if %cond3A_25 {
      %mul3A_343 = arith.constant 40 : i32
      %mul3A_344 = arith.muli %add3A_20, %mul3A_343 : i32
      %multiple_of3A_345 = tpu.assume_multiple %mul3A_344, 8 : i32
      "tpu.region"() ({
        %run_scoped3A = tpu.sem_alloc : memref<!tpu.dma_semaphore, #tpu.memory_space<semaphore_mem>>
        %dma_start3A_346 = arith.constant 0 : i32
        %dma_start3A_347 = tpu.memref_slice %arg20[%multiple_of3A_345, %dma_start3A_346] : memref<10000x128xf32, #tpu.memory_space<vmem_shared>> -> memref<40x128xf32, #tpu.memory_space<vmem_shared>>
        %dma_start3A_348 = arith.constant 0 : i32
        %dma_start3A_349 = tpu.memref_slice %arg20[%multiple_of3A_345, %dma_start3A_348] : memref<10000x128xf32, #tpu.memory_space<vmem_shared>> -> memref<40x128xf32, #tpu.memory_space<vmem_shared>>
        tpu.enqueue_dma source(%arg19 : memref<40x128xf32, #tpu.memory_space<vmem>>) target(%dma_start3A_349 : memref<40x128xf32, #tpu.memory_space<vmem_shared>>) target_semaphore(%run_scoped3A : memref<!tpu.dma_semaphore, #tpu.memory_space<semaphore_mem>>)
        %dma_wait3A_350 = arith.constant 0 : i32
        %dma_wait3A_351 = tpu.memref_slice %arg20[%multiple_of3A_345, %dma_wait3A_350] : memref<10000x128xf32, #tpu.memory_space<vmem_shared>> -> memref<40x128xf32, #tpu.memory_space<vmem_shared>>
        %dma_wait3A_352 = arith.constant 0 : i32
        %dma_wait3A_353 = tpu.memref_slice %arg20[%multiple_of3A_345, %dma_wait3A_352] : memref<10000x128xf32, #tpu.memory_space<vmem_shared>> -> memref<40x128xf32, #tpu.memory_space<vmem_shared>>
        tpu.wait_dma2 semaphore(%run_scoped3A : memref<!tpu.dma_semaphore, #tpu.memory_space<semaphore_mem>>) src(%arg19 : memref<40x128xf32, #tpu.memory_space<vmem>>) dst(%dma_wait3A_353 : memref<40x128xf32, #tpu.memory_space<vmem_shared>>)
        tpu.yield
      }) : () -> ()
    } else {
    }
    %add3A_26 = arith.constant 48 : i32
    %add3A_27 = arith.addi %arg1, %add3A_26 : i32
    %lt3A_28 = arith.constant 250 : i32
    %lt3A_29 = arith.cmpi slt, %add3A_27, %lt3A_28 : i32
    %convert_element_type3A_30 = arith.extui %lt3A_29 : i1 to i32
    %cond3A_31 = arith.constant 0 : i32
    %cond3A_32 = arith.cmpi ne, %convert_element_type3A_30, %cond3A_31 : i32
    scf.if %cond3A_32 {
      %mul3A_343 = arith.constant 40 : i32
      %mul3A_344 = arith.muli %add3A_27, %mul3A_343 : i32
      %multiple_of3A_345 = tpu.assume_multiple %mul3A_344, 8 : i32
      "tpu.region"() ({
        %run_scoped3A = tpu.sem_alloc : memref<!tpu.dma_semaphore, #tpu.memory_space<semaphore_mem>>
        %dma_start3A_346 = arith.constant 0 : i32
        %dma_start3A_347 = tpu.memref_slice %arg20[%multiple_of3A_345, %dma_start3A_346] : memref<10000x128xf32, #tpu.memory_space<vmem_shared>> -> memref<40x128xf32, #tpu.memory_space<vmem_shared>>
        %dma_start3A_348 = arith.constant 0 : i32
        %dma_start3A_349 = tpu.memref_slice %arg20[%multiple_of3A_345, %dma_start3A_348] : memref<10000x128xf32, #tpu.memory_space<vmem_shared>> -> memref<40x128xf32, #tpu.memory_space<vmem_shared>>
        tpu.enqueue_dma source(%arg19 : memref<40x128xf32, #tpu.memory_space<vmem>>) target(%dma_start3A_349 : memref<40x128xf32, #tpu.memory_space<vmem_shared>>) target_semaphore(%run_scoped3A : memref<!tpu.dma_semaphore, #tpu.memory_space<semaphore_mem>>)
        %dma_wait3A_350 = arith.constant 0 : i32
        %dma_wait3A_351 = tpu.memref_slice %arg20[%multiple_of3A_345, %dma_wait3A_350] : memref<10000x128xf32, #tpu.memory_space<vmem_shared>> -> memref<40x128xf32, #tpu.memory_space<vmem_shared>>
        %dma_wait3A_352 = arith.constant 0 : i32
        %dma_wait3A_353 = tpu.memref_slice %arg20[%multiple_of3A_345, %dma_wait3A_352] : memref<10000x128xf32, #tpu.memory_space<vmem_shared>> -> memref<40x128xf32, #tpu.memory_space<vmem_shared>>
        tpu.wait_dma2 semaphore(%run_scoped3A : memref<!tpu.dma_semaphore, #tpu.memory_space<semaphore_mem>>) src(%arg19 : memref<40x128xf32, #tpu.memory_space<vmem>>) dst(%dma_wait3A_353 : memref<40x128xf32, #tpu.memory_space<vmem_shared>>)
        tpu.yield
      }) : () -> ()
    } else {
    }
    %add3A_33 = arith.constant 64 : i32
    %add3A_34 = arith.addi %arg1, %add3A_33 : i32
    %lt3A_35 = arith.constant 250 : i32
    %lt3A_36 = arith.cmpi slt, %add3A_34, %lt3A_35 : i32
    %convert_element_type3A_37 = arith.extui %lt3A_36 : i1 to i32
    %cond3A_38 = arith.constant 0 : i32
    %cond3A_39 = arith.cmpi ne, %convert_element_type3A_37, %cond3A_38 : i32
    scf.if %cond3A_39 {
      %mul3A_343 = arith.constant 40 : i32
      %mul3A_344 = arith.muli %add3A_34, %mul3A_343 : i32
      %multiple_of3A_345 = tpu.assume_multiple %mul3A_344, 8 : i32
      "tpu.region"() ({
        %run_scoped3A = tpu.sem_alloc : memref<!tpu.dma_semaphore, #tpu.memory_space<semaphore_mem>>
        %dma_start3A_346 = arith.constant 0 : i32
        %dma_start3A_347 = tpu.memref_slice %arg20[%multiple_of3A_345, %dma_start3A_346] : memref<10000x128xf32, #tpu.memory_space<vmem_shared>> -> memref<40x128xf32, #tpu.memory_space<vmem_shared>>
        %dma_start3A_348 = arith.constant 0 : i32
        %dma_start3A_349 = tpu.memref_slice %arg20[%multiple_of3A_345, %dma_start3A_348] : memref<10000x128xf32, #tpu.memory_space<vmem_shared>> -> memref<40x128xf32, #tpu.memory_space<vmem_shared>>
        tpu.enqueue_dma source(%arg19 : memref<40x128xf32, #tpu.memory_space<vmem>>) target(%dma_start3A_349 : memref<40x128xf32, #tpu.memory_space<vmem_shared>>) target_semaphore(%run_scoped3A : memref<!tpu.dma_semaphore, #tpu.memory_space<semaphore_mem>>)
        %dma_wait3A_350 = arith.constant 0 : i32
        %dma_wait3A_351 = tpu.memref_slice %arg20[%multiple_of3A_345, %dma_wait3A_350] : memref<10000x128xf32, #tpu.memory_space<vmem_shared>> -> memref<40x128xf32, #tpu.memory_space<vmem_shared>>
        %dma_wait3A_352 = arith.constant 0 : i32
        %dma_wait3A_353 = tpu.memref_slice %arg20[%multiple_of3A_345, %dma_wait3A_352] : memref<10000x128xf32, #tpu.memory_space<vmem_shared>> -> memref<40x128xf32, #tpu.memory_space<vmem_shared>>
        tpu.wait_dma2 semaphore(%run_scoped3A : memref<!tpu.dma_semaphore, #tpu.memory_space<semaphore_mem>>) src(%arg19 : memref<40x128xf32, #tpu.memory_space<vmem>>) dst(%dma_wait3A_353 : memref<40x128xf32, #tpu.memory_space<vmem_shared>>)
        tpu.yield
      }) : () -> ()
    } else {
    }
    %add3A_40 = arith.constant 80 : i32
    %add3A_41 = arith.addi %arg1, %add3A_40 : i32
    %lt3A_42 = arith.constant 250 : i32
    %lt3A_43 = arith.cmpi slt, %add3A_41, %lt3A_42 : i32
    %convert_element_type3A_44 = arith.extui %lt3A_43 : i1 to i32
    %cond3A_45 = arith.constant 0 : i32
    %cond3A_46 = arith.cmpi ne, %convert_element_type3A_44, %cond3A_45 : i32
    scf.if %cond3A_46 {
      %mul3A_343 = arith.constant 40 : i32
      %mul3A_344 = arith.muli %add3A_41, %mul3A_343 : i32
      %multiple_of3A_345 = tpu.assume_multiple %mul3A_344, 8 : i32
      "tpu.region"() ({
        %run_scoped3A = tpu.sem_alloc : memref<!tpu.dma_semaphore, #tpu.memory_space<semaphore_mem>>
        %dma_start3A_346 = arith.constant 0 : i32
        %dma_start3A_347 = tpu.memref_slice %arg20[%multiple_of3A_345, %dma_start3A_346] : memref<10000x128xf32, #tpu.memory_space<vmem_shared>> -> memref<40x128xf32, #tpu.memory_space<vmem_shared>>
        %dma_start3A_348 = arith.constant 0 : i32
        %dma_start3A_349 = tpu.memref_slice %arg20[%multiple_of3A_345, %dma_start3A_348] : memref<10000x128xf32, #tpu.memory_space<vmem_shared>> -> memref<40x128xf32, #tpu.memory_space<vmem_shared>>
        tpu.enqueue_dma source(%arg19 : memref<40x128xf32, #tpu.memory_space<vmem>>) target(%dma_start3A_349 : memref<40x128xf32, #tpu.memory_space<vmem_shared>>) target_semaphore(%run_scoped3A : memref<!tpu.dma_semaphore, #tpu.memory_space<semaphore_mem>>)
        %dma_wait3A_350 = arith.constant 0 : i32
        %dma_wait3A_351 = tpu.memref_slice %arg20[%multiple_of3A_345, %dma_wait3A_350] : memref<10000x128xf32, #tpu.memory_space<vmem_shared>> -> memref<40x128xf32, #tpu.memory_space<vmem_shared>>
        %dma_wait3A_352 = arith.constant 0 : i32
        %dma_wait3A_353 = tpu.memref_slice %arg20[%multiple_of3A_345, %dma_wait3A_352] : memref<10000x128xf32, #tpu.memory_space<vmem_shared>> -> memref<40x128xf32, #tpu.memory_space<vmem_shared>>
        tpu.wait_dma2 semaphore(%run_scoped3A : memref<!tpu.dma_semaphore, #tpu.memory_space<semaphore_mem>>) src(%arg19 : memref<40x128xf32, #tpu.memory_space<vmem>>) dst(%dma_wait3A_353 : memref<40x128xf32, #tpu.memory_space<vmem_shared>>)
        tpu.yield
      }) : () -> ()
    } else {
    }
    %add3A_47 = arith.constant 96 : i32
    %add3A_48 = arith.addi %arg1, %add3A_47 : i32
    %lt3A_49 = arith.constant 250 : i32
    %lt3A_50 = arith.cmpi slt, %add3A_48, %lt3A_49 : i32
    %convert_element_type3A_51 = arith.extui %lt3A_50 : i1 to i32
    %cond3A_52 = arith.constant 0 : i32
    %cond3A_53 = arith.cmpi ne, %convert_element_type3A_51, %cond3A_52 : i32
    scf.if %cond3A_53 {
      %mul3A_343 = arith.constant 40 : i32
      %mul3A_344 = arith.muli %add3A_48, %mul3A_343 : i32
      %multiple_of3A_345 = tpu.assume_multiple %mul3A_344, 8 : i32
      "tpu.region"() ({
        %run_scoped3A = tpu.sem_alloc : memref<!tpu.dma_semaphore, #tpu.memory_space<semaphore_mem>>
        %dma_start3A_346 = arith.constant 0 : i32
        %dma_start3A_347 = tpu.memref_slice %arg20[%multiple_of3A_345, %dma_start3A_346] : memref<10000x128xf32, #tpu.memory_space<vmem_shared>> -> memref<40x128xf32, #tpu.memory_space<vmem_shared>>
        %dma_start3A_348 = arith.constant 0 : i32
        %dma_start3A_349 = tpu.memref_slice %arg20[%multiple_of3A_345, %dma_start3A_348] : memref<10000x128xf32, #tpu.memory_space<vmem_shared>> -> memref<40x128xf32, #tpu.memory_space<vmem_shared>>
        tpu.enqueue_dma source(%arg19 : memref<40x128xf32, #tpu.memory_space<vmem>>) target(%dma_start3A_349 : memref<40x128xf32, #tpu.memory_space<vmem_shared>>) target_semaphore(%run_scoped3A : memref<!tpu.dma_semaphore, #tpu.memory_space<semaphore_mem>>)
        %dma_wait3A_350 = arith.constant 0 : i32
        %dma_wait3A_351 = tpu.memref_slice %arg20[%multiple_of3A_345, %dma_wait3A_350] : memref<10000x128xf32, #tpu.memory_space<vmem_shared>> -> memref<40x128xf32, #tpu.memory_space<vmem_shared>>
        %dma_wait3A_352 = arith.constant 0 : i32
        %dma_wait3A_353 = tpu.memref_slice %arg20[%multiple_of3A_345, %dma_wait3A_352] : memref<10000x128xf32, #tpu.memory_space<vmem_shared>> -> memref<40x128xf32, #tpu.memory_space<vmem_shared>>
        tpu.wait_dma2 semaphore(%run_scoped3A : memref<!tpu.dma_semaphore, #tpu.memory_space<semaphore_mem>>) src(%arg19 : memref<40x128xf32, #tpu.memory_space<vmem>>) dst(%dma_wait3A_353 : memref<40x128xf32, #tpu.memory_space<vmem_shared>>)
        tpu.yield
      }) : () -> ()
    } else {
    }
    %add3A_54 = arith.constant 112 : i32
    %add3A_55 = arith.addi %arg1, %add3A_54 : i32
    %lt3A_56 = arith.constant 250 : i32
    %lt3A_57 = arith.cmpi slt, %add3A_55, %lt3A_56 : i32
    %convert_element_type3A_58 = arith.extui %lt3A_57 : i1 to i32
    %cond3A_59 = arith.constant 0 : i32
    %cond3A_60 = arith.cmpi ne, %convert_element_type3A_58, %cond3A_59 : i32
    scf.if %cond3A_60 {
      %mul3A_343 = arith.constant 40 : i32
      %mul3A_344 = arith.muli %add3A_55, %mul3A_343 : i32
      %multiple_of3A_345 = tpu.assume_multiple %mul3A_344, 8 : i32
      "tpu.region"() ({
        %run_scoped3A = tpu.sem_alloc : memref<!tpu.dma_semaphore, #tpu.memory_space<semaphore_mem>>
        %dma_start3A_346 = arith.constant 0 : i32
        %dma_start3A_347 = tpu.memref_slice %arg20[%multiple_of3A_345, %dma_start3A_346] : memref<10000x128xf32, #tpu.memory_space<vmem_shared>> -> memref<40x128xf32, #tpu.memory_space<vmem_shared>>
        %dma_start3A_348 = arith.constant 0 : i32
        %dma_start3A_349 = tpu.memref_slice %arg20[%multiple_of3A_345, %dma_start3A_348] : memref<10000x128xf32, #tpu.memory_space<vmem_shared>> -> memref<40x128xf32, #tpu.memory_space<vmem_shared>>
        tpu.enqueue_dma source(%arg19 : memref<40x128xf32, #tpu.memory_space<vmem>>) target(%dma_start3A_349 : memref<40x128xf32, #tpu.memory_space<vmem_shared>>) target_semaphore(%run_scoped3A : memref<!tpu.dma_semaphore, #tpu.memory_space<semaphore_mem>>)
        %dma_wait3A_350 = arith.constant 0 : i32
        %dma_wait3A_351 = tpu.memref_slice %arg20[%multiple_of3A_345, %dma_wait3A_350] : memref<10000x128xf32, #tpu.memory_space<vmem_shared>> -> memref<40x128xf32, #tpu.memory_space<vmem_shared>>
        %dma_wait3A_352 = arith.constant 0 : i32
        %dma_wait3A_353 = tpu.memref_slice %arg20[%multiple_of3A_345, %dma_wait3A_352] : memref<10000x128xf32, #tpu.memory_space<vmem_shared>> -> memref<40x128xf32, #tpu.memory_space<vmem_shared>>
        tpu.wait_dma2 semaphore(%run_scoped3A : memref<!tpu.dma_semaphore, #tpu.memory_space<semaphore_mem>>) src(%arg19 : memref<40x128xf32, #tpu.memory_space<vmem>>) dst(%dma_wait3A_353 : memref<40x128xf32, #tpu.memory_space<vmem_shared>>)
        tpu.yield
      }) : () -> ()
    } else {
    }
    %add3A_61 = arith.constant 128 : i32
    %add3A_62 = arith.addi %arg1, %add3A_61 : i32
    %lt3A_63 = arith.constant 250 : i32
    %lt3A_64 = arith.cmpi slt, %add3A_62, %lt3A_63 : i32
    %convert_element_type3A_65 = arith.extui %lt3A_64 : i1 to i32
    %cond3A_66 = arith.constant 0 : i32
    %cond3A_67 = arith.cmpi ne, %convert_element_type3A_65, %cond3A_66 : i32
    scf.if %cond3A_67 {
      %mul3A_343 = arith.constant 40 : i32
      %mul3A_344 = arith.muli %add3A_62, %mul3A_343 : i32
      %multiple_of3A_345 = tpu.assume_multiple %mul3A_344, 8 : i32
      "tpu.region"() ({
        %run_scoped3A = tpu.sem_alloc : memref<!tpu.dma_semaphore, #tpu.memory_space<semaphore_mem>>
        %dma_start3A_346 = arith.constant 0 : i32
        %dma_start3A_347 = tpu.memref_slice %arg20[%multiple_of3A_345, %dma_start3A_346] : memref<10000x128xf32, #tpu.memory_space<vmem_shared>> -> memref<40x128xf32, #tpu.memory_space<vmem_shared>>
        %dma_start3A_348 = arith.constant 0 : i32
        %dma_start3A_349 = tpu.memref_slice %arg20[%multiple_of3A_345, %dma_start3A_348] : memref<10000x128xf32, #tpu.memory_space<vmem_shared>> -> memref<40x128xf32, #tpu.memory_space<vmem_shared>>
        tpu.enqueue_dma source(%arg19 : memref<40x128xf32, #tpu.memory_space<vmem>>) target(%dma_start3A_349 : memref<40x128xf32, #tpu.memory_space<vmem_shared>>) target_semaphore(%run_scoped3A : memref<!tpu.dma_semaphore, #tpu.memory_space<semaphore_mem>>)
        %dma_wait3A_350 = arith.constant 0 : i32
        %dma_wait3A_351 = tpu.memref_slice %arg20[%multiple_of3A_345, %dma_wait3A_350] : memref<10000x128xf32, #tpu.memory_space<vmem_shared>> -> memref<40x128xf32, #tpu.memory_space<vmem_shared>>
        %dma_wait3A_352 = arith.constant 0 : i32
        %dma_wait3A_353 = tpu.memref_slice %arg20[%multiple_of3A_345, %dma_wait3A_352] : memref<10000x128xf32, #tpu.memory_space<vmem_shared>> -> memref<40x128xf32, #tpu.memory_space<vmem_shared>>
        tpu.wait_dma2 semaphore(%run_scoped3A : memref<!tpu.dma_semaphore, #tpu.memory_space<semaphore_mem>>) src(%arg19 : memref<40x128xf32, #tpu.memory_space<vmem>>) dst(%dma_wait3A_353 : memref<40x128xf32, #tpu.memory_space<vmem_shared>>)
        tpu.yield
      }) : () -> ()
    } else {
    }
    %add3A_68 = arith.constant 144 : i32
    %add3A_69 = arith.addi %arg1, %add3A_68 : i32
    %lt3A_70 = arith.constant 250 : i32
    %lt3A_71 = arith.cmpi slt, %add3A_69, %lt3A_70 : i32
    %convert_element_type3A_72 = arith.extui %lt3A_71 : i1 to i32
    %cond3A_73 = arith.constant 0 : i32
    %cond3A_74 = arith.cmpi ne, %convert_element_type3A_72, %cond3A_73 : i32
    scf.if %cond3A_74 {
      %mul3A_343 = arith.constant 40 : i32
      %mul3A_344 = arith.muli %add3A_69, %mul3A_343 : i32
      %multiple_of3A_345 = tpu.assume_multiple %mul3A_344, 8 : i32
      "tpu.region"() ({
        %run_scoped3A = tpu.sem_alloc : memref<!tpu.dma_semaphore, #tpu.memory_space<semaphore_mem>>
        %dma_start3A_346 = arith.constant 0 : i32
        %dma_start3A_347 = tpu.memref_slice %arg20[%multiple_of3A_345, %dma_start3A_346] : memref<10000x128xf32, #tpu.memory_space<vmem_shared>> -> memref<40x128xf32, #tpu.memory_space<vmem_shared>>
        %dma_start3A_348 = arith.constant 0 : i32
        %dma_start3A_349 = tpu.memref_slice %arg20[%multiple_of3A_345, %dma_start3A_348] : memref<10000x128xf32, #tpu.memory_space<vmem_shared>> -> memref<40x128xf32, #tpu.memory_space<vmem_shared>>
        tpu.enqueue_dma source(%arg19 : memref<40x128xf32, #tpu.memory_space<vmem>>) target(%dma_start3A_349 : memref<40x128xf32, #tpu.memory_space<vmem_shared>>) target_semaphore(%run_scoped3A : memref<!tpu.dma_semaphore, #tpu.memory_space<semaphore_mem>>)
        %dma_wait3A_350 = arith.constant 0 : i32
        %dma_wait3A_351 = tpu.memref_slice %arg20[%multiple_of3A_345, %dma_wait3A_350] : memref<10000x128xf32, #tpu.memory_space<vmem_shared>> -> memref<40x128xf32, #tpu.memory_space<vmem_shared>>
        %dma_wait3A_352 = arith.constant 0 : i32
        %dma_wait3A_353 = tpu.memref_slice %arg20[%multiple_of3A_345, %dma_wait3A_352] : memref<10000x128xf32, #tpu.memory_space<vmem_shared>> -> memref<40x128xf32, #tpu.memory_space<vmem_shared>>
        tpu.wait_dma2 semaphore(%run_scoped3A : memref<!tpu.dma_semaphore, #tpu.memory_space<semaphore_mem>>) src(%arg19 : memref<40x128xf32, #tpu.memory_space<vmem>>) dst(%dma_wait3A_353 : memref<40x128xf32, #tpu.memory_space<vmem_shared>>)
        tpu.yield
      }) : () -> ()
    } else {
    }
    %add3A_75 = arith.constant 160 : i32
    %add3A_76 = arith.addi %arg1, %add3A_75 : i32
    %lt3A_77 = arith.constant 250 : i32
    %lt3A_78 = arith.cmpi slt, %add3A_76, %lt3A_77 : i32
    %convert_element_type3A_79 = arith.extui %lt3A_78 : i1 to i32
    %cond3A_80 = arith.constant 0 : i32
    %cond3A_81 = arith.cmpi ne, %convert_element_type3A_79, %cond3A_80 : i32
    scf.if %cond3A_81 {
      %mul3A_343 = arith.constant 40 : i32
      %mul3A_344 = arith.muli %add3A_76, %mul3A_343 : i32
      %multiple_of3A_345 = tpu.assume_multiple %mul3A_344, 8 : i32
      "tpu.region"() ({
        %run_scoped3A = tpu.sem_alloc : memref<!tpu.dma_semaphore, #tpu.memory_space<semaphore_mem>>
        %dma_start3A_346 = arith.constant 0 : i32
        %dma_start3A_347 = tpu.memref_slice %arg20[%multiple_of3A_345, %dma_start3A_346] : memref<10000x128xf32, #tpu.memory_space<vmem_shared>> -> memref<40x128xf32, #tpu.memory_space<vmem_shared>>
        %dma_start3A_348 = arith.constant 0 : i32
        %dma_start3A_349 = tpu.memref_slice %arg20[%multiple_of3A_345, %dma_start3A_348] : memref<10000x128xf32, #tpu.memory_space<vmem_shared>> -> memref<40x128xf32, #tpu.memory_space<vmem_shared>>
        tpu.enqueue_dma source(%arg19 : memref<40x128xf32, #tpu.memory_space<vmem>>) target(%dma_start3A_349 : memref<40x128xf32, #tpu.memory_space<vmem_shared>>) target_semaphore(%run_scoped3A : memref<!tpu.dma_semaphore, #tpu.memory_space<semaphore_mem>>)
        %dma_wait3A_350 = arith.constant 0 : i32
        %dma_wait3A_351 = tpu.memref_slice %arg20[%multiple_of3A_345, %dma_wait3A_350] : memref<10000x128xf32, #tpu.memory_space<vmem_shared>> -> memref<40x128xf32, #tpu.memory_space<vmem_shared>>
        %dma_wait3A_352 = arith.constant 0 : i32
        %dma_wait3A_353 = tpu.memref_slice %arg20[%multiple_of3A_345, %dma_wait3A_352] : memref<10000x128xf32, #tpu.memory_space<vmem_shared>> -> memref<40x128xf32, #tpu.memory_space<vmem_shared>>
        tpu.wait_dma2 semaphore(%run_scoped3A : memref<!tpu.dma_semaphore, #tpu.memory_space<semaphore_mem>>) src(%arg19 : memref<40x128xf32, #tpu.memory_space<vmem>>) dst(%dma_wait3A_353 : memref<40x128xf32, #tpu.memory_space<vmem_shared>>)
        tpu.yield
      }) : () -> ()
    } else {
    }
    %add3A_82 = arith.constant 176 : i32
    %add3A_83 = arith.addi %arg1, %add3A_82 : i32
    %lt3A_84 = arith.constant 250 : i32
    %lt3A_85 = arith.cmpi slt, %add3A_83, %lt3A_84 : i32
    %convert_element_type3A_86 = arith.extui %lt3A_85 : i1 to i32
    %cond3A_87 = arith.constant 0 : i32
    %cond3A_88 = arith.cmpi ne, %convert_element_type3A_86, %cond3A_87 : i32
    scf.if %cond3A_88 {
      %mul3A_343 = arith.constant 40 : i32
      %mul3A_344 = arith.muli %add3A_83, %mul3A_343 : i32
      %multiple_of3A_345 = tpu.assume_multiple %mul3A_344, 8 : i32
      "tpu.region"() ({
        %run_scoped3A = tpu.sem_alloc : memref<!tpu.dma_semaphore, #tpu.memory_space<semaphore_mem>>
        %dma_start3A_346 = arith.constant 0 : i32
        %dma_start3A_347 = tpu.memref_slice %arg20[%multiple_of3A_345, %dma_start3A_346] : memref<10000x128xf32, #tpu.memory_space<vmem_shared>> -> memref<40x128xf32, #tpu.memory_space<vmem_shared>>
        %dma_start3A_348 = arith.constant 0 : i32
        %dma_start3A_349 = tpu.memref_slice %arg20[%multiple_of3A_345, %dma_start3A_348] : memref<10000x128xf32, #tpu.memory_space<vmem_shared>> -> memref<40x128xf32, #tpu.memory_space<vmem_shared>>
        tpu.enqueue_dma source(%arg19 : memref<40x128xf32, #tpu.memory_space<vmem>>) target(%dma_start3A_349 : memref<40x128xf32, #tpu.memory_space<vmem_shared>>) target_semaphore(%run_scoped3A : memref<!tpu.dma_semaphore, #tpu.memory_space<semaphore_mem>>)
        %dma_wait3A_350 = arith.constant 0 : i32
        %dma_wait3A_351 = tpu.memref_slice %arg20[%multiple_of3A_345, %dma_wait3A_350] : memref<10000x128xf32, #tpu.memory_space<vmem_shared>> -> memref<40x128xf32, #tpu.memory_space<vmem_shared>>
        %dma_wait3A_352 = arith.constant 0 : i32
        %dma_wait3A_353 = tpu.memref_slice %arg20[%multiple_of3A_345, %dma_wait3A_352] : memref<10000x128xf32, #tpu.memory_space<vmem_shared>> -> memref<40x128xf32, #tpu.memory_space<vmem_shared>>
        tpu.wait_dma2 semaphore(%run_scoped3A : memref<!tpu.dma_semaphore, #tpu.memory_space<semaphore_mem>>) src(%arg19 : memref<40x128xf32, #tpu.memory_space<vmem>>) dst(%dma_wait3A_353 : memref<40x128xf32, #tpu.memory_space<vmem_shared>>)
        tpu.yield
      }) : () -> ()
    } else {
    }
    %add3A_89 = arith.constant 192 : i32
    %add3A_90 = arith.addi %arg1, %add3A_89 : i32
    %lt3A_91 = arith.constant 250 : i32
    %lt3A_92 = arith.cmpi slt, %add3A_90, %lt3A_91 : i32
    %convert_element_type3A_93 = arith.extui %lt3A_92 : i1 to i32
    %cond3A_94 = arith.constant 0 : i32
    %cond3A_95 = arith.cmpi ne, %convert_element_type3A_93, %cond3A_94 : i32
    scf.if %cond3A_95 {
      %mul3A_343 = arith.constant 40 : i32
      %mul3A_344 = arith.muli %add3A_90, %mul3A_343 : i32
      %multiple_of3A_345 = tpu.assume_multiple %mul3A_344, 8 : i32
      "tpu.region"() ({
        %run_scoped3A = tpu.sem_alloc : memref<!tpu.dma_semaphore, #tpu.memory_space<semaphore_mem>>
        %dma_start3A_346 = arith.constant 0 : i32
        %dma_start3A_347 = tpu.memref_slice %arg20[%multiple_of3A_345, %dma_start3A_346] : memref<10000x128xf32, #tpu.memory_space<vmem_shared>> -> memref<40x128xf32, #tpu.memory_space<vmem_shared>>
        %dma_start3A_348 = arith.constant 0 : i32
        %dma_start3A_349 = tpu.memref_slice %arg20[%multiple_of3A_345, %dma_start3A_348] : memref<10000x128xf32, #tpu.memory_space<vmem_shared>> -> memref<40x128xf32, #tpu.memory_space<vmem_shared>>
        tpu.enqueue_dma source(%arg19 : memref<40x128xf32, #tpu.memory_space<vmem>>) target(%dma_start3A_349 : memref<40x128xf32, #tpu.memory_space<vmem_shared>>) target_semaphore(%run_scoped3A : memref<!tpu.dma_semaphore, #tpu.memory_space<semaphore_mem>>)
        %dma_wait3A_350 = arith.constant 0 : i32
        %dma_wait3A_351 = tpu.memref_slice %arg20[%multiple_of3A_345, %dma_wait3A_350] : memref<10000x128xf32, #tpu.memory_space<vmem_shared>> -> memref<40x128xf32, #tpu.memory_space<vmem_shared>>
        %dma_wait3A_352 = arith.constant 0 : i32
        %dma_wait3A_353 = tpu.memref_slice %arg20[%multiple_of3A_345, %dma_wait3A_352] : memref<10000x128xf32, #tpu.memory_space<vmem_shared>> -> memref<40x128xf32, #tpu.memory_space<vmem_shared>>
        tpu.wait_dma2 semaphore(%run_scoped3A : memref<!tpu.dma_semaphore, #tpu.memory_space<semaphore_mem>>) src(%arg19 : memref<40x128xf32, #tpu.memory_space<vmem>>) dst(%dma_wait3A_353 : memref<40x128xf32, #tpu.memory_space<vmem_shared>>)
        tpu.yield
      }) : () -> ()
    } else {
    }
    %add3A_96 = arith.constant 208 : i32
    %add3A_97 = arith.addi %arg1, %add3A_96 : i32
    %lt3A_98 = arith.constant 250 : i32
    %lt3A_99 = arith.cmpi slt, %add3A_97, %lt3A_98 : i32
    %convert_element_type3A_100 = arith.extui %lt3A_99 : i1 to i32
    %cond3A_101 = arith.constant 0 : i32
    %cond3A_102 = arith.cmpi ne, %convert_element_type3A_100, %cond3A_101 : i32
    scf.if %cond3A_102 {
      %mul3A_343 = arith.constant 40 : i32
      %mul3A_344 = arith.muli %add3A_97, %mul3A_343 : i32
      %multiple_of3A_345 = tpu.assume_multiple %mul3A_344, 8 : i32
      "tpu.region"() ({
        %run_scoped3A = tpu.sem_alloc : memref<!tpu.dma_semaphore, #tpu.memory_space<semaphore_mem>>
        %dma_start3A_346 = arith.constant 0 : i32
        %dma_start3A_347 = tpu.memref_slice %arg20[%multiple_of3A_345, %dma_start3A_346] : memref<10000x128xf32, #tpu.memory_space<vmem_shared>> -> memref<40x128xf32, #tpu.memory_space<vmem_shared>>
        %dma_start3A_348 = arith.constant 0 : i32
        %dma_start3A_349 = tpu.memref_slice %arg20[%multiple_of3A_345, %dma_start3A_348] : memref<10000x128xf32, #tpu.memory_space<vmem_shared>> -> memref<40x128xf32, #tpu.memory_space<vmem_shared>>
        tpu.enqueue_dma source(%arg19 : memref<40x128xf32, #tpu.memory_space<vmem>>) target(%dma_start3A_349 : memref<40x128xf32, #tpu.memory_space<vmem_shared>>) target_semaphore(%run_scoped3A : memref<!tpu.dma_semaphore, #tpu.memory_space<semaphore_mem>>)
        %dma_wait3A_350 = arith.constant 0 : i32
        %dma_wait3A_351 = tpu.memref_slice %arg20[%multiple_of3A_345, %dma_wait3A_350] : memref<10000x128xf32, #tpu.memory_space<vmem_shared>> -> memref<40x128xf32, #tpu.memory_space<vmem_shared>>
        %dma_wait3A_352 = arith.constant 0 : i32
        %dma_wait3A_353 = tpu.memref_slice %arg20[%multiple_of3A_345, %dma_wait3A_352] : memref<10000x128xf32, #tpu.memory_space<vmem_shared>> -> memref<40x128xf32, #tpu.memory_space<vmem_shared>>
        tpu.wait_dma2 semaphore(%run_scoped3A : memref<!tpu.dma_semaphore, #tpu.memory_space<semaphore_mem>>) src(%arg19 : memref<40x128xf32, #tpu.memory_space<vmem>>) dst(%dma_wait3A_353 : memref<40x128xf32, #tpu.memory_space<vmem_shared>>)
        tpu.yield
      }) : () -> ()
    } else {
    }
    %add3A_103 = arith.constant 224 : i32
    %add3A_104 = arith.addi %arg1, %add3A_103 : i32
    %lt3A_105 = arith.constant 250 : i32
    %lt3A_106 = arith.cmpi slt, %add3A_104, %lt3A_105 : i32
    %convert_element_type3A_107 = arith.extui %lt3A_106 : i1 to i32
    %cond3A_108 = arith.constant 0 : i32
    %cond3A_109 = arith.cmpi ne, %convert_element_type3A_107, %cond3A_108 : i32
    scf.if %cond3A_109 {
      %mul3A_343 = arith.constant 40 : i32
      %mul3A_344 = arith.muli %add3A_104, %mul3A_343 : i32
      %multiple_of3A_345 = tpu.assume_multiple %mul3A_344, 8 : i32
      "tpu.region"() ({
        %run_scoped3A = tpu.sem_alloc : memref<!tpu.dma_semaphore, #tpu.memory_space<semaphore_mem>>
        %dma_start3A_346 = arith.constant 0 : i32
        %dma_start3A_347 = tpu.memref_slice %arg20[%multiple_of3A_345, %dma_start3A_346] : memref<10000x128xf32, #tpu.memory_space<vmem_shared>> -> memref<40x128xf32, #tpu.memory_space<vmem_shared>>
        %dma_start3A_348 = arith.constant 0 : i32
        %dma_start3A_349 = tpu.memref_slice %arg20[%multiple_of3A_345, %dma_start3A_348] : memref<10000x128xf32, #tpu.memory_space<vmem_shared>> -> memref<40x128xf32, #tpu.memory_space<vmem_shared>>
        tpu.enqueue_dma source(%arg19 : memref<40x128xf32, #tpu.memory_space<vmem>>) target(%dma_start3A_349 : memref<40x128xf32, #tpu.memory_space<vmem_shared>>) target_semaphore(%run_scoped3A : memref<!tpu.dma_semaphore, #tpu.memory_space<semaphore_mem>>)
        %dma_wait3A_350 = arith.constant 0 : i32
        %dma_wait3A_351 = tpu.memref_slice %arg20[%multiple_of3A_345, %dma_wait3A_350] : memref<10000x128xf32, #tpu.memory_space<vmem_shared>> -> memref<40x128xf32, #tpu.memory_space<vmem_shared>>
        %dma_wait3A_352 = arith.constant 0 : i32
        %dma_wait3A_353 = tpu.memref_slice %arg20[%multiple_of3A_345, %dma_wait3A_352] : memref<10000x128xf32, #tpu.memory_space<vmem_shared>> -> memref<40x128xf32, #tpu.memory_space<vmem_shared>>
        tpu.wait_dma2 semaphore(%run_scoped3A : memref<!tpu.dma_semaphore, #tpu.memory_space<semaphore_mem>>) src(%arg19 : memref<40x128xf32, #tpu.memory_space<vmem>>) dst(%dma_wait3A_353 : memref<40x128xf32, #tpu.memory_space<vmem_shared>>)
        tpu.yield
      }) : () -> ()
    } else {
    }
    %add3A_110 = arith.constant 240 : i32
    %add3A_111 = arith.addi %arg1, %add3A_110 : i32
    %lt3A_112 = arith.constant 250 : i32
    %lt3A_113 = arith.cmpi slt, %add3A_111, %lt3A_112 : i32
    %convert_element_type3A_114 = arith.extui %lt3A_113 : i1 to i32
    %cond3A_115 = arith.constant 0 : i32
    %cond3A_116 = arith.cmpi ne, %convert_element_type3A_114, %cond3A_115 : i32
    scf.if %cond3A_116 {
      %mul3A_343 = arith.constant 40 : i32
      %mul3A_344 = arith.muli %add3A_111, %mul3A_343 : i32
      %multiple_of3A_345 = tpu.assume_multiple %mul3A_344, 8 : i32
      "tpu.region"() ({
        %run_scoped3A = tpu.sem_alloc : memref<!tpu.dma_semaphore, #tpu.memory_space<semaphore_mem>>
        %dma_start3A_346 = arith.constant 0 : i32
        %dma_start3A_347 = tpu.memref_slice %arg20[%multiple_of3A_345, %dma_start3A_346] : memref<10000x128xf32, #tpu.memory_space<vmem_shared>> -> memref<40x128xf32, #tpu.memory_space<vmem_shared>>
        %dma_start3A_348 = arith.constant 0 : i32
        %dma_start3A_349 = tpu.memref_slice %arg20[%multiple_of3A_345, %dma_start3A_348] : memref<10000x128xf32, #tpu.memory_space<vmem_shared>> -> memref<40x128xf32, #tpu.memory_space<vmem_shared>>
        tpu.enqueue_dma source(%arg19 : memref<40x128xf32, #tpu.memory_space<vmem>>) target(%dma_start3A_349 : memref<40x128xf32, #tpu.memory_space<vmem_shared>>) target_semaphore(%run_scoped3A : memref<!tpu.dma_semaphore, #tpu.memory_space<semaphore_mem>>)
        %dma_wait3A_350 = arith.constant 0 : i32
        %dma_wait3A_351 = tpu.memref_slice %arg20[%multiple_of3A_345, %dma_wait3A_350] : memref<10000x128xf32, #tpu.memory_space<vmem_shared>> -> memref<40x128xf32, #tpu.memory_space<vmem_shared>>
        %dma_wait3A_352 = arith.constant 0 : i32
        %dma_wait3A_353 = tpu.memref_slice %arg20[%multiple_of3A_345, %dma_wait3A_352] : memref<10000x128xf32, #tpu.memory_space<vmem_shared>> -> memref<40x128xf32, #tpu.memory_space<vmem_shared>>
        tpu.wait_dma2 semaphore(%run_scoped3A : memref<!tpu.dma_semaphore, #tpu.memory_space<semaphore_mem>>) src(%arg19 : memref<40x128xf32, #tpu.memory_space<vmem>>) dst(%dma_wait3A_353 : memref<40x128xf32, #tpu.memory_space<vmem_shared>>)
        tpu.yield
      }) : () -> ()
    } else {
    }
    %barrier3A = arith.constant 0 : index
    tpu.barrier barrier_id(%barrier3A)
    %mul3A_117 = arith.constant 10000 : i32
    %mul3A_118 = arith.muli %add3A, %mul3A_117 : i32
    %add3A_119 = arith.constant 0 : i32
    %add3A_120 = arith.addi %mul3A_118, %add3A_119 : i32
    %multiple_of3A = tpu.assume_multiple %add3A_120, 8 : i32
    %dma_start3A = tpu.memref_slice %arg3[%multiple_of3A] : memref<320000xi32, #tpu.memory_space<hbm>> -> memref<80xi32, #tpu.memory_space<hbm>>
    %dma_start3A_121 = tpu.memref_slice %arg3[%multiple_of3A] : memref<320000xi32, #tpu.memory_space<hbm>> -> memref<80xi32, #tpu.memory_space<hbm>>
    tpu.enqueue_dma source(%dma_start3A_121 : memref<80xi32, #tpu.memory_space<hbm>>) target(%arg7 : memref<80xi32, #tpu.memory_space<vmem>>) target_semaphore(%arg21 : memref<!tpu.dma_semaphore, #tpu.memory_space<semaphore_mem>>)
    %mul3A_122 = arith.constant 10000 : i32
    %mul3A_123 = arith.muli %add3A, %mul3A_122 : i32
    %add3A_124 = arith.constant 0 : i32
    %add3A_125 = arith.addi %mul3A_123, %add3A_124 : i32
    %multiple_of3A_126 = tpu.assume_multiple %add3A_125, 8 : i32
    %dma_start3A_127 = tpu.memref_slice %arg4[%multiple_of3A_126] : memref<320000xi32, #tpu.memory_space<hbm>> -> memref<80xi32, #tpu.memory_space<hbm>>
    %dma_start3A_128 = tpu.memref_slice %arg4[%multiple_of3A_126] : memref<320000xi32, #tpu.memory_space<hbm>> -> memref<80xi32, #tpu.memory_space<hbm>>
    tpu.enqueue_dma source(%dma_start3A_128 : memref<80xi32, #tpu.memory_space<hbm>>) target(%arg11 : memref<80xi32, #tpu.memory_space<vmem>>) target_semaphore(%arg21 : memref<!tpu.dma_semaphore, #tpu.memory_space<semaphore_mem>>)
    %mul3A_129 = arith.constant 10000 : i32
    %mul3A_130 = arith.muli %add3A, %mul3A_129 : i32
    %add3A_131 = arith.constant 0 : i32
    %add3A_132 = arith.addi %mul3A_130, %add3A_131 : i32
    %multiple_of3A_133 = tpu.assume_multiple %add3A_132, 8 : i32
    %dma_start3A_134 = arith.constant 0 : i32
    %dma_start3A_135 = tpu.memref_slice %arg5[%multiple_of3A_133, %dma_start3A_134] : memref<320000x128xf32, #tpu.memory_space<hbm>> -> memref<80x128xf32, #tpu.memory_space<hbm>>
    %dma_start3A_136 = arith.constant 0 : i32
    %dma_start3A_137 = tpu.memref_slice %arg5[%multiple_of3A_133, %dma_start3A_136] : memref<320000x128xf32, #tpu.memory_space<hbm>> -> memref<80x128xf32, #tpu.memory_space<hbm>>
    tpu.enqueue_dma source(%dma_start3A_137 : memref<80x128xf32, #tpu.memory_space<hbm>>) target(%arg15 : memref<80x128xf32, #tpu.memory_space<vmem>>) target_semaphore(%arg25 : memref<!tpu.dma_semaphore, #tpu.memory_space<semaphore_mem>>)
    %mul3A_138 = arith.constant 10000 : i32
    %mul3A_139 = arith.muli %add3A, %mul3A_138 : i32
    %add3A_140 = arith.constant 80 : i32
    %add3A_141 = arith.addi %mul3A_139, %add3A_140 : i32
    %multiple_of3A_142 = tpu.assume_multiple %add3A_141, 8 : i32
    %dma_start3A_143 = tpu.memref_slice %arg3[%multiple_of3A_142] : memref<320000xi32, #tpu.memory_space<hbm>> -> memref<80xi32, #tpu.memory_space<hbm>>
    %dma_start3A_144 = tpu.memref_slice %arg3[%multiple_of3A_142] : memref<320000xi32, #tpu.memory_space<hbm>> -> memref<80xi32, #tpu.memory_space<hbm>>
    tpu.enqueue_dma source(%dma_start3A_144 : memref<80xi32, #tpu.memory_space<hbm>>) target(%arg8 : memref<80xi32, #tpu.memory_space<vmem>>) target_semaphore(%arg22 : memref<!tpu.dma_semaphore, #tpu.memory_space<semaphore_mem>>)
    %mul3A_145 = arith.constant 10000 : i32
    %mul3A_146 = arith.muli %add3A, %mul3A_145 : i32
    %add3A_147 = arith.constant 80 : i32
    %add3A_148 = arith.addi %mul3A_146, %add3A_147 : i32
    %multiple_of3A_149 = tpu.assume_multiple %add3A_148, 8 : i32
    %dma_start3A_150 = tpu.memref_slice %arg4[%multiple_of3A_149] : memref<320000xi32, #tpu.memory_space<hbm>> -> memref<80xi32, #tpu.memory_space<hbm>>
    %dma_start3A_151 = tpu.memref_slice %arg4[%multiple_of3A_149] : memref<320000xi32, #tpu.memory_space<hbm>> -> memref<80xi32, #tpu.memory_space<hbm>>
    tpu.enqueue_dma source(%dma_start3A_151 : memref<80xi32, #tpu.memory_space<hbm>>) target(%arg12 : memref<80xi32, #tpu.memory_space<vmem>>) target_semaphore(%arg22 : memref<!tpu.dma_semaphore, #tpu.memory_space<semaphore_mem>>)
    %mul3A_152 = arith.constant 10000 : i32
    %mul3A_153 = arith.muli %add3A, %mul3A_152 : i32
    %add3A_154 = arith.constant 80 : i32
    %add3A_155 = arith.addi %mul3A_153, %add3A_154 : i32
    %multiple_of3A_156 = tpu.assume_multiple %add3A_155, 8 : i32
    %dma_start3A_157 = arith.constant 0 : i32
    %dma_start3A_158 = tpu.memref_slice %arg5[%multiple_of3A_156, %dma_start3A_157] : memref<320000x128xf32, #tpu.memory_space<hbm>> -> memref<80x128xf32, #tpu.memory_space<hbm>>
    %dma_start3A_159 = arith.constant 0 : i32
    %dma_start3A_160 = tpu.memref_slice %arg5[%multiple_of3A_156, %dma_start3A_159] : memref<320000x128xf32, #tpu.memory_space<hbm>> -> memref<80x128xf32, #tpu.memory_space<hbm>>
    tpu.enqueue_dma source(%dma_start3A_160 : memref<80x128xf32, #tpu.memory_space<hbm>>) target(%arg16 : memref<80x128xf32, #tpu.memory_space<vmem>>) target_semaphore(%arg26 : memref<!tpu.dma_semaphore, #tpu.memory_space<semaphore_mem>>)
    %mul3A_161 = arith.constant 10000 : i32
    %mul3A_162 = arith.muli %add3A, %mul3A_161 : i32
    %add3A_163 = arith.constant 160 : i32
    %add3A_164 = arith.addi %mul3A_162, %add3A_163 : i32
    %multiple_of3A_165 = tpu.assume_multiple %add3A_164, 8 : i32
    %dma_start3A_166 = tpu.memref_slice %arg3[%multiple_of3A_165] : memref<320000xi32, #tpu.memory_space<hbm>> -> memref<80xi32, #tpu.memory_space<hbm>>
    %dma_start3A_167 = tpu.memref_slice %arg3[%multiple_of3A_165] : memref<320000xi32, #tpu.memory_space<hbm>> -> memref<80xi32, #tpu.memory_space<hbm>>
    tpu.enqueue_dma source(%dma_start3A_167 : memref<80xi32, #tpu.memory_space<hbm>>) target(%arg9 : memref<80xi32, #tpu.memory_space<vmem>>) target_semaphore(%arg23 : memref<!tpu.dma_semaphore, #tpu.memory_space<semaphore_mem>>)
    %mul3A_168 = arith.constant 10000 : i32
    %mul3A_169 = arith.muli %add3A, %mul3A_168 : i32
    %add3A_170 = arith.constant 160 : i32
    %add3A_171 = arith.addi %mul3A_169, %add3A_170 : i32
    %multiple_of3A_172 = tpu.assume_multiple %add3A_171, 8 : i32
    %dma_start3A_173 = tpu.memref_slice %arg4[%multiple_of3A_172] : memref<320000xi32, #tpu.memory_space<hbm>> -> memref<80xi32, #tpu.memory_space<hbm>>
    %dma_start3A_174 = tpu.memref_slice %arg4[%multiple_of3A_172] : memref<320000xi32, #tpu.memory_space<hbm>> -> memref<80xi32, #tpu.memory_space<hbm>>
    tpu.enqueue_dma source(%dma_start3A_174 : memref<80xi32, #tpu.memory_space<hbm>>) target(%arg13 : memref<80xi32, #tpu.memory_space<vmem>>) target_semaphore(%arg23 : memref<!tpu.dma_semaphore, #tpu.memory_space<semaphore_mem>>)
    %mul3A_175 = arith.constant 10000 : i32
    %mul3A_176 = arith.muli %add3A, %mul3A_175 : i32
    %add3A_177 = arith.constant 160 : i32
    %add3A_178 = arith.addi %mul3A_176, %add3A_177 : i32
    %multiple_of3A_179 = tpu.assume_multiple %add3A_178, 8 : i32
    %dma_start3A_180 = arith.constant 0 : i32
    %dma_start3A_181 = tpu.memref_slice %arg5[%multiple_of3A_179, %dma_start3A_180] : memref<320000x128xf32, #tpu.memory_space<hbm>> -> memref<80x128xf32, #tpu.memory_space<hbm>>
    %dma_start3A_182 = arith.constant 0 : i32
    %dma_start3A_183 = tpu.memref_slice %arg5[%multiple_of3A_179, %dma_start3A_182] : memref<320000x128xf32, #tpu.memory_space<hbm>> -> memref<80x128xf32, #tpu.memory_space<hbm>>
    tpu.enqueue_dma source(%dma_start3A_183 : memref<80x128xf32, #tpu.memory_space<hbm>>) target(%arg17 : memref<80x128xf32, #tpu.memory_space<vmem>>) target_semaphore(%arg27 : memref<!tpu.dma_semaphore, #tpu.memory_space<semaphore_mem>>)
    %mul3A_184 = arith.constant 10000 : i32
    %mul3A_185 = arith.muli %add3A, %mul3A_184 : i32
    %add3A_186 = arith.constant 0 : i32
    %add3A_187 = arith.addi %mul3A_185, %add3A_186 : i32
    %multiple_of3A_188 = tpu.assume_multiple %add3A_187, 8 : i32
    %dma_wait3A = tpu.memref_slice %arg3[%multiple_of3A_188] : memref<320000xi32, #tpu.memory_space<hbm>> -> memref<80xi32, #tpu.memory_space<hbm>>
    %dma_wait3A_189 = tpu.memref_slice %arg3[%multiple_of3A_188] : memref<320000xi32, #tpu.memory_space<hbm>> -> memref<80xi32, #tpu.memory_space<hbm>>
    tpu.wait_dma2 semaphore(%arg21 : memref<!tpu.dma_semaphore, #tpu.memory_space<semaphore_mem>>) src(%dma_wait3A_189 : memref<80xi32, #tpu.memory_space<hbm>>) dst(%arg7 : memref<80xi32, #tpu.memory_space<vmem>>)
    %mul3A_190 = arith.constant 10000 : i32
    %mul3A_191 = arith.muli %add3A, %mul3A_190 : i32
    %add3A_192 = arith.constant 0 : i32
    %add3A_193 = arith.addi %mul3A_191, %add3A_192 : i32
    %multiple_of3A_194 = tpu.assume_multiple %add3A_193, 8 : i32
    %dma_wait3A_195 = tpu.memref_slice %arg4[%multiple_of3A_194] : memref<320000xi32, #tpu.memory_space<hbm>> -> memref<80xi32, #tpu.memory_space<hbm>>
    %dma_wait3A_196 = tpu.memref_slice %arg4[%multiple_of3A_194] : memref<320000xi32, #tpu.memory_space<hbm>> -> memref<80xi32, #tpu.memory_space<hbm>>
    tpu.wait_dma2 semaphore(%arg21 : memref<!tpu.dma_semaphore, #tpu.memory_space<semaphore_mem>>) src(%dma_wait3A_196 : memref<80xi32, #tpu.memory_space<hbm>>) dst(%arg11 : memref<80xi32, #tpu.memory_space<vmem>>)
    %mul3A_197 = arith.constant 10000 : i32
    %mul3A_198 = arith.muli %add3A, %mul3A_197 : i32
    %add3A_199 = arith.constant 0 : i32
    %add3A_200 = arith.addi %mul3A_198, %add3A_199 : i32
    %multiple_of3A_201 = tpu.assume_multiple %add3A_200, 8 : i32
    %dma_wait3A_202 = arith.constant 0 : i32
    %dma_wait3A_203 = tpu.memref_slice %arg5[%multiple_of3A_201, %dma_wait3A_202] : memref<320000x128xf32, #tpu.memory_space<hbm>> -> memref<80x128xf32, #tpu.memory_space<hbm>>
    %dma_wait3A_204 = arith.constant 0 : i32
    %dma_wait3A_205 = tpu.memref_slice %arg5[%multiple_of3A_201, %dma_wait3A_204] : memref<320000x128xf32, #tpu.memory_space<hbm>> -> memref<80x128xf32, #tpu.memory_space<hbm>>
    tpu.wait_dma2 semaphore(%arg25 : memref<!tpu.dma_semaphore, #tpu.memory_space<semaphore_mem>>) src(%dma_wait3A_205 : memref<80x128xf32, #tpu.memory_space<hbm>>) dst(%arg15 : memref<80x128xf32, #tpu.memory_space<vmem>>)
    %dma_start3A_206 = arith.constant 0 : i32
    %dma_start3A_207 = arith.constant 0 : i32
    %dma_start3A_208 = tpu.memref_slice %arg2[%dma_start3A_206, %dma_start3A_207] : memref<10000x128xf32, #tpu.memory_space<hbm>> -> memref<10000x128xf32, #tpu.memory_space<hbm>>
    tpu.enqueue_indirect_dma source(%dma_start3A_208 : memref<10000x128xf32, #tpu.memory_space<hbm>>) target(%arg15 : memref<80x128xf32, #tpu.memory_space<vmem>>) offsets(%arg7 : memref<80xi32, #tpu.memory_space<vmem>>) semaphore(%arg29 : memref<!tpu.dma_semaphore, #tpu.memory_space<semaphore_mem>>) {add = true}
    %scan3A_209 = arith.constant 0 : i32
    %scan3A_210 = arith.constant 0 : i32
    %scan3A_211 = arith.constant 31 : i32
    %scan3A_212 = arith.addi %scan3A_210, %scan3A_211 : i32
    %scan3A_213 = arith.constant 1 : i32
    %scan3A_214 = scf.for %scan3A_343 = %scan3A_210 to %scan3A_212 step %scan3A_213 iter_args(%scan3A_344 = %scan3A_209) -> (i32)  : i32 {
      %mul3A_345 = arith.constant 4 : i32
      %mul3A_346 = arith.muli %mul3A_345, %scan3A_343 : i32
      %add3A_347 = arith.constant 0 : i32
      %add3A_348 = arith.addi %mul3A_346, %add3A_347 : i32
      %dma_wait3A_349 = arith.constant 0 : i32
      %dma_wait3A_350 = arith.constant 0 : i32
      %dma_wait3A_351 = tpu.memref_slice %arg2[%dma_wait3A_349, %dma_wait3A_350] : memref<10000x128xf32, #tpu.memory_space<hbm>> -> memref<10000x128xf32, #tpu.memory_space<hbm>>
      tpu.wait_indirect_dma semaphore(%arg29 : memref<!tpu.dma_semaphore, #tpu.memory_space<semaphore_mem>>) src(%dma_wait3A_351 : memref<10000x128xf32, #tpu.memory_space<hbm>>) dst(%arg15 : memref<80x128xf32, #tpu.memory_space<vmem>>)
      %add3A_352 = arith.constant 1 : i32
      %add3A_353 = arith.addi %add3A_348, %add3A_352 : i32
      %mul3A_354 = arith.constant 10000 : i32
      %mul3A_355 = arith.muli %add3A, %mul3A_354 : i32
      %mul3A_356 = arith.constant 80 : i32
      %mul3A_357 = arith.muli %add3A_353, %mul3A_356 : i32
      %add3A_358 = arith.addi %mul3A_355, %mul3A_357 : i32
      %multiple_of3A_359 = tpu.assume_multiple %add3A_358, 8 : i32
      %dma_wait3A_360 = tpu.memref_slice %arg3[%multiple_of3A_359] : memref<320000xi32, #tpu.memory_space<hbm>> -> memref<80xi32, #tpu.memory_space<hbm>>
      %dma_wait3A_361 = tpu.memref_slice %arg3[%multiple_of3A_359] : memref<320000xi32, #tpu.memory_space<hbm>> -> memref<80xi32, #tpu.memory_space<hbm>>
      tpu.wait_dma2 semaphore(%arg22 : memref<!tpu.dma_semaphore, #tpu.memory_space<semaphore_mem>>) src(%dma_wait3A_361 : memref<80xi32, #tpu.memory_space<hbm>>) dst(%arg8 : memref<80xi32, #tpu.memory_space<vmem>>)
      %mul3A_362 = arith.constant 10000 : i32
      %mul3A_363 = arith.muli %add3A, %mul3A_362 : i32
      %mul3A_364 = arith.constant 80 : i32
      %mul3A_365 = arith.muli %add3A_353, %mul3A_364 : i32
      %add3A_366 = arith.addi %mul3A_363, %mul3A_365 : i32
      %multiple_of3A_367 = tpu.assume_multiple %add3A_366, 8 : i32
      %dma_wait3A_368 = tpu.memref_slice %arg4[%multiple_of3A_367] : memref<320000xi32, #tpu.memory_space<hbm>> -> memref<80xi32, #tpu.memory_space<hbm>>
      %dma_wait3A_369 = tpu.memref_slice %arg4[%multiple_of3A_367] : memref<320000xi32, #tpu.memory_space<hbm>> -> memref<80xi32, #tpu.memory_space<hbm>>
      tpu.wait_dma2 semaphore(%arg22 : memref<!tpu.dma_semaphore, #tpu.memory_space<semaphore_mem>>) src(%dma_wait3A_369 : memref<80xi32, #tpu.memory_space<hbm>>) dst(%arg12 : memref<80xi32, #tpu.memory_space<vmem>>)
      %add3A_370 = arith.constant 1 : i32
      %add3A_371 = arith.addi %add3A_348, %add3A_370 : i32
      %mul3A_372 = arith.constant 10000 : i32
      %mul3A_373 = arith.muli %add3A, %mul3A_372 : i32
      %mul3A_374 = arith.constant 80 : i32
      %mul3A_375 = arith.muli %add3A_371, %mul3A_374 : i32
      %add3A_376 = arith.addi %mul3A_373, %mul3A_375 : i32
      %multiple_of3A_377 = tpu.assume_multiple %add3A_376, 8 : i32
      %dma_wait3A_378 = arith.constant 0 : i32
      %dma_wait3A_379 = tpu.memref_slice %arg5[%multiple_of3A_377, %dma_wait3A_378] : memref<320000x128xf32, #tpu.memory_space<hbm>> -> memref<80x128xf32, #tpu.memory_space<hbm>>
      %dma_wait3A_380 = arith.constant 0 : i32
      %dma_wait3A_381 = tpu.memref_slice %arg5[%multiple_of3A_377, %dma_wait3A_380] : memref<320000x128xf32, #tpu.memory_space<hbm>> -> memref<80x128xf32, #tpu.memory_space<hbm>>
      tpu.wait_dma2 semaphore(%arg26 : memref<!tpu.dma_semaphore, #tpu.memory_space<semaphore_mem>>) src(%dma_wait3A_381 : memref<80x128xf32, #tpu.memory_space<hbm>>) dst(%arg16 : memref<80x128xf32, #tpu.memory_space<vmem>>)
      %dma_start3A_382 = arith.constant 0 : i32
      %dma_start3A_383 = arith.constant 0 : i32
      %dma_start3A_384 = tpu.memref_slice %arg2[%dma_start3A_382, %dma_start3A_383] : memref<10000x128xf32, #tpu.memory_space<hbm>> -> memref<10000x128xf32, #tpu.memory_space<hbm>>
      tpu.enqueue_indirect_dma source(%dma_start3A_384 : memref<10000x128xf32, #tpu.memory_space<hbm>>) target(%arg16 : memref<80x128xf32, #tpu.memory_space<vmem>>) offsets(%arg8 : memref<80xi32, #tpu.memory_space<vmem>>) semaphore(%arg30 : memref<!tpu.dma_semaphore, #tpu.memory_space<semaphore_mem>>) {add = true}
      %parallel_loop3A_385 = arith.constant 0 : i32
      %parallel_loop3A_386 = arith.constant 80 : i32
      %parallel_loop3A_387 = arith.constant 1 : i32
      scf.for %parallel_loop3A_584 = %parallel_loop3A_385 to %parallel_loop3A_386 step %parallel_loop3A_387  : i32 {
        %parallel_loop3A_585 = arith.index_cast %parallel_loop3A_584 : i32 to index
        %parallel_loop3A_586 = arith.constant 0 : index
        %parallel_loop3A_587 = tpu.vector_load %arg15[%parallel_loop3A_585, %parallel_loop3A_586] {strides = array<i32>} : memref<80x128xf32, #tpu.memory_space<vmem>>, vector<1x16xf32>,
        %parallel_loop3A_588 = vector.shape_cast %parallel_loop3A_587 : vector<1x16xf32> to vector<16xf32>
        %parallel_loop3A_589 = arith.constant 0.000000e+00 : f32
        %parallel_loop3A_590 = vector.broadcast %parallel_loop3A_589 : f32 to vector<16xf32>
        %parallel_loop3A_591 = arith.maximumf %parallel_loop3A_588, %parallel_loop3A_590 : vector<16xf32>
        %parallel_loop3A_592 = arith.index_cast %parallel_loop3A_584 : i32 to index
        %parallel_loop3A_593 = arith.constant 0 : index
        %parallel_loop3A_594 = tpu.vector_load %arg15[%parallel_loop3A_592, %parallel_loop3A_593] {strides = array<i32>} : memref<80x128xf32, #tpu.memory_space<vmem>>, vector<1x16xf32>,
        %parallel_loop3A_595 = vector.shape_cast %parallel_loop3A_594 : vector<1x16xf32> to vector<16xf32>
        %parallel_loop3A_596 = vector.shape_cast %parallel_loop3A_591 : vector<16xf32> to vector<1x16xf32>
        tpu.vector_store %arg15[%parallel_loop3A_592, %parallel_loop3A_593], %parallel_loop3A_596 {strides = array<i32>} : memref<80x128xf32, #tpu.memory_space<vmem>>, vector<1x16xf32>,
        %parallel_loop3A_597 = arith.index_cast %parallel_loop3A_584 : i32 to index
        %parallel_loop3A_598 = arith.constant 16 : index
        %parallel_loop3A_599 = tpu.vector_load %arg15[%parallel_loop3A_597, %parallel_loop3A_598] {strides = array<i32>} : memref<80x128xf32, #tpu.memory_space<vmem>>, vector<1x16xf32>,
        %parallel_loop3A_600 = vector.shape_cast %parallel_loop3A_599 : vector<1x16xf32> to vector<16xf32>
        %parallel_loop3A_601 = arith.constant 0.000000e+00 : f32
        %parallel_loop3A_602 = vector.broadcast %parallel_loop3A_601 : f32 to vector<16xf32>
        %parallel_loop3A_603 = arith.maximumf %parallel_loop3A_600, %parallel_loop3A_602 : vector<16xf32>
        %parallel_loop3A_604 = arith.index_cast %parallel_loop3A_584 : i32 to index
        %parallel_loop3A_605 = arith.constant 16 : index
        %parallel_loop3A_606 = tpu.vector_load %arg15[%parallel_loop3A_604, %parallel_loop3A_605] {strides = array<i32>} : memref<80x128xf32, #tpu.memory_space<vmem>>, vector<1x16xf32>,
        %parallel_loop3A_607 = vector.shape_cast %parallel_loop3A_606 : vector<1x16xf32> to vector<16xf32>
        %parallel_loop3A_608 = vector.shape_cast %parallel_loop3A_603 : vector<16xf32> to vector<1x16xf32>
        tpu.vector_store %arg15[%parallel_loop3A_604, %parallel_loop3A_605], %parallel_loop3A_608 {strides = array<i32>} : memref<80x128xf32, #tpu.memory_space<vmem>>, vector<1x16xf32>,
        %parallel_loop3A_609 = arith.index_cast %parallel_loop3A_584 : i32 to index
        %parallel_loop3A_610 = arith.constant 32 : index
        %parallel_loop3A_611 = tpu.vector_load %arg15[%parallel_loop3A_609, %parallel_loop3A_610] {strides = array<i32>} : memref<80x128xf32, #tpu.memory_space<vmem>>, vector<1x16xf32>,
        %parallel_loop3A_612 = vector.shape_cast %parallel_loop3A_611 : vector<1x16xf32> to vector<16xf32>
        %parallel_loop3A_613 = arith.constant 0.000000e+00 : f32
        %parallel_loop3A_614 = vector.broadcast %parallel_loop3A_613 : f32 to vector<16xf32>
        %parallel_loop3A_615 = arith.maximumf %parallel_loop3A_612, %parallel_loop3A_614 : vector<16xf32>
        %parallel_loop3A_616 = arith.index_cast %parallel_loop3A_584 : i32 to index
        %parallel_loop3A_617 = arith.constant 32 : index
        %parallel_loop3A_618 = tpu.vector_load %arg15[%parallel_loop3A_616, %parallel_loop3A_617] {strides = array<i32>} : memref<80x128xf32, #tpu.memory_space<vmem>>, vector<1x16xf32>,
        %parallel_loop3A_619 = vector.shape_cast %parallel_loop3A_618 : vector<1x16xf32> to vector<16xf32>
        %parallel_loop3A_620 = vector.shape_cast %parallel_loop3A_615 : vector<16xf32> to vector<1x16xf32>
        tpu.vector_store %arg15[%parallel_loop3A_616, %parallel_loop3A_617], %parallel_loop3A_620 {strides = array<i32>} : memref<80x128xf32, #tpu.memory_space<vmem>>, vector<1x16xf32>,
        %parallel_loop3A_621 = arith.index_cast %parallel_loop3A_584 : i32 to index
        %parallel_loop3A_622 = arith.constant 48 : index
        %parallel_loop3A_623 = tpu.vector_load %arg15[%parallel_loop3A_621, %parallel_loop3A_622] {strides = array<i32>} : memref<80x128xf32, #tpu.memory_space<vmem>>, vector<1x16xf32>,
        %parallel_loop3A_624 = vector.shape_cast %parallel_loop3A_623 : vector<1x16xf32> to vector<16xf32>
        %parallel_loop3A_625 = arith.constant 0.000000e+00 : f32
        %parallel_loop3A_626 = vector.broadcast %parallel_loop3A_625 : f32 to vector<16xf32>
        %parallel_loop3A_627 = arith.maximumf %parallel_loop3A_624, %parallel_loop3A_626 : vector<16xf32>
        %parallel_loop3A_628 = arith.index_cast %parallel_loop3A_584 : i32 to index
        %parallel_loop3A_629 = arith.constant 48 : index
        %parallel_loop3A_630 = tpu.vector_load %arg15[%parallel_loop3A_628, %parallel_loop3A_629] {strides = array<i32>} : memref<80x128xf32, #tpu.memory_space<vmem>>, vector<1x16xf32>,
        %parallel_loop3A_631 = vector.shape_cast %parallel_loop3A_630 : vector<1x16xf32> to vector<16xf32>
        %parallel_loop3A_632 = vector.shape_cast %parallel_loop3A_627 : vector<16xf32> to vector<1x16xf32>
        tpu.vector_store %arg15[%parallel_loop3A_628, %parallel_loop3A_629], %parallel_loop3A_632 {strides = array<i32>} : memref<80x128xf32, #tpu.memory_space<vmem>>, vector<1x16xf32>,
        %parallel_loop3A_633 = arith.index_cast %parallel_loop3A_584 : i32 to index
        %parallel_loop3A_634 = arith.constant 64 : index
        %parallel_loop3A_635 = tpu.vector_load %arg15[%parallel_loop3A_633, %parallel_loop3A_634] {strides = array<i32>} : memref<80x128xf32, #tpu.memory_space<vmem>>, vector<1x16xf32>,
        %parallel_loop3A_636 = vector.shape_cast %parallel_loop3A_635 : vector<1x16xf32> to vector<16xf32>
        %parallel_loop3A_637 = arith.constant 0.000000e+00 : f32
        %parallel_loop3A_638 = vector.broadcast %parallel_loop3A_637 : f32 to vector<16xf32>
        %parallel_loop3A_639 = arith.maximumf %parallel_loop3A_636, %parallel_loop3A_638 : vector<16xf32>
        %parallel_loop3A_640 = arith.index_cast %parallel_loop3A_584 : i32 to index
        %parallel_loop3A_641 = arith.constant 64 : index
        %parallel_loop3A_642 = tpu.vector_load %arg15[%parallel_loop3A_640, %parallel_loop3A_641] {strides = array<i32>} : memref<80x128xf32, #tpu.memory_space<vmem>>, vector<1x16xf32>,
        %parallel_loop3A_643 = vector.shape_cast %parallel_loop3A_642 : vector<1x16xf32> to vector<16xf32>
        %parallel_loop3A_644 = vector.shape_cast %parallel_loop3A_639 : vector<16xf32> to vector<1x16xf32>
        tpu.vector_store %arg15[%parallel_loop3A_640, %parallel_loop3A_641], %parallel_loop3A_644 {strides = array<i32>} : memref<80x128xf32, #tpu.memory_space<vmem>>, vector<1x16xf32>,
        %parallel_loop3A_645 = arith.index_cast %parallel_loop3A_584 : i32 to index
        %parallel_loop3A_646 = arith.constant 80 : index
        %parallel_loop3A_647 = tpu.vector_load %arg15[%parallel_loop3A_645, %parallel_loop3A_646] {strides = array<i32>} : memref<80x128xf32, #tpu.memory_space<vmem>>, vector<1x16xf32>,
        %parallel_loop3A_648 = vector.shape_cast %parallel_loop3A_647 : vector<1x16xf32> to vector<16xf32>
        %parallel_loop3A_649 = arith.constant 0.000000e+00 : f32
        %parallel_loop3A_650 = vector.broadcast %parallel_loop3A_649 : f32 to vector<16xf32>
        %parallel_loop3A_651 = arith.maximumf %parallel_loop3A_648, %parallel_loop3A_650 : vector<16xf32>
        %parallel_loop3A_652 = arith.index_cast %parallel_loop3A_584 : i32 to index
        %parallel_loop3A_653 = arith.constant 80 : index
        %parallel_loop3A_654 = tpu.vector_load %arg15[%parallel_loop3A_652, %parallel_loop3A_653] {strides = array<i32>} : memref<80x128xf32, #tpu.memory_space<vmem>>, vector<1x16xf32>,
        %parallel_loop3A_655 = vector.shape_cast %parallel_loop3A_654 : vector<1x16xf32> to vector<16xf32>
        %parallel_loop3A_656 = vector.shape_cast %parallel_loop3A_651 : vector<16xf32> to vector<1x16xf32>
        tpu.vector_store %arg15[%parallel_loop3A_652, %parallel_loop3A_653], %parallel_loop3A_656 {strides = array<i32>} : memref<80x128xf32, #tpu.memory_space<vmem>>, vector<1x16xf32>,
        %parallel_loop3A_657 = arith.index_cast %parallel_loop3A_584 : i32 to index
        %parallel_loop3A_658 = arith.constant 96 : index
        %parallel_loop3A_659 = tpu.vector_load %arg15[%parallel_loop3A_657, %parallel_loop3A_658] {strides = array<i32>} : memref<80x128xf32, #tpu.memory_space<vmem>>, vector<1x16xf32>,
        %parallel_loop3A_660 = vector.shape_cast %parallel_loop3A_659 : vector<1x16xf32> to vector<16xf32>
        %parallel_loop3A_661 = arith.constant 0.000000e+00 : f32
        %parallel_loop3A_662 = vector.broadcast %parallel_loop3A_661 : f32 to vector<16xf32>
        %parallel_loop3A_663 = arith.maximumf %parallel_loop3A_660, %parallel_loop3A_662 : vector<16xf32>
        %parallel_loop3A_664 = arith.index_cast %parallel_loop3A_584 : i32 to index
        %parallel_loop3A_665 = arith.constant 96 : index
        %parallel_loop3A_666 = tpu.vector_load %arg15[%parallel_loop3A_664, %parallel_loop3A_665] {strides = array<i32>} : memref<80x128xf32, #tpu.memory_space<vmem>>, vector<1x16xf32>,
        %parallel_loop3A_667 = vector.shape_cast %parallel_loop3A_666 : vector<1x16xf32> to vector<16xf32>
        %parallel_loop3A_668 = vector.shape_cast %parallel_loop3A_663 : vector<16xf32> to vector<1x16xf32>
        tpu.vector_store %arg15[%parallel_loop3A_664, %parallel_loop3A_665], %parallel_loop3A_668 {strides = array<i32>} : memref<80x128xf32, #tpu.memory_space<vmem>>, vector<1x16xf32>,
        %parallel_loop3A_669 = arith.index_cast %parallel_loop3A_584 : i32 to index
        %parallel_loop3A_670 = arith.constant 112 : index
        %parallel_loop3A_671 = tpu.vector_load %arg15[%parallel_loop3A_669, %parallel_loop3A_670] {strides = array<i32>} : memref<80x128xf32, #tpu.memory_space<vmem>>, vector<1x16xf32>,
        %parallel_loop3A_672 = vector.shape_cast %parallel_loop3A_671 : vector<1x16xf32> to vector<16xf32>
        %parallel_loop3A_673 = arith.constant 0.000000e+00 : f32
        %parallel_loop3A_674 = vector.broadcast %parallel_loop3A_673 : f32 to vector<16xf32>
        %parallel_loop3A_675 = arith.maximumf %parallel_loop3A_672, %parallel_loop3A_674 : vector<16xf32>
        %parallel_loop3A_676 = arith.index_cast %parallel_loop3A_584 : i32 to index
        %parallel_loop3A_677 = arith.constant 112 : index
        %parallel_loop3A_678 = tpu.vector_load %arg15[%parallel_loop3A_676, %parallel_loop3A_677] {strides = array<i32>} : memref<80x128xf32, #tpu.memory_space<vmem>>, vector<1x16xf32>,
        %parallel_loop3A_679 = vector.shape_cast %parallel_loop3A_678 : vector<1x16xf32> to vector<16xf32>
        %parallel_loop3A_680 = vector.shape_cast %parallel_loop3A_675 : vector<16xf32> to vector<1x16xf32>
        tpu.vector_store %arg15[%parallel_loop3A_676, %parallel_loop3A_677], %parallel_loop3A_680 {strides = array<i32>} : memref<80x128xf32, #tpu.memory_space<vmem>>, vector<1x16xf32>,
      } {sc.loop_unroll_factor = 4 : i64, sc.parallel_access}
      %dma_start3A_388 = arith.constant 0 : i32
      %dma_start3A_389 = arith.constant 0 : i32
      %dma_start3A_390 = tpu.memref_slice %arg20[%dma_start3A_388, %dma_start3A_389] : memref<10000x128xf32, #tpu.memory_space<vmem_shared>> -> memref<10000x128xf32, #tpu.memory_space<vmem_shared>>
      tpu.enqueue_indirect_dma source(%arg15 : memref<80x128xf32, #tpu.memory_space<vmem>>) target(%dma_start3A_390 : memref<10000x128xf32, #tpu.memory_space<vmem_shared>>) offsets(%arg11 : memref<80xi32, #tpu.memory_space<vmem>>) semaphore(%arg33 : memref<!tpu.dma_semaphore, #tpu.memory_space<semaphore_mem>>) {add = true}
      %gt3A = arith.constant 0 : i32
      %gt3A_391 = arith.cmpi sgt, %add3A_348, %gt3A : i32
      %convert_element_type3A_392 = arith.extui %gt3A_391 : i1 to i32
      %cond3A_393 = arith.constant 0 : i32
      %cond3A_394 = arith.cmpi ne, %convert_element_type3A_392, %cond3A_393 : i32
      scf.if %cond3A_394 {
        %dma_wait3A_584 = arith.constant 0 : i32
        %dma_wait3A_585 = arith.constant 0 : i32
        %dma_wait3A_586 = tpu.memref_slice %arg20[%dma_wait3A_584, %dma_wait3A_585] : memref<10000x128xf32, #tpu.memory_space<vmem_shared>> -> memref<10000x128xf32, #tpu.memory_space<vmem_shared>>
        tpu.wait_indirect_dma semaphore(%arg36 : memref<!tpu.dma_semaphore, #tpu.memory_space<semaphore_mem>>) src(%arg18 : memref<80x128xf32, #tpu.memory_space<vmem>>) dst(%dma_wait3A_586 : memref<10000x128xf32, #tpu.memory_space<vmem_shared>>)
      } else {
      }
      %add3A_395 = arith.constant 4 : i32
      %add3A_396 = arith.addi %add3A_348, %add3A_395 : i32
      %sub3A = arith.constant 1 : i32
      %sub3A_397 = arith.subi %add3A_396, %sub3A : i32
      %lt3A_398 = arith.constant 125 : i32
      %lt3A_399 = arith.cmpi slt, %sub3A_397, %lt3A_398 : i32
      %convert_element_type3A_400 = arith.extui %lt3A_399 : i1 to i32
      %cond3A_401 = arith.constant 0 : i32
      %cond3A_402 = arith.cmpi ne, %convert_element_type3A_400, %cond3A_401 : i32
      scf.if %cond3A_402 {
        %add3A_584 = arith.constant 4 : i32
        %add3A_585 = arith.addi %add3A_348, %add3A_584 : i32
        %sub3A_586 = arith.constant 1 : i32
        %sub3A_587 = arith.subi %add3A_585, %sub3A_586 : i32
        %mul3A_588 = arith.constant 10000 : i32
        %mul3A_589 = arith.muli %add3A, %mul3A_588 : i32
        %mul3A_590 = arith.constant 80 : i32
        %mul3A_591 = arith.muli %sub3A_587, %mul3A_590 : i32
        %add3A_592 = arith.addi %mul3A_589, %mul3A_591 : i32
        %multiple_of3A_593 = tpu.assume_multiple %add3A_592, 8 : i32
        %dma_start3A_594 = arith.constant 0 : i32
        %dma_start3A_595 = tpu.memref_slice %arg5[%multiple_of3A_593, %dma_start3A_594] : memref<320000x128xf32, #tpu.memory_space<hbm>> -> memref<80x128xf32, #tpu.memory_space<hbm>>
        %dma_start3A_596 = arith.constant 0 : i32
        %dma_start3A_597 = tpu.memref_slice %arg5[%multiple_of3A_593, %dma_start3A_596] : memref<320000x128xf32, #tpu.memory_space<hbm>> -> memref<80x128xf32, #tpu.memory_space<hbm>>
        tpu.enqueue_dma source(%dma_start3A_597 : memref<80x128xf32, #tpu.memory_space<hbm>>) target(%arg18 : memref<80x128xf32, #tpu.memory_space<vmem>>) target_semaphore(%arg28 : memref<!tpu.dma_semaphore, #tpu.memory_space<semaphore_mem>>)
        %add3A_598 = arith.constant 4 : i32
        %add3A_599 = arith.addi %add3A_348, %add3A_598 : i32
        %sub3A_600 = arith.constant 1 : i32
        %sub3A_601 = arith.subi %add3A_599, %sub3A_600 : i32
        %mul3A_602 = arith.constant 10000 : i32
        %mul3A_603 = arith.muli %add3A, %mul3A_602 : i32
        %mul3A_604 = arith.constant 80 : i32
        %mul3A_605 = arith.muli %sub3A_601, %mul3A_604 : i32
        %add3A_606 = arith.addi %mul3A_603, %mul3A_605 : i32
        %multiple_of3A_607 = tpu.assume_multiple %add3A_606, 8 : i32
        %dma_start3A_608 = tpu.memref_slice %arg3[%multiple_of3A_607] : memref<320000xi32, #tpu.memory_space<hbm>> -> memref<80xi32, #tpu.memory_space<hbm>>
        %dma_start3A_609 = tpu.memref_slice %arg3[%multiple_of3A_607] : memref<320000xi32, #tpu.memory_space<hbm>> -> memref<80xi32, #tpu.memory_space<hbm>>
        tpu.enqueue_dma source(%dma_start3A_609 : memref<80xi32, #tpu.memory_space<hbm>>) target(%arg10 : memref<80xi32, #tpu.memory_space<vmem>>) target_semaphore(%arg24 : memref<!tpu.dma_semaphore, #tpu.memory_space<semaphore_mem>>)
        %mul3A_610 = arith.constant 10000 : i32
        %mul3A_611 = arith.muli %add3A, %mul3A_610 : i32
        %mul3A_612 = arith.constant 80 : i32
        %mul3A_613 = arith.muli %sub3A_601, %mul3A_612 : i32
        %add3A_614 = arith.addi %mul3A_611, %mul3A_613 : i32
        %multiple_of3A_615 = tpu.assume_multiple %add3A_614, 8 : i32
        %dma_start3A_616 = tpu.memref_slice %arg4[%multiple_of3A_615] : memref<320000xi32, #tpu.memory_space<hbm>> -> memref<80xi32, #tpu.memory_space<hbm>>
        %dma_start3A_617 = tpu.memref_slice %arg4[%multiple_of3A_615] : memref<320000xi32, #tpu.memory_space<hbm>> -> memref<80xi32, #tpu.memory_space<hbm>>
        tpu.enqueue_dma source(%dma_start3A_617 : memref<80xi32, #tpu.memory_space<hbm>>) target(%arg14 : memref<80xi32, #tpu.memory_space<vmem>>) target_semaphore(%arg24 : memref<!tpu.dma_semaphore, #tpu.memory_space<semaphore_mem>>)
      } else {
      }
      %mul3A_403 = arith.constant 4 : i32
      %mul3A_404 = arith.muli %mul3A_403, %scan3A_343 : i32
      %add3A_405 = arith.constant 1 : i32
      %add3A_406 = arith.addi %mul3A_404, %add3A_405 : i32
      %dma_wait3A_407 = arith.constant 0 : i32
      %dma_wait3A_408 = arith.constant 0 : i32
      %dma_wait3A_409 = tpu.memref_slice %arg2[%dma_wait3A_407, %dma_wait3A_408] : memref<10000x128xf32, #tpu.memory_space<hbm>> -> memref<10000x128xf32, #tpu.memory_space<hbm>>
      tpu.wait_indirect_dma semaphore(%arg30 : memref<!tpu.dma_semaphore, #tpu.memory_space<semaphore_mem>>) src(%dma_wait3A_409 : memref<10000x128xf32, #tpu.memory_space<hbm>>) dst(%arg16 : memref<80x128xf32, #tpu.memory_space<vmem>>)
      %add3A_410 = arith.constant 1 : i32
      %add3A_411 = arith.addi %add3A_406, %add3A_410 : i32
      %mul3A_412 = arith.constant 10000 : i32
      %mul3A_413 = arith.muli %add3A, %mul3A_412 : i32
      %mul3A_414 = arith.constant 80 : i32
      %mul3A_415 = arith.muli %add3A_411, %mul3A_414 : i32
      %add3A_416 = arith.addi %mul3A_413, %mul3A_415 : i32
      %multiple_of3A_417 = tpu.assume_multiple %add3A_416, 8 : i32
      %dma_wait3A_418 = tpu.memref_slice %arg3[%multiple_of3A_417] : memref<320000xi32, #tpu.memory_space<hbm>> -> memref<80xi32, #tpu.memory_space<hbm>>
      %dma_wait3A_419 = tpu.memref_slice %arg3[%multiple_of3A_417] : memref<320000xi32, #tpu.memory_space<hbm>> -> memref<80xi32, #tpu.memory_space<hbm>>
      tpu.wait_dma2 semaphore(%arg23 : memref<!tpu.dma_semaphore, #tpu.memory_space<semaphore_mem>>) src(%dma_wait3A_419 : memref<80xi32, #tpu.memory_space<hbm>>) dst(%arg9 : memref<80xi32, #tpu.memory_space<vmem>>)
      %mul3A_420 = arith.constant 10000 : i32
      %mul3A_421 = arith.muli %add3A, %mul3A_420 : i32
      %mul3A_422 = arith.constant 80 : i32
      %mul3A_423 = arith.muli %add3A_411, %mul3A_422 : i32
      %add3A_424 = arith.addi %mul3A_421, %mul3A_423 : i32
      %multiple_of3A_425 = tpu.assume_multiple %add3A_424, 8 : i32
      %dma_wait3A_426 = tpu.memref_slice %arg4[%multiple_of3A_425] : memref<320000xi32, #tpu.memory_space<hbm>> -> memref<80xi32, #tpu.memory_space<hbm>>
      %dma_wait3A_427 = tpu.memref_slice %arg4[%multiple_of3A_425] : memref<320000xi32, #tpu.memory_space<hbm>> -> memref<80xi32, #tpu.memory_space<hbm>>
      tpu.wait_dma2 semaphore(%arg23 : memref<!tpu.dma_semaphore, #tpu.memory_space<semaphore_mem>>) src(%dma_wait3A_427 : memref<80xi32, #tpu.memory_space<hbm>>) dst(%arg13 : memref<80xi32, #tpu.memory_space<vmem>>)
      %add3A_428 = arith.constant 1 : i32
      %add3A_429 = arith.addi %add3A_406, %add3A_428 : i32
      %mul3A_430 = arith.constant 10000 : i32
      %mul3A_431 = arith.muli %add3A, %mul3A_430 : i32
      %mul3A_432 = arith.constant 80 : i32
      %mul3A_433 = arith.muli %add3A_429, %mul3A_432 : i32
      %add3A_434 = arith.addi %mul3A_431, %mul3A_433 : i32
      %multiple_of3A_435 = tpu.assume_multiple %add3A_434, 8 : i32
      %dma_wait3A_436 = arith.constant 0 : i32
      %dma_wait3A_437 = tpu.memref_slice %arg5[%multiple_of3A_435, %dma_wait3A_436] : memref<320000x128xf32, #tpu.memory_space<hbm>> -> memref<80x128xf32, #tpu.memory_space<hbm>>
      %dma_wait3A_438 = arith.constant 0 : i32
      %dma_wait3A_439 = tpu.memref_slice %arg5[%multiple_of3A_435, %dma_wait3A_438] : memref<320000x128xf32, #tpu.memory_space<hbm>> -> memref<80x128xf32, #tpu.memory_space<hbm>>
      tpu.wait_dma2 semaphore(%arg27 : memref<!tpu.dma_semaphore, #tpu.memory_space<semaphore_mem>>) src(%dma_wait3A_439 : memref<80x128xf32, #tpu.memory_space<hbm>>) dst(%arg17 : memref<80x128xf32, #tpu.memory_space<vmem>>)
      %dma_start3A_440 = arith.constant 0 : i32
      %dma_start3A_441 = arith.constant 0 : i32
      %dma_start3A_442 = tpu.memref_slice %arg2[%dma_start3A_440, %dma_start3A_441] : memref<10000x128xf32, #tpu.memory_space<hbm>> -> memref<10000x128xf32, #tpu.memory_space<hbm>>
      tpu.enqueue_indirect_dma source(%dma_start3A_442 : memref<10000x128xf32, #tpu.memory_space<hbm>>) target(%arg17 : memref<80x128xf32, #tpu.memory_space<vmem>>) offsets(%arg9 : memref<80xi32, #tpu.memory_space<vmem>>) semaphore(%arg31 : memref<!tpu.dma_semaphore, #tpu.memory_space<semaphore_mem>>) {add = true}
      %parallel_loop3A_443 = arith.constant 0 : i32
      %parallel_loop3A_444 = arith.constant 80 : i32
      %parallel_loop3A_445 = arith.constant 1 : i32
      scf.for %parallel_loop3A_584 = %parallel_loop3A_443 to %parallel_loop3A_444 step %parallel_loop3A_445  : i32 {
        %parallel_loop3A_585 = arith.index_cast %parallel_loop3A_584 : i32 to index
        %parallel_loop3A_586 = arith.constant 0 : index
        %parallel_loop3A_587 = tpu.vector_load %arg16[%parallel_loop3A_585, %parallel_loop3A_586] {strides = array<i32>} : memref<80x128xf32, #tpu.memory_space<vmem>>, vector<1x16xf32>,
        %parallel_loop3A_588 = vector.shape_cast %parallel_loop3A_587 : vector<1x16xf32> to vector<16xf32>
        %parallel_loop3A_589 = arith.constant 0.000000e+00 : f32
        %parallel_loop3A_590 = vector.broadcast %parallel_loop3A_589 : f32 to vector<16xf32>
        %parallel_loop3A_591 = arith.maximumf %parallel_loop3A_588, %parallel_loop3A_590 : vector<16xf32>
        %parallel_loop3A_592 = arith.index_cast %parallel_loop3A_584 : i32 to index
        %parallel_loop3A_593 = arith.constant 0 : index
        %parallel_loop3A_594 = tpu.vector_load %arg16[%parallel_loop3A_592, %parallel_loop3A_593] {strides = array<i32>} : memref<80x128xf32, #tpu.memory_space<vmem>>, vector<1x16xf32>,
        %parallel_loop3A_595 = vector.shape_cast %parallel_loop3A_594 : vector<1x16xf32> to vector<16xf32>
        %parallel_loop3A_596 = vector.shape_cast %parallel_loop3A_591 : vector<16xf32> to vector<1x16xf32>
        tpu.vector_store %arg16[%parallel_loop3A_592, %parallel_loop3A_593], %parallel_loop3A_596 {strides = array<i32>} : memref<80x128xf32, #tpu.memory_space<vmem>>, vector<1x16xf32>,
        %parallel_loop3A_597 = arith.index_cast %parallel_loop3A_584 : i32 to index
        %parallel_loop3A_598 = arith.constant 16 : index
        %parallel_loop3A_599 = tpu.vector_load %arg16[%parallel_loop3A_597, %parallel_loop3A_598] {strides = array<i32>} : memref<80x128xf32, #tpu.memory_space<vmem>>, vector<1x16xf32>,
        %parallel_loop3A_600 = vector.shape_cast %parallel_loop3A_599 : vector<1x16xf32> to vector<16xf32>
        %parallel_loop3A_601 = arith.constant 0.000000e+00 : f32
        %parallel_loop3A_602 = vector.broadcast %parallel_loop3A_601 : f32 to vector<16xf32>
        %parallel_loop3A_603 = arith.maximumf %parallel_loop3A_600, %parallel_loop3A_602 : vector<16xf32>
        %parallel_loop3A_604 = arith.index_cast %parallel_loop3A_584 : i32 to index
        %parallel_loop3A_605 = arith.constant 16 : index
        %parallel_loop3A_606 = tpu.vector_load %arg16[%parallel_loop3A_604, %parallel_loop3A_605] {strides = array<i32>} : memref<80x128xf32, #tpu.memory_space<vmem>>, vector<1x16xf32>,
        %parallel_loop3A_607 = vector.shape_cast %parallel_loop3A_606 : vector<1x16xf32> to vector<16xf32>
        %parallel_loop3A_608 = vector.shape_cast %parallel_loop3A_603 : vector<16xf32> to vector<1x16xf32>
        tpu.vector_store %arg16[%parallel_loop3A_604, %parallel_loop3A_605], %parallel_loop3A_608 {strides = array<i32>} : memref<80x128xf32, #tpu.memory_space<vmem>>, vector<1x16xf32>,
        %parallel_loop3A_609 = arith.index_cast %parallel_loop3A_584 : i32 to index
        %parallel_loop3A_610 = arith.constant 32 : index
        %parallel_loop3A_611 = tpu.vector_load %arg16[%parallel_loop3A_609, %parallel_loop3A_610] {strides = array<i32>} : memref<80x128xf32, #tpu.memory_space<vmem>>, vector<1x16xf32>,
        %parallel_loop3A_612 = vector.shape_cast %parallel_loop3A_611 : vector<1x16xf32> to vector<16xf32>
        %parallel_loop3A_613 = arith.constant 0.000000e+00 : f32
        %parallel_loop3A_614 = vector.broadcast %parallel_loop3A_613 : f32 to vector<16xf32>
        %parallel_loop3A_615 = arith.maximumf %parallel_loop3A_612, %parallel_loop3A_614 : vector<16xf32>
        %parallel_loop3A_616 = arith.index_cast %parallel_loop3A_584 : i32 to index
        %parallel_loop3A_617 = arith.constant 32 : index
        %parallel_loop3A_618 = tpu.vector_load %arg16[%parallel_loop3A_616, %parallel_loop3A_617] {strides = array<i32>} : memref<80x128xf32, #tpu.memory_space<vmem>>, vector<1x16xf32>,
        %parallel_loop3A_619 = vector.shape_cast %parallel_loop3A_618 : vector<1x16xf32> to vector<16xf32>
        %parallel_loop3A_620 = vector.shape_cast %parallel_loop3A_615 : vector<16xf32> to vector<1x16xf32>
        tpu.vector_store %arg16[%parallel_loop3A_616, %parallel_loop3A_617], %parallel_loop3A_620 {strides = array<i32>} : memref<80x128xf32, #tpu.memory_space<vmem>>, vector<1x16xf32>,
        %parallel_loop3A_621 = arith.index_cast %parallel_loop3A_584 : i32 to index
        %parallel_loop3A_622 = arith.constant 48 : index
        %parallel_loop3A_623 = tpu.vector_load %arg16[%parallel_loop3A_621, %parallel_loop3A_622] {strides = array<i32>} : memref<80x128xf32, #tpu.memory_space<vmem>>, vector<1x16xf32>,
        %parallel_loop3A_624 = vector.shape_cast %parallel_loop3A_623 : vector<1x16xf32> to vector<16xf32>
        %parallel_loop3A_625 = arith.constant 0.000000e+00 : f32
        %parallel_loop3A_626 = vector.broadcast %parallel_loop3A_625 : f32 to vector<16xf32>
        %parallel_loop3A_627 = arith.maximumf %parallel_loop3A_624, %parallel_loop3A_626 : vector<16xf32>
        %parallel_loop3A_628 = arith.index_cast %parallel_loop3A_584 : i32 to index
        %parallel_loop3A_629 = arith.constant 48 : index
        %parallel_loop3A_630 = tpu.vector_load %arg16[%parallel_loop3A_628, %parallel_loop3A_629] {strides = array<i32>} : memref<80x128xf32, #tpu.memory_space<vmem>>, vector<1x16xf32>,
        %parallel_loop3A_631 = vector.shape_cast %parallel_loop3A_630 : vector<1x16xf32> to vector<16xf32>
        %parallel_loop3A_632 = vector.shape_cast %parallel_loop3A_627 : vector<16xf32> to vector<1x16xf32>
        tpu.vector_store %arg16[%parallel_loop3A_628, %parallel_loop3A_629], %parallel_loop3A_632 {strides = array<i32>} : memref<80x128xf32, #tpu.memory_space<vmem>>, vector<1x16xf32>,
        %parallel_loop3A_633 = arith.index_cast %parallel_loop3A_584 : i32 to index
        %parallel_loop3A_634 = arith.constant 64 : index
        %parallel_loop3A_635 = tpu.vector_load %arg16[%parallel_loop3A_633, %parallel_loop3A_634] {strides = array<i32>} : memref<80x128xf32, #tpu.memory_space<vmem>>, vector<1x16xf32>,
        %parallel_loop3A_636 = vector.shape_cast %parallel_loop3A_635 : vector<1x16xf32> to vector<16xf32>
        %parallel_loop3A_637 = arith.constant 0.000000e+00 : f32
        %parallel_loop3A_638 = vector.broadcast %parallel_loop3A_637 : f32 to vector<16xf32>
        %parallel_loop3A_639 = arith.maximumf %parallel_loop3A_636, %parallel_loop3A_638 : vector<16xf32>
        %parallel_loop3A_640 = arith.index_cast %parallel_loop3A_584 : i32 to index
        %parallel_loop3A_641 = arith.constant 64 : index
        %parallel_loop3A_642 = tpu.vector_load %arg16[%parallel_loop3A_640, %parallel_loop3A_641] {strides = array<i32>} : memref<80x128xf32, #tpu.memory_space<vmem>>, vector<1x16xf32>,
        %parallel_loop3A_643 = vector.shape_cast %parallel_loop3A_642 : vector<1x16xf32> to vector<16xf32>
        %parallel_loop3A_644 = vector.shape_cast %parallel_loop3A_639 : vector<16xf32> to vector<1x16xf32>
        tpu.vector_store %arg16[%parallel_loop3A_640, %parallel_loop3A_641], %parallel_loop3A_644 {strides = array<i32>} : memref<80x128xf32, #tpu.memory_space<vmem>>, vector<1x16xf32>,
        %parallel_loop3A_645 = arith.index_cast %parallel_loop3A_584 : i32 to index
        %parallel_loop3A_646 = arith.constant 80 : index
        %parallel_loop3A_647 = tpu.vector_load %arg16[%parallel_loop3A_645, %parallel_loop3A_646] {strides = array<i32>} : memref<80x128xf32, #tpu.memory_space<vmem>>, vector<1x16xf32>,
        %parallel_loop3A_648 = vector.shape_cast %parallel_loop3A_647 : vector<1x16xf32> to vector<16xf32>
        %parallel_loop3A_649 = arith.constant 0.000000e+00 : f32
        %parallel_loop3A_650 = vector.broadcast %parallel_loop3A_649 : f32 to vector<16xf32>
        %parallel_loop3A_651 = arith.maximumf %parallel_loop3A_648, %parallel_loop3A_650 : vector<16xf32>
        %parallel_loop3A_652 = arith.index_cast %parallel_loop3A_584 : i32 to index
        %parallel_loop3A_653 = arith.constant 80 : index
        %parallel_loop3A_654 = tpu.vector_load %arg16[%parallel_loop3A_652, %parallel_loop3A_653] {strides = array<i32>} : memref<80x128xf32, #tpu.memory_space<vmem>>, vector<1x16xf32>,
        %parallel_loop3A_655 = vector.shape_cast %parallel_loop3A_654 : vector<1x16xf32> to vector<16xf32>
        %parallel_loop3A_656 = vector.shape_cast %parallel_loop3A_651 : vector<16xf32> to vector<1x16xf32>
        tpu.vector_store %arg16[%parallel_loop3A_652, %parallel_loop3A_653], %parallel_loop3A_656 {strides = array<i32>} : memref<80x128xf32, #tpu.memory_space<vmem>>, vector<1x16xf32>,
        %parallel_loop3A_657 = arith.index_cast %parallel_loop3A_584 : i32 to index
        %parallel_loop3A_658 = arith.constant 96 : index
        %parallel_loop3A_659 = tpu.vector_load %arg16[%parallel_loop3A_657, %parallel_loop3A_658] {strides = array<i32>} : memref<80x128xf32, #tpu.memory_space<vmem>>, vector<1x16xf32>,
        %parallel_loop3A_660 = vector.shape_cast %parallel_loop3A_659 : vector<1x16xf32> to vector<16xf32>
        %parallel_loop3A_661 = arith.constant 0.000000e+00 : f32
        %parallel_loop3A_662 = vector.broadcast %parallel_loop3A_661 : f32 to vector<16xf32>
        %parallel_loop3A_663 = arith.maximumf %parallel_loop3A_660, %parallel_loop3A_662 : vector<16xf32>
        %parallel_loop3A_664 = arith.index_cast %parallel_loop3A_584 : i32 to index
        %parallel_loop3A_665 = arith.constant 96 : index
        %parallel_loop3A_666 = tpu.vector_load %arg16[%parallel_loop3A_664, %parallel_loop3A_665] {strides = array<i32>} : memref<80x128xf32, #tpu.memory_space<vmem>>, vector<1x16xf32>,
        %parallel_loop3A_667 = vector.shape_cast %parallel_loop3A_666 : vector<1x16xf32> to vector<16xf32>
        %parallel_loop3A_668 = vector.shape_cast %parallel_loop3A_663 : vector<16xf32> to vector<1x16xf32>
        tpu.vector_store %arg16[%parallel_loop3A_664, %parallel_loop3A_665], %parallel_loop3A_668 {strides = array<i32>} : memref<80x128xf32, #tpu.memory_space<vmem>>, vector<1x16xf32>,
        %parallel_loop3A_669 = arith.index_cast %parallel_loop3A_584 : i32 to index
        %parallel_loop3A_670 = arith.constant 112 : index
        %parallel_loop3A_671 = tpu.vector_load %arg16[%parallel_loop3A_669, %parallel_loop3A_670] {strides = array<i32>} : memref<80x128xf32, #tpu.memory_space<vmem>>, vector<1x16xf32>,
        %parallel_loop3A_672 = vector.shape_cast %parallel_loop3A_671 : vector<1x16xf32> to vector<16xf32>
        %parallel_loop3A_673 = arith.constant 0.000000e+00 : f32
        %parallel_loop3A_674 = vector.broadcast %parallel_loop3A_673 : f32 to vector<16xf32>
        %parallel_loop3A_675 = arith.maximumf %parallel_loop3A_672, %parallel_loop3A_674 : vector<16xf32>
        %parallel_loop3A_676 = arith.index_cast %parallel_loop3A_584 : i32 to index
        %parallel_loop3A_677 = arith.constant 112 : index
        %parallel_loop3A_678 = tpu.vector_load %arg16[%parallel_loop3A_676, %parallel_loop3A_677] {strides = array<i32>} : memref<80x128xf32, #tpu.memory_space<vmem>>, vector<1x16xf32>,
        %parallel_loop3A_679 = vector.shape_cast %parallel_loop3A_678 : vector<1x16xf32> to vector<16xf32>
        %parallel_loop3A_680 = vector.shape_cast %parallel_loop3A_675 : vector<16xf32> to vector<1x16xf32>
        tpu.vector_store %arg16[%parallel_loop3A_676, %parallel_loop3A_677], %parallel_loop3A_680 {strides = array<i32>} : memref<80x128xf32, #tpu.memory_space<vmem>>, vector<1x16xf32>,
      } {sc.loop_unroll_factor = 4 : i64, sc.parallel_access}
      %dma_start3A_446 = arith.constant 0 : i32
      %dma_start3A_447 = arith.constant 0 : i32
      %dma_start3A_448 = tpu.memref_slice %arg20[%dma_start3A_446, %dma_start3A_447] : memref<10000x128xf32, #tpu.memory_space<vmem_shared>> -> memref<10000x128xf32, #tpu.memory_space<vmem_shared>>
      tpu.enqueue_indirect_dma source(%arg16 : memref<80x128xf32, #tpu.memory_space<vmem>>) target(%dma_start3A_448 : memref<10000x128xf32, #tpu.memory_space<vmem_shared>>) offsets(%arg12 : memref<80xi32, #tpu.memory_space<vmem>>) semaphore(%arg34 : memref<!tpu.dma_semaphore, #tpu.memory_space<semaphore_mem>>) {add = true}
      %gt3A_449 = arith.constant 0 : i32
      %gt3A_450 = arith.cmpi sgt, %add3A_406, %gt3A_449 : i32
      %convert_element_type3A_451 = arith.extui %gt3A_450 : i1 to i32
      %cond3A_452 = arith.constant 0 : i32
      %cond3A_453 = arith.cmpi ne, %convert_element_type3A_451, %cond3A_452 : i32
      scf.if %cond3A_453 {
        %dma_wait3A_584 = arith.constant 0 : i32
        %dma_wait3A_585 = arith.constant 0 : i32
        %dma_wait3A_586 = tpu.memref_slice %arg20[%dma_wait3A_584, %dma_wait3A_585] : memref<10000x128xf32, #tpu.memory_space<vmem_shared>> -> memref<10000x128xf32, #tpu.memory_space<vmem_shared>>
        tpu.wait_indirect_dma semaphore(%arg33 : memref<!tpu.dma_semaphore, #tpu.memory_space<semaphore_mem>>) src(%arg15 : memref<80x128xf32, #tpu.memory_space<vmem>>) dst(%dma_wait3A_586 : memref<10000x128xf32, #tpu.memory_space<vmem_shared>>)
      } else {
      }
      %add3A_454 = arith.constant 4 : i32
      %add3A_455 = arith.addi %add3A_406, %add3A_454 : i32
      %sub3A_456 = arith.constant 1 : i32
      %sub3A_457 = arith.subi %add3A_455, %sub3A_456 : i32
      %lt3A_458 = arith.constant 125 : i32
      %lt3A_459 = arith.cmpi slt, %sub3A_457, %lt3A_458 : i32
      %convert_element_type3A_460 = arith.extui %lt3A_459 : i1 to i32
      %cond3A_461 = arith.constant 0 : i32
      %cond3A_462 = arith.cmpi ne, %convert_element_type3A_460, %cond3A_461 : i32
      scf.if %cond3A_462 {
        %add3A_584 = arith.constant 4 : i32
        %add3A_585 = arith.addi %add3A_406, %add3A_584 : i32
        %sub3A_586 = arith.constant 1 : i32
        %sub3A_587 = arith.subi %add3A_585, %sub3A_586 : i32
        %mul3A_588 = arith.constant 10000 : i32
        %mul3A_589 = arith.muli %add3A, %mul3A_588 : i32
        %mul3A_590 = arith.constant 80 : i32
        %mul3A_591 = arith.muli %sub3A_587, %mul3A_590 : i32
        %add3A_592 = arith.addi %mul3A_589, %mul3A_591 : i32
        %multiple_of3A_593 = tpu.assume_multiple %add3A_592, 8 : i32
        %dma_start3A_594 = arith.constant 0 : i32
        %dma_start3A_595 = tpu.memref_slice %arg5[%multiple_of3A_593, %dma_start3A_594] : memref<320000x128xf32, #tpu.memory_space<hbm>> -> memref<80x128xf32, #tpu.memory_space<hbm>>
        %dma_start3A_596 = arith.constant 0 : i32
        %dma_start3A_597 = tpu.memref_slice %arg5[%multiple_of3A_593, %dma_start3A_596] : memref<320000x128xf32, #tpu.memory_space<hbm>> -> memref<80x128xf32, #tpu.memory_space<hbm>>
        tpu.enqueue_dma source(%dma_start3A_597 : memref<80x128xf32, #tpu.memory_space<hbm>>) target(%arg15 : memref<80x128xf32, #tpu.memory_space<vmem>>) target_semaphore(%arg25 : memref<!tpu.dma_semaphore, #tpu.memory_space<semaphore_mem>>)
        %add3A_598 = arith.constant 4 : i32
        %add3A_599 = arith.addi %add3A_406, %add3A_598 : i32
        %sub3A_600 = arith.constant 1 : i32
        %sub3A_601 = arith.subi %add3A_599, %sub3A_600 : i32
        %mul3A_602 = arith.constant 10000 : i32
        %mul3A_603 = arith.muli %add3A, %mul3A_602 : i32
        %mul3A_604 = arith.constant 80 : i32
        %mul3A_605 = arith.muli %sub3A_601, %mul3A_604 : i32
        %add3A_606 = arith.addi %mul3A_603, %mul3A_605 : i32
        %multiple_of3A_607 = tpu.assume_multiple %add3A_606, 8 : i32
        %dma_start3A_608 = tpu.memref_slice %arg3[%multiple_of3A_607] : memref<320000xi32, #tpu.memory_space<hbm>> -> memref<80xi32, #tpu.memory_space<hbm>>
        %dma_start3A_609 = tpu.memref_slice %arg3[%multiple_of3A_607] : memref<320000xi32, #tpu.memory_space<hbm>> -> memref<80xi32, #tpu.memory_space<hbm>>
        tpu.enqueue_dma source(%dma_start3A_609 : memref<80xi32, #tpu.memory_space<hbm>>) target(%arg7 : memref<80xi32, #tpu.memory_space<vmem>>) target_semaphore(%arg21 : memref<!tpu.dma_semaphore, #tpu.memory_space<semaphore_mem>>)
        %mul3A_610 = arith.constant 10000 : i32
        %mul3A_611 = arith.muli %add3A, %mul3A_610 : i32
        %mul3A_612 = arith.constant 80 : i32
        %mul3A_613 = arith.muli %sub3A_601, %mul3A_612 : i32
        %add3A_614 = arith.addi %mul3A_611, %mul3A_613 : i32
        %multiple_of3A_615 = tpu.assume_multiple %add3A_614, 8 : i32
        %dma_start3A_616 = tpu.memref_slice %arg4[%multiple_of3A_615] : memref<320000xi32, #tpu.memory_space<hbm>> -> memref<80xi32, #tpu.memory_space<hbm>>
        %dma_start3A_617 = tpu.memref_slice %arg4[%multiple_of3A_615] : memref<320000xi32, #tpu.memory_space<hbm>> -> memref<80xi32, #tpu.memory_space<hbm>>
        tpu.enqueue_dma source(%dma_start3A_617 : memref<80xi32, #tpu.memory_space<hbm>>) target(%arg11 : memref<80xi32, #tpu.memory_space<vmem>>) target_semaphore(%arg21 : memref<!tpu.dma_semaphore, #tpu.memory_space<semaphore_mem>>)
      } else {
      }
      %mul3A_463 = arith.constant 4 : i32
      %mul3A_464 = arith.muli %mul3A_463, %scan3A_343 : i32
      %add3A_465 = arith.constant 2 : i32
      %add3A_466 = arith.addi %mul3A_464, %add3A_465 : i32
      %dma_wait3A_467 = arith.constant 0 : i32
      %dma_wait3A_468 = arith.constant 0 : i32
      %dma_wait3A_469 = tpu.memref_slice %arg2[%dma_wait3A_467, %dma_wait3A_468] : memref<10000x128xf32, #tpu.memory_space<hbm>> -> memref<10000x128xf32, #tpu.memory_space<hbm>>
      tpu.wait_indirect_dma semaphore(%arg31 : memref<!tpu.dma_semaphore, #tpu.memory_space<semaphore_mem>>) src(%dma_wait3A_469 : memref<10000x128xf32, #tpu.memory_space<hbm>>) dst(%arg17 : memref<80x128xf32, #tpu.memory_space<vmem>>)
      %add3A_470 = arith.constant 1 : i32
      %add3A_471 = arith.addi %add3A_466, %add3A_470 : i32
      %mul3A_472 = arith.constant 10000 : i32
      %mul3A_473 = arith.muli %add3A, %mul3A_472 : i32
      %mul3A_474 = arith.constant 80 : i32
      %mul3A_475 = arith.muli %add3A_471, %mul3A_474 : i32
      %add3A_476 = arith.addi %mul3A_473, %mul3A_475 : i32
      %multiple_of3A_477 = tpu.assume_multiple %add3A_476, 8 : i32
      %dma_wait3A_478 = tpu.memref_slice %arg3[%multiple_of3A_477] : memref<320000xi32, #tpu.memory_space<hbm>> -> memref<80xi32, #tpu.memory_space<hbm>>
      %dma_wait3A_479 = tpu.memref_slice %arg3[%multiple_of3A_477] : memref<320000xi32, #tpu.memory_space<hbm>> -> memref<80xi32, #tpu.memory_space<hbm>>
      tpu.wait_dma2 semaphore(%arg24 : memref<!tpu.dma_semaphore, #tpu.memory_space<semaphore_mem>>) src(%dma_wait3A_479 : memref<80xi32, #tpu.memory_space<hbm>>) dst(%arg10 : memref<80xi32, #tpu.memory_space<vmem>>)
      %mul3A_480 = arith.constant 10000 : i32
      %mul3A_481 = arith.muli %add3A, %mul3A_480 : i32
      %mul3A_482 = arith.constant 80 : i32
      %mul3A_483 = arith.muli %add3A_471, %mul3A_482 : i32
      %add3A_484 = arith.addi %mul3A_481, %mul3A_483 : i32
      %multiple_of3A_485 = tpu.assume_multiple %add3A_484, 8 : i32
      %dma_wait3A_486 = tpu.memref_slice %arg4[%multiple_of3A_485] : memref<320000xi32, #tpu.memory_space<hbm>> -> memref<80xi32, #tpu.memory_space<hbm>>
      %dma_wait3A_487 = tpu.memref_slice %arg4[%multiple_of3A_485] : memref<320000xi32, #tpu.memory_space<hbm>> -> memref<80xi32, #tpu.memory_space<hbm>>
      tpu.wait_dma2 semaphore(%arg24 : memref<!tpu.dma_semaphore, #tpu.memory_space<semaphore_mem>>) src(%dma_wait3A_487 : memref<80xi32, #tpu.memory_space<hbm>>) dst(%arg14 : memref<80xi32, #tpu.memory_space<vmem>>)
      %add3A_488 = arith.constant 1 : i32
      %add3A_489 = arith.addi %add3A_466, %add3A_488 : i32
      %mul3A_490 = arith.constant 10000 : i32
      %mul3A_491 = arith.muli %add3A, %mul3A_490 : i32
      %mul3A_492 = arith.constant 80 : i32
      %mul3A_493 = arith.muli %add3A_489, %mul3A_492 : i32
      %add3A_494 = arith.addi %mul3A_491, %mul3A_493 : i32
      %multiple_of3A_495 = tpu.assume_multiple %add3A_494, 8 : i32
      %dma_wait3A_496 = arith.constant 0 : i32
      %dma_wait3A_497 = tpu.memref_slice %arg5[%multiple_of3A_495, %dma_wait3A_496] : memref<320000x128xf32, #tpu.memory_space<hbm>> -> memref<80x128xf32, #tpu.memory_space<hbm>>
      %dma_wait3A_498 = arith.constant 0 : i32
      %dma_wait3A_499 = tpu.memref_slice %arg5[%multiple_of3A_495, %dma_wait3A_498] : memref<320000x128xf32, #tpu.memory_space<hbm>> -> memref<80x128xf32, #tpu.memory_space<hbm>>
      tpu.wait_dma2 semaphore(%arg28 : memref<!tpu.dma_semaphore, #tpu.memory_space<semaphore_mem>>) src(%dma_wait3A_499 : memref<80x128xf32, #tpu.memory_space<hbm>>) dst(%arg18 : memref<80x128xf32, #tpu.memory_space<vmem>>)
      %dma_start3A_500 = arith.constant 0 : i32
      %dma_start3A_501 = arith.constant 0 : i32
      %dma_start3A_502 = tpu.memref_slice %arg2[%dma_start3A_500, %dma_start3A_501] : memref<10000x128xf32, #tpu.memory_space<hbm>> -> memref<10000x128xf32, #tpu.memory_space<hbm>>
      tpu.enqueue_indirect_dma source(%dma_start3A_502 : memref<10000x128xf32, #tpu.memory_space<hbm>>) target(%arg18 : memref<80x128xf32, #tpu.memory_space<vmem>>) offsets(%arg10 : memref<80xi32, #tpu.memory_space<vmem>>) semaphore(%arg32 : memref<!tpu.dma_semaphore, #tpu.memory_space<semaphore_mem>>) {add = true}
      %parallel_loop3A_503 = arith.constant 0 : i32
      %parallel_loop3A_504 = arith.constant 80 : i32
      %parallel_loop3A_505 = arith.constant 1 : i32
      scf.for %parallel_loop3A_584 = %parallel_loop3A_503 to %parallel_loop3A_504 step %parallel_loop3A_505  : i32 {
        %parallel_loop3A_585 = arith.index_cast %parallel_loop3A_584 : i32 to index
        %parallel_loop3A_586 = arith.constant 0 : index
        %parallel_loop3A_587 = tpu.vector_load %arg17[%parallel_loop3A_585, %parallel_loop3A_586] {strides = array<i32>} : memref<80x128xf32, #tpu.memory_space<vmem>>, vector<1x16xf32>,
        %parallel_loop3A_588 = vector.shape_cast %parallel_loop3A_587 : vector<1x16xf32> to vector<16xf32>
        %parallel_loop3A_589 = arith.constant 0.000000e+00 : f32
        %parallel_loop3A_590 = vector.broadcast %parallel_loop3A_589 : f32 to vector<16xf32>
        %parallel_loop3A_591 = arith.maximumf %parallel_loop3A_588, %parallel_loop3A_590 : vector<16xf32>
        %parallel_loop3A_592 = arith.index_cast %parallel_loop3A_584 : i32 to index
        %parallel_loop3A_593 = arith.constant 0 : index
        %parallel_loop3A_594 = tpu.vector_load %arg17[%parallel_loop3A_592, %parallel_loop3A_593] {strides = array<i32>} : memref<80x128xf32, #tpu.memory_space<vmem>>, vector<1x16xf32>,
        %parallel_loop3A_595 = vector.shape_cast %parallel_loop3A_594 : vector<1x16xf32> to vector<16xf32>
        %parallel_loop3A_596 = vector.shape_cast %parallel_loop3A_591 : vector<16xf32> to vector<1x16xf32>
        tpu.vector_store %arg17[%parallel_loop3A_592, %parallel_loop3A_593], %parallel_loop3A_596 {strides = array<i32>} : memref<80x128xf32, #tpu.memory_space<vmem>>, vector<1x16xf32>,
        %parallel_loop3A_597 = arith.index_cast %parallel_loop3A_584 : i32 to index
        %parallel_loop3A_598 = arith.constant 16 : index
        %parallel_loop3A_599 = tpu.vector_load %arg17[%parallel_loop3A_597, %parallel_loop3A_598] {strides = array<i32>} : memref<80x128xf32, #tpu.memory_space<vmem>>, vector<1x16xf32>,
        %parallel_loop3A_600 = vector.shape_cast %parallel_loop3A_599 : vector<1x16xf32> to vector<16xf32>
        %parallel_loop3A_601 = arith.constant 0.000000e+00 : f32
        %parallel_loop3A_602 = vector.broadcast %parallel_loop3A_601 : f32 to vector<16xf32>
        %parallel_loop3A_603 = arith.maximumf %parallel_loop3A_600, %parallel_loop3A_602 : vector<16xf32>
        %parallel_loop3A_604 = arith.index_cast %parallel_loop3A_584 : i32 to index
        %parallel_loop3A_605 = arith.constant 16 : index
        %parallel_loop3A_606 = tpu.vector_load %arg17[%parallel_loop3A_604, %parallel_loop3A_605] {strides = array<i32>} : memref<80x128xf32, #tpu.memory_space<vmem>>, vector<1x16xf32>,
        %parallel_loop3A_607 = vector.shape_cast %parallel_loop3A_606 : vector<1x16xf32> to vector<16xf32>
        %parallel_loop3A_608 = vector.shape_cast %parallel_loop3A_603 : vector<16xf32> to vector<1x16xf32>
        tpu.vector_store %arg17[%parallel_loop3A_604, %parallel_loop3A_605], %parallel_loop3A_608 {strides = array<i32>} : memref<80x128xf32, #tpu.memory_space<vmem>>, vector<1x16xf32>,
        %parallel_loop3A_609 = arith.index_cast %parallel_loop3A_584 : i32 to index
        %parallel_loop3A_610 = arith.constant 32 : index
        %parallel_loop3A_611 = tpu.vector_load %arg17[%parallel_loop3A_609, %parallel_loop3A_610] {strides = array<i32>} : memref<80x128xf32, #tpu.memory_space<vmem>>, vector<1x16xf32>,
        %parallel_loop3A_612 = vector.shape_cast %parallel_loop3A_611 : vector<1x16xf32> to vector<16xf32>
        %parallel_loop3A_613 = arith.constant 0.000000e+00 : f32
        %parallel_loop3A_614 = vector.broadcast %parallel_loop3A_613 : f32 to vector<16xf32>
        %parallel_loop3A_615 = arith.maximumf %parallel_loop3A_612, %parallel_loop3A_614 : vector<16xf32>
        %parallel_loop3A_616 = arith.index_cast %parallel_loop3A_584 : i32 to index
        %parallel_loop3A_617 = arith.constant 32 : index
        %parallel_loop3A_618 = tpu.vector_load %arg17[%parallel_loop3A_616, %parallel_loop3A_617] {strides = array<i32>} : memref<80x128xf32, #tpu.memory_space<vmem>>, vector<1x16xf32>,
        %parallel_loop3A_619 = vector.shape_cast %parallel_loop3A_618 : vector<1x16xf32> to vector<16xf32>
        %parallel_loop3A_620 = vector.shape_cast %parallel_loop3A_615 : vector<16xf32> to vector<1x16xf32>
        tpu.vector_store %arg17[%parallel_loop3A_616, %parallel_loop3A_617], %parallel_loop3A_620 {strides = array<i32>} : memref<80x128xf32, #tpu.memory_space<vmem>>, vector<1x16xf32>,
        %parallel_loop3A_621 = arith.index_cast %parallel_loop3A_584 : i32 to index
        %parallel_loop3A_622 = arith.constant 48 : index
        %parallel_loop3A_623 = tpu.vector_load %arg17[%parallel_loop3A_621, %parallel_loop3A_622] {strides = array<i32>} : memref<80x128xf32, #tpu.memory_space<vmem>>, vector<1x16xf32>,
        %parallel_loop3A_624 = vector.shape_cast %parallel_loop3A_623 : vector<1x16xf32> to vector<16xf32>
        %parallel_loop3A_625 = arith.constant 0.000000e+00 : f32
        %parallel_loop3A_626 = vector.broadcast %parallel_loop3A_625 : f32 to vector<16xf32>
        %parallel_loop3A_627 = arith.maximumf %parallel_loop3A_624, %parallel_loop3A_626 : vector<16xf32>
        %parallel_loop3A_628 = arith.index_cast %parallel_loop3A_584 : i32 to index
        %parallel_loop3A_629 = arith.constant 48 : index
        %parallel_loop3A_630 = tpu.vector_load %arg17[%parallel_loop3A_628, %parallel_loop3A_629] {strides = array<i32>} : memref<80x128xf32, #tpu.memory_space<vmem>>, vector<1x16xf32>,
        %parallel_loop3A_631 = vector.shape_cast %parallel_loop3A_630 : vector<1x16xf32> to vector<16xf32>
        %parallel_loop3A_632 = vector.shape_cast %parallel_loop3A_627 : vector<16xf32> to vector<1x16xf32>
        tpu.vector_store %arg17[%parallel_loop3A_628, %parallel_loop3A_629], %parallel_loop3A_632 {strides = array<i32>} : memref<80x128xf32, #tpu.memory_space<vmem>>, vector<1x16xf32>,
        %parallel_loop3A_633 = arith.index_cast %parallel_loop3A_584 : i32 to index
        %parallel_loop3A_634 = arith.constant 64 : index
        %parallel_loop3A_635 = tpu.vector_load %arg17[%parallel_loop3A_633, %parallel_loop3A_634] {strides = array<i32>} : memref<80x128xf32, #tpu.memory_space<vmem>>, vector<1x16xf32>,
        %parallel_loop3A_636 = vector.shape_cast %parallel_loop3A_635 : vector<1x16xf32> to vector<16xf32>
        %parallel_loop3A_637 = arith.constant 0.000000e+00 : f32
        %parallel_loop3A_638 = vector.broadcast %parallel_loop3A_637 : f32 to vector<16xf32>
        %parallel_loop3A_639 = arith.maximumf %parallel_loop3A_636, %parallel_loop3A_638 : vector<16xf32>
        %parallel_loop3A_640 = arith.index_cast %parallel_loop3A_584 : i32 to index
        %parallel_loop3A_641 = arith.constant 64 : index
        %parallel_loop3A_642 = tpu.vector_load %arg17[%parallel_loop3A_640, %parallel_loop3A_641] {strides = array<i32>} : memref<80x128xf32, #tpu.memory_space<vmem>>, vector<1x16xf32>,
        %parallel_loop3A_643 = vector.shape_cast %parallel_loop3A_642 : vector<1x16xf32> to vector<16xf32>
        %parallel_loop3A_644 = vector.shape_cast %parallel_loop3A_639 : vector<16xf32> to vector<1x16xf32>
        tpu.vector_store %arg17[%parallel_loop3A_640, %parallel_loop3A_641], %parallel_loop3A_644 {strides = array<i32>} : memref<80x128xf32, #tpu.memory_space<vmem>>, vector<1x16xf32>,
        %parallel_loop3A_645 = arith.index_cast %parallel_loop3A_584 : i32 to index
        %parallel_loop3A_646 = arith.constant 80 : index
        %parallel_loop3A_647 = tpu.vector_load %arg17[%parallel_loop3A_645, %parallel_loop3A_646] {strides = array<i32>} : memref<80x128xf32, #tpu.memory_space<vmem>>, vector<1x16xf32>,
        %parallel_loop3A_648 = vector.shape_cast %parallel_loop3A_647 : vector<1x16xf32> to vector<16xf32>
        %parallel_loop3A_649 = arith.constant 0.000000e+00 : f32
        %parallel_loop3A_650 = vector.broadcast %parallel_loop3A_649 : f32 to vector<16xf32>
        %parallel_loop3A_651 = arith.maximumf %parallel_loop3A_648, %parallel_loop3A_650 : vector<16xf32>
        %parallel_loop3A_652 = arith.index_cast %parallel_loop3A_584 : i32 to index
        %parallel_loop3A_653 = arith.constant 80 : index
        %parallel_loop3A_654 = tpu.vector_load %arg17[%parallel_loop3A_652, %parallel_loop3A_653] {strides = array<i32>} : memref<80x128xf32, #tpu.memory_space<vmem>>, vector<1x16xf32>,
        %parallel_loop3A_655 = vector.shape_cast %parallel_loop3A_654 : vector<1x16xf32> to vector<16xf32>
        %parallel_loop3A_656 = vector.shape_cast %parallel_loop3A_651 : vector<16xf32> to vector<1x16xf32>
        tpu.vector_store %arg17[%parallel_loop3A_652, %parallel_loop3A_653], %parallel_loop3A_656 {strides = array<i32>} : memref<80x128xf32, #tpu.memory_space<vmem>>, vector<1x16xf32>,
        %parallel_loop3A_657 = arith.index_cast %parallel_loop3A_584 : i32 to index
        %parallel_loop3A_658 = arith.constant 96 : index
        %parallel_loop3A_659 = tpu.vector_load %arg17[%parallel_loop3A_657, %parallel_loop3A_658] {strides = array<i32>} : memref<80x128xf32, #tpu.memory_space<vmem>>, vector<1x16xf32>,
        %parallel_loop3A_660 = vector.shape_cast %parallel_loop3A_659 : vector<1x16xf32> to vector<16xf32>
        %parallel_loop3A_661 = arith.constant 0.000000e+00 : f32
        %parallel_loop3A_662 = vector.broadcast %parallel_loop3A_661 : f32 to vector<16xf32>
        %parallel_loop3A_663 = arith.maximumf %parallel_loop3A_660, %parallel_loop3A_662 : vector<16xf32>
        %parallel_loop3A_664 = arith.index_cast %parallel_loop3A_584 : i32 to index
        %parallel_loop3A_665 = arith.constant 96 : index
        %parallel_loop3A_666 = tpu.vector_load %arg17[%parallel_loop3A_664, %parallel_loop3A_665] {strides = array<i32>} : memref<80x128xf32, #tpu.memory_space<vmem>>, vector<1x16xf32>,
        %parallel_loop3A_667 = vector.shape_cast %parallel_loop3A_666 : vector<1x16xf32> to vector<16xf32>
        %parallel_loop3A_668 = vector.shape_cast %parallel_loop3A_663 : vector<16xf32> to vector<1x16xf32>
        tpu.vector_store %arg17[%parallel_loop3A_664, %parallel_loop3A_665], %parallel_loop3A_668 {strides = array<i32>} : memref<80x128xf32, #tpu.memory_space<vmem>>, vector<1x16xf32>,
        %parallel_loop3A_669 = arith.index_cast %parallel_loop3A_584 : i32 to index
        %parallel_loop3A_670 = arith.constant 112 : index
        %parallel_loop3A_671 = tpu.vector_load %arg17[%parallel_loop3A_669, %parallel_loop3A_670] {strides = array<i32>} : memref<80x128xf32, #tpu.memory_space<vmem>>, vector<1x16xf32>,
        %parallel_loop3A_672 = vector.shape_cast %parallel_loop3A_671 : vector<1x16xf32> to vector<16xf32>
        %parallel_loop3A_673 = arith.constant 0.000000e+00 : f32
        %parallel_loop3A_674 = vector.broadcast %parallel_loop3A_673 : f32 to vector<16xf32>
        %parallel_loop3A_675 = arith.maximumf %parallel_loop3A_672, %parallel_loop3A_674 : vector<16xf32>
        %parallel_loop3A_676 = arith.index_cast %parallel_loop3A_584 : i32 to index
        %parallel_loop3A_677 = arith.constant 112 : index
        %parallel_loop3A_678 = tpu.vector_load %arg17[%parallel_loop3A_676, %parallel_loop3A_677] {strides = array<i32>} : memref<80x128xf32, #tpu.memory_space<vmem>>, vector<1x16xf32>,
        %parallel_loop3A_679 = vector.shape_cast %parallel_loop3A_678 : vector<1x16xf32> to vector<16xf32>
        %parallel_loop3A_680 = vector.shape_cast %parallel_loop3A_675 : vector<16xf32> to vector<1x16xf32>
        tpu.vector_store %arg17[%parallel_loop3A_676, %parallel_loop3A_677], %parallel_loop3A_680 {strides = array<i32>} : memref<80x128xf32, #tpu.memory_space<vmem>>, vector<1x16xf32>,
      } {sc.loop_unroll_factor = 4 : i64, sc.parallel_access}
      %dma_start3A_506 = arith.constant 0 : i32
      %dma_start3A_507 = arith.constant 0 : i32
      %dma_start3A_508 = tpu.memref_slice %arg20[%dma_start3A_506, %dma_start3A_507] : memref<10000x128xf32, #tpu.memory_space<vmem_shared>> -> memref<10000x128xf32, #tpu.memory_space<vmem_shared>>
      tpu.enqueue_indirect_dma source(%arg17 : memref<80x128xf32, #tpu.memory_space<vmem>>) target(%dma_start3A_508 : memref<10000x128xf32, #tpu.memory_space<vmem_shared>>) offsets(%arg13 : memref<80xi32, #tpu.memory_space<vmem>>) semaphore(%arg35 : memref<!tpu.dma_semaphore, #tpu.memory_space<semaphore_mem>>) {add = true}
      %gt3A_509 = arith.constant 0 : i32
      %gt3A_510 = arith.cmpi sgt, %add3A_466, %gt3A_509 : i32
      %convert_element_type3A_511 = arith.extui %gt3A_510 : i1 to i32
      %cond3A_512 = arith.constant 0 : i32
      %cond3A_513 = arith.cmpi ne, %convert_element_type3A_511, %cond3A_512 : i32
      scf.if %cond3A_513 {
        %dma_wait3A_584 = arith.constant 0 : i32
        %dma_wait3A_585 = arith.constant 0 : i32
        %dma_wait3A_586 = tpu.memref_slice %arg20[%dma_wait3A_584, %dma_wait3A_585] : memref<10000x128xf32, #tpu.memory_space<vmem_shared>> -> memref<10000x128xf32, #tpu.memory_space<vmem_shared>>
        tpu.wait_indirect_dma semaphore(%arg34 : memref<!tpu.dma_semaphore, #tpu.memory_space<semaphore_mem>>) src(%arg16 : memref<80x128xf32, #tpu.memory_space<vmem>>) dst(%dma_wait3A_586 : memref<10000x128xf32, #tpu.memory_space<vmem_shared>>)
      } else {
      }
      %add3A_514 = arith.constant 4 : i32
      %add3A_515 = arith.addi %add3A_466, %add3A_514 : i32
      %sub3A_516 = arith.constant 1 : i32
      %sub3A_517 = arith.subi %add3A_515, %sub3A_516 : i32
      %lt3A_518 = arith.constant 125 : i32
      %lt3A_519 = arith.cmpi slt, %sub3A_517, %lt3A_518 : i32
      %convert_element_type3A_520 = arith.extui %lt3A_519 : i1 to i32
      %cond3A_521 = arith.constant 0 : i32
      %cond3A_522 = arith.cmpi ne, %convert_element_type3A_520, %cond3A_521 : i32
      scf.if %cond3A_522 {
        %add3A_584 = arith.constant 4 : i32
        %add3A_585 = arith.addi %add3A_466, %add3A_584 : i32
        %sub3A_586 = arith.constant 1 : i32
        %sub3A_587 = arith.subi %add3A_585, %sub3A_586 : i32
        %mul3A_588 = arith.constant 10000 : i32
        %mul3A_589 = arith.muli %add3A, %mul3A_588 : i32
        %mul3A_590 = arith.constant 80 : i32
        %mul3A_591 = arith.muli %sub3A_587, %mul3A_590 : i32
        %add3A_592 = arith.addi %mul3A_589, %mul3A_591 : i32
        %multiple_of3A_593 = tpu.assume_multiple %add3A_592, 8 : i32
        %dma_start3A_594 = arith.constant 0 : i32
        %dma_start3A_595 = tpu.memref_slice %arg5[%multiple_of3A_593, %dma_start3A_594] : memref<320000x128xf32, #tpu.memory_space<hbm>> -> memref<80x128xf32, #tpu.memory_space<hbm>>
        %dma_start3A_596 = arith.constant 0 : i32
        %dma_start3A_597 = tpu.memref_slice %arg5[%multiple_of3A_593, %dma_start3A_596] : memref<320000x128xf32, #tpu.memory_space<hbm>> -> memref<80x128xf32, #tpu.memory_space<hbm>>
        tpu.enqueue_dma source(%dma_start3A_597 : memref<80x128xf32, #tpu.memory_space<hbm>>) target(%arg16 : memref<80x128xf32, #tpu.memory_space<vmem>>) target_semaphore(%arg26 : memref<!tpu.dma_semaphore, #tpu.memory_space<semaphore_mem>>)
        %add3A_598 = arith.constant 4 : i32
        %add3A_599 = arith.addi %add3A_466, %add3A_598 : i32
        %sub3A_600 = arith.constant 1 : i32
        %sub3A_601 = arith.subi %add3A_599, %sub3A_600 : i32
        %mul3A_602 = arith.constant 10000 : i32
        %mul3A_603 = arith.muli %add3A, %mul3A_602 : i32
        %mul3A_604 = arith.constant 80 : i32
        %mul3A_605 = arith.muli %sub3A_601, %mul3A_604 : i32
        %add3A_606 = arith.addi %mul3A_603, %mul3A_605 : i32
        %multiple_of3A_607 = tpu.assume_multiple %add3A_606, 8 : i32
        %dma_start3A_608 = tpu.memref_slice %arg3[%multiple_of3A_607] : memref<320000xi32, #tpu.memory_space<hbm>> -> memref<80xi32, #tpu.memory_space<hbm>>
        %dma_start3A_609 = tpu.memref_slice %arg3[%multiple_of3A_607] : memref<320000xi32, #tpu.memory_space<hbm>> -> memref<80xi32, #tpu.memory_space<hbm>>
        tpu.enqueue_dma source(%dma_start3A_609 : memref<80xi32, #tpu.memory_space<hbm>>) target(%arg8 : memref<80xi32, #tpu.memory_space<vmem>>) target_semaphore(%arg22 : memref<!tpu.dma_semaphore, #tpu.memory_space<semaphore_mem>>)
        %mul3A_610 = arith.constant 10000 : i32
        %mul3A_611 = arith.muli %add3A, %mul3A_610 : i32
        %mul3A_612 = arith.constant 80 : i32
        %mul3A_613 = arith.muli %sub3A_601, %mul3A_612 : i32
        %add3A_614 = arith.addi %mul3A_611, %mul3A_613 : i32
        %multiple_of3A_615 = tpu.assume_multiple %add3A_614, 8 : i32
        %dma_start3A_616 = tpu.memref_slice %arg4[%multiple_of3A_615] : memref<320000xi32, #tpu.memory_space<hbm>> -> memref<80xi32, #tpu.memory_space<hbm>>
        %dma_start3A_617 = tpu.memref_slice %arg4[%multiple_of3A_615] : memref<320000xi32, #tpu.memory_space<hbm>> -> memref<80xi32, #tpu.memory_space<hbm>>
        tpu.enqueue_dma source(%dma_start3A_617 : memref<80xi32, #tpu.memory_space<hbm>>) target(%arg12 : memref<80xi32, #tpu.memory_space<vmem>>) target_semaphore(%arg22 : memref<!tpu.dma_semaphore, #tpu.memory_space<semaphore_mem>>)
      } else {
      }
      %mul3A_523 = arith.constant 4 : i32
      %mul3A_524 = arith.muli %mul3A_523, %scan3A_343 : i32
      %add3A_525 = arith.constant 3 : i32
      %add3A_526 = arith.addi %mul3A_524, %add3A_525 : i32
      %dma_wait3A_527 = arith.constant 0 : i32
      %dma_wait3A_528 = arith.constant 0 : i32
      %dma_wait3A_529 = tpu.memref_slice %arg2[%dma_wait3A_527, %dma_wait3A_528] : memref<10000x128xf32, #tpu.memory_space<hbm>> -> memref<10000x128xf32, #tpu.memory_space<hbm>>
      tpu.wait_indirect_dma semaphore(%arg32 : memref<!tpu.dma_semaphore, #tpu.memory_space<semaphore_mem>>) src(%dma_wait3A_529 : memref<10000x128xf32, #tpu.memory_space<hbm>>) dst(%arg18 : memref<80x128xf32, #tpu.memory_space<vmem>>)
      %add3A_530 = arith.constant 1 : i32
      %add3A_531 = arith.addi %add3A_526, %add3A_530 : i32
      %mul3A_532 = arith.constant 10000 : i32
      %mul3A_533 = arith.muli %add3A, %mul3A_532 : i32
      %mul3A_534 = arith.constant 80 : i32
      %mul3A_535 = arith.muli %add3A_531, %mul3A_534 : i32
      %add3A_536 = arith.addi %mul3A_533, %mul3A_535 : i32
      %multiple_of3A_537 = tpu.assume_multiple %add3A_536, 8 : i32
      %dma_wait3A_538 = tpu.memref_slice %arg3[%multiple_of3A_537] : memref<320000xi32, #tpu.memory_space<hbm>> -> memref<80xi32, #tpu.memory_space<hbm>>
      %dma_wait3A_539 = tpu.memref_slice %arg3[%multiple_of3A_537] : memref<320000xi32, #tpu.memory_space<hbm>> -> memref<80xi32, #tpu.memory_space<hbm>>
      tpu.wait_dma2 semaphore(%arg21 : memref<!tpu.dma_semaphore, #tpu.memory_space<semaphore_mem>>) src(%dma_wait3A_539 : memref<80xi32, #tpu.memory_space<hbm>>) dst(%arg7 : memref<80xi32, #tpu.memory_space<vmem>>)
      %mul3A_540 = arith.constant 10000 : i32
      %mul3A_541 = arith.muli %add3A, %mul3A_540 : i32
      %mul3A_542 = arith.constant 80 : i32
      %mul3A_543 = arith.muli %add3A_531, %mul3A_542 : i32
      %add3A_544 = arith.addi %mul3A_541, %mul3A_543 : i32
      %multiple_of3A_545 = tpu.assume_multiple %add3A_544, 8 : i32
      %dma_wait3A_546 = tpu.memref_slice %arg4[%multiple_of3A_545] : memref<320000xi32, #tpu.memory_space<hbm>> -> memref<80xi32, #tpu.memory_space<hbm>>
      %dma_wait3A_547 = tpu.memref_slice %arg4[%multiple_of3A_545] : memref<320000xi32, #tpu.memory_space<hbm>> -> memref<80xi32, #tpu.memory_space<hbm>>
      tpu.wait_dma2 semaphore(%arg21 : memref<!tpu.dma_semaphore, #tpu.memory_space<semaphore_mem>>) src(%dma_wait3A_547 : memref<80xi32, #tpu.memory_space<hbm>>) dst(%arg11 : memref<80xi32, #tpu.memory_space<vmem>>)
      %add3A_548 = arith.constant 1 : i32
      %add3A_549 = arith.addi %add3A_526, %add3A_548 : i32
      %mul3A_550 = arith.constant 10000 : i32
      %mul3A_551 = arith.muli %add3A, %mul3A_550 : i32
      %mul3A_552 = arith.constant 80 : i32
      %mul3A_553 = arith.muli %add3A_549, %mul3A_552 : i32
      %add3A_554 = arith.addi %mul3A_551, %mul3A_553 : i32
      %multiple_of3A_555 = tpu.assume_multiple %add3A_554, 8 : i32
      %dma_wait3A_556 = arith.constant 0 : i32
      %dma_wait3A_557 = tpu.memref_slice %arg5[%multiple_of3A_555, %dma_wait3A_556] : memref<320000x128xf32, #tpu.memory_space<hbm>> -> memref<80x128xf32, #tpu.memory_space<hbm>>
      %dma_wait3A_558 = arith.constant 0 : i32
      %dma_wait3A_559 = tpu.memref_slice %arg5[%multiple_of3A_555, %dma_wait3A_558] : memref<320000x128xf32, #tpu.memory_space<hbm>> -> memref<80x128xf32, #tpu.memory_space<hbm>>
      tpu.wait_dma2 semaphore(%arg25 : memref<!tpu.dma_semaphore, #tpu.memory_space<semaphore_mem>>) src(%dma_wait3A_559 : memref<80x128xf32, #tpu.memory_space<hbm>>) dst(%arg15 : memref<80x128xf32, #tpu.memory_space<vmem>>)
      %dma_start3A_560 = arith.constant 0 : i32
      %dma_start3A_561 = arith.constant 0 : i32
      %dma_start3A_562 = tpu.memref_slice %arg2[%dma_start3A_560, %dma_start3A_561] : memref<10000x128xf32, #tpu.memory_space<hbm>> -> memref<10000x128xf32, #tpu.memory_space<hbm>>
      tpu.enqueue_indirect_dma source(%dma_start3A_562 : memref<10000x128xf32, #tpu.memory_space<hbm>>) target(%arg15 : memref<80x128xf32, #tpu.memory_space<vmem>>) offsets(%arg7 : memref<80xi32, #tpu.memory_space<vmem>>) semaphore(%arg29 : memref<!tpu.dma_semaphore, #tpu.memory_space<semaphore_mem>>) {add = true}
      %parallel_loop3A_563 = arith.constant 0 : i32
      %parallel_loop3A_564 = arith.constant 80 : i32
      %parallel_loop3A_565 = arith.constant 1 : i32
      scf.for %parallel_loop3A_584 = %parallel_loop3A_563 to %parallel_loop3A_564 step %parallel_loop3A_565  : i32 {
        %parallel_loop3A_585 = arith.index_cast %parallel_loop3A_584 : i32 to index
        %parallel_loop3A_586 = arith.constant 0 : index
        %parallel_loop3A_587 = tpu.vector_load %arg18[%parallel_loop3A_585, %parallel_loop3A_586] {strides = array<i32>} : memref<80x128xf32, #tpu.memory_space<vmem>>, vector<1x16xf32>,
        %parallel_loop3A_588 = vector.shape_cast %parallel_loop3A_587 : vector<1x16xf32> to vector<16xf32>
        %parallel_loop3A_589 = arith.constant 0.000000e+00 : f32
        %parallel_loop3A_590 = vector.broadcast %parallel_loop3A_589 : f32 to vector<16xf32>
        %parallel_loop3A_591 = arith.maximumf %parallel_loop3A_588, %parallel_loop3A_590 : vector<16xf32>
        %parallel_loop3A_592 = arith.index_cast %parallel_loop3A_584 : i32 to index
        %parallel_loop3A_593 = arith.constant 0 : index
        %parallel_loop3A_594 = tpu.vector_load %arg18[%parallel_loop3A_592, %parallel_loop3A_593] {strides = array<i32>} : memref<80x128xf32, #tpu.memory_space<vmem>>, vector<1x16xf32>,
        %parallel_loop3A_595 = vector.shape_cast %parallel_loop3A_594 : vector<1x16xf32> to vector<16xf32>
        %parallel_loop3A_596 = vector.shape_cast %parallel_loop3A_591 : vector<16xf32> to vector<1x16xf32>
        tpu.vector_store %arg18[%parallel_loop3A_592, %parallel_loop3A_593], %parallel_loop3A_596 {strides = array<i32>} : memref<80x128xf32, #tpu.memory_space<vmem>>, vector<1x16xf32>,
        %parallel_loop3A_597 = arith.index_cast %parallel_loop3A_584 : i32 to index
        %parallel_loop3A_598 = arith.constant 16 : index
        %parallel_loop3A_599 = tpu.vector_load %arg18[%parallel_loop3A_597, %parallel_loop3A_598] {strides = array<i32>} : memref<80x128xf32, #tpu.memory_space<vmem>>, vector<1x16xf32>,
        %parallel_loop3A_600 = vector.shape_cast %parallel_loop3A_599 : vector<1x16xf32> to vector<16xf32>
        %parallel_loop3A_601 = arith.constant 0.000000e+00 : f32
        %parallel_loop3A_602 = vector.broadcast %parallel_loop3A_601 : f32 to vector<16xf32>
        %parallel_loop3A_603 = arith.maximumf %parallel_loop3A_600, %parallel_loop3A_602 : vector<16xf32>
        %parallel_loop3A_604 = arith.index_cast %parallel_loop3A_584 : i32 to index
        %parallel_loop3A_605 = arith.constant 16 : index
        %parallel_loop3A_606 = tpu.vector_load %arg18[%parallel_loop3A_604, %parallel_loop3A_605] {strides = array<i32>} : memref<80x128xf32, #tpu.memory_space<vmem>>, vector<1x16xf32>,
        %parallel_loop3A_607 = vector.shape_cast %parallel_loop3A_606 : vector<1x16xf32> to vector<16xf32>
        %parallel_loop3A_608 = vector.shape_cast %parallel_loop3A_603 : vector<16xf32> to vector<1x16xf32>
        tpu.vector_store %arg18[%parallel_loop3A_604, %parallel_loop3A_605], %parallel_loop3A_608 {strides = array<i32>} : memref<80x128xf32, #tpu.memory_space<vmem>>, vector<1x16xf32>,
        %parallel_loop3A_609 = arith.index_cast %parallel_loop3A_584 : i32 to index
        %parallel_loop3A_610 = arith.constant 32 : index
        %parallel_loop3A_611 = tpu.vector_load %arg18[%parallel_loop3A_609, %parallel_loop3A_610] {strides = array<i32>} : memref<80x128xf32, #tpu.memory_space<vmem>>, vector<1x16xf32>,
        %parallel_loop3A_612 = vector.shape_cast %parallel_loop3A_611 : vector<1x16xf32> to vector<16xf32>
        %parallel_loop3A_613 = arith.constant 0.000000e+00 : f32
        %parallel_loop3A_614 = vector.broadcast %parallel_loop3A_613 : f32 to vector<16xf32>
        %parallel_loop3A_615 = arith.maximumf %parallel_loop3A_612, %parallel_loop3A_614 : vector<16xf32>
        %parallel_loop3A_616 = arith.index_cast %parallel_loop3A_584 : i32 to index
        %parallel_loop3A_617 = arith.constant 32 : index
        %parallel_loop3A_618 = tpu.vector_load %arg18[%parallel_loop3A_616, %parallel_loop3A_617] {strides = array<i32>} : memref<80x128xf32, #tpu.memory_space<vmem>>, vector<1x16xf32>,
        %parallel_loop3A_619 = vector.shape_cast %parallel_loop3A_618 : vector<1x16xf32> to vector<16xf32>
        %parallel_loop3A_620 = vector.shape_cast %parallel_loop3A_615 : vector<16xf32> to vector<1x16xf32>
        tpu.vector_store %arg18[%parallel_loop3A_616, %parallel_loop3A_617], %parallel_loop3A_620 {strides = array<i32>} : memref<80x128xf32, #tpu.memory_space<vmem>>, vector<1x16xf32>,
        %parallel_loop3A_621 = arith.index_cast %parallel_loop3A_584 : i32 to index
        %parallel_loop3A_622 = arith.constant 48 : index
        %parallel_loop3A_623 = tpu.vector_load %arg18[%parallel_loop3A_621, %parallel_loop3A_622] {strides = array<i32>} : memref<80x128xf32, #tpu.memory_space<vmem>>, vector<1x16xf32>,
        %parallel_loop3A_624 = vector.shape_cast %parallel_loop3A_623 : vector<1x16xf32> to vector<16xf32>
        %parallel_loop3A_625 = arith.constant 0.000000e+00 : f32
        %parallel_loop3A_626 = vector.broadcast %parallel_loop3A_625 : f32 to vector<16xf32>
        %parallel_loop3A_627 = arith.maximumf %parallel_loop3A_624, %parallel_loop3A_626 : vector<16xf32>
        %parallel_loop3A_628 = arith.index_cast %parallel_loop3A_584 : i32 to index
        %parallel_loop3A_629 = arith.constant 48 : index
        %parallel_loop3A_630 = tpu.vector_load %arg18[%parallel_loop3A_628, %parallel_loop3A_629] {strides = array<i32>} : memref<80x128xf32, #tpu.memory_space<vmem>>, vector<1x16xf32>,
        %parallel_loop3A_631 = vector.shape_cast %parallel_loop3A_630 : vector<1x16xf32> to vector<16xf32>
        %parallel_loop3A_632 = vector.shape_cast %parallel_loop3A_627 : vector<16xf32> to vector<1x16xf32>
        tpu.vector_store %arg18[%parallel_loop3A_628, %parallel_loop3A_629], %parallel_loop3A_632 {strides = array<i32>} : memref<80x128xf32, #tpu.memory_space<vmem>>, vector<1x16xf32>,
        %parallel_loop3A_633 = arith.index_cast %parallel_loop3A_584 : i32 to index
        %parallel_loop3A_634 = arith.constant 64 : index
        %parallel_loop3A_635 = tpu.vector_load %arg18[%parallel_loop3A_633, %parallel_loop3A_634] {strides = array<i32>} : memref<80x128xf32, #tpu.memory_space<vmem>>, vector<1x16xf32>,
        %parallel_loop3A_636 = vector.shape_cast %parallel_loop3A_635 : vector<1x16xf32> to vector<16xf32>
        %parallel_loop3A_637 = arith.constant 0.000000e+00 : f32
        %parallel_loop3A_638 = vector.broadcast %parallel_loop3A_637 : f32 to vector<16xf32>
        %parallel_loop3A_639 = arith.maximumf %parallel_loop3A_636, %parallel_loop3A_638 : vector<16xf32>
        %parallel_loop3A_640 = arith.index_cast %parallel_loop3A_584 : i32 to index
        %parallel_loop3A_641 = arith.constant 64 : index
        %parallel_loop3A_642 = tpu.vector_load %arg18[%parallel_loop3A_640, %parallel_loop3A_641] {strides = array<i32>} : memref<80x128xf32, #tpu.memory_space<vmem>>, vector<1x16xf32>,
        %parallel_loop3A_643 = vector.shape_cast %parallel_loop3A_642 : vector<1x16xf32> to vector<16xf32>
        %parallel_loop3A_644 = vector.shape_cast %parallel_loop3A_639 : vector<16xf32> to vector<1x16xf32>
        tpu.vector_store %arg18[%parallel_loop3A_640, %parallel_loop3A_641], %parallel_loop3A_644 {strides = array<i32>} : memref<80x128xf32, #tpu.memory_space<vmem>>, vector<1x16xf32>,
        %parallel_loop3A_645 = arith.index_cast %parallel_loop3A_584 : i32 to index
        %parallel_loop3A_646 = arith.constant 80 : index
        %parallel_loop3A_647 = tpu.vector_load %arg18[%parallel_loop3A_645, %parallel_loop3A_646] {strides = array<i32>} : memref<80x128xf32, #tpu.memory_space<vmem>>, vector<1x16xf32>,
        %parallel_loop3A_648 = vector.shape_cast %parallel_loop3A_647 : vector<1x16xf32> to vector<16xf32>
        %parallel_loop3A_649 = arith.constant 0.000000e+00 : f32
        %parallel_loop3A_650 = vector.broadcast %parallel_loop3A_649 : f32 to vector<16xf32>
        %parallel_loop3A_651 = arith.maximumf %parallel_loop3A_648, %parallel_loop3A_650 : vector<16xf32>
        %parallel_loop3A_652 = arith.index_cast %parallel_loop3A_584 : i32 to index
        %parallel_loop3A_653 = arith.constant 80 : index
        %parallel_loop3A_654 = tpu.vector_load %arg18[%parallel_loop3A_652, %parallel_loop3A_653] {strides = array<i32>} : memref<80x128xf32, #tpu.memory_space<vmem>>, vector<1x16xf32>,
        %parallel_loop3A_655 = vector.shape_cast %parallel_loop3A_654 : vector<1x16xf32> to vector<16xf32>
        %parallel_loop3A_656 = vector.shape_cast %parallel_loop3A_651 : vector<16xf32> to vector<1x16xf32>
        tpu.vector_store %arg18[%parallel_loop3A_652, %parallel_loop3A_653], %parallel_loop3A_656 {strides = array<i32>} : memref<80x128xf32, #tpu.memory_space<vmem>>, vector<1x16xf32>,
        %parallel_loop3A_657 = arith.index_cast %parallel_loop3A_584 : i32 to index
        %parallel_loop3A_658 = arith.constant 96 : index
        %parallel_loop3A_659 = tpu.vector_load %arg18[%parallel_loop3A_657, %parallel_loop3A_658] {strides = array<i32>} : memref<80x128xf32, #tpu.memory_space<vmem>>, vector<1x16xf32>,
        %parallel_loop3A_660 = vector.shape_cast %parallel_loop3A_659 : vector<1x16xf32> to vector<16xf32>
        %parallel_loop3A_661 = arith.constant 0.000000e+00 : f32
        %parallel_loop3A_662 = vector.broadcast %parallel_loop3A_661 : f32 to vector<16xf32>
        %parallel_loop3A_663 = arith.maximumf %parallel_loop3A_660, %parallel_loop3A_662 : vector<16xf32>
        %parallel_loop3A_664 = arith.index_cast %parallel_loop3A_584 : i32 to index
        %parallel_loop3A_665 = arith.constant 96 : index
        %parallel_loop3A_666 = tpu.vector_load %arg18[%parallel_loop3A_664, %parallel_loop3A_665] {strides = array<i32>} : memref<80x128xf32, #tpu.memory_space<vmem>>, vector<1x16xf32>,
        %parallel_loop3A_667 = vector.shape_cast %parallel_loop3A_666 : vector<1x16xf32> to vector<16xf32>
        %parallel_loop3A_668 = vector.shape_cast %parallel_loop3A_663 : vector<16xf32> to vector<1x16xf32>
        tpu.vector_store %arg18[%parallel_loop3A_664, %parallel_loop3A_665], %parallel_loop3A_668 {strides = array<i32>} : memref<80x128xf32, #tpu.memory_space<vmem>>, vector<1x16xf32>,
        %parallel_loop3A_669 = arith.index_cast %parallel_loop3A_584 : i32 to index
        %parallel_loop3A_670 = arith.constant 112 : index
        %parallel_loop3A_671 = tpu.vector_load %arg18[%parallel_loop3A_669, %parallel_loop3A_670] {strides = array<i32>} : memref<80x128xf32, #tpu.memory_space<vmem>>, vector<1x16xf32>,
        %parallel_loop3A_672 = vector.shape_cast %parallel_loop3A_671 : vector<1x16xf32> to vector<16xf32>
        %parallel_loop3A_673 = arith.constant 0.000000e+00 : f32
        %parallel_loop3A_674 = vector.broadcast %parallel_loop3A_673 : f32 to vector<16xf32>
        %parallel_loop3A_675 = arith.maximumf %parallel_loop3A_672, %parallel_loop3A_674 : vector<16xf32>
        %parallel_loop3A_676 = arith.index_cast %parallel_loop3A_584 : i32 to index
        %parallel_loop3A_677 = arith.constant 112 : index
        %parallel_loop3A_678 = tpu.vector_load %arg18[%parallel_loop3A_676, %parallel_loop3A_677] {strides = array<i32>} : memref<80x128xf32, #tpu.memory_space<vmem>>, vector<1x16xf32>,
        %parallel_loop3A_679 = vector.shape_cast %parallel_loop3A_678 : vector<1x16xf32> to vector<16xf32>
        %parallel_loop3A_680 = vector.shape_cast %parallel_loop3A_675 : vector<16xf32> to vector<1x16xf32>
        tpu.vector_store %arg18[%parallel_loop3A_676, %parallel_loop3A_677], %parallel_loop3A_680 {strides = array<i32>} : memref<80x128xf32, #tpu.memory_space<vmem>>, vector<1x16xf32>,
      } {sc.loop_unroll_factor = 4 : i64, sc.parallel_access}
      %dma_start3A_566 = arith.constant 0 : i32
      %dma_start3A_567 = arith.constant 0 : i32
      %dma_start3A_568 = tpu.memref_slice %arg20[%dma_start3A_566, %dma_start3A_567] : memref<10000x128xf32, #tpu.memory_space<vmem_shared>> -> memref<10000x128xf32, #tpu.memory_space<vmem_shared>>
      tpu.enqueue_indirect_dma source(%arg18 : memref<80x128xf32, #tpu.memory_space<vmem>>) target(%dma_start3A_568 : memref<10000x128xf32, #tpu.memory_space<vmem_shared>>) offsets(%arg14 : memref<80xi32, #tpu.memory_space<vmem>>) semaphore(%arg36 : memref<!tpu.dma_semaphore, #tpu.memory_space<semaphore_mem>>) {add = true}
      %gt3A_569 = arith.constant 0 : i32
      %gt3A_570 = arith.cmpi sgt, %add3A_526, %gt3A_569 : i32
      %convert_element_type3A_571 = arith.extui %gt3A_570 : i1 to i32
      %cond3A_572 = arith.constant 0 : i32
      %cond3A_573 = arith.cmpi ne, %convert_element_type3A_571, %cond3A_572 : i32
      scf.if %cond3A_573 {
        %dma_wait3A_584 = arith.constant 0 : i32
        %dma_wait3A_585 = arith.constant 0 : i32
        %dma_wait3A_586 = tpu.memref_slice %arg20[%dma_wait3A_584, %dma_wait3A_585] : memref<10000x128xf32, #tpu.memory_space<vmem_shared>> -> memref<10000x128xf32, #tpu.memory_space<vmem_shared>>
        tpu.wait_indirect_dma semaphore(%arg35 : memref<!tpu.dma_semaphore, #tpu.memory_space<semaphore_mem>>) src(%arg17 : memref<80x128xf32, #tpu.memory_space<vmem>>) dst(%dma_wait3A_586 : memref<10000x128xf32, #tpu.memory_space<vmem_shared>>)
      } else {
      }
      %add3A_574 = arith.constant 4 : i32
      %add3A_575 = arith.addi %add3A_526, %add3A_574 : i32
      %sub3A_576 = arith.constant 1 : i32
      %sub3A_577 = arith.subi %add3A_575, %sub3A_576 : i32
      %lt3A_578 = arith.constant 125 : i32
      %lt3A_579 = arith.cmpi slt, %sub3A_577, %lt3A_578 : i32
      %convert_element_type3A_580 = arith.extui %lt3A_579 : i1 to i32
      %cond3A_581 = arith.constant 0 : i32
      %cond3A_582 = arith.cmpi ne, %convert_element_type3A_580, %cond3A_581 : i32
      scf.if %cond3A_582 {
        %add3A_584 = arith.constant 4 : i32
        %add3A_585 = arith.addi %add3A_526, %add3A_584 : i32
        %sub3A_586 = arith.constant 1 : i32
        %sub3A_587 = arith.subi %add3A_585, %sub3A_586 : i32
        %mul3A_588 = arith.constant 10000 : i32
        %mul3A_589 = arith.muli %add3A, %mul3A_588 : i32
        %mul3A_590 = arith.constant 80 : i32
        %mul3A_591 = arith.muli %sub3A_587, %mul3A_590 : i32
        %add3A_592 = arith.addi %mul3A_589, %mul3A_591 : i32
        %multiple_of3A_593 = tpu.assume_multiple %add3A_592, 8 : i32
        %dma_start3A_594 = arith.constant 0 : i32
        %dma_start3A_595 = tpu.memref_slice %arg5[%multiple_of3A_593, %dma_start3A_594] : memref<320000x128xf32, #tpu.memory_space<hbm>> -> memref<80x128xf32, #tpu.memory_space<hbm>>
        %dma_start3A_596 = arith.constant 0 : i32
        %dma_start3A_597 = tpu.memref_slice %arg5[%multiple_of3A_593, %dma_start3A_596] : memref<320000x128xf32, #tpu.memory_space<hbm>> -> memref<80x128xf32, #tpu.memory_space<hbm>>
        tpu.enqueue_dma source(%dma_start3A_597 : memref<80x128xf32, #tpu.memory_space<hbm>>) target(%arg17 : memref<80x128xf32, #tpu.memory_space<vmem>>) target_semaphore(%arg27 : memref<!tpu.dma_semaphore, #tpu.memory_space<semaphore_mem>>)
        %add3A_598 = arith.constant 4 : i32
        %add3A_599 = arith.addi %add3A_526, %add3A_598 : i32
        %sub3A_600 = arith.constant 1 : i32
        %sub3A_601 = arith.subi %add3A_599, %sub3A_600 : i32
        %mul3A_602 = arith.constant 10000 : i32
        %mul3A_603 = arith.muli %add3A, %mul3A_602 : i32
        %mul3A_604 = arith.constant 80 : i32
        %mul3A_605 = arith.muli %sub3A_601, %mul3A_604 : i32
        %add3A_606 = arith.addi %mul3A_603, %mul3A_605 : i32
        %multiple_of3A_607 = tpu.assume_multiple %add3A_606, 8 : i32
        %dma_start3A_608 = tpu.memref_slice %arg3[%multiple_of3A_607] : memref<320000xi32, #tpu.memory_space<hbm>> -> memref<80xi32, #tpu.memory_space<hbm>>
        %dma_start3A_609 = tpu.memref_slice %arg3[%multiple_of3A_607] : memref<320000xi32, #tpu.memory_space<hbm>> -> memref<80xi32, #tpu.memory_space<hbm>>
        tpu.enqueue_dma source(%dma_start3A_609 : memref<80xi32, #tpu.memory_space<hbm>>) target(%arg9 : memref<80xi32, #tpu.memory_space<vmem>>) target_semaphore(%arg23 : memref<!tpu.dma_semaphore, #tpu.memory_space<semaphore_mem>>)
        %mul3A_610 = arith.constant 10000 : i32
        %mul3A_611 = arith.muli %add3A, %mul3A_610 : i32
        %mul3A_612 = arith.constant 80 : i32
        %mul3A_613 = arith.muli %sub3A_601, %mul3A_612 : i32
        %add3A_614 = arith.addi %mul3A_611, %mul3A_613 : i32
        %multiple_of3A_615 = tpu.assume_multiple %add3A_614, 8 : i32
        %dma_start3A_616 = tpu.memref_slice %arg4[%multiple_of3A_615] : memref<320000xi32, #tpu.memory_space<hbm>> -> memref<80xi32, #tpu.memory_space<hbm>>
        %dma_start3A_617 = tpu.memref_slice %arg4[%multiple_of3A_615] : memref<320000xi32, #tpu.memory_space<hbm>> -> memref<80xi32, #tpu.memory_space<hbm>>
        tpu.enqueue_dma source(%dma_start3A_617 : memref<80xi32, #tpu.memory_space<hbm>>) target(%arg13 : memref<80xi32, #tpu.memory_space<vmem>>) target_semaphore(%arg23 : memref<!tpu.dma_semaphore, #tpu.memory_space<semaphore_mem>>)
      } else {
      }
      %scan3A_583 = arith.constant 0 : i32
      scf.yield %scan3A_583 : i32
    }
    %scan3A_215 = arith.constant 31 : i32
    %dma_wait3A_216 = arith.constant 0 : i32
    %dma_wait3A_217 = arith.constant 0 : i32
    %dma_wait3A_218 = tpu.memref_slice %arg2[%dma_wait3A_216, %dma_wait3A_217] : memref<10000x128xf32, #tpu.memory_space<hbm>> -> memref<10000x128xf32, #tpu.memory_space<hbm>>
    tpu.wait_indirect_dma semaphore(%arg29 : memref<!tpu.dma_semaphore, #tpu.memory_space<semaphore_mem>>) src(%dma_wait3A_218 : memref<10000x128xf32, #tpu.memory_space<hbm>>) dst(%arg15 : memref<80x128xf32, #tpu.memory_space<vmem>>)
    %parallel_loop3A = arith.constant 0 : i32
    %parallel_loop3A_219 = arith.constant 80 : i32
    %parallel_loop3A_220 = arith.constant 1 : i32
    scf.for %parallel_loop3A_343 = %parallel_loop3A to %parallel_loop3A_219 step %parallel_loop3A_220  : i32 {
      %parallel_loop3A_344 = arith.index_cast %parallel_loop3A_343 : i32 to index
      %parallel_loop3A_345 = arith.constant 0 : index
      %parallel_loop3A_346 = tpu.vector_load %arg15[%parallel_loop3A_344, %parallel_loop3A_345] {strides = array<i32>} : memref<80x128xf32, #tpu.memory_space<vmem>>, vector<1x16xf32>,
      %parallel_loop3A_347 = vector.shape_cast %parallel_loop3A_346 : vector<1x16xf32> to vector<16xf32>
      %parallel_loop3A_348 = arith.constant 0.000000e+00 : f32
      %parallel_loop3A_349 = vector.broadcast %parallel_loop3A_348 : f32 to vector<16xf32>
      %parallel_loop3A_350 = arith.maximumf %parallel_loop3A_347, %parallel_loop3A_349 : vector<16xf32>
      %parallel_loop3A_351 = arith.index_cast %parallel_loop3A_343 : i32 to index
      %parallel_loop3A_352 = arith.constant 0 : index
      %parallel_loop3A_353 = tpu.vector_load %arg15[%parallel_loop3A_351, %parallel_loop3A_352] {strides = array<i32>} : memref<80x128xf32, #tpu.memory_space<vmem>>, vector<1x16xf32>,
      %parallel_loop3A_354 = vector.shape_cast %parallel_loop3A_353 : vector<1x16xf32> to vector<16xf32>
      %parallel_loop3A_355 = vector.shape_cast %parallel_loop3A_350 : vector<16xf32> to vector<1x16xf32>
      tpu.vector_store %arg15[%parallel_loop3A_351, %parallel_loop3A_352], %parallel_loop3A_355 {strides = array<i32>} : memref<80x128xf32, #tpu.memory_space<vmem>>, vector<1x16xf32>,
      %parallel_loop3A_356 = arith.index_cast %parallel_loop3A_343 : i32 to index
      %parallel_loop3A_357 = arith.constant 16 : index
      %parallel_loop3A_358 = tpu.vector_load %arg15[%parallel_loop3A_356, %parallel_loop3A_357] {strides = array<i32>} : memref<80x128xf32, #tpu.memory_space<vmem>>, vector<1x16xf32>,
      %parallel_loop3A_359 = vector.shape_cast %parallel_loop3A_358 : vector<1x16xf32> to vector<16xf32>
      %parallel_loop3A_360 = arith.constant 0.000000e+00 : f32
      %parallel_loop3A_361 = vector.broadcast %parallel_loop3A_360 : f32 to vector<16xf32>
      %parallel_loop3A_362 = arith.maximumf %parallel_loop3A_359, %parallel_loop3A_361 : vector<16xf32>
      %parallel_loop3A_363 = arith.index_cast %parallel_loop3A_343 : i32 to index
      %parallel_loop3A_364 = arith.constant 16 : index
      %parallel_loop3A_365 = tpu.vector_load %arg15[%parallel_loop3A_363, %parallel_loop3A_364] {strides = array<i32>} : memref<80x128xf32, #tpu.memory_space<vmem>>, vector<1x16xf32>,
      %parallel_loop3A_366 = vector.shape_cast %parallel_loop3A_365 : vector<1x16xf32> to vector<16xf32>
      %parallel_loop3A_367 = vector.shape_cast %parallel_loop3A_362 : vector<16xf32> to vector<1x16xf32>
      tpu.vector_store %arg15[%parallel_loop3A_363, %parallel_loop3A_364], %parallel_loop3A_367 {strides = array<i32>} : memref<80x128xf32, #tpu.memory_space<vmem>>, vector<1x16xf32>,
      %parallel_loop3A_368 = arith.index_cast %parallel_loop3A_343 : i32 to index
      %parallel_loop3A_369 = arith.constant 32 : index
      %parallel_loop3A_370 = tpu.vector_load %arg15[%parallel_loop3A_368, %parallel_loop3A_369] {strides = array<i32>} : memref<80x128xf32, #tpu.memory_space<vmem>>, vector<1x16xf32>,
      %parallel_loop3A_371 = vector.shape_cast %parallel_loop3A_370 : vector<1x16xf32> to vector<16xf32>
      %parallel_loop3A_372 = arith.constant 0.000000e+00 : f32
      %parallel_loop3A_373 = vector.broadcast %parallel_loop3A_372 : f32 to vector<16xf32>
      %parallel_loop3A_374 = arith.maximumf %parallel_loop3A_371, %parallel_loop3A_373 : vector<16xf32>
      %parallel_loop3A_375 = arith.index_cast %parallel_loop3A_343 : i32 to index
      %parallel_loop3A_376 = arith.constant 32 : index
      %parallel_loop3A_377 = tpu.vector_load %arg15[%parallel_loop3A_375, %parallel_loop3A_376] {strides = array<i32>} : memref<80x128xf32, #tpu.memory_space<vmem>>, vector<1x16xf32>,
      %parallel_loop3A_378 = vector.shape_cast %parallel_loop3A_377 : vector<1x16xf32> to vector<16xf32>
      %parallel_loop3A_379 = vector.shape_cast %parallel_loop3A_374 : vector<16xf32> to vector<1x16xf32>
      tpu.vector_store %arg15[%parallel_loop3A_375, %parallel_loop3A_376], %parallel_loop3A_379 {strides = array<i32>} : memref<80x128xf32, #tpu.memory_space<vmem>>, vector<1x16xf32>,
      %parallel_loop3A_380 = arith.index_cast %parallel_loop3A_343 : i32 to index
      %parallel_loop3A_381 = arith.constant 48 : index
      %parallel_loop3A_382 = tpu.vector_load %arg15[%parallel_loop3A_380, %parallel_loop3A_381] {strides = array<i32>} : memref<80x128xf32, #tpu.memory_space<vmem>>, vector<1x16xf32>,
      %parallel_loop3A_383 = vector.shape_cast %parallel_loop3A_382 : vector<1x16xf32> to vector<16xf32>
      %parallel_loop3A_384 = arith.constant 0.000000e+00 : f32
      %parallel_loop3A_385 = vector.broadcast %parallel_loop3A_384 : f32 to vector<16xf32>
      %parallel_loop3A_386 = arith.maximumf %parallel_loop3A_383, %parallel_loop3A_385 : vector<16xf32>
      %parallel_loop3A_387 = arith.index_cast %parallel_loop3A_343 : i32 to index
      %parallel_loop3A_388 = arith.constant 48 : index
      %parallel_loop3A_389 = tpu.vector_load %arg15[%parallel_loop3A_387, %parallel_loop3A_388] {strides = array<i32>} : memref<80x128xf32, #tpu.memory_space<vmem>>, vector<1x16xf32>,
      %parallel_loop3A_390 = vector.shape_cast %parallel_loop3A_389 : vector<1x16xf32> to vector<16xf32>
      %parallel_loop3A_391 = vector.shape_cast %parallel_loop3A_386 : vector<16xf32> to vector<1x16xf32>
      tpu.vector_store %arg15[%parallel_loop3A_387, %parallel_loop3A_388], %parallel_loop3A_391 {strides = array<i32>} : memref<80x128xf32, #tpu.memory_space<vmem>>, vector<1x16xf32>,
      %parallel_loop3A_392 = arith.index_cast %parallel_loop3A_343 : i32 to index
      %parallel_loop3A_393 = arith.constant 64 : index
      %parallel_loop3A_394 = tpu.vector_load %arg15[%parallel_loop3A_392, %parallel_loop3A_393] {strides = array<i32>} : memref<80x128xf32, #tpu.memory_space<vmem>>, vector<1x16xf32>,
      %parallel_loop3A_395 = vector.shape_cast %parallel_loop3A_394 : vector<1x16xf32> to vector<16xf32>
      %parallel_loop3A_396 = arith.constant 0.000000e+00 : f32
      %parallel_loop3A_397 = vector.broadcast %parallel_loop3A_396 : f32 to vector<16xf32>
      %parallel_loop3A_398 = arith.maximumf %parallel_loop3A_395, %parallel_loop3A_397 : vector<16xf32>
      %parallel_loop3A_399 = arith.index_cast %parallel_loop3A_343 : i32 to index
      %parallel_loop3A_400 = arith.constant 64 : index
      %parallel_loop3A_401 = tpu.vector_load %arg15[%parallel_loop3A_399, %parallel_loop3A_400] {strides = array<i32>} : memref<80x128xf32, #tpu.memory_space<vmem>>, vector<1x16xf32>,
      %parallel_loop3A_402 = vector.shape_cast %parallel_loop3A_401 : vector<1x16xf32> to vector<16xf32>
      %parallel_loop3A_403 = vector.shape_cast %parallel_loop3A_398 : vector<16xf32> to vector<1x16xf32>
      tpu.vector_store %arg15[%parallel_loop3A_399, %parallel_loop3A_400], %parallel_loop3A_403 {strides = array<i32>} : memref<80x128xf32, #tpu.memory_space<vmem>>, vector<1x16xf32>,
      %parallel_loop3A_404 = arith.index_cast %parallel_loop3A_343 : i32 to index
      %parallel_loop3A_405 = arith.constant 80 : index
      %parallel_loop3A_406 = tpu.vector_load %arg15[%parallel_loop3A_404, %parallel_loop3A_405] {strides = array<i32>} : memref<80x128xf32, #tpu.memory_space<vmem>>, vector<1x16xf32>,
      %parallel_loop3A_407 = vector.shape_cast %parallel_loop3A_406 : vector<1x16xf32> to vector<16xf32>
      %parallel_loop3A_408 = arith.constant 0.000000e+00 : f32
      %parallel_loop3A_409 = vector.broadcast %parallel_loop3A_408 : f32 to vector<16xf32>
      %parallel_loop3A_410 = arith.maximumf %parallel_loop3A_407, %parallel_loop3A_409 : vector<16xf32>
      %parallel_loop3A_411 = arith.index_cast %parallel_loop3A_343 : i32 to index
      %parallel_loop3A_412 = arith.constant 80 : index
      %parallel_loop3A_413 = tpu.vector_load %arg15[%parallel_loop3A_411, %parallel_loop3A_412] {strides = array<i32>} : memref<80x128xf32, #tpu.memory_space<vmem>>, vector<1x16xf32>,
      %parallel_loop3A_414 = vector.shape_cast %parallel_loop3A_413 : vector<1x16xf32> to vector<16xf32>
      %parallel_loop3A_415 = vector.shape_cast %parallel_loop3A_410 : vector<16xf32> to vector<1x16xf32>
      tpu.vector_store %arg15[%parallel_loop3A_411, %parallel_loop3A_412], %parallel_loop3A_415 {strides = array<i32>} : memref<80x128xf32, #tpu.memory_space<vmem>>, vector<1x16xf32>,
      %parallel_loop3A_416 = arith.index_cast %parallel_loop3A_343 : i32 to index
      %parallel_loop3A_417 = arith.constant 96 : index
      %parallel_loop3A_418 = tpu.vector_load %arg15[%parallel_loop3A_416, %parallel_loop3A_417] {strides = array<i32>} : memref<80x128xf32, #tpu.memory_space<vmem>>, vector<1x16xf32>,
      %parallel_loop3A_419 = vector.shape_cast %parallel_loop3A_418 : vector<1x16xf32> to vector<16xf32>
      %parallel_loop3A_420 = arith.constant 0.000000e+00 : f32
      %parallel_loop3A_421 = vector.broadcast %parallel_loop3A_420 : f32 to vector<16xf32>
      %parallel_loop3A_422 = arith.maximumf %parallel_loop3A_419, %parallel_loop3A_421 : vector<16xf32>
      %parallel_loop3A_423 = arith.index_cast %parallel_loop3A_343 : i32 to index
      %parallel_loop3A_424 = arith.constant 96 : index
      %parallel_loop3A_425 = tpu.vector_load %arg15[%parallel_loop3A_423, %parallel_loop3A_424] {strides = array<i32>} : memref<80x128xf32, #tpu.memory_space<vmem>>, vector<1x16xf32>,
      %parallel_loop3A_426 = vector.shape_cast %parallel_loop3A_425 : vector<1x16xf32> to vector<16xf32>
      %parallel_loop3A_427 = vector.shape_cast %parallel_loop3A_422 : vector<16xf32> to vector<1x16xf32>
      tpu.vector_store %arg15[%parallel_loop3A_423, %parallel_loop3A_424], %parallel_loop3A_427 {strides = array<i32>} : memref<80x128xf32, #tpu.memory_space<vmem>>, vector<1x16xf32>,
      %parallel_loop3A_428 = arith.index_cast %parallel_loop3A_343 : i32 to index
      %parallel_loop3A_429 = arith.constant 112 : index
      %parallel_loop3A_430 = tpu.vector_load %arg15[%parallel_loop3A_428, %parallel_loop3A_429] {strides = array<i32>} : memref<80x128xf32, #tpu.memory_space<vmem>>, vector<1x16xf32>,
      %parallel_loop3A_431 = vector.shape_cast %parallel_loop3A_430 : vector<1x16xf32> to vector<16xf32>
      %parallel_loop3A_432 = arith.constant 0.000000e+00 : f32
      %parallel_loop3A_433 = vector.broadcast %parallel_loop3A_432 : f32 to vector<16xf32>
      %parallel_loop3A_434 = arith.maximumf %parallel_loop3A_431, %parallel_loop3A_433 : vector<16xf32>
      %parallel_loop3A_435 = arith.index_cast %parallel_loop3A_343 : i32 to index
      %parallel_loop3A_436 = arith.constant 112 : index
      %parallel_loop3A_437 = tpu.vector_load %arg15[%parallel_loop3A_435, %parallel_loop3A_436] {strides = array<i32>} : memref<80x128xf32, #tpu.memory_space<vmem>>, vector<1x16xf32>,
      %parallel_loop3A_438 = vector.shape_cast %parallel_loop3A_437 : vector<1x16xf32> to vector<16xf32>
      %parallel_loop3A_439 = vector.shape_cast %parallel_loop3A_434 : vector<16xf32> to vector<1x16xf32>
      tpu.vector_store %arg15[%parallel_loop3A_435, %parallel_loop3A_436], %parallel_loop3A_439 {strides = array<i32>} : memref<80x128xf32, #tpu.memory_space<vmem>>, vector<1x16xf32>,
    } {sc.loop_unroll_factor = 4 : i64, sc.parallel_access}
    %dma_start3A_221 = arith.constant 0 : i32
    %dma_start3A_222 = arith.constant 0 : i32
    %dma_start3A_223 = tpu.memref_slice %arg20[%dma_start3A_221, %dma_start3A_222] : memref<10000x128xf32, #tpu.memory_space<vmem_shared>> -> memref<10000x128xf32, #tpu.memory_space<vmem_shared>>
    tpu.enqueue_indirect_dma source(%arg15 : memref<80x128xf32, #tpu.memory_space<vmem>>) target(%dma_start3A_223 : memref<10000x128xf32, #tpu.memory_space<vmem_shared>>) offsets(%arg11 : memref<80xi32, #tpu.memory_space<vmem>>) semaphore(%arg33 : memref<!tpu.dma_semaphore, #tpu.memory_space<semaphore_mem>>) {add = true}
    %dma_wait3A_224 = arith.constant 0 : i32
    %dma_wait3A_225 = arith.constant 0 : i32
    %dma_wait3A_226 = tpu.memref_slice %arg20[%dma_wait3A_224, %dma_wait3A_225] : memref<10000x128xf32, #tpu.memory_space<vmem_shared>> -> memref<10000x128xf32, #tpu.memory_space<vmem_shared>>
    tpu.wait_indirect_dma semaphore(%arg36 : memref<!tpu.dma_semaphore, #tpu.memory_space<semaphore_mem>>) src(%arg18 : memref<80x128xf32, #tpu.memory_space<vmem>>) dst(%dma_wait3A_226 : memref<10000x128xf32, #tpu.memory_space<vmem_shared>>)
    %dma_wait3A_227 = arith.constant 0 : i32
    %dma_wait3A_228 = arith.constant 0 : i32
    %dma_wait3A_229 = tpu.memref_slice %arg20[%dma_wait3A_227, %dma_wait3A_228] : memref<10000x128xf32, #tpu.memory_space<vmem_shared>> -> memref<10000x128xf32, #tpu.memory_space<vmem_shared>>
    tpu.wait_indirect_dma semaphore(%arg33 : memref<!tpu.dma_semaphore, #tpu.memory_space<semaphore_mem>>) src(%arg15 : memref<80x128xf32, #tpu.memory_space<vmem>>) dst(%dma_wait3A_229 : memref<10000x128xf32, #tpu.memory_space<vmem_shared>>)
    %barrier3A_230 = arith.constant 0 : index
    tpu.barrier barrier_id(%barrier3A_230)
    %add3A_231 = arith.constant 0 : i32
    %add3A_232 = arith.addi %arg1, %add3A_231 : i32
    %lt3A_233 = arith.constant 250 : i32
    %lt3A_234 = arith.cmpi slt, %add3A_232, %lt3A_233 : i32
    %convert_element_type3A_235 = arith.extui %lt3A_234 : i1 to i32
    %cond3A_236 = arith.constant 0 : i32
    %cond3A_237 = arith.cmpi ne, %convert_element_type3A_235, %cond3A_236 : i32
    scf.if %cond3A_237 {
      %mul3A_343 = arith.constant 40 : i32
      %mul3A_344 = arith.muli %add3A_232, %mul3A_343 : i32
      %multiple_of3A_345 = tpu.assume_multiple %mul3A_344, 8 : i32
      "tpu.region"() ({
        %run_scoped3A = tpu.sem_alloc : memref<!tpu.dma_semaphore, #tpu.memory_space<semaphore_mem>>
        %dma_start3A_346 = arith.constant 0 : i32
        %dma_start3A_347 = tpu.memref_slice %arg20[%multiple_of3A_345, %dma_start3A_346] : memref<10000x128xf32, #tpu.memory_space<vmem_shared>> -> memref<40x128xf32, #tpu.memory_space<vmem_shared>>
        %dma_start3A_348 = arith.constant 0 : i32
        %dma_start3A_349 = tpu.memref_slice %arg20[%multiple_of3A_345, %dma_start3A_348] : memref<10000x128xf32, #tpu.memory_space<vmem_shared>> -> memref<40x128xf32, #tpu.memory_space<vmem_shared>>
        tpu.enqueue_dma source(%dma_start3A_349 : memref<40x128xf32, #tpu.memory_space<vmem_shared>>) target(%arg19 : memref<40x128xf32, #tpu.memory_space<vmem>>) target_semaphore(%run_scoped3A : memref<!tpu.dma_semaphore, #tpu.memory_space<semaphore_mem>>)
        %dma_wait3A_350 = arith.constant 0 : i32
        %dma_wait3A_351 = tpu.memref_slice %arg20[%multiple_of3A_345, %dma_wait3A_350] : memref<10000x128xf32, #tpu.memory_space<vmem_shared>> -> memref<40x128xf32, #tpu.memory_space<vmem_shared>>
        %dma_wait3A_352 = arith.constant 0 : i32
        %dma_wait3A_353 = tpu.memref_slice %arg20[%multiple_of3A_345, %dma_wait3A_352] : memref<10000x128xf32, #tpu.memory_space<vmem_shared>> -> memref<40x128xf32, #tpu.memory_space<vmem_shared>>
        tpu.wait_dma2 semaphore(%run_scoped3A : memref<!tpu.dma_semaphore, #tpu.memory_space<semaphore_mem>>) src(%dma_wait3A_353 : memref<40x128xf32, #tpu.memory_space<vmem_shared>>) dst(%arg19 : memref<40x128xf32, #tpu.memory_space<vmem>>)
        tpu.yield
      }) : () -> ()
      "tpu.region"() ({
        %run_scoped3A = tpu.sem_alloc : memref<!tpu.dma_semaphore, #tpu.memory_space<semaphore_mem>>
        %dma_start3A_346 = arith.constant 0 : i32
        %dma_start3A_347 = tpu.memref_slice %arg6[%arg0, %multiple_of3A_345, %dma_start3A_346] : memref<2x10000x128xf32, #tpu.memory_space<hbm>> -> memref<1x40x128xf32, #tpu.memory_space<hbm>>
        %dma_start3A_348 = tpu.memref_squeeze %dma_start3A_347 : memref<1x40x128xf32, #tpu.memory_space<hbm>> -> memref<40x128xf32, #tpu.memory_space<hbm>>
        %dma_start3A_349 = arith.constant 0 : i32
        %dma_start3A_350 = tpu.memref_slice %arg6[%arg0, %multiple_of3A_345, %dma_start3A_349] : memref<2x10000x128xf32, #tpu.memory_space<hbm>> -> memref<1x40x128xf32, #tpu.memory_space<hbm>>
        %dma_start3A_351 = tpu.memref_squeeze %dma_start3A_350 : memref<1x40x128xf32, #tpu.memory_space<hbm>> -> memref<40x128xf32, #tpu.memory_space<hbm>>
        tpu.enqueue_dma source(%arg19 : memref<40x128xf32, #tpu.memory_space<vmem>>) target(%dma_start3A_351 : memref<40x128xf32, #tpu.memory_space<hbm>>) target_semaphore(%run_scoped3A : memref<!tpu.dma_semaphore, #tpu.memory_space<semaphore_mem>>)
        %dma_wait3A_352 = arith.constant 0 : i32
        %dma_wait3A_353 = tpu.memref_slice %arg6[%arg0, %multiple_of3A_345, %dma_wait3A_352] : memref<2x10000x128xf32, #tpu.memory_space<hbm>> -> memref<1x40x128xf32, #tpu.memory_space<hbm>>
        %dma_wait3A_354 = tpu.memref_squeeze %dma_wait3A_353 : memref<1x40x128xf32, #tpu.memory_space<hbm>> -> memref<40x128xf32, #tpu.memory_space<hbm>>
        %dma_wait3A_355 = arith.constant 0 : i32
        %dma_wait3A_356 = tpu.memref_slice %arg6[%arg0, %multiple_of3A_345, %dma_wait3A_355] : memref<2x10000x128xf32, #tpu.memory_space<hbm>> -> memref<1x40x128xf32, #tpu.memory_space<hbm>>
        %dma_wait3A_357 = tpu.memref_squeeze %dma_wait3A_356 : memref<1x40x128xf32, #tpu.memory_space<hbm>> -> memref<40x128xf32, #tpu.memory_space<hbm>>
        tpu.wait_dma2 semaphore(%run_scoped3A : memref<!tpu.dma_semaphore, #tpu.memory_space<semaphore_mem>>) src(%arg19 : memref<40x128xf32, #tpu.memory_space<vmem>>) dst(%dma_wait3A_357 : memref<40x128xf32, #tpu.memory_space<hbm>>)
        tpu.yield
      }) : () -> ()
    } else {
    }
    %add3A_238 = arith.constant 16 : i32
    %add3A_239 = arith.addi %arg1, %add3A_238 : i32
    %lt3A_240 = arith.constant 250 : i32
    %lt3A_241 = arith.cmpi slt, %add3A_239, %lt3A_240 : i32
    %convert_element_type3A_242 = arith.extui %lt3A_241 : i1 to i32
    %cond3A_243 = arith.constant 0 : i32
    %cond3A_244 = arith.cmpi ne, %convert_element_type3A_242, %cond3A_243 : i32
    scf.if %cond3A_244 {
      %mul3A_343 = arith.constant 40 : i32
      %mul3A_344 = arith.muli %add3A_239, %mul3A_343 : i32
      %multiple_of3A_345 = tpu.assume_multiple %mul3A_344, 8 : i32
      "tpu.region"() ({
        %run_scoped3A = tpu.sem_alloc : memref<!tpu.dma_semaphore, #tpu.memory_space<semaphore_mem>>
        %dma_start3A_346 = arith.constant 0 : i32
        %dma_start3A_347 = tpu.memref_slice %arg20[%multiple_of3A_345, %dma_start3A_346] : memref<10000x128xf32, #tpu.memory_space<vmem_shared>> -> memref<40x128xf32, #tpu.memory_space<vmem_shared>>
        %dma_start3A_348 = arith.constant 0 : i32
        %dma_start3A_349 = tpu.memref_slice %arg20[%multiple_of3A_345, %dma_start3A_348] : memref<10000x128xf32, #tpu.memory_space<vmem_shared>> -> memref<40x128xf32, #tpu.memory_space<vmem_shared>>
        tpu.enqueue_dma source(%dma_start3A_349 : memref<40x128xf32, #tpu.memory_space<vmem_shared>>) target(%arg19 : memref<40x128xf32, #tpu.memory_space<vmem>>) target_semaphore(%run_scoped3A : memref<!tpu.dma_semaphore, #tpu.memory_space<semaphore_mem>>)
        %dma_wait3A_350 = arith.constant 0 : i32
        %dma_wait3A_351 = tpu.memref_slice %arg20[%multiple_of3A_345, %dma_wait3A_350] : memref<10000x128xf32, #tpu.memory_space<vmem_shared>> -> memref<40x128xf32, #tpu.memory_space<vmem_shared>>
        %dma_wait3A_352 = arith.constant 0 : i32
        %dma_wait3A_353 = tpu.memref_slice %arg20[%multiple_of3A_345, %dma_wait3A_352] : memref<10000x128xf32, #tpu.memory_space<vmem_shared>> -> memref<40x128xf32, #tpu.memory_space<vmem_shared>>
        tpu.wait_dma2 semaphore(%run_scoped3A : memref<!tpu.dma_semaphore, #tpu.memory_space<semaphore_mem>>) src(%dma_wait3A_353 : memref<40x128xf32, #tpu.memory_space<vmem_shared>>) dst(%arg19 : memref<40x128xf32, #tpu.memory_space<vmem>>)
        tpu.yield
      }) : () -> ()
      "tpu.region"() ({
        %run_scoped3A = tpu.sem_alloc : memref<!tpu.dma_semaphore, #tpu.memory_space<semaphore_mem>>
        %dma_start3A_346 = arith.constant 0 : i32
        %dma_start3A_347 = tpu.memref_slice %arg6[%arg0, %multiple_of3A_345, %dma_start3A_346] : memref<2x10000x128xf32, #tpu.memory_space<hbm>> -> memref<1x40x128xf32, #tpu.memory_space<hbm>>
        %dma_start3A_348 = tpu.memref_squeeze %dma_start3A_347 : memref<1x40x128xf32, #tpu.memory_space<hbm>> -> memref<40x128xf32, #tpu.memory_space<hbm>>
        %dma_start3A_349 = arith.constant 0 : i32
        %dma_start3A_350 = tpu.memref_slice %arg6[%arg0, %multiple_of3A_345, %dma_start3A_349] : memref<2x10000x128xf32, #tpu.memory_space<hbm>> -> memref<1x40x128xf32, #tpu.memory_space<hbm>>
        %dma_start3A_351 = tpu.memref_squeeze %dma_start3A_350 : memref<1x40x128xf32, #tpu.memory_space<hbm>> -> memref<40x128xf32, #tpu.memory_space<hbm>>
        tpu.enqueue_dma source(%arg19 : memref<40x128xf32, #tpu.memory_space<vmem>>) target(%dma_start3A_351 : memref<40x128xf32, #tpu.memory_space<hbm>>) target_semaphore(%run_scoped3A : memref<!tpu.dma_semaphore, #tpu.memory_space<semaphore_mem>>)
        %dma_wait3A_352 = arith.constant 0 : i32
        %dma_wait3A_353 = tpu.memref_slice %arg6[%arg0, %multiple_of3A_345, %dma_wait3A_352] : memref<2x10000x128xf32, #tpu.memory_space<hbm>> -> memref<1x40x128xf32, #tpu.memory_space<hbm>>
        %dma_wait3A_354 = tpu.memref_squeeze %dma_wait3A_353 : memref<1x40x128xf32, #tpu.memory_space<hbm>> -> memref<40x128xf32, #tpu.memory_space<hbm>>
        %dma_wait3A_355 = arith.constant 0 : i32
        %dma_wait3A_356 = tpu.memref_slice %arg6[%arg0, %multiple_of3A_345, %dma_wait3A_355] : memref<2x10000x128xf32, #tpu.memory_space<hbm>> -> memref<1x40x128xf32, #tpu.memory_space<hbm>>
        %dma_wait3A_357 = tpu.memref_squeeze %dma_wait3A_356 : memref<1x40x128xf32, #tpu.memory_space<hbm>> -> memref<40x128xf32, #tpu.memory_space<hbm>>
        tpu.wait_dma2 semaphore(%run_scoped3A : memref<!tpu.dma_semaphore, #tpu.memory_space<semaphore_mem>>) src(%arg19 : memref<40x128xf32, #tpu.memory_space<vmem>>) dst(%dma_wait3A_357 : memref<40x128xf32, #tpu.memory_space<hbm>>)
        tpu.yield
      }) : () -> ()
    } else {
    }
    %add3A_245 = arith.constant 32 : i32
    %add3A_246 = arith.addi %arg1, %add3A_245 : i32
    %lt3A_247 = arith.constant 250 : i32
    %lt3A_248 = arith.cmpi slt, %add3A_246, %lt3A_247 : i32
    %convert_element_type3A_249 = arith.extui %lt3A_248 : i1 to i32
    %cond3A_250 = arith.constant 0 : i32
    %cond3A_251 = arith.cmpi ne, %convert_element_type3A_249, %cond3A_250 : i32
    scf.if %cond3A_251 {
      %mul3A_343 = arith.constant 40 : i32
      %mul3A_344 = arith.muli %add3A_246, %mul3A_343 : i32
      %multiple_of3A_345 = tpu.assume_multiple %mul3A_344, 8 : i32
      "tpu.region"() ({
        %run_scoped3A = tpu.sem_alloc : memref<!tpu.dma_semaphore, #tpu.memory_space<semaphore_mem>>
        %dma_start3A_346 = arith.constant 0 : i32
        %dma_start3A_347 = tpu.memref_slice %arg20[%multiple_of3A_345, %dma_start3A_346] : memref<10000x128xf32, #tpu.memory_space<vmem_shared>> -> memref<40x128xf32, #tpu.memory_space<vmem_shared>>
        %dma_start3A_348 = arith.constant 0 : i32
        %dma_start3A_349 = tpu.memref_slice %arg20[%multiple_of3A_345, %dma_start3A_348] : memref<10000x128xf32, #tpu.memory_space<vmem_shared>> -> memref<40x128xf32, #tpu.memory_space<vmem_shared>>
        tpu.enqueue_dma source(%dma_start3A_349 : memref<40x128xf32, #tpu.memory_space<vmem_shared>>) target(%arg19 : memref<40x128xf32, #tpu.memory_space<vmem>>) target_semaphore(%run_scoped3A : memref<!tpu.dma_semaphore, #tpu.memory_space<semaphore_mem>>)
        %dma_wait3A_350 = arith.constant 0 : i32
        %dma_wait3A_351 = tpu.memref_slice %arg20[%multiple_of3A_345, %dma_wait3A_350] : memref<10000x128xf32, #tpu.memory_space<vmem_shared>> -> memref<40x128xf32, #tpu.memory_space<vmem_shared>>
        %dma_wait3A_352 = arith.constant 0 : i32
        %dma_wait3A_353 = tpu.memref_slice %arg20[%multiple_of3A_345, %dma_wait3A_352] : memref<10000x128xf32, #tpu.memory_space<vmem_shared>> -> memref<40x128xf32, #tpu.memory_space<vmem_shared>>
        tpu.wait_dma2 semaphore(%run_scoped3A : memref<!tpu.dma_semaphore, #tpu.memory_space<semaphore_mem>>) src(%dma_wait3A_353 : memref<40x128xf32, #tpu.memory_space<vmem_shared>>) dst(%arg19 : memref<40x128xf32, #tpu.memory_space<vmem>>)
        tpu.yield
      }) : () -> ()
      "tpu.region"() ({
        %run_scoped3A = tpu.sem_alloc : memref<!tpu.dma_semaphore, #tpu.memory_space<semaphore_mem>>
        %dma_start3A_346 = arith.constant 0 : i32
        %dma_start3A_347 = tpu.memref_slice %arg6[%arg0, %multiple_of3A_345, %dma_start3A_346] : memref<2x10000x128xf32, #tpu.memory_space<hbm>> -> memref<1x40x128xf32, #tpu.memory_space<hbm>>
        %dma_start3A_348 = tpu.memref_squeeze %dma_start3A_347 : memref<1x40x128xf32, #tpu.memory_space<hbm>> -> memref<40x128xf32, #tpu.memory_space<hbm>>
        %dma_start3A_349 = arith.constant 0 : i32
        %dma_start3A_350 = tpu.memref_slice %arg6[%arg0, %multiple_of3A_345, %dma_start3A_349] : memref<2x10000x128xf32, #tpu.memory_space<hbm>> -> memref<1x40x128xf32, #tpu.memory_space<hbm>>
        %dma_start3A_351 = tpu.memref_squeeze %dma_start3A_350 : memref<1x40x128xf32, #tpu.memory_space<hbm>> -> memref<40x128xf32, #tpu.memory_space<hbm>>
        tpu.enqueue_dma source(%arg19 : memref<40x128xf32, #tpu.memory_space<vmem>>) target(%dma_start3A_351 : memref<40x128xf32, #tpu.memory_space<hbm>>) target_semaphore(%run_scoped3A : memref<!tpu.dma_semaphore, #tpu.memory_space<semaphore_mem>>)
        %dma_wait3A_352 = arith.constant 0 : i32
        %dma_wait3A_353 = tpu.memref_slice %arg6[%arg0, %multiple_of3A_345, %dma_wait3A_352] : memref<2x10000x128xf32, #tpu.memory_space<hbm>> -> memref<1x40x128xf32, #tpu.memory_space<hbm>>
        %dma_wait3A_354 = tpu.memref_squeeze %dma_wait3A_353 : memref<1x40x128xf32, #tpu.memory_space<hbm>> -> memref<40x128xf32, #tpu.memory_space<hbm>>
        %dma_wait3A_355 = arith.constant 0 : i32
        %dma_wait3A_356 = tpu.memref_slice %arg6[%arg0, %multiple_of3A_345, %dma_wait3A_355] : memref<2x10000x128xf32, #tpu.memory_space<hbm>> -> memref<1x40x128xf32, #tpu.memory_space<hbm>>
        %dma_wait3A_357 = tpu.memref_squeeze %dma_wait3A_356 : memref<1x40x128xf32, #tpu.memory_space<hbm>> -> memref<40x128xf32, #tpu.memory_space<hbm>>
        tpu.wait_dma2 semaphore(%run_scoped3A : memref<!tpu.dma_semaphore, #tpu.memory_space<semaphore_mem>>) src(%arg19 : memref<40x128xf32, #tpu.memory_space<vmem>>) dst(%dma_wait3A_357 : memref<40x128xf32, #tpu.memory_space<hbm>>)
        tpu.yield
      }) : () -> ()
    } else {
    }
    %add3A_252 = arith.constant 48 : i32
    %add3A_253 = arith.addi %arg1, %add3A_252 : i32
    %lt3A_254 = arith.constant 250 : i32
    %lt3A_255 = arith.cmpi slt, %add3A_253, %lt3A_254 : i32
    %convert_element_type3A_256 = arith.extui %lt3A_255 : i1 to i32
    %cond3A_257 = arith.constant 0 : i32
    %cond3A_258 = arith.cmpi ne, %convert_element_type3A_256, %cond3A_257 : i32
    scf.if %cond3A_258 {
      %mul3A_343 = arith.constant 40 : i32
      %mul3A_344 = arith.muli %add3A_253, %mul3A_343 : i32
      %multiple_of3A_345 = tpu.assume_multiple %mul3A_344, 8 : i32
      "tpu.region"() ({
        %run_scoped3A = tpu.sem_alloc : memref<!tpu.dma_semaphore, #tpu.memory_space<semaphore_mem>>
        %dma_start3A_346 = arith.constant 0 : i32
        %dma_start3A_347 = tpu.memref_slice %arg20[%multiple_of3A_345, %dma_start3A_346] : memref<10000x128xf32, #tpu.memory_space<vmem_shared>> -> memref<40x128xf32, #tpu.memory_space<vmem_shared>>
        %dma_start3A_348 = arith.constant 0 : i32
        %dma_start3A_349 = tpu.memref_slice %arg20[%multiple_of3A_345, %dma_start3A_348] : memref<10000x128xf32, #tpu.memory_space<vmem_shared>> -> memref<40x128xf32, #tpu.memory_space<vmem_shared>>
        tpu.enqueue_dma source(%dma_start3A_349 : memref<40x128xf32, #tpu.memory_space<vmem_shared>>) target(%arg19 : memref<40x128xf32, #tpu.memory_space<vmem>>) target_semaphore(%run_scoped3A : memref<!tpu.dma_semaphore, #tpu.memory_space<semaphore_mem>>)
        %dma_wait3A_350 = arith.constant 0 : i32
        %dma_wait3A_351 = tpu.memref_slice %arg20[%multiple_of3A_345, %dma_wait3A_350] : memref<10000x128xf32, #tpu.memory_space<vmem_shared>> -> memref<40x128xf32, #tpu.memory_space<vmem_shared>>
        %dma_wait3A_352 = arith.constant 0 : i32
        %dma_wait3A_353 = tpu.memref_slice %arg20[%multiple_of3A_345, %dma_wait3A_352] : memref<10000x128xf32, #tpu.memory_space<vmem_shared>> -> memref<40x128xf32, #tpu.memory_space<vmem_shared>>
        tpu.wait_dma2 semaphore(%run_scoped3A : memref<!tpu.dma_semaphore, #tpu.memory_space<semaphore_mem>>) src(%dma_wait3A_353 : memref<40x128xf32, #tpu.memory_space<vmem_shared>>) dst(%arg19 : memref<40x128xf32, #tpu.memory_space<vmem>>)
        tpu.yield
      }) : () -> ()
      "tpu.region"() ({
        %run_scoped3A = tpu.sem_alloc : memref<!tpu.dma_semaphore, #tpu.memory_space<semaphore_mem>>
        %dma_start3A_346 = arith.constant 0 : i32
        %dma_start3A_347 = tpu.memref_slice %arg6[%arg0, %multiple_of3A_345, %dma_start3A_346] : memref<2x10000x128xf32, #tpu.memory_space<hbm>> -> memref<1x40x128xf32, #tpu.memory_space<hbm>>
        %dma_start3A_348 = tpu.memref_squeeze %dma_start3A_347 : memref<1x40x128xf32, #tpu.memory_space<hbm>> -> memref<40x128xf32, #tpu.memory_space<hbm>>
        %dma_start3A_349 = arith.constant 0 : i32
        %dma_start3A_350 = tpu.memref_slice %arg6[%arg0, %multiple_of3A_345, %dma_start3A_349] : memref<2x10000x128xf32, #tpu.memory_space<hbm>> -> memref<1x40x128xf32, #tpu.memory_space<hbm>>
        %dma_start3A_351 = tpu.memref_squeeze %dma_start3A_350 : memref<1x40x128xf32, #tpu.memory_space<hbm>> -> memref<40x128xf32, #tpu.memory_space<hbm>>
        tpu.enqueue_dma source(%arg19 : memref<40x128xf32, #tpu.memory_space<vmem>>) target(%dma_start3A_351 : memref<40x128xf32, #tpu.memory_space<hbm>>) target_semaphore(%run_scoped3A : memref<!tpu.dma_semaphore, #tpu.memory_space<semaphore_mem>>)
        %dma_wait3A_352 = arith.constant 0 : i32
        %dma_wait3A_353 = tpu.memref_slice %arg6[%arg0, %multiple_of3A_345, %dma_wait3A_352] : memref<2x10000x128xf32, #tpu.memory_space<hbm>> -> memref<1x40x128xf32, #tpu.memory_space<hbm>>
        %dma_wait3A_354 = tpu.memref_squeeze %dma_wait3A_353 : memref<1x40x128xf32, #tpu.memory_space<hbm>> -> memref<40x128xf32, #tpu.memory_space<hbm>>
        %dma_wait3A_355 = arith.constant 0 : i32
        %dma_wait3A_356 = tpu.memref_slice %arg6[%arg0, %multiple_of3A_345, %dma_wait3A_355] : memref<2x10000x128xf32, #tpu.memory_space<hbm>> -> memref<1x40x128xf32, #tpu.memory_space<hbm>>
        %dma_wait3A_357 = tpu.memref_squeeze %dma_wait3A_356 : memref<1x40x128xf32, #tpu.memory_space<hbm>> -> memref<40x128xf32, #tpu.memory_space<hbm>>
        tpu.wait_dma2 semaphore(%run_scoped3A : memref<!tpu.dma_semaphore, #tpu.memory_space<semaphore_mem>>) src(%arg19 : memref<40x128xf32, #tpu.memory_space<vmem>>) dst(%dma_wait3A_357 : memref<40x128xf32, #tpu.memory_space<hbm>>)
        tpu.yield
      }) : () -> ()
    } else {
    }
    %add3A_259 = arith.constant 64 : i32
    %add3A_260 = arith.addi %arg1, %add3A_259 : i32
    %lt3A_261 = arith.constant 250 : i32
    %lt3A_262 = arith.cmpi slt, %add3A_260, %lt3A_261 : i32
    %convert_element_type3A_263 = arith.extui %lt3A_262 : i1 to i32
    %cond3A_264 = arith.constant 0 : i32
    %cond3A_265 = arith.cmpi ne, %convert_element_type3A_263, %cond3A_264 : i32
    scf.if %cond3A_265 {
      %mul3A_343 = arith.constant 40 : i32
      %mul3A_344 = arith.muli %add3A_260, %mul3A_343 : i32
      %multiple_of3A_345 = tpu.assume_multiple %mul3A_344, 8 : i32
      "tpu.region"() ({
        %run_scoped3A = tpu.sem_alloc : memref<!tpu.dma_semaphore, #tpu.memory_space<semaphore_mem>>
        %dma_start3A_346 = arith.constant 0 : i32
        %dma_start3A_347 = tpu.memref_slice %arg20[%multiple_of3A_345, %dma_start3A_346] : memref<10000x128xf32, #tpu.memory_space<vmem_shared>> -> memref<40x128xf32, #tpu.memory_space<vmem_shared>>
        %dma_start3A_348 = arith.constant 0 : i32
        %dma_start3A_349 = tpu.memref_slice %arg20[%multiple_of3A_345, %dma_start3A_348] : memref<10000x128xf32, #tpu.memory_space<vmem_shared>> -> memref<40x128xf32, #tpu.memory_space<vmem_shared>>
        tpu.enqueue_dma source(%dma_start3A_349 : memref<40x128xf32, #tpu.memory_space<vmem_shared>>) target(%arg19 : memref<40x128xf32, #tpu.memory_space<vmem>>) target_semaphore(%run_scoped3A : memref<!tpu.dma_semaphore, #tpu.memory_space<semaphore_mem>>)
        %dma_wait3A_350 = arith.constant 0 : i32
        %dma_wait3A_351 = tpu.memref_slice %arg20[%multiple_of3A_345, %dma_wait3A_350] : memref<10000x128xf32, #tpu.memory_space<vmem_shared>> -> memref<40x128xf32, #tpu.memory_space<vmem_shared>>
        %dma_wait3A_352 = arith.constant 0 : i32
        %dma_wait3A_353 = tpu.memref_slice %arg20[%multiple_of3A_345, %dma_wait3A_352] : memref<10000x128xf32, #tpu.memory_space<vmem_shared>> -> memref<40x128xf32, #tpu.memory_space<vmem_shared>>
        tpu.wait_dma2 semaphore(%run_scoped3A : memref<!tpu.dma_semaphore, #tpu.memory_space<semaphore_mem>>) src(%dma_wait3A_353 : memref<40x128xf32, #tpu.memory_space<vmem_shared>>) dst(%arg19 : memref<40x128xf32, #tpu.memory_space<vmem>>)
        tpu.yield
      }) : () -> ()
      "tpu.region"() ({
        %run_scoped3A = tpu.sem_alloc : memref<!tpu.dma_semaphore, #tpu.memory_space<semaphore_mem>>
        %dma_start3A_346 = arith.constant 0 : i32
        %dma_start3A_347 = tpu.memref_slice %arg6[%arg0, %multiple_of3A_345, %dma_start3A_346] : memref<2x10000x128xf32, #tpu.memory_space<hbm>> -> memref<1x40x128xf32, #tpu.memory_space<hbm>>
        %dma_start3A_348 = tpu.memref_squeeze %dma_start3A_347 : memref<1x40x128xf32, #tpu.memory_space<hbm>> -> memref<40x128xf32, #tpu.memory_space<hbm>>
        %dma_start3A_349 = arith.constant 0 : i32
        %dma_start3A_350 = tpu.memref_slice %arg6[%arg0, %multiple_of3A_345, %dma_start3A_349] : memref<2x10000x128xf32, #tpu.memory_space<hbm>> -> memref<1x40x128xf32, #tpu.memory_space<hbm>>
        %dma_start3A_351 = tpu.memref_squeeze %dma_start3A_350 : memref<1x40x128xf32, #tpu.memory_space<hbm>> -> memref<40x128xf32, #tpu.memory_space<hbm>>
        tpu.enqueue_dma source(%arg19 : memref<40x128xf32, #tpu.memory_space<vmem>>) target(%dma_start3A_351 : memref<40x128xf32, #tpu.memory_space<hbm>>) target_semaphore(%run_scoped3A : memref<!tpu.dma_semaphore, #tpu.memory_space<semaphore_mem>>)
        %dma_wait3A_352 = arith.constant 0 : i32
        %dma_wait3A_353 = tpu.memref_slice %arg6[%arg0, %multiple_of3A_345, %dma_wait3A_352] : memref<2x10000x128xf32, #tpu.memory_space<hbm>> -> memref<1x40x128xf32, #tpu.memory_space<hbm>>
        %dma_wait3A_354 = tpu.memref_squeeze %dma_wait3A_353 : memref<1x40x128xf32, #tpu.memory_space<hbm>> -> memref<40x128xf32, #tpu.memory_space<hbm>>
        %dma_wait3A_355 = arith.constant 0 : i32
        %dma_wait3A_356 = tpu.memref_slice %arg6[%arg0, %multiple_of3A_345, %dma_wait3A_355] : memref<2x10000x128xf32, #tpu.memory_space<hbm>> -> memref<1x40x128xf32, #tpu.memory_space<hbm>>
        %dma_wait3A_357 = tpu.memref_squeeze %dma_wait3A_356 : memref<1x40x128xf32, #tpu.memory_space<hbm>> -> memref<40x128xf32, #tpu.memory_space<hbm>>
        tpu.wait_dma2 semaphore(%run_scoped3A : memref<!tpu.dma_semaphore, #tpu.memory_space<semaphore_mem>>) src(%arg19 : memref<40x128xf32, #tpu.memory_space<vmem>>) dst(%dma_wait3A_357 : memref<40x128xf32, #tpu.memory_space<hbm>>)
        tpu.yield
      }) : () -> ()
    } else {
    }
    %add3A_266 = arith.constant 80 : i32
    %add3A_267 = arith.addi %arg1, %add3A_266 : i32
    %lt3A_268 = arith.constant 250 : i32
    %lt3A_269 = arith.cmpi slt, %add3A_267, %lt3A_268 : i32
    %convert_element_type3A_270 = arith.extui %lt3A_269 : i1 to i32
    %cond3A_271 = arith.constant 0 : i32
    %cond3A_272 = arith.cmpi ne, %convert_element_type3A_270, %cond3A_271 : i32
    scf.if %cond3A_272 {
      %mul3A_343 = arith.constant 40 : i32
      %mul3A_344 = arith.muli %add3A_267, %mul3A_343 : i32
      %multiple_of3A_345 = tpu.assume_multiple %mul3A_344, 8 : i32
      "tpu.region"() ({
        %run_scoped3A = tpu.sem_alloc : memref<!tpu.dma_semaphore, #tpu.memory_space<semaphore_mem>>
        %dma_start3A_346 = arith.constant 0 : i32
        %dma_start3A_347 = tpu.memref_slice %arg20[%multiple_of3A_345, %dma_start3A_346] : memref<10000x128xf32, #tpu.memory_space<vmem_shared>> -> memref<40x128xf32, #tpu.memory_space<vmem_shared>>
        %dma_start3A_348 = arith.constant 0 : i32
        %dma_start3A_349 = tpu.memref_slice %arg20[%multiple_of3A_345, %dma_start3A_348] : memref<10000x128xf32, #tpu.memory_space<vmem_shared>> -> memref<40x128xf32, #tpu.memory_space<vmem_shared>>
        tpu.enqueue_dma source(%dma_start3A_349 : memref<40x128xf32, #tpu.memory_space<vmem_shared>>) target(%arg19 : memref<40x128xf32, #tpu.memory_space<vmem>>) target_semaphore(%run_scoped3A : memref<!tpu.dma_semaphore, #tpu.memory_space<semaphore_mem>>)
        %dma_wait3A_350 = arith.constant 0 : i32
        %dma_wait3A_351 = tpu.memref_slice %arg20[%multiple_of3A_345, %dma_wait3A_350] : memref<10000x128xf32, #tpu.memory_space<vmem_shared>> -> memref<40x128xf32, #tpu.memory_space<vmem_shared>>
        %dma_wait3A_352 = arith.constant 0 : i32
        %dma_wait3A_353 = tpu.memref_slice %arg20[%multiple_of3A_345, %dma_wait3A_352] : memref<10000x128xf32, #tpu.memory_space<vmem_shared>> -> memref<40x128xf32, #tpu.memory_space<vmem_shared>>
        tpu.wait_dma2 semaphore(%run_scoped3A : memref<!tpu.dma_semaphore, #tpu.memory_space<semaphore_mem>>) src(%dma_wait3A_353 : memref<40x128xf32, #tpu.memory_space<vmem_shared>>) dst(%arg19 : memref<40x128xf32, #tpu.memory_space<vmem>>)
        tpu.yield
      }) : () -> ()
      "tpu.region"() ({
        %run_scoped3A = tpu.sem_alloc : memref<!tpu.dma_semaphore, #tpu.memory_space<semaphore_mem>>
        %dma_start3A_346 = arith.constant 0 : i32
        %dma_start3A_347 = tpu.memref_slice %arg6[%arg0, %multiple_of3A_345, %dma_start3A_346] : memref<2x10000x128xf32, #tpu.memory_space<hbm>> -> memref<1x40x128xf32, #tpu.memory_space<hbm>>
        %dma_start3A_348 = tpu.memref_squeeze %dma_start3A_347 : memref<1x40x128xf32, #tpu.memory_space<hbm>> -> memref<40x128xf32, #tpu.memory_space<hbm>>
        %dma_start3A_349 = arith.constant 0 : i32
        %dma_start3A_350 = tpu.memref_slice %arg6[%arg0, %multiple_of3A_345, %dma_start3A_349] : memref<2x10000x128xf32, #tpu.memory_space<hbm>> -> memref<1x40x128xf32, #tpu.memory_space<hbm>>
        %dma_start3A_351 = tpu.memref_squeeze %dma_start3A_350 : memref<1x40x128xf32, #tpu.memory_space<hbm>> -> memref<40x128xf32, #tpu.memory_space<hbm>>
        tpu.enqueue_dma source(%arg19 : memref<40x128xf32, #tpu.memory_space<vmem>>) target(%dma_start3A_351 : memref<40x128xf32, #tpu.memory_space<hbm>>) target_semaphore(%run_scoped3A : memref<!tpu.dma_semaphore, #tpu.memory_space<semaphore_mem>>)
        %dma_wait3A_352 = arith.constant 0 : i32
        %dma_wait3A_353 = tpu.memref_slice %arg6[%arg0, %multiple_of3A_345, %dma_wait3A_352] : memref<2x10000x128xf32, #tpu.memory_space<hbm>> -> memref<1x40x128xf32, #tpu.memory_space<hbm>>
        %dma_wait3A_354 = tpu.memref_squeeze %dma_wait3A_353 : memref<1x40x128xf32, #tpu.memory_space<hbm>> -> memref<40x128xf32, #tpu.memory_space<hbm>>
        %dma_wait3A_355 = arith.constant 0 : i32
        %dma_wait3A_356 = tpu.memref_slice %arg6[%arg0, %multiple_of3A_345, %dma_wait3A_355] : memref<2x10000x128xf32, #tpu.memory_space<hbm>> -> memref<1x40x128xf32, #tpu.memory_space<hbm>>
        %dma_wait3A_357 = tpu.memref_squeeze %dma_wait3A_356 : memref<1x40x128xf32, #tpu.memory_space<hbm>> -> memref<40x128xf32, #tpu.memory_space<hbm>>
        tpu.wait_dma2 semaphore(%run_scoped3A : memref<!tpu.dma_semaphore, #tpu.memory_space<semaphore_mem>>) src(%arg19 : memref<40x128xf32, #tpu.memory_space<vmem>>) dst(%dma_wait3A_357 : memref<40x128xf32, #tpu.memory_space<hbm>>)
        tpu.yield
      }) : () -> ()
    } else {
    }
    %add3A_273 = arith.constant 96 : i32
    %add3A_274 = arith.addi %arg1, %add3A_273 : i32
    %lt3A_275 = arith.constant 250 : i32
    %lt3A_276 = arith.cmpi slt, %add3A_274, %lt3A_275 : i32
    %convert_element_type3A_277 = arith.extui %lt3A_276 : i1 to i32
    %cond3A_278 = arith.constant 0 : i32
    %cond3A_279 = arith.cmpi ne, %convert_element_type3A_277, %cond3A_278 : i32
    scf.if %cond3A_279 {
      %mul3A_343 = arith.constant 40 : i32
      %mul3A_344 = arith.muli %add3A_274, %mul3A_343 : i32
      %multiple_of3A_345 = tpu.assume_multiple %mul3A_344, 8 : i32
      "tpu.region"() ({
        %run_scoped3A = tpu.sem_alloc : memref<!tpu.dma_semaphore, #tpu.memory_space<semaphore_mem>>
        %dma_start3A_346 = arith.constant 0 : i32
        %dma_start3A_347 = tpu.memref_slice %arg20[%multiple_of3A_345, %dma_start3A_346] : memref<10000x128xf32, #tpu.memory_space<vmem_shared>> -> memref<40x128xf32, #tpu.memory_space<vmem_shared>>
        %dma_start3A_348 = arith.constant 0 : i32
        %dma_start3A_349 = tpu.memref_slice %arg20[%multiple_of3A_345, %dma_start3A_348] : memref<10000x128xf32, #tpu.memory_space<vmem_shared>> -> memref<40x128xf32, #tpu.memory_space<vmem_shared>>
        tpu.enqueue_dma source(%dma_start3A_349 : memref<40x128xf32, #tpu.memory_space<vmem_shared>>) target(%arg19 : memref<40x128xf32, #tpu.memory_space<vmem>>) target_semaphore(%run_scoped3A : memref<!tpu.dma_semaphore, #tpu.memory_space<semaphore_mem>>)
        %dma_wait3A_350 = arith.constant 0 : i32
        %dma_wait3A_351 = tpu.memref_slice %arg20[%multiple_of3A_345, %dma_wait3A_350] : memref<10000x128xf32, #tpu.memory_space<vmem_shared>> -> memref<40x128xf32, #tpu.memory_space<vmem_shared>>
        %dma_wait3A_352 = arith.constant 0 : i32
        %dma_wait3A_353 = tpu.memref_slice %arg20[%multiple_of3A_345, %dma_wait3A_352] : memref<10000x128xf32, #tpu.memory_space<vmem_shared>> -> memref<40x128xf32, #tpu.memory_space<vmem_shared>>
        tpu.wait_dma2 semaphore(%run_scoped3A : memref<!tpu.dma_semaphore, #tpu.memory_space<semaphore_mem>>) src(%dma_wait3A_353 : memref<40x128xf32, #tpu.memory_space<vmem_shared>>) dst(%arg19 : memref<40x128xf32, #tpu.memory_space<vmem>>)
        tpu.yield
      }) : () -> ()
      "tpu.region"() ({
        %run_scoped3A = tpu.sem_alloc : memref<!tpu.dma_semaphore, #tpu.memory_space<semaphore_mem>>
        %dma_start3A_346 = arith.constant 0 : i32
        %dma_start3A_347 = tpu.memref_slice %arg6[%arg0, %multiple_of3A_345, %dma_start3A_346] : memref<2x10000x128xf32, #tpu.memory_space<hbm>> -> memref<1x40x128xf32, #tpu.memory_space<hbm>>
        %dma_start3A_348 = tpu.memref_squeeze %dma_start3A_347 : memref<1x40x128xf32, #tpu.memory_space<hbm>> -> memref<40x128xf32, #tpu.memory_space<hbm>>
        %dma_start3A_349 = arith.constant 0 : i32
        %dma_start3A_350 = tpu.memref_slice %arg6[%arg0, %multiple_of3A_345, %dma_start3A_349] : memref<2x10000x128xf32, #tpu.memory_space<hbm>> -> memref<1x40x128xf32, #tpu.memory_space<hbm>>
        %dma_start3A_351 = tpu.memref_squeeze %dma_start3A_350 : memref<1x40x128xf32, #tpu.memory_space<hbm>> -> memref<40x128xf32, #tpu.memory_space<hbm>>
        tpu.enqueue_dma source(%arg19 : memref<40x128xf32, #tpu.memory_space<vmem>>) target(%dma_start3A_351 : memref<40x128xf32, #tpu.memory_space<hbm>>) target_semaphore(%run_scoped3A : memref<!tpu.dma_semaphore, #tpu.memory_space<semaphore_mem>>)
        %dma_wait3A_352 = arith.constant 0 : i32
        %dma_wait3A_353 = tpu.memref_slice %arg6[%arg0, %multiple_of3A_345, %dma_wait3A_352] : memref<2x10000x128xf32, #tpu.memory_space<hbm>> -> memref<1x40x128xf32, #tpu.memory_space<hbm>>
        %dma_wait3A_354 = tpu.memref_squeeze %dma_wait3A_353 : memref<1x40x128xf32, #tpu.memory_space<hbm>> -> memref<40x128xf32, #tpu.memory_space<hbm>>
        %dma_wait3A_355 = arith.constant 0 : i32
        %dma_wait3A_356 = tpu.memref_slice %arg6[%arg0, %multiple_of3A_345, %dma_wait3A_355] : memref<2x10000x128xf32, #tpu.memory_space<hbm>> -> memref<1x40x128xf32, #tpu.memory_space<hbm>>
        %dma_wait3A_357 = tpu.memref_squeeze %dma_wait3A_356 : memref<1x40x128xf32, #tpu.memory_space<hbm>> -> memref<40x128xf32, #tpu.memory_space<hbm>>
        tpu.wait_dma2 semaphore(%run_scoped3A : memref<!tpu.dma_semaphore, #tpu.memory_space<semaphore_mem>>) src(%arg19 : memref<40x128xf32, #tpu.memory_space<vmem>>) dst(%dma_wait3A_357 : memref<40x128xf32, #tpu.memory_space<hbm>>)
        tpu.yield
      }) : () -> ()
    } else {
    }
    %add3A_280 = arith.constant 112 : i32
    %add3A_281 = arith.addi %arg1, %add3A_280 : i32
    %lt3A_282 = arith.constant 250 : i32
    %lt3A_283 = arith.cmpi slt, %add3A_281, %lt3A_282 : i32
    %convert_element_type3A_284 = arith.extui %lt3A_283 : i1 to i32
    %cond3A_285 = arith.constant 0 : i32
    %cond3A_286 = arith.cmpi ne, %convert_element_type3A_284, %cond3A_285 : i32
    scf.if %cond3A_286 {
      %mul3A_343 = arith.constant 40 : i32
      %mul3A_344 = arith.muli %add3A_281, %mul3A_343 : i32
      %multiple_of3A_345 = tpu.assume_multiple %mul3A_344, 8 : i32
      "tpu.region"() ({
        %run_scoped3A = tpu.sem_alloc : memref<!tpu.dma_semaphore, #tpu.memory_space<semaphore_mem>>
        %dma_start3A_346 = arith.constant 0 : i32
        %dma_start3A_347 = tpu.memref_slice %arg20[%multiple_of3A_345, %dma_start3A_346] : memref<10000x128xf32, #tpu.memory_space<vmem_shared>> -> memref<40x128xf32, #tpu.memory_space<vmem_shared>>
        %dma_start3A_348 = arith.constant 0 : i32
        %dma_start3A_349 = tpu.memref_slice %arg20[%multiple_of3A_345, %dma_start3A_348] : memref<10000x128xf32, #tpu.memory_space<vmem_shared>> -> memref<40x128xf32, #tpu.memory_space<vmem_shared>>
        tpu.enqueue_dma source(%dma_start3A_349 : memref<40x128xf32, #tpu.memory_space<vmem_shared>>) target(%arg19 : memref<40x128xf32, #tpu.memory_space<vmem>>) target_semaphore(%run_scoped3A : memref<!tpu.dma_semaphore, #tpu.memory_space<semaphore_mem>>)
        %dma_wait3A_350 = arith.constant 0 : i32
        %dma_wait3A_351 = tpu.memref_slice %arg20[%multiple_of3A_345, %dma_wait3A_350] : memref<10000x128xf32, #tpu.memory_space<vmem_shared>> -> memref<40x128xf32, #tpu.memory_space<vmem_shared>>
        %dma_wait3A_352 = arith.constant 0 : i32
        %dma_wait3A_353 = tpu.memref_slice %arg20[%multiple_of3A_345, %dma_wait3A_352] : memref<10000x128xf32, #tpu.memory_space<vmem_shared>> -> memref<40x128xf32, #tpu.memory_space<vmem_shared>>
        tpu.wait_dma2 semaphore(%run_scoped3A : memref<!tpu.dma_semaphore, #tpu.memory_space<semaphore_mem>>) src(%dma_wait3A_353 : memref<40x128xf32, #tpu.memory_space<vmem_shared>>) dst(%arg19 : memref<40x128xf32, #tpu.memory_space<vmem>>)
        tpu.yield
      }) : () -> ()
      "tpu.region"() ({
        %run_scoped3A = tpu.sem_alloc : memref<!tpu.dma_semaphore, #tpu.memory_space<semaphore_mem>>
        %dma_start3A_346 = arith.constant 0 : i32
        %dma_start3A_347 = tpu.memref_slice %arg6[%arg0, %multiple_of3A_345, %dma_start3A_346] : memref<2x10000x128xf32, #tpu.memory_space<hbm>> -> memref<1x40x128xf32, #tpu.memory_space<hbm>>
        %dma_start3A_348 = tpu.memref_squeeze %dma_start3A_347 : memref<1x40x128xf32, #tpu.memory_space<hbm>> -> memref<40x128xf32, #tpu.memory_space<hbm>>
        %dma_start3A_349 = arith.constant 0 : i32
        %dma_start3A_350 = tpu.memref_slice %arg6[%arg0, %multiple_of3A_345, %dma_start3A_349] : memref<2x10000x128xf32, #tpu.memory_space<hbm>> -> memref<1x40x128xf32, #tpu.memory_space<hbm>>
        %dma_start3A_351 = tpu.memref_squeeze %dma_start3A_350 : memref<1x40x128xf32, #tpu.memory_space<hbm>> -> memref<40x128xf32, #tpu.memory_space<hbm>>
        tpu.enqueue_dma source(%arg19 : memref<40x128xf32, #tpu.memory_space<vmem>>) target(%dma_start3A_351 : memref<40x128xf32, #tpu.memory_space<hbm>>) target_semaphore(%run_scoped3A : memref<!tpu.dma_semaphore, #tpu.memory_space<semaphore_mem>>)
        %dma_wait3A_352 = arith.constant 0 : i32
        %dma_wait3A_353 = tpu.memref_slice %arg6[%arg0, %multiple_of3A_345, %dma_wait3A_352] : memref<2x10000x128xf32, #tpu.memory_space<hbm>> -> memref<1x40x128xf32, #tpu.memory_space<hbm>>
        %dma_wait3A_354 = tpu.memref_squeeze %dma_wait3A_353 : memref<1x40x128xf32, #tpu.memory_space<hbm>> -> memref<40x128xf32, #tpu.memory_space<hbm>>
        %dma_wait3A_355 = arith.constant 0 : i32
        %dma_wait3A_356 = tpu.memref_slice %arg6[%arg0, %multiple_of3A_345, %dma_wait3A_355] : memref<2x10000x128xf32, #tpu.memory_space<hbm>> -> memref<1x40x128xf32, #tpu.memory_space<hbm>>
        %dma_wait3A_357 = tpu.memref_squeeze %dma_wait3A_356 : memref<1x40x128xf32, #tpu.memory_space<hbm>> -> memref<40x128xf32, #tpu.memory_space<hbm>>
        tpu.wait_dma2 semaphore(%run_scoped3A : memref<!tpu.dma_semaphore, #tpu.memory_space<semaphore_mem>>) src(%arg19 : memref<40x128xf32, #tpu.memory_space<vmem>>) dst(%dma_wait3A_357 : memref<40x128xf32, #tpu.memory_space<hbm>>)
        tpu.yield
      }) : () -> ()
    } else {
    }
    %add3A_287 = arith.constant 128 : i32
    %add3A_288 = arith.addi %arg1, %add3A_287 : i32
    %lt3A_289 = arith.constant 250 : i32
    %lt3A_290 = arith.cmpi slt, %add3A_288, %lt3A_289 : i32
    %convert_element_type3A_291 = arith.extui %lt3A_290 : i1 to i32
    %cond3A_292 = arith.constant 0 : i32
    %cond3A_293 = arith.cmpi ne, %convert_element_type3A_291, %cond3A_292 : i32
    scf.if %cond3A_293 {
      %mul3A_343 = arith.constant 40 : i32
      %mul3A_344 = arith.muli %add3A_288, %mul3A_343 : i32
      %multiple_of3A_345 = tpu.assume_multiple %mul3A_344, 8 : i32
      "tpu.region"() ({
        %run_scoped3A = tpu.sem_alloc : memref<!tpu.dma_semaphore, #tpu.memory_space<semaphore_mem>>
        %dma_start3A_346 = arith.constant 0 : i32
        %dma_start3A_347 = tpu.memref_slice %arg20[%multiple_of3A_345, %dma_start3A_346] : memref<10000x128xf32, #tpu.memory_space<vmem_shared>> -> memref<40x128xf32, #tpu.memory_space<vmem_shared>>
        %dma_start3A_348 = arith.constant 0 : i32
        %dma_start3A_349 = tpu.memref_slice %arg20[%multiple_of3A_345, %dma_start3A_348] : memref<10000x128xf32, #tpu.memory_space<vmem_shared>> -> memref<40x128xf32, #tpu.memory_space<vmem_shared>>
        tpu.enqueue_dma source(%dma_start3A_349 : memref<40x128xf32, #tpu.memory_space<vmem_shared>>) target(%arg19 : memref<40x128xf32, #tpu.memory_space<vmem>>) target_semaphore(%run_scoped3A : memref<!tpu.dma_semaphore, #tpu.memory_space<semaphore_mem>>)
        %dma_wait3A_350 = arith.constant 0 : i32
        %dma_wait3A_351 = tpu.memref_slice %arg20[%multiple_of3A_345, %dma_wait3A_350] : memref<10000x128xf32, #tpu.memory_space<vmem_shared>> -> memref<40x128xf32, #tpu.memory_space<vmem_shared>>
        %dma_wait3A_352 = arith.constant 0 : i32
        %dma_wait3A_353 = tpu.memref_slice %arg20[%multiple_of3A_345, %dma_wait3A_352] : memref<10000x128xf32, #tpu.memory_space<vmem_shared>> -> memref<40x128xf32, #tpu.memory_space<vmem_shared>>
        tpu.wait_dma2 semaphore(%run_scoped3A : memref<!tpu.dma_semaphore, #tpu.memory_space<semaphore_mem>>) src(%dma_wait3A_353 : memref<40x128xf32, #tpu.memory_space<vmem_shared>>) dst(%arg19 : memref<40x128xf32, #tpu.memory_space<vmem>>)
        tpu.yield
      }) : () -> ()
      "tpu.region"() ({
        %run_scoped3A = tpu.sem_alloc : memref<!tpu.dma_semaphore, #tpu.memory_space<semaphore_mem>>
        %dma_start3A_346 = arith.constant 0 : i32
        %dma_start3A_347 = tpu.memref_slice %arg6[%arg0, %multiple_of3A_345, %dma_start3A_346] : memref<2x10000x128xf32, #tpu.memory_space<hbm>> -> memref<1x40x128xf32, #tpu.memory_space<hbm>>
        %dma_start3A_348 = tpu.memref_squeeze %dma_start3A_347 : memref<1x40x128xf32, #tpu.memory_space<hbm>> -> memref<40x128xf32, #tpu.memory_space<hbm>>
        %dma_start3A_349 = arith.constant 0 : i32
        %dma_start3A_350 = tpu.memref_slice %arg6[%arg0, %multiple_of3A_345, %dma_start3A_349] : memref<2x10000x128xf32, #tpu.memory_space<hbm>> -> memref<1x40x128xf32, #tpu.memory_space<hbm>>
        %dma_start3A_351 = tpu.memref_squeeze %dma_start3A_350 : memref<1x40x128xf32, #tpu.memory_space<hbm>> -> memref<40x128xf32, #tpu.memory_space<hbm>>
        tpu.enqueue_dma source(%arg19 : memref<40x128xf32, #tpu.memory_space<vmem>>) target(%dma_start3A_351 : memref<40x128xf32, #tpu.memory_space<hbm>>) target_semaphore(%run_scoped3A : memref<!tpu.dma_semaphore, #tpu.memory_space<semaphore_mem>>)
        %dma_wait3A_352 = arith.constant 0 : i32
        %dma_wait3A_353 = tpu.memref_slice %arg6[%arg0, %multiple_of3A_345, %dma_wait3A_352] : memref<2x10000x128xf32, #tpu.memory_space<hbm>> -> memref<1x40x128xf32, #tpu.memory_space<hbm>>
        %dma_wait3A_354 = tpu.memref_squeeze %dma_wait3A_353 : memref<1x40x128xf32, #tpu.memory_space<hbm>> -> memref<40x128xf32, #tpu.memory_space<hbm>>
        %dma_wait3A_355 = arith.constant 0 : i32
        %dma_wait3A_356 = tpu.memref_slice %arg6[%arg0, %multiple_of3A_345, %dma_wait3A_355] : memref<2x10000x128xf32, #tpu.memory_space<hbm>> -> memref<1x40x128xf32, #tpu.memory_space<hbm>>
        %dma_wait3A_357 = tpu.memref_squeeze %dma_wait3A_356 : memref<1x40x128xf32, #tpu.memory_space<hbm>> -> memref<40x128xf32, #tpu.memory_space<hbm>>
        tpu.wait_dma2 semaphore(%run_scoped3A : memref<!tpu.dma_semaphore, #tpu.memory_space<semaphore_mem>>) src(%arg19 : memref<40x128xf32, #tpu.memory_space<vmem>>) dst(%dma_wait3A_357 : memref<40x128xf32, #tpu.memory_space<hbm>>)
        tpu.yield
      }) : () -> ()
    } else {
    }
    %add3A_294 = arith.constant 144 : i32
    %add3A_295 = arith.addi %arg1, %add3A_294 : i32
    %lt3A_296 = arith.constant 250 : i32
    %lt3A_297 = arith.cmpi slt, %add3A_295, %lt3A_296 : i32
    %convert_element_type3A_298 = arith.extui %lt3A_297 : i1 to i32
    %cond3A_299 = arith.constant 0 : i32
    %cond3A_300 = arith.cmpi ne, %convert_element_type3A_298, %cond3A_299 : i32
    scf.if %cond3A_300 {
      %mul3A_343 = arith.constant 40 : i32
      %mul3A_344 = arith.muli %add3A_295, %mul3A_343 : i32
      %multiple_of3A_345 = tpu.assume_multiple %mul3A_344, 8 : i32
      "tpu.region"() ({
        %run_scoped3A = tpu.sem_alloc : memref<!tpu.dma_semaphore, #tpu.memory_space<semaphore_mem>>
        %dma_start3A_346 = arith.constant 0 : i32
        %dma_start3A_347 = tpu.memref_slice %arg20[%multiple_of3A_345, %dma_start3A_346] : memref<10000x128xf32, #tpu.memory_space<vmem_shared>> -> memref<40x128xf32, #tpu.memory_space<vmem_shared>>
        %dma_start3A_348 = arith.constant 0 : i32
        %dma_start3A_349 = tpu.memref_slice %arg20[%multiple_of3A_345, %dma_start3A_348] : memref<10000x128xf32, #tpu.memory_space<vmem_shared>> -> memref<40x128xf32, #tpu.memory_space<vmem_shared>>
        tpu.enqueue_dma source(%dma_start3A_349 : memref<40x128xf32, #tpu.memory_space<vmem_shared>>) target(%arg19 : memref<40x128xf32, #tpu.memory_space<vmem>>) target_semaphore(%run_scoped3A : memref<!tpu.dma_semaphore, #tpu.memory_space<semaphore_mem>>)
        %dma_wait3A_350 = arith.constant 0 : i32
        %dma_wait3A_351 = tpu.memref_slice %arg20[%multiple_of3A_345, %dma_wait3A_350] : memref<10000x128xf32, #tpu.memory_space<vmem_shared>> -> memref<40x128xf32, #tpu.memory_space<vmem_shared>>
        %dma_wait3A_352 = arith.constant 0 : i32
        %dma_wait3A_353 = tpu.memref_slice %arg20[%multiple_of3A_345, %dma_wait3A_352] : memref<10000x128xf32, #tpu.memory_space<vmem_shared>> -> memref<40x128xf32, #tpu.memory_space<vmem_shared>>
        tpu.wait_dma2 semaphore(%run_scoped3A : memref<!tpu.dma_semaphore, #tpu.memory_space<semaphore_mem>>) src(%dma_wait3A_353 : memref<40x128xf32, #tpu.memory_space<vmem_shared>>) dst(%arg19 : memref<40x128xf32, #tpu.memory_space<vmem>>)
        tpu.yield
      }) : () -> ()
      "tpu.region"() ({
        %run_scoped3A = tpu.sem_alloc : memref<!tpu.dma_semaphore, #tpu.memory_space<semaphore_mem>>
        %dma_start3A_346 = arith.constant 0 : i32
        %dma_start3A_347 = tpu.memref_slice %arg6[%arg0, %multiple_of3A_345, %dma_start3A_346] : memref<2x10000x128xf32, #tpu.memory_space<hbm>> -> memref<1x40x128xf32, #tpu.memory_space<hbm>>
        %dma_start3A_348 = tpu.memref_squeeze %dma_start3A_347 : memref<1x40x128xf32, #tpu.memory_space<hbm>> -> memref<40x128xf32, #tpu.memory_space<hbm>>
        %dma_start3A_349 = arith.constant 0 : i32
        %dma_start3A_350 = tpu.memref_slice %arg6[%arg0, %multiple_of3A_345, %dma_start3A_349] : memref<2x10000x128xf32, #tpu.memory_space<hbm>> -> memref<1x40x128xf32, #tpu.memory_space<hbm>>
        %dma_start3A_351 = tpu.memref_squeeze %dma_start3A_350 : memref<1x40x128xf32, #tpu.memory_space<hbm>> -> memref<40x128xf32, #tpu.memory_space<hbm>>
        tpu.enqueue_dma source(%arg19 : memref<40x128xf32, #tpu.memory_space<vmem>>) target(%dma_start3A_351 : memref<40x128xf32, #tpu.memory_space<hbm>>) target_semaphore(%run_scoped3A : memref<!tpu.dma_semaphore, #tpu.memory_space<semaphore_mem>>)
        %dma_wait3A_352 = arith.constant 0 : i32
        %dma_wait3A_353 = tpu.memref_slice %arg6[%arg0, %multiple_of3A_345, %dma_wait3A_352] : memref<2x10000x128xf32, #tpu.memory_space<hbm>> -> memref<1x40x128xf32, #tpu.memory_space<hbm>>
        %dma_wait3A_354 = tpu.memref_squeeze %dma_wait3A_353 : memref<1x40x128xf32, #tpu.memory_space<hbm>> -> memref<40x128xf32, #tpu.memory_space<hbm>>
        %dma_wait3A_355 = arith.constant 0 : i32
        %dma_wait3A_356 = tpu.memref_slice %arg6[%arg0, %multiple_of3A_345, %dma_wait3A_355] : memref<2x10000x128xf32, #tpu.memory_space<hbm>> -> memref<1x40x128xf32, #tpu.memory_space<hbm>>
        %dma_wait3A_357 = tpu.memref_squeeze %dma_wait3A_356 : memref<1x40x128xf32, #tpu.memory_space<hbm>> -> memref<40x128xf32, #tpu.memory_space<hbm>>
        tpu.wait_dma2 semaphore(%run_scoped3A : memref<!tpu.dma_semaphore, #tpu.memory_space<semaphore_mem>>) src(%arg19 : memref<40x128xf32, #tpu.memory_space<vmem>>) dst(%dma_wait3A_357 : memref<40x128xf32, #tpu.memory_space<hbm>>)
        tpu.yield
      }) : () -> ()
    } else {
    }
    %add3A_301 = arith.constant 160 : i32
    %add3A_302 = arith.addi %arg1, %add3A_301 : i32
    %lt3A_303 = arith.constant 250 : i32
    %lt3A_304 = arith.cmpi slt, %add3A_302, %lt3A_303 : i32
    %convert_element_type3A_305 = arith.extui %lt3A_304 : i1 to i32
    %cond3A_306 = arith.constant 0 : i32
    %cond3A_307 = arith.cmpi ne, %convert_element_type3A_305, %cond3A_306 : i32
    scf.if %cond3A_307 {
      %mul3A_343 = arith.constant 40 : i32
      %mul3A_344 = arith.muli %add3A_302, %mul3A_343 : i32
      %multiple_of3A_345 = tpu.assume_multiple %mul3A_344, 8 : i32
      "tpu.region"() ({
        %run_scoped3A = tpu.sem_alloc : memref<!tpu.dma_semaphore, #tpu.memory_space<semaphore_mem>>
        %dma_start3A_346 = arith.constant 0 : i32
        %dma_start3A_347 = tpu.memref_slice %arg20[%multiple_of3A_345, %dma_start3A_346] : memref<10000x128xf32, #tpu.memory_space<vmem_shared>> -> memref<40x128xf32, #tpu.memory_space<vmem_shared>>
        %dma_start3A_348 = arith.constant 0 : i32
        %dma_start3A_349 = tpu.memref_slice %arg20[%multiple_of3A_345, %dma_start3A_348] : memref<10000x128xf32, #tpu.memory_space<vmem_shared>> -> memref<40x128xf32, #tpu.memory_space<vmem_shared>>
        tpu.enqueue_dma source(%dma_start3A_349 : memref<40x128xf32, #tpu.memory_space<vmem_shared>>) target(%arg19 : memref<40x128xf32, #tpu.memory_space<vmem>>) target_semaphore(%run_scoped3A : memref<!tpu.dma_semaphore, #tpu.memory_space<semaphore_mem>>)
        %dma_wait3A_350 = arith.constant 0 : i32
        %dma_wait3A_351 = tpu.memref_slice %arg20[%multiple_of3A_345, %dma_wait3A_350] : memref<10000x128xf32, #tpu.memory_space<vmem_shared>> -> memref<40x128xf32, #tpu.memory_space<vmem_shared>>
        %dma_wait3A_352 = arith.constant 0 : i32
        %dma_wait3A_353 = tpu.memref_slice %arg20[%multiple_of3A_345, %dma_wait3A_352] : memref<10000x128xf32, #tpu.memory_space<vmem_shared>> -> memref<40x128xf32, #tpu.memory_space<vmem_shared>>
        tpu.wait_dma2 semaphore(%run_scoped3A : memref<!tpu.dma_semaphore, #tpu.memory_space<semaphore_mem>>) src(%dma_wait3A_353 : memref<40x128xf32, #tpu.memory_space<vmem_shared>>) dst(%arg19 : memref<40x128xf32, #tpu.memory_space<vmem>>)
        tpu.yield
      }) : () -> ()
      "tpu.region"() ({
        %run_scoped3A = tpu.sem_alloc : memref<!tpu.dma_semaphore, #tpu.memory_space<semaphore_mem>>
        %dma_start3A_346 = arith.constant 0 : i32
        %dma_start3A_347 = tpu.memref_slice %arg6[%arg0, %multiple_of3A_345, %dma_start3A_346] : memref<2x10000x128xf32, #tpu.memory_space<hbm>> -> memref<1x40x128xf32, #tpu.memory_space<hbm>>
        %dma_start3A_348 = tpu.memref_squeeze %dma_start3A_347 : memref<1x40x128xf32, #tpu.memory_space<hbm>> -> memref<40x128xf32, #tpu.memory_space<hbm>>
        %dma_start3A_349 = arith.constant 0 : i32
        %dma_start3A_350 = tpu.memref_slice %arg6[%arg0, %multiple_of3A_345, %dma_start3A_349] : memref<2x10000x128xf32, #tpu.memory_space<hbm>> -> memref<1x40x128xf32, #tpu.memory_space<hbm>>
        %dma_start3A_351 = tpu.memref_squeeze %dma_start3A_350 : memref<1x40x128xf32, #tpu.memory_space<hbm>> -> memref<40x128xf32, #tpu.memory_space<hbm>>
        tpu.enqueue_dma source(%arg19 : memref<40x128xf32, #tpu.memory_space<vmem>>) target(%dma_start3A_351 : memref<40x128xf32, #tpu.memory_space<hbm>>) target_semaphore(%run_scoped3A : memref<!tpu.dma_semaphore, #tpu.memory_space<semaphore_mem>>)
        %dma_wait3A_352 = arith.constant 0 : i32
        %dma_wait3A_353 = tpu.memref_slice %arg6[%arg0, %multiple_of3A_345, %dma_wait3A_352] : memref<2x10000x128xf32, #tpu.memory_space<hbm>> -> memref<1x40x128xf32, #tpu.memory_space<hbm>>
        %dma_wait3A_354 = tpu.memref_squeeze %dma_wait3A_353 : memref<1x40x128xf32, #tpu.memory_space<hbm>> -> memref<40x128xf32, #tpu.memory_space<hbm>>
        %dma_wait3A_355 = arith.constant 0 : i32
        %dma_wait3A_356 = tpu.memref_slice %arg6[%arg0, %multiple_of3A_345, %dma_wait3A_355] : memref<2x10000x128xf32, #tpu.memory_space<hbm>> -> memref<1x40x128xf32, #tpu.memory_space<hbm>>
        %dma_wait3A_357 = tpu.memref_squeeze %dma_wait3A_356 : memref<1x40x128xf32, #tpu.memory_space<hbm>> -> memref<40x128xf32, #tpu.memory_space<hbm>>
        tpu.wait_dma2 semaphore(%run_scoped3A : memref<!tpu.dma_semaphore, #tpu.memory_space<semaphore_mem>>) src(%arg19 : memref<40x128xf32, #tpu.memory_space<vmem>>) dst(%dma_wait3A_357 : memref<40x128xf32, #tpu.memory_space<hbm>>)
        tpu.yield
      }) : () -> ()
    } else {
    }
    %add3A_308 = arith.constant 176 : i32
    %add3A_309 = arith.addi %arg1, %add3A_308 : i32
    %lt3A_310 = arith.constant 250 : i32
    %lt3A_311 = arith.cmpi slt, %add3A_309, %lt3A_310 : i32
    %convert_element_type3A_312 = arith.extui %lt3A_311 : i1 to i32
    %cond3A_313 = arith.constant 0 : i32
    %cond3A_314 = arith.cmpi ne, %convert_element_type3A_312, %cond3A_313 : i32
    scf.if %cond3A_314 {
      %mul3A_343 = arith.constant 40 : i32
      %mul3A_344 = arith.muli %add3A_309, %mul3A_343 : i32
      %multiple_of3A_345 = tpu.assume_multiple %mul3A_344, 8 : i32
      "tpu.region"() ({
        %run_scoped3A = tpu.sem_alloc : memref<!tpu.dma_semaphore, #tpu.memory_space<semaphore_mem>>
        %dma_start3A_346 = arith.constant 0 : i32
        %dma_start3A_347 = tpu.memref_slice %arg20[%multiple_of3A_345, %dma_start3A_346] : memref<10000x128xf32, #tpu.memory_space<vmem_shared>> -> memref<40x128xf32, #tpu.memory_space<vmem_shared>>
        %dma_start3A_348 = arith.constant 0 : i32
        %dma_start3A_349 = tpu.memref_slice %arg20[%multiple_of3A_345, %dma_start3A_348] : memref<10000x128xf32, #tpu.memory_space<vmem_shared>> -> memref<40x128xf32, #tpu.memory_space<vmem_shared>>
        tpu.enqueue_dma source(%dma_start3A_349 : memref<40x128xf32, #tpu.memory_space<vmem_shared>>) target(%arg19 : memref<40x128xf32, #tpu.memory_space<vmem>>) target_semaphore(%run_scoped3A : memref<!tpu.dma_semaphore, #tpu.memory_space<semaphore_mem>>)
        %dma_wait3A_350 = arith.constant 0 : i32
        %dma_wait3A_351 = tpu.memref_slice %arg20[%multiple_of3A_345, %dma_wait3A_350] : memref<10000x128xf32, #tpu.memory_space<vmem_shared>> -> memref<40x128xf32, #tpu.memory_space<vmem_shared>>
        %dma_wait3A_352 = arith.constant 0 : i32
        %dma_wait3A_353 = tpu.memref_slice %arg20[%multiple_of3A_345, %dma_wait3A_352] : memref<10000x128xf32, #tpu.memory_space<vmem_shared>> -> memref<40x128xf32, #tpu.memory_space<vmem_shared>>
        tpu.wait_dma2 semaphore(%run_scoped3A : memref<!tpu.dma_semaphore, #tpu.memory_space<semaphore_mem>>) src(%dma_wait3A_353 : memref<40x128xf32, #tpu.memory_space<vmem_shared>>) dst(%arg19 : memref<40x128xf32, #tpu.memory_space<vmem>>)
        tpu.yield
      }) : () -> ()
      "tpu.region"() ({
        %run_scoped3A = tpu.sem_alloc : memref<!tpu.dma_semaphore, #tpu.memory_space<semaphore_mem>>
        %dma_start3A_346 = arith.constant 0 : i32
        %dma_start3A_347 = tpu.memref_slice %arg6[%arg0, %multiple_of3A_345, %dma_start3A_346] : memref<2x10000x128xf32, #tpu.memory_space<hbm>> -> memref<1x40x128xf32, #tpu.memory_space<hbm>>
        %dma_start3A_348 = tpu.memref_squeeze %dma_start3A_347 : memref<1x40x128xf32, #tpu.memory_space<hbm>> -> memref<40x128xf32, #tpu.memory_space<hbm>>
        %dma_start3A_349 = arith.constant 0 : i32
        %dma_start3A_350 = tpu.memref_slice %arg6[%arg0, %multiple_of3A_345, %dma_start3A_349] : memref<2x10000x128xf32, #tpu.memory_space<hbm>> -> memref<1x40x128xf32, #tpu.memory_space<hbm>>
        %dma_start3A_351 = tpu.memref_squeeze %dma_start3A_350 : memref<1x40x128xf32, #tpu.memory_space<hbm>> -> memref<40x128xf32, #tpu.memory_space<hbm>>
        tpu.enqueue_dma source(%arg19 : memref<40x128xf32, #tpu.memory_space<vmem>>) target(%dma_start3A_351 : memref<40x128xf32, #tpu.memory_space<hbm>>) target_semaphore(%run_scoped3A : memref<!tpu.dma_semaphore, #tpu.memory_space<semaphore_mem>>)
        %dma_wait3A_352 = arith.constant 0 : i32
        %dma_wait3A_353 = tpu.memref_slice %arg6[%arg0, %multiple_of3A_345, %dma_wait3A_352] : memref<2x10000x128xf32, #tpu.memory_space<hbm>> -> memref<1x40x128xf32, #tpu.memory_space<hbm>>
        %dma_wait3A_354 = tpu.memref_squeeze %dma_wait3A_353 : memref<1x40x128xf32, #tpu.memory_space<hbm>> -> memref<40x128xf32, #tpu.memory_space<hbm>>
        %dma_wait3A_355 = arith.constant 0 : i32
        %dma_wait3A_356 = tpu.memref_slice %arg6[%arg0, %multiple_of3A_345, %dma_wait3A_355] : memref<2x10000x128xf32, #tpu.memory_space<hbm>> -> memref<1x40x128xf32, #tpu.memory_space<hbm>>
        %dma_wait3A_357 = tpu.memref_squeeze %dma_wait3A_356 : memref<1x40x128xf32, #tpu.memory_space<hbm>> -> memref<40x128xf32, #tpu.memory_space<hbm>>
        tpu.wait_dma2 semaphore(%run_scoped3A : memref<!tpu.dma_semaphore, #tpu.memory_space<semaphore_mem>>) src(%arg19 : memref<40x128xf32, #tpu.memory_space<vmem>>) dst(%dma_wait3A_357 : memref<40x128xf32, #tpu.memory_space<hbm>>)
        tpu.yield
      }) : () -> ()
    } else {
    }
    %add3A_315 = arith.constant 192 : i32
    %add3A_316 = arith.addi %arg1, %add3A_315 : i32
    %lt3A_317 = arith.constant 250 : i32
    %lt3A_318 = arith.cmpi slt, %add3A_316, %lt3A_317 : i32
    %convert_element_type3A_319 = arith.extui %lt3A_318 : i1 to i32
    %cond3A_320 = arith.constant 0 : i32
    %cond3A_321 = arith.cmpi ne, %convert_element_type3A_319, %cond3A_320 : i32
    scf.if %cond3A_321 {
      %mul3A_343 = arith.constant 40 : i32
      %mul3A_344 = arith.muli %add3A_316, %mul3A_343 : i32
      %multiple_of3A_345 = tpu.assume_multiple %mul3A_344, 8 : i32
      "tpu.region"() ({
        %run_scoped3A = tpu.sem_alloc : memref<!tpu.dma_semaphore, #tpu.memory_space<semaphore_mem>>
        %dma_start3A_346 = arith.constant 0 : i32
        %dma_start3A_347 = tpu.memref_slice %arg20[%multiple_of3A_345, %dma_start3A_346] : memref<10000x128xf32, #tpu.memory_space<vmem_shared>> -> memref<40x128xf32, #tpu.memory_space<vmem_shared>>
        %dma_start3A_348 = arith.constant 0 : i32
        %dma_start3A_349 = tpu.memref_slice %arg20[%multiple_of3A_345, %dma_start3A_348] : memref<10000x128xf32, #tpu.memory_space<vmem_shared>> -> memref<40x128xf32, #tpu.memory_space<vmem_shared>>
        tpu.enqueue_dma source(%dma_start3A_349 : memref<40x128xf32, #tpu.memory_space<vmem_shared>>) target(%arg19 : memref<40x128xf32, #tpu.memory_space<vmem>>) target_semaphore(%run_scoped3A : memref<!tpu.dma_semaphore, #tpu.memory_space<semaphore_mem>>)
        %dma_wait3A_350 = arith.constant 0 : i32
        %dma_wait3A_351 = tpu.memref_slice %arg20[%multiple_of3A_345, %dma_wait3A_350] : memref<10000x128xf32, #tpu.memory_space<vmem_shared>> -> memref<40x128xf32, #tpu.memory_space<vmem_shared>>
        %dma_wait3A_352 = arith.constant 0 : i32
        %dma_wait3A_353 = tpu.memref_slice %arg20[%multiple_of3A_345, %dma_wait3A_352] : memref<10000x128xf32, #tpu.memory_space<vmem_shared>> -> memref<40x128xf32, #tpu.memory_space<vmem_shared>>
        tpu.wait_dma2 semaphore(%run_scoped3A : memref<!tpu.dma_semaphore, #tpu.memory_space<semaphore_mem>>) src(%dma_wait3A_353 : memref<40x128xf32, #tpu.memory_space<vmem_shared>>) dst(%arg19 : memref<40x128xf32, #tpu.memory_space<vmem>>)
        tpu.yield
      }) : () -> ()
      "tpu.region"() ({
        %run_scoped3A = tpu.sem_alloc : memref<!tpu.dma_semaphore, #tpu.memory_space<semaphore_mem>>
        %dma_start3A_346 = arith.constant 0 : i32
        %dma_start3A_347 = tpu.memref_slice %arg6[%arg0, %multiple_of3A_345, %dma_start3A_346] : memref<2x10000x128xf32, #tpu.memory_space<hbm>> -> memref<1x40x128xf32, #tpu.memory_space<hbm>>
        %dma_start3A_348 = tpu.memref_squeeze %dma_start3A_347 : memref<1x40x128xf32, #tpu.memory_space<hbm>> -> memref<40x128xf32, #tpu.memory_space<hbm>>
        %dma_start3A_349 = arith.constant 0 : i32
        %dma_start3A_350 = tpu.memref_slice %arg6[%arg0, %multiple_of3A_345, %dma_start3A_349] : memref<2x10000x128xf32, #tpu.memory_space<hbm>> -> memref<1x40x128xf32, #tpu.memory_space<hbm>>
        %dma_start3A_351 = tpu.memref_squeeze %dma_start3A_350 : memref<1x40x128xf32, #tpu.memory_space<hbm>> -> memref<40x128xf32, #tpu.memory_space<hbm>>
        tpu.enqueue_dma source(%arg19 : memref<40x128xf32, #tpu.memory_space<vmem>>) target(%dma_start3A_351 : memref<40x128xf32, #tpu.memory_space<hbm>>) target_semaphore(%run_scoped3A : memref<!tpu.dma_semaphore, #tpu.memory_space<semaphore_mem>>)
        %dma_wait3A_352 = arith.constant 0 : i32
        %dma_wait3A_353 = tpu.memref_slice %arg6[%arg0, %multiple_of3A_345, %dma_wait3A_352] : memref<2x10000x128xf32, #tpu.memory_space<hbm>> -> memref<1x40x128xf32, #tpu.memory_space<hbm>>
        %dma_wait3A_354 = tpu.memref_squeeze %dma_wait3A_353 : memref<1x40x128xf32, #tpu.memory_space<hbm>> -> memref<40x128xf32, #tpu.memory_space<hbm>>
        %dma_wait3A_355 = arith.constant 0 : i32
        %dma_wait3A_356 = tpu.memref_slice %arg6[%arg0, %multiple_of3A_345, %dma_wait3A_355] : memref<2x10000x128xf32, #tpu.memory_space<hbm>> -> memref<1x40x128xf32, #tpu.memory_space<hbm>>
        %dma_wait3A_357 = tpu.memref_squeeze %dma_wait3A_356 : memref<1x40x128xf32, #tpu.memory_space<hbm>> -> memref<40x128xf32, #tpu.memory_space<hbm>>
        tpu.wait_dma2 semaphore(%run_scoped3A : memref<!tpu.dma_semaphore, #tpu.memory_space<semaphore_mem>>) src(%arg19 : memref<40x128xf32, #tpu.memory_space<vmem>>) dst(%dma_wait3A_357 : memref<40x128xf32, #tpu.memory_space<hbm>>)
        tpu.yield
      }) : () -> ()
    } else {
    }
    %add3A_322 = arith.constant 208 : i32
    %add3A_323 = arith.addi %arg1, %add3A_322 : i32
    %lt3A_324 = arith.constant 250 : i32
    %lt3A_325 = arith.cmpi slt, %add3A_323, %lt3A_324 : i32
    %convert_element_type3A_326 = arith.extui %lt3A_325 : i1 to i32
    %cond3A_327 = arith.constant 0 : i32
    %cond3A_328 = arith.cmpi ne, %convert_element_type3A_326, %cond3A_327 : i32
    scf.if %cond3A_328 {
      %mul3A_343 = arith.constant 40 : i32
      %mul3A_344 = arith.muli %add3A_323, %mul3A_343 : i32
      %multiple_of3A_345 = tpu.assume_multiple %mul3A_344, 8 : i32
      "tpu.region"() ({
        %run_scoped3A = tpu.sem_alloc : memref<!tpu.dma_semaphore, #tpu.memory_space<semaphore_mem>>
        %dma_start3A_346 = arith.constant 0 : i32
        %dma_start3A_347 = tpu.memref_slice %arg20[%multiple_of3A_345, %dma_start3A_346] : memref<10000x128xf32, #tpu.memory_space<vmem_shared>> -> memref<40x128xf32, #tpu.memory_space<vmem_shared>>
        %dma_start3A_348 = arith.constant 0 : i32
        %dma_start3A_349 = tpu.memref_slice %arg20[%multiple_of3A_345, %dma_start3A_348] : memref<10000x128xf32, #tpu.memory_space<vmem_shared>> -> memref<40x128xf32, #tpu.memory_space<vmem_shared>>
        tpu.enqueue_dma source(%dma_start3A_349 : memref<40x128xf32, #tpu.memory_space<vmem_shared>>) target(%arg19 : memref<40x128xf32, #tpu.memory_space<vmem>>) target_semaphore(%run_scoped3A : memref<!tpu.dma_semaphore, #tpu.memory_space<semaphore_mem>>)
        %dma_wait3A_350 = arith.constant 0 : i32
        %dma_wait3A_351 = tpu.memref_slice %arg20[%multiple_of3A_345, %dma_wait3A_350] : memref<10000x128xf32, #tpu.memory_space<vmem_shared>> -> memref<40x128xf32, #tpu.memory_space<vmem_shared>>
        %dma_wait3A_352 = arith.constant 0 : i32
        %dma_wait3A_353 = tpu.memref_slice %arg20[%multiple_of3A_345, %dma_wait3A_352] : memref<10000x128xf32, #tpu.memory_space<vmem_shared>> -> memref<40x128xf32, #tpu.memory_space<vmem_shared>>
        tpu.wait_dma2 semaphore(%run_scoped3A : memref<!tpu.dma_semaphore, #tpu.memory_space<semaphore_mem>>) src(%dma_wait3A_353 : memref<40x128xf32, #tpu.memory_space<vmem_shared>>) dst(%arg19 : memref<40x128xf32, #tpu.memory_space<vmem>>)
        tpu.yield
      }) : () -> ()
      "tpu.region"() ({
        %run_scoped3A = tpu.sem_alloc : memref<!tpu.dma_semaphore, #tpu.memory_space<semaphore_mem>>
        %dma_start3A_346 = arith.constant 0 : i32
        %dma_start3A_347 = tpu.memref_slice %arg6[%arg0, %multiple_of3A_345, %dma_start3A_346] : memref<2x10000x128xf32, #tpu.memory_space<hbm>> -> memref<1x40x128xf32, #tpu.memory_space<hbm>>
        %dma_start3A_348 = tpu.memref_squeeze %dma_start3A_347 : memref<1x40x128xf32, #tpu.memory_space<hbm>> -> memref<40x128xf32, #tpu.memory_space<hbm>>
        %dma_start3A_349 = arith.constant 0 : i32
        %dma_start3A_350 = tpu.memref_slice %arg6[%arg0, %multiple_of3A_345, %dma_start3A_349] : memref<2x10000x128xf32, #tpu.memory_space<hbm>> -> memref<1x40x128xf32, #tpu.memory_space<hbm>>
        %dma_start3A_351 = tpu.memref_squeeze %dma_start3A_350 : memref<1x40x128xf32, #tpu.memory_space<hbm>> -> memref<40x128xf32, #tpu.memory_space<hbm>>
        tpu.enqueue_dma source(%arg19 : memref<40x128xf32, #tpu.memory_space<vmem>>) target(%dma_start3A_351 : memref<40x128xf32, #tpu.memory_space<hbm>>) target_semaphore(%run_scoped3A : memref<!tpu.dma_semaphore, #tpu.memory_space<semaphore_mem>>)
        %dma_wait3A_352 = arith.constant 0 : i32
        %dma_wait3A_353 = tpu.memref_slice %arg6[%arg0, %multiple_of3A_345, %dma_wait3A_352] : memref<2x10000x128xf32, #tpu.memory_space<hbm>> -> memref<1x40x128xf32, #tpu.memory_space<hbm>>
        %dma_wait3A_354 = tpu.memref_squeeze %dma_wait3A_353 : memref<1x40x128xf32, #tpu.memory_space<hbm>> -> memref<40x128xf32, #tpu.memory_space<hbm>>
        %dma_wait3A_355 = arith.constant 0 : i32
        %dma_wait3A_356 = tpu.memref_slice %arg6[%arg0, %multiple_of3A_345, %dma_wait3A_355] : memref<2x10000x128xf32, #tpu.memory_space<hbm>> -> memref<1x40x128xf32, #tpu.memory_space<hbm>>
        %dma_wait3A_357 = tpu.memref_squeeze %dma_wait3A_356 : memref<1x40x128xf32, #tpu.memory_space<hbm>> -> memref<40x128xf32, #tpu.memory_space<hbm>>
        tpu.wait_dma2 semaphore(%run_scoped3A : memref<!tpu.dma_semaphore, #tpu.memory_space<semaphore_mem>>) src(%arg19 : memref<40x128xf32, #tpu.memory_space<vmem>>) dst(%dma_wait3A_357 : memref<40x128xf32, #tpu.memory_space<hbm>>)
        tpu.yield
      }) : () -> ()
    } else {
    }
    %add3A_329 = arith.constant 224 : i32
    %add3A_330 = arith.addi %arg1, %add3A_329 : i32
    %lt3A_331 = arith.constant 250 : i32
    %lt3A_332 = arith.cmpi slt, %add3A_330, %lt3A_331 : i32
    %convert_element_type3A_333 = arith.extui %lt3A_332 : i1 to i32
    %cond3A_334 = arith.constant 0 : i32
    %cond3A_335 = arith.cmpi ne, %convert_element_type3A_333, %cond3A_334 : i32
    scf.if %cond3A_335 {
      %mul3A_343 = arith.constant 40 : i32
      %mul3A_344 = arith.muli %add3A_330, %mul3A_343 : i32
      %multiple_of3A_345 = tpu.assume_multiple %mul3A_344, 8 : i32
      "tpu.region"() ({
        %run_scoped3A = tpu.sem_alloc : memref<!tpu.dma_semaphore, #tpu.memory_space<semaphore_mem>>
        %dma_start3A_346 = arith.constant 0 : i32
        %dma_start3A_347 = tpu.memref_slice %arg20[%multiple_of3A_345, %dma_start3A_346] : memref<10000x128xf32, #tpu.memory_space<vmem_shared>> -> memref<40x128xf32, #tpu.memory_space<vmem_shared>>
        %dma_start3A_348 = arith.constant 0 : i32
        %dma_start3A_349 = tpu.memref_slice %arg20[%multiple_of3A_345, %dma_start3A_348] : memref<10000x128xf32, #tpu.memory_space<vmem_shared>> -> memref<40x128xf32, #tpu.memory_space<vmem_shared>>
        tpu.enqueue_dma source(%dma_start3A_349 : memref<40x128xf32, #tpu.memory_space<vmem_shared>>) target(%arg19 : memref<40x128xf32, #tpu.memory_space<vmem>>) target_semaphore(%run_scoped3A : memref<!tpu.dma_semaphore, #tpu.memory_space<semaphore_mem>>)
        %dma_wait3A_350 = arith.constant 0 : i32
        %dma_wait3A_351 = tpu.memref_slice %arg20[%multiple_of3A_345, %dma_wait3A_350] : memref<10000x128xf32, #tpu.memory_space<vmem_shared>> -> memref<40x128xf32, #tpu.memory_space<vmem_shared>>
        %dma_wait3A_352 = arith.constant 0 : i32
        %dma_wait3A_353 = tpu.memref_slice %arg20[%multiple_of3A_345, %dma_wait3A_352] : memref<10000x128xf32, #tpu.memory_space<vmem_shared>> -> memref<40x128xf32, #tpu.memory_space<vmem_shared>>
        tpu.wait_dma2 semaphore(%run_scoped3A : memref<!tpu.dma_semaphore, #tpu.memory_space<semaphore_mem>>) src(%dma_wait3A_353 : memref<40x128xf32, #tpu.memory_space<vmem_shared>>) dst(%arg19 : memref<40x128xf32, #tpu.memory_space<vmem>>)
        tpu.yield
      }) : () -> ()
      "tpu.region"() ({
        %run_scoped3A = tpu.sem_alloc : memref<!tpu.dma_semaphore, #tpu.memory_space<semaphore_mem>>
        %dma_start3A_346 = arith.constant 0 : i32
        %dma_start3A_347 = tpu.memref_slice %arg6[%arg0, %multiple_of3A_345, %dma_start3A_346] : memref<2x10000x128xf32, #tpu.memory_space<hbm>> -> memref<1x40x128xf32, #tpu.memory_space<hbm>>
        %dma_start3A_348 = tpu.memref_squeeze %dma_start3A_347 : memref<1x40x128xf32, #tpu.memory_space<hbm>> -> memref<40x128xf32, #tpu.memory_space<hbm>>
        %dma_start3A_349 = arith.constant 0 : i32
        %dma_start3A_350 = tpu.memref_slice %arg6[%arg0, %multiple_of3A_345, %dma_start3A_349] : memref<2x10000x128xf32, #tpu.memory_space<hbm>> -> memref<1x40x128xf32, #tpu.memory_space<hbm>>
        %dma_start3A_351 = tpu.memref_squeeze %dma_start3A_350 : memref<1x40x128xf32, #tpu.memory_space<hbm>> -> memref<40x128xf32, #tpu.memory_space<hbm>>
        tpu.enqueue_dma source(%arg19 : memref<40x128xf32, #tpu.memory_space<vmem>>) target(%dma_start3A_351 : memref<40x128xf32, #tpu.memory_space<hbm>>) target_semaphore(%run_scoped3A : memref<!tpu.dma_semaphore, #tpu.memory_space<semaphore_mem>>)
        %dma_wait3A_352 = arith.constant 0 : i32
        %dma_wait3A_353 = tpu.memref_slice %arg6[%arg0, %multiple_of3A_345, %dma_wait3A_352] : memref<2x10000x128xf32, #tpu.memory_space<hbm>> -> memref<1x40x128xf32, #tpu.memory_space<hbm>>
        %dma_wait3A_354 = tpu.memref_squeeze %dma_wait3A_353 : memref<1x40x128xf32, #tpu.memory_space<hbm>> -> memref<40x128xf32, #tpu.memory_space<hbm>>
        %dma_wait3A_355 = arith.constant 0 : i32
        %dma_wait3A_356 = tpu.memref_slice %arg6[%arg0, %multiple_of3A_345, %dma_wait3A_355] : memref<2x10000x128xf32, #tpu.memory_space<hbm>> -> memref<1x40x128xf32, #tpu.memory_space<hbm>>
        %dma_wait3A_357 = tpu.memref_squeeze %dma_wait3A_356 : memref<1x40x128xf32, #tpu.memory_space<hbm>> -> memref<40x128xf32, #tpu.memory_space<hbm>>
        tpu.wait_dma2 semaphore(%run_scoped3A : memref<!tpu.dma_semaphore, #tpu.memory_space<semaphore_mem>>) src(%arg19 : memref<40x128xf32, #tpu.memory_space<vmem>>) dst(%dma_wait3A_357 : memref<40x128xf32, #tpu.memory_space<hbm>>)
        tpu.yield
      }) : () -> ()
    } else {
    }
    %add3A_336 = arith.constant 240 : i32
    %add3A_337 = arith.addi %arg1, %add3A_336 : i32
    %lt3A_338 = arith.constant 250 : i32
    %lt3A_339 = arith.cmpi slt, %add3A_337, %lt3A_338 : i32
    %convert_element_type3A_340 = arith.extui %lt3A_339 : i1 to i32
    %cond3A_341 = arith.constant 0 : i32
    %cond3A_342 = arith.cmpi ne, %convert_element_type3A_340, %cond3A_341 : i32
    scf.if %cond3A_342 {
      %mul3A_343 = arith.constant 40 : i32
      %mul3A_344 = arith.muli %add3A_337, %mul3A_343 : i32
      %multiple_of3A_345 = tpu.assume_multiple %mul3A_344, 8 : i32
      "tpu.region"() ({
        %run_scoped3A = tpu.sem_alloc : memref<!tpu.dma_semaphore, #tpu.memory_space<semaphore_mem>>
        %dma_start3A_346 = arith.constant 0 : i32
        %dma_start3A_347 = tpu.memref_slice %arg20[%multiple_of3A_345, %dma_start3A_346] : memref<10000x128xf32, #tpu.memory_space<vmem_shared>> -> memref<40x128xf32, #tpu.memory_space<vmem_shared>>
        %dma_start3A_348 = arith.constant 0 : i32
        %dma_start3A_349 = tpu.memref_slice %arg20[%multiple_of3A_345, %dma_start3A_348] : memref<10000x128xf32, #tpu.memory_space<vmem_shared>> -> memref<40x128xf32, #tpu.memory_space<vmem_shared>>
        tpu.enqueue_dma source(%dma_start3A_349 : memref<40x128xf32, #tpu.memory_space<vmem_shared>>) target(%arg19 : memref<40x128xf32, #tpu.memory_space<vmem>>) target_semaphore(%run_scoped3A : memref<!tpu.dma_semaphore, #tpu.memory_space<semaphore_mem>>)
        %dma_wait3A_350 = arith.constant 0 : i32
        %dma_wait3A_351 = tpu.memref_slice %arg20[%multiple_of3A_345, %dma_wait3A_350] : memref<10000x128xf32, #tpu.memory_space<vmem_shared>> -> memref<40x128xf32, #tpu.memory_space<vmem_shared>>
        %dma_wait3A_352 = arith.constant 0 : i32
        %dma_wait3A_353 = tpu.memref_slice %arg20[%multiple_of3A_345, %dma_wait3A_352] : memref<10000x128xf32, #tpu.memory_space<vmem_shared>> -> memref<40x128xf32, #tpu.memory_space<vmem_shared>>
        tpu.wait_dma2 semaphore(%run_scoped3A : memref<!tpu.dma_semaphore, #tpu.memory_space<semaphore_mem>>) src(%dma_wait3A_353 : memref<40x128xf32, #tpu.memory_space<vmem_shared>>) dst(%arg19 : memref<40x128xf32, #tpu.memory_space<vmem>>)
        tpu.yield
      }) : () -> ()
      "tpu.region"() ({
        %run_scoped3A = tpu.sem_alloc : memref<!tpu.dma_semaphore, #tpu.memory_space<semaphore_mem>>
        %dma_start3A_346 = arith.constant 0 : i32
        %dma_start3A_347 = tpu.memref_slice %arg6[%arg0, %multiple_of3A_345, %dma_start3A_346] : memref<2x10000x128xf32, #tpu.memory_space<hbm>> -> memref<1x40x128xf32, #tpu.memory_space<hbm>>
        %dma_start3A_348 = tpu.memref_squeeze %dma_start3A_347 : memref<1x40x128xf32, #tpu.memory_space<hbm>> -> memref<40x128xf32, #tpu.memory_space<hbm>>
        %dma_start3A_349 = arith.constant 0 : i32
        %dma_start3A_350 = tpu.memref_slice %arg6[%arg0, %multiple_of3A_345, %dma_start3A_349] : memref<2x10000x128xf32, #tpu.memory_space<hbm>> -> memref<1x40x128xf32, #tpu.memory_space<hbm>>
        %dma_start3A_351 = tpu.memref_squeeze %dma_start3A_350 : memref<1x40x128xf32, #tpu.memory_space<hbm>> -> memref<40x128xf32, #tpu.memory_space<hbm>>
        tpu.enqueue_dma source(%arg19 : memref<40x128xf32, #tpu.memory_space<vmem>>) target(%dma_start3A_351 : memref<40x128xf32, #tpu.memory_space<hbm>>) target_semaphore(%run_scoped3A : memref<!tpu.dma_semaphore, #tpu.memory_space<semaphore_mem>>)
        %dma_wait3A_352 = arith.constant 0 : i32
        %dma_wait3A_353 = tpu.memref_slice %arg6[%arg0, %multiple_of3A_345, %dma_wait3A_352] : memref<2x10000x128xf32, #tpu.memory_space<hbm>> -> memref<1x40x128xf32, #tpu.memory_space<hbm>>
        %dma_wait3A_354 = tpu.memref_squeeze %dma_wait3A_353 : memref<1x40x128xf32, #tpu.memory_space<hbm>> -> memref<40x128xf32, #tpu.memory_space<hbm>>
        %dma_wait3A_355 = arith.constant 0 : i32
        %dma_wait3A_356 = tpu.memref_slice %arg6[%arg0, %multiple_of3A_345, %dma_wait3A_355] : memref<2x10000x128xf32, #tpu.memory_space<hbm>> -> memref<1x40x128xf32, #tpu.memory_space<hbm>>
        %dma_wait3A_357 = tpu.memref_squeeze %dma_wait3A_356 : memref<1x40x128xf32, #tpu.memory_space<hbm>> -> memref<40x128xf32, #tpu.memory_space<hbm>>
        tpu.wait_dma2 semaphore(%run_scoped3A : memref<!tpu.dma_semaphore, #tpu.memory_space<semaphore_mem>>) src(%arg19 : memref<40x128xf32, #tpu.memory_space<vmem>>) dst(%dma_wait3A_357 : memref<40x128xf32, #tpu.memory_space<hbm>>)
        tpu.yield
      }) : () -> ()
    } else {
    }
    return
  }
}

module attributes {stable_mosaic.version = 14 : i64} {
  func.func @_eproj_body(%arg0: i32, %arg1: memref<12800x16xf32, #tpu.memory_space<vmem>>, %arg2: memref<16x128xf32, #tpu.memory_space<vmem>>, %arg3: memref<1x128xf32, #tpu.memory_space<vmem>>, %arg4: memref<12800x128xf32, #tpu.memory_space<vmem>>) attributes {dimension_semantics = [#tpu.dimension_semantics<arbitrary>], iteration_bounds = array<i64: 25>, scalar_prefetch = 0 : i64, scratch_operands = 0 : i64, tpu.core_type = #tpu.core_type<tc>, window_params = [{transform_indices = @transform_0, window_bounds = array<i64: 12800, 16>}, {pipeline_mode = #tpu.pipeline_mode<synchronous>, transform_indices = @transform_1, window_bounds = array<i64: 16, 128>}, {pipeline_mode = #tpu.pipeline_mode<synchronous>, transform_indices = @transform_2, window_bounds = array<i64: 1, 128>}, {transform_indices = @transform_3, window_bounds = array<i64: 12800, 128>}]} {
    %get3A = arith.constant 0 : index
    %get3A_0 = arith.constant 0 : index
    %get3A_1 = vector.load %arg1[%get3A, %get3A_0] : memref<12800x16xf32, #tpu.memory_space<vmem>>, vector<12800x16xf32>
    %get3A_2 = arith.constant 0 : index
    %get3A_3 = arith.constant 0 : index
    %get3A_4 = vector.load %arg2[%get3A_2, %get3A_3] : memref<16x128xf32, #tpu.memory_space<vmem>>, vector<16x128xf32>
    %dot_general3A = arith.constant dense<0.000000e+00> : vector<12800x128xf32>
    %dot_general3A_5 = tpu.matmul %get3A_1, %get3A_4, %dot_general3A {dimension_numbers = #tpu.dot_dimension_numbers<[1], [0], [0], [1], [0, 0, 1, 1], [], []>, transpose_lhs_hint = false} : vector<12800x16xf32>, vector<16x128xf32>, vector<12800x128xf32> -> vector<12800x128xf32>
    %get3A_6 = arith.constant 0 : index
    %get3A_7 = arith.constant 0 : index
    %get3A_8 = vector.load %arg3[%get3A_6, %get3A_7] : memref<1x128xf32, #tpu.memory_space<vmem>>, vector<1x128xf32>
    %add3A = vector.broadcast %get3A_8 : vector<1x128xf32> to vector<12800x128xf32>
    %add3A_9 = arith.addf %dot_general3A_5, %add3A : vector<12800x128xf32>
    %swap3A = arith.constant 0 : index
    %swap3A_10 = arith.constant 0 : index
    %swap3A_11 = vector.load %arg4[%swap3A, %swap3A_10] : memref<12800x128xf32, #tpu.memory_space<vmem>>, vector<12800x128xf32>
    tpu.vector_store %arg4[%swap3A, %swap3A_10], %add3A_9 {strides = array<i32>} : memref<12800x128xf32, #tpu.memory_space<vmem>>, vector<12800x128xf32>,
    return
  }
  func.func @transform_0(%arg0: i32) -> (i32, i32) {
    %c0_i32 = arith.constant 0 : i32
    %c0_i32_0 = arith.constant 0 : i32
    return %arg0, %c0_i32 : i32, i32
  }
  func.func @transform_1(%arg0: i32) -> (i32, i32) {
    %c0_i32 = arith.constant 0 : i32
    %c0_i32_0 = arith.constant 0 : i32
    %c0_i32_1 = arith.constant 0 : i32
    return %c0_i32, %c0_i32_0 : i32, i32
  }
  func.func @transform_2(%arg0: i32) -> (i32, i32) {
    %c0_i32 = arith.constant 0 : i32
    %c0_i32_0 = arith.constant 0 : i32
    %c0_i32_1 = arith.constant 0 : i32
    return %c0_i32, %c0_i32_0 : i32, i32
  }
  func.func @transform_3(%arg0: i32) -> (i32, i32) {
    %c0_i32 = arith.constant 0 : i32
    %c0_i32_0 = arith.constant 0 : i32
    return %arg0, %c0_i32 : i32, i32
  }
}

module attributes {stable_mosaic.version = 14 : i64} {
  func.func @_mlp_body(%arg0: i32, %arg1: memref<2000x128xf32, #tpu.memory_space<vmem>>, %arg2: memref<2x2000x128xf32, #tpu.memory_space<vmem>>, %arg3: memref<128x128xf32, #tpu.memory_space<vmem>>, %arg4: memref<1x128xf32, #tpu.memory_space<vmem>>, %arg5: memref<128x128xf32, #tpu.memory_space<vmem>>, %arg6: memref<1x128xf32, #tpu.memory_space<vmem>>, %arg7: memref<2000x128xf32, #tpu.memory_space<vmem>>) attributes {dimension_semantics = [#tpu.dimension_semantics<arbitrary>], iteration_bounds = array<i64: 5>, scalar_prefetch = 0 : i64, scratch_operands = 0 : i64, tpu.core_type = #tpu.core_type<tc>, window_params = [{transform_indices = @transform_0, window_bounds = array<i64: 2000, 128>}, {transform_indices = @transform_1, window_bounds = array<i64: 2, 2000, 128>}, {pipeline_mode = #tpu.pipeline_mode<synchronous>, transform_indices = @transform_2, window_bounds = array<i64: 128, 128>}, {pipeline_mode = #tpu.pipeline_mode<synchronous>, transform_indices = @transform_3, window_bounds = array<i64: 1, 128>}, {pipeline_mode = #tpu.pipeline_mode<synchronous>, transform_indices = @transform_4, window_bounds = array<i64: 128, 128>}, {pipeline_mode = #tpu.pipeline_mode<synchronous>, transform_indices = @transform_5, window_bounds = array<i64: 1, 128>}, {transform_indices = @transform_6, window_bounds = array<i64: 2000, 128>}]} {
    %get3A = arith.constant 0 : index
    %get3A_0 = arith.constant 0 : index
    %get3A_1 = vector.load %arg1[%get3A, %get3A_0] : memref<2000x128xf32, #tpu.memory_space<vmem>>, vector<2000x128xf32>
    %get3A_2 = arith.constant 0 : index
    %get3A_3 = arith.constant 0 : index
    %get3A_4 = arith.constant 0 : index
    %get3A_5 = vector.load %arg2[%get3A_2, %get3A_3, %get3A_4] : memref<2x2000x128xf32, #tpu.memory_space<vmem>>, vector<1x2000x128xf32>
    %get3A_6 = vector.shape_cast %get3A_5 : vector<1x2000x128xf32> to vector<2000x128xf32>
    %add3A = arith.addf %get3A_1, %get3A_6 : vector<2000x128xf32>
    %get3A_7 = arith.constant 1 : index
    %get3A_8 = arith.constant 0 : index
    %get3A_9 = arith.constant 0 : index
    %get3A_10 = vector.load %arg2[%get3A_7, %get3A_8, %get3A_9] : memref<2x2000x128xf32, #tpu.memory_space<vmem>>, vector<1x2000x128xf32>
    %get3A_11 = vector.shape_cast %get3A_10 : vector<1x2000x128xf32> to vector<2000x128xf32>
    %add3A_12 = arith.addf %add3A, %get3A_11 : vector<2000x128xf32>
    %get3A_13 = arith.constant 0 : index
    %get3A_14 = arith.constant 0 : index
    %get3A_15 = vector.load %arg3[%get3A_13, %get3A_14] : memref<128x128xf32, #tpu.memory_space<vmem>>, vector<128x128xf32>
    %dot_general3A = arith.constant dense<0.000000e+00> : vector<2000x128xf32>
    %dot_general3A_16 = tpu.matmul %add3A_12, %get3A_15, %dot_general3A {dimension_numbers = #tpu.dot_dimension_numbers<[1], [0], [0], [1], [0, 0, 1, 1], [], []>, transpose_lhs_hint = false} : vector<2000x128xf32>, vector<128x128xf32>, vector<2000x128xf32> -> vector<2000x128xf32>
    %get3A_17 = arith.constant 0 : index
    %get3A_18 = arith.constant 0 : index
    %get3A_19 = vector.load %arg4[%get3A_17, %get3A_18] : memref<1x128xf32, #tpu.memory_space<vmem>>, vector<1x128xf32>
    %add3A_20 = vector.broadcast %get3A_19 : vector<1x128xf32> to vector<2000x128xf32>
    %add3A_21 = arith.addf %dot_general3A_16, %add3A_20 : vector<2000x128xf32>
    %max3A = arith.constant 0.000000e+00 : f32
    %max3A_22 = vector.broadcast %max3A : f32 to vector<2000x128xf32>
    %max3A_23 = arith.maximumf %add3A_21, %max3A_22 : vector<2000x128xf32>
    %get3A_24 = arith.constant 0 : index
    %get3A_25 = arith.constant 0 : index
    %get3A_26 = vector.load %arg5[%get3A_24, %get3A_25] : memref<128x128xf32, #tpu.memory_space<vmem>>, vector<128x128xf32>
    %dot_general3A_27 = arith.constant dense<0.000000e+00> : vector<2000x128xf32>
    %dot_general3A_28 = tpu.matmul %max3A_23, %get3A_26, %dot_general3A_27 {dimension_numbers = #tpu.dot_dimension_numbers<[1], [0], [0], [1], [0, 0, 1, 1], [], []>, transpose_lhs_hint = false} : vector<2000x128xf32>, vector<128x128xf32>, vector<2000x128xf32> -> vector<2000x128xf32>
    %get3A_29 = arith.constant 0 : index
    %get3A_30 = arith.constant 0 : index
    %get3A_31 = vector.load %arg6[%get3A_29, %get3A_30] : memref<1x128xf32, #tpu.memory_space<vmem>>, vector<1x128xf32>
    %add3A_32 = vector.broadcast %get3A_31 : vector<1x128xf32> to vector<2000x128xf32>
    %add3A_33 = arith.addf %dot_general3A_28, %add3A_32 : vector<2000x128xf32>
    %swap3A = arith.constant 0 : index
    %swap3A_34 = arith.constant 0 : index
    %swap3A_35 = vector.load %arg7[%swap3A, %swap3A_34] : memref<2000x128xf32, #tpu.memory_space<vmem>>, vector<2000x128xf32>
    tpu.vector_store %arg7[%swap3A, %swap3A_34], %add3A_33 {strides = array<i32>} : memref<2000x128xf32, #tpu.memory_space<vmem>>, vector<2000x128xf32>,
    return
  }
  func.func @transform_0(%arg0: i32) -> (i32, i32) {
    %c0_i32 = arith.constant 0 : i32
    %c0_i32_0 = arith.constant 0 : i32
    return %arg0, %c0_i32 : i32, i32
  }
  func.func @transform_1(%arg0: i32) -> (i32, i32, i32) {
    %c0_i32 = arith.constant 0 : i32
    %c0_i32_0 = arith.constant 0 : i32
    %c0_i32_1 = arith.constant 0 : i32
    return %c0_i32, %arg0, %c0_i32_0 : i32, i32, i32
  }
  func.func @transform_2(%arg0: i32) -> (i32, i32) {
    %c0_i32 = arith.constant 0 : i32
    %c0_i32_0 = arith.constant 0 : i32
    %c0_i32_1 = arith.constant 0 : i32
    return %c0_i32, %c0_i32_0 : i32, i32
  }
  func.func @transform_3(%arg0: i32) -> (i32, i32) {
    %c0_i32 = arith.constant 0 : i32
    %c0_i32_0 = arith.constant 0 : i32
    %c0_i32_1 = arith.constant 0 : i32
    return %c0_i32, %c0_i32_0 : i32, i32
  }
  func.func @transform_4(%arg0: i32) -> (i32, i32) {
    %c0_i32 = arith.constant 0 : i32
    %c0_i32_0 = arith.constant 0 : i32
    %c0_i32_1 = arith.constant 0 : i32
    return %c0_i32, %c0_i32_0 : i32, i32
  }
  func.func @transform_5(%arg0: i32) -> (i32, i32) {
    %c0_i32 = arith.constant 0 : i32
    %c0_i32_0 = arith.constant 0 : i32
    %c0_i32_1 = arith.constant 0 : i32
    return %c0_i32, %c0_i32_0 : i32, i32
  }
  func.func @transform_6(%arg0: i32) -> (i32, i32) {
    %c0_i32 = arith.constant 0 : i32
    %c0_i32_0 = arith.constant 0 : i32
    return %arg0, %c0_i32 : i32, i32
  }
}

</mosaic_0001>

<sc_bundles>
// kernel: kernel.5.cloned.1.call-start
scs
__scs_entry_jumppad:
0x0: {  	(pc) =	sbr.rel $0x88, $3  }
0x1: {  	(tag) =	ssettag $0x0;
	lr =	simm.s32 $0x1  }
0x2: {  	[smem:$0x3F98] =	sst lr;
	_ =	strace $0xD0000000  }
0x3: {  	_ = 	snop  }
0x4: {  	_ = 	snop  }
0x5: {  	_ = 	snop  }
0x6: {  	_ = 	snop  }
0x7: {  	_ = 	snop  }
__scs_overlays_trampoline_lowered:
0x8: {  	[smem:$0x3FA7] =	sst s0  }
0x9: {  	[smem:$0x3FA8] =	sst s1  }
0xa: {  	[smem:$0x3FA9] =	sst s2  }
0xb: {  	[smem:$0x3FAA] =	sst s3  }
0xc: {  	[smem:$0x3FAB] =	sst s4  }
0xd: {  	[smem:$0x3FAC] =	sst s5  }
0xe: {  	[smem:$0x3FAD] =	sst s6  }
0xf: {  	[smem:$0x3FAE] =	sst s7  }
0x10: {  	[smem:$0x3FAF] =	sst s8  }
0x11: {  	[smem:$0x3FB0] =	sst s9;
	s0 =	simm.s32 @!p0 $0x0  }
0x12: {  	s1 =	sld [smem:$0x3F96];
	s0 =	simm.s32 @p0 $0x1  }
0x13: {  	[smem:$0x3FB1] =	sst s0;
	s0 =	simm.s32 @!p1 $0x0  }
0x14: {  	s2 =	sld [smem:$0x3F95];
	s0 =	simm.s32 @p1 $0x1  }
0x15: {  	[smem:$0x3FB2] =	sst s0;
	s0 =	simm.s32 @!p2 $0x0  }
0x16: {  	s3 =	sld [smem:$0x3FDB];
	s0 =	simm.s32 @p2 $0x1  }
0x17: {  	s4 =	simm.s32 $0x1BF5;
	[smem:$0x3FB4] =	sst s0  }
0x18: {  	s0 =	sld [smem:$0x3F97];
	_ =	swait.ge [sflag:s4], $0x0  }
0x19: {  	s7 =	sld [smem:$0x3F98]  }
0x1a: {  	s8 =	sadd.s32 $0xFFFFE003, lr  }
0x1b: {  	s9 =	sadd.s32 $0xFFFFFEF7, lr;
	s5 =	simm.s32 $0xFFFFFFFF;
	p2 =	slt.u32 s8, $0xFFFFF086  }
0x1c: {  	p1 =	slt.u32 s9, $0xF7A;
	s5 =	simm.s32 @!p2 $0x0  }
0x1d: {  	s5 =	simm.s32 @p1 $0x1;
	p0 =	seq.s32 s7, s2  }
0x1e: {  	s7 =	smul.u32 @!p0 $0xF7A, s2;
	p2 =	seq.s32 @!p0 s5, $0x0  }
0x1f: {  	s9 =	smul.u32 $0xF7A, s1;
	s8 =	simm.s32 @!p0 $0x1BF5;
	p2 =	por !p2, p0  }
0x20: {  	[sflag:s8] =	ssyncset.s32 @!p0 $0xFFFFF086;
	s6 =	sadd.s32 @!p0 s3, s7;
	s7 =	simm.s32 @!p0 $0x108  }
0x21: {  	s3 =	sadd.s32 s3, s9;
	s6 =	sadd.s32 @!p0 $0x88, s6;
	s7 =	simm.s32 @p2 $0x1082  }
0x22: {  	[simem:s7], [sflag:s8] =	dma.local @!p0 [hbm:s6], $0xF7A  }
0x23: {  	s9 =	sor.u32 $0xD0000000, s2;
	s6 =	simm.s32 $0x108;
	_ =	swait.ge @!p0 [sflag:s8], $0x0  }
0x24: {  	s3 =	sadd.s32 $0x88, s3;
	s6 =	simm.s32 @!p1 $0x1082;
	[sflag:s4] =	ssyncset.s32 $0xFFFFF086  }
0x25: {  	[simem:s6], [sflag:s4] =	dma.local [hbm:s3], $0xF7A  }
0x26: {  	[smem:$0x3F98] =	sst s1;
	(tag) =	ssettag s2;
	_ =	strace s9  }
0x27: {  	s1 =	sld [smem:$0x3FA8]  }
0x28: {  	s2 =	sld [smem:$0x3FA9]  }
0x29: {  	s4 =	sld [smem:$0x3FAB]  }
0x2a: {  	p0 =	seq.s32 s5, $0x0;
	s5 =	sld [smem:$0x3FAC]  }
0x2b: {  	s6 =	sld [smem:$0x3FAD]  }
0x2c: {  	s7 =	sld [smem:$0x3FAE]  }
0x2d: {  	s3 =	simm.s32 $0x108;
	s8 =	sld [smem:$0x3FAF]  }
0x2e: {  	s3 =	simm.s32 @!p0 $0x1082;
	s9 =	sld [smem:$0x3FB0]  }
0x2f: {  	lr =	sadd.s32 s0, s3;
	s0 =	sld [smem:$0x3FA7]  }
0x30: {  	s3 =	sld [smem:$0x3FAA]  }
0x31: {  	[smem:$0x3FB3] =	sst s10  }
0x32: {  	s10 =	sld [smem:$0x3FB1];
	_ =	sdelay $0x3  }
0x33: {  	p0 =	seq.s32 s10, $0x1;
	s10 =	sld [smem:$0x3FB3];
	_ =	sdelay $0x3  }
0x34: {  	[smem:$0x3FB3] =	sst s10  }
0x35: {  	s10 =	sld [smem:$0x3FB2];
	_ =	sdelay $0x3  }
0x36: {  	p1 =	seq.s32 s10, $0x1;
	s10 =	sld [smem:$0x3FB3];
	_ =	sdelay $0x3  }
0x37: {  	[smem:$0x3FB3] =	sst s10  }
0x38: {  	s10 =	sld [smem:$0x3FB4]  }
0x39: {  	_ = 	snop;
	(pc) =	sbr.ind lr, $3  }
0x3a: {  	_ = 	snop  }
0x3b: {  	_ = 	snop  }
0x3c: {  	p2 =	seq.s32 s10, $0x1;
	s10 =	sld [smem:$0x3FB3]  }
0x3d: {  	_ =	shalt  }
0x3e: {  	_ =	shalt  }
0x3f: {  	_ =	shalt  }
0x40: {  	_ =	shalt  }
0x41: {  	_ =	shalt  }
0x42: {  	_ =	shalt  }
0x43: {  	_ =	shalt  }
0x44: {  	_ =	shalt  }
0x45: {  	_ =	shalt  }
0x46: {  	_ =	shalt  }
0x47: {  	_ =	shalt  }
0x48: {  	_ =	shalt  }
0x49: {  	_ =	shalt  }
0x4a: {  	_ =	shalt  }
0x4b: {  	_ =	shalt  }
0x4c: {  	_ =	shalt  }
0x4d: {  	_ =	shalt  }
0x4e: {  	_ =	shalt  }
0x4f: {  	_ =	shalt  }
0x50: {  	_ =	shalt  }
0x51: {  	_ =	shalt  }
0x52: {  	_ =	shalt  }
0x53: {  	_ =	shalt  }
0x54: {  	_ =	shalt  }
0x55: {  	_ =	shalt  }
0x56: {  	_ =	shalt  }
0x57: {  	_ =	shalt  }
0x58: {  	_ =	shalt  }
0x59: {  	_ =	shalt  }
0x5a: {  	_ =	shalt  }
0x5b: {  	_ =	shalt  }
0x5c: {  	_ =	shalt  }
0x5d: {  	_ =	shalt  }
0x5e: {  	_ =	shalt  }
0x5f: {  	_ =	shalt  }
0x60: {  	_ =	shalt  }
0x61: {  	_ =	shalt  }
0x62: {  	_ =	shalt  }
0x63: {  	_ =	shalt  }
0x64: {  	_ =	shalt  }
0x65: {  	_ =	shalt  }
0x66: {  	_ =	shalt  }
0x67: {  	_ =	shalt  }
0x68: {  	_ =	shalt  }
0x69: {  	_ =	shalt  }
0x6a: {  	_ =	shalt  }
0x6b: {  	_ =	shalt  }
0x6c: {  	_ =	shalt  }
0x6d: {  	_ =	shalt  }
0x6e: {  	_ =	shalt  }
0x6f: {  	_ =	shalt  }
0x70: {  	_ =	shalt  }
0x71: {  	_ =	shalt  }
0x72: {  	_ =	shalt  }
0x73: {  	_ =	shalt  }
0x74: {  	_ =	shalt  }
0x75: {  	_ =	shalt  }
0x76: {  	_ =	shalt  }
0x77: {  	_ =	shalt  }
0x78: {  	_ =	shalt  }
0x79: {  	_ =	shalt  }
0x7a: {  	_ =	shalt  }
0x7b: {  	_ =	shalt  }
0x7c: {  	_ =	shalt  }
0x7d: {  	_ =	shalt  }
0x7e: {  	_ =	shalt  }
0x7f: {  	_ =	shalt  }
0x80: {  	_ =	shalt  }
0x81: {  	_ =	shalt  }
0x82: {  	_ =	shalt  }
0x83: {  	_ =	shalt  }
0x84: {  	_ =	shalt  }
0x85: {  	_ =	shalt  }
0x86: {  	_ =	shalt  }
0x87: {  	_ =	shalt  }
.Lfunc_end0:
.L_simem_size_0:
called_computation_lowered:
.L_overlay_start_0:
0x88: {  	s2 =	sld [smem:$0x3FD9]  }
0x89: {  	s3 =	sld [smem:$0x3FFE];
	_ =	sdelay $0x1  }
0x8a: {  	s1 =	srdreg.scid  }
0x8b: {  	s0 =	sand.u32 $0x1, s1  }
0x8c: {  	s17 =	sshll.u32 s0, $0xA;
	s2 =	sadd.s32 s3, s2  }
0x8d: {  	s2 =	sadd.s32 s2, s17  }
0x8e: {  	[smem:$0x3FBF] =	sst s2  }
0x8f: {  	_ = 	snop  }
0x90: {  	s2 =	sld [smem:$0x3FC9]  }
0x91: {  	s18 =	sld [smem:$0x3FD0];
	(tm) =	ssettm $0x1  }
0x92: {  	s4 =	sld [smem:$0x3FFB];
	_ =	sdelay $0x3  }
0x93: {  	_ =	strace s4  }
0x94: {  	s4 =	sld [smem:$0x3FFC];
	_ =	sdelay $0x3  }
0x95: {  	_ =	strace s4  }
0x96: {  	s4 =	sld [smem:$0x3FFD];
	_ =	sdelay $0x3  }
0x97: {  	_ =	strace s4  }
0x98: {  	_ =	strace $0x8FFFFFFF  }
0x99: {  	s19 =	sld [smem:$0x3FDB];
	_ =	sdelay $0x1  }
0x9a: {  	s5 =	simm.s32 $_scs_section_size  }
0x9b: {  	s6 =	simm.s32 $_size__tile_overlayer_lowered;
	s7 =	simm.s32 $_tile_overlayer_lowered  }
0x9c: {  	s22 =	simm.s32 $0x1BFF;
	s21 =	sshll.u32 s7, $0x1;
	s4 =	sadd.s32 s5, s19  }
0x9d: {  	s8 =	simm.s32 $0x0;
	s20 =	sshll.u32 s6, $0x1;
	s6 =	sadd.s32 s21, s4  }
0x9e: {  	[timem:s8], [sflag:s22] =	dma.local [hbm:s6], s20  }
0x9f: {  	_ =	swait.ge [sflag:s22], s20  }
0xa0: {  	s5 =	ssub.s32 $0x0, s20;
	[sflag:s22] =	ssyncset.done $0x0  }
0xa1: {  	[sflag:s22] =	ssyncadd.s32 s5;
	_ =	sdelay $0x1  }
0xa2: {  	s23 =	simm.s32 $0x1B8B  }
0xa3: {  	_ =	swait.ge [sflag:s23], $0x1  }
0xa4: {  	[sflag:s23] =	ssyncset.done $0x0  }
0xa5: {  	s25 =	simm.s32 $0x1B8E;
	s24 =	sld [smem:$0x3FFE];
	[sflag:s23] =	ssyncadd.s32 $0xFFFFFFFF  }
0xa6: {  	s26 =	simm.s32 $execute0_lowered;
	[smem:$0x3FD2] =	sst s25  }
0xa7: {  	s6 =	sshll.u32 s26, $0x1;
	_ =	strace $0x80000046;
	[dreg:$0x1] =	wrdreg $0xFFFFFFFF  }
0xa8: {  	s28 =	simm.s32 $_size_execute0_lowered;
	s4 =	sadd.s32 s4, s6;
	[dreg:$0x0] =	wrdreg $0x0  }
0xa9: {  	s6 =	sshll.u32 s28, $0x1;
	[dreg:$0x2] =	wrdreg s4  }
0xaa: {  	[dreg:$0x3] =	wrdreg s6  }
0xab: {  	[dreg:$0x4] =	wrdreg $0xC0  }
0xac: {  	_ =	task [dreg:s8], $0x5FFFF  }
0xad: {  	[dreg:$0x1] =	wrdreg $0xFFFFFFFF  }
0xae: {  	[dreg:$0x0] =	wrdreg $0x60  }
0xaf: {  	[dreg:$0x2] =	wrdreg s2  }
0xb0: {  	[dreg:$0x3] =	wrdreg s24  }
0xb1: {  	[dreg:$0x4] =	wrdreg s18  }
0xb2: {  	[dreg:$0x5] =	wrdreg $0xB8000  }
0xb3: {  	[dreg:$0x6] =	wrdreg $0x9  }
0xb4: {  	_ =	task.clear_ibuf [dreg:s8], $0x7FFFF;
	_ =	strace $0x90000046  }
0xb5: {  	s29 =	simm.s32 $0x9;
	_ =	strace $0x80000048  }
0xb6: {  	_ =	swait.ge [sflag:s29], $0x1  }
0xb7: {  	[sflag:s29] =	ssyncadd.s32 $0xFFFFFFFF  }
0xb8: {  	_ =	strace $0x90000048  }
0xb9: {  	_ =	sfence  }
0xba: {  	s30 =	sld [smem:$0x0];
	_ =	sdelay $0x2  }
0xbb: {  	s31 =	sshll.u32 s1, $0xD;
	s1 =	sshrl.u32 s1, $0x2  }
0xbc: {  	s3 =	sand.u32 $0x4000, s31;
	s1 =	sadd.s32 s1, s30  }
0xbd: {  	s0 =	sor.u32 s3, s0;
	s1 =	sshll.u32 s1, $0x11  }
0xbe: {  	s0 =	sor.u32 s1, s0  }
0xbf: {  	s0 =	sadd.s32 $0x8F2B, s0  }
0xc0: {  	[sflag:s0] =	ssyncadd.remote.s32 $0x1  }
0xc1: {  	_ =	sfence.sel $0xFFFF  }
0xc2: {  	[dreg:$0x0] =	wrdreg $0xFFFFFFFF;
	(pc) =	sbr.abs _section_cstart, $3  }
0xc3: {  	[dreg:$0x1] =	wrdreg $0xFFFFFFFF  }
0xc4: {  	_ =	task.clear_ibuf [dreg:s8], $0x2FFFF;
	_ =	strace $0x9FFFFFFF  }
0xc5: {  	(tm) =	ssettm $0x7FFFFFFF  }
tec
execute0_lowered:
.L_overlay_start_1:
0x0: {  	(tag) =	ssettag $0x1  }
0x1: {  	s0 =	srdreg.scid;
	s6 =	stileid.u32  }
0x2: {  	s5 =	sand.u32 $0x1, s0;
	s15 =	smul.u32 $0x1400, s6  }
0x3: {  	s8 =	sor.u32 $0x10, s6;
	s14 =	smul.u32 $0x138800, s5  }
0x4: {  	s9 =	sor.u32 $0x20, s6;
	s16 =	smul.u32 $0x1400, s8  }
0x5: {  	s10 =	sor.u32 $0x30, s6;
	s17 =	smul.u32 $0x1400, s9  }
0x6: {  	s11 =	sor.u32 $0x40, s6;
	s18 =	smul.u32 $0x1400, s10  }
0x7: {  	s12 =	sor.u32 $0x50, s6;
	s19 =	smul.u32 $0x1400, s11  }
0x8: {  	s1 =	simm.s32 $0x0;
	s13 =	sor.u32 $0x60, s6;
	s20 =	smul.u32 $0x1400, s12  }
0x9: {  	s26 =	sor.u32 $0x70, s6;
	s4 =	sor.u32 $0x80, s6;
	s21 =	smul.u32 $0x1400, s13  }
0xa: {  	s3 =	sor.u32 $0x90, s6;
	[smem:$0x7E5] =	sst s26;
	s22 =	smul.u32 $0x1400, s26  }
0xb: {  	s7 =	sor.u32 $0xB0, s6;
	[smem:$0x7E6] =	sst s4;
	s24 =	smul.u32 $0x1400, s4  }
0xc: {  	s0 =	ssub.s32 $0x2, s5;
	[smem:$0x7E7] =	sst s3;
	s26 =	smul.u32 $0x1400, s3  }
0xd: {  	[smem:$0x7E9] =	sst s7;
	s31 =	smul.u32 $0x1400, s7;
	s2 =	sshrl.u32 s0, $0x1  }
0xe: {  	s0 =	ssub.s32 s0, s2;
	s2 =	sor.u32 $0xA0, s6;
	s23 =	sadd.s32 s15, s14  }
0xf: {  	s25 =	sadd.s32 s14, s16;
	s17 =	sadd.s32 s14, s17;
	s28 =	sadd.s32 s14, s18  }
0x10: {  	s19 =	sadd.s32 s14, s19;
	s30 =	sadd.s32 s14, s20;
	s15 =	sor.u32 $0xC0, s6  }
0x11: {  	s21 =	sadd.s32 s14, s21;
	s16 =	sor.u32 $0xD0, s6;
	s29 =	smul.u32 $0x1400, s2  }
0x12: {  	s22 =	sadd.s32 s14, s22;
	s18 =	sor.u32 $0xE0, s6;
	s20 =	smul.u32 $0x1400, s15  }
0x13: {  	s4 =	sadd.s32 s14, s24;
	[smem:$0x7E8] =	sst s2;
	s2 =	smul.u32 $0x1400, s16  }
0x14: {  	s24 =	sor.u32 $0xF0, s6;
	[smem:$0x7F8] =	sst s0;
	s0 =	smul.u32 $0x1400, s18  }
0x15: {  	s26 =	sadd.s32 s14, s26;
	s31 =	sadd.s32 s14, s31;
	s7 =	smul.u32 $0x1400, s24  }
0x16: {  	s29 =	sadd.s32 s14, s29;
	s3 =	sadd.s32 s14, s20;
	s20 =	sadd.s32 s14, s2  }
0x17: {  	s2 =	sadd.s32 s14, s0;
	s0 =	sadd.s32 s14, s7;
	s7 =	rddreg [dreg:$0x1]  }
0x18: {  	s14 =	sshrl.u32 s23, $0x3;
	s23 =	sshrl.u32 s25, $0x3;
	s25 =	sadd.s32 $0xAA00, s7  }
0x19: {  	[smem:$0x7FF] =	sst s1;
	s14 =	sadd.s32 s25, s14  }
0x1a: {  	s4 =	sshrl.u32 s4, $0x3;
	s23 =	sadd.s32 s25, s23;
	[dreg:$0x5] =	wrdreg s14  }
0x1b: {  	s3 =	sshrl.u32 s3, $0x3;
	s4 =	sadd.s32 s25, s4;
	[dreg:$0x6] =	wrdreg s23  }
0x1c: {  	s2 =	sshrl.u32 s2, $0x3;
	s3 =	sadd.s32 s25, s3;
	[dreg:$0xd] =	wrdreg s4  }
0x1d: {  	s0 =	sshrl.u32 s0, $0x3;
	s2 =	sadd.s32 s25, s2;
	[dreg:$0x11] =	wrdreg s3  }
0x1e: {  	s0 =	sadd.s32 s25, s0;
	s23 =	sshrl.u32 s17, $0x3;
	[dreg:$0x13] =	wrdreg s2  }
0x1f: {  	s17 =	sshrl.u32 s28, $0x3;
	[dreg:$0x14] =	wrdreg s0;
	s14 =	sadd.s32 s25, s23  }
0x20: {  	s23 =	sshrl.u32 s19, $0x3;
	[dreg:$0x7] =	wrdreg s14;
	s14 =	sadd.s32 s25, s17  }
0x21: {  	s22 =	sshrl.u32 s22, $0x3;
	s17 =	sadd.s32 s25, s23;
	[dreg:$0x8] =	wrdreg s14  }
0x22: {  	s19 =	sshrl.u32 s30, $0x3;
	s23 =	sadd.s32 s25, s22;
	[dreg:$0x9] =	wrdreg s17  }
0x23: {  	s14 =	sadd.s32 s25, s19;
	[dreg:$0xc] =	wrdreg s23  }
0x24: {  	s21 =	sshrl.u32 s21, $0x3;
	s17 =	sshrl.u32 s26, $0x3;
	[dreg:$0xa] =	wrdreg s14  }
0x25: {  	s19 =	sshrl.u32 s29, $0x3;
	s4 =	sadd.s32 s25, s17;
	s17 =	rddreg [dreg:$0x2]  }
0x26: {  	s14 =	sadd.s32 s25, s21;
	s21 =	sadd.s32 s25, s19;
	s19 =	rddreg [dreg:$0x3]  }
0x27: {  	s22 =	sshrl.u32 s31, $0x3;
	[dreg:$0xb] =	wrdreg s14  }
0x28: {  	s23 =	sshrl.u32 s20, $0x3;
	s26 =	smul.u32 $0x5000, s8;
	[dreg:$0xe] =	wrdreg s4  }
0x29: {  	s8 =	smul.u32 $0x5000, s11;
	s3 =	sadd.s32 s25, s23;
	[dreg:$0xf] =	wrdreg s21  }
0x2a: {  	s23 =	sadd.s32 $0x4ECA00, s7;
	s4 =	sadd.s32 s25, s22;
	s14 =	rddreg [dreg:$0x0]  }
0x2b: {  	[dreg:$0x12] =	wrdreg s3;
	s22 =	sadd.s32 $0xC00, s7;
	s7 =	smul.u32 $0x5000, s10  }
0x2c: {  	s2 =	sshrl.u32 s26, $0x2;
	s10 =	smul.u32 $0x5000, s12;
	s11 =	sshrl.u32 s8, $0x2  }
0x2d: {  	s12 =	smul.u32 $0x5000, s13;
	[dreg:$0x10] =	wrdreg s4;
	s2 =	sadd.s32 s2, s19  }
0x2e: {  	s13 =	sadd.s32 s11, s19;
	_ =	strace $0x80000047;
	[dreg:$0x16] =	wrdreg s2  }
0x2f: {  	p0 =	sgt.u32 s6, $0x9;
	s25 =	smul.u32 $0x5000, s6;
	[dreg:$0x19] =	wrdreg s13  }
0x30: {  	s24 =	smul.u32 $0x5000, s24;
	s30 =	simm.s32 $0x1;
	s20 =	sld [smem:$0x7E5]  }
0x31: {  	s4 =	sshll.u32 s5, $0x4;
	s0 =	sshrl.u32 s25, $0x2;
	s25 =	sld [smem:$0x7E6]  }
0x32: {  	s5 =	smul.u32 $0x5000, s9;
	s2 =	sshrl.u32 s10, $0x2;
	s8 =	sld [smem:$0x7E8]  }
0x33: {  	s21 =	sshrl.u32 s12, $0x2;
	s2 =	sadd.s32 s2, s19;
	s10 =	sld [smem:$0x7E9]  }
0x34: {  	s3 =	sor.u32 s6, s4;
	s26 =	sadd.s32 s21, s19;
	[dreg:$0x1a] =	wrdreg s2  }
0x35: {  	s12 =	smul.u32 $0x5000, s15;
	s4 =	sshrl.u32 s5, $0x2;
	[dreg:$0x1b] =	wrdreg s26  }
0x36: {  	s28 =	sadd.s32 s0, s19;
	s9 =	sadd.s32 s4, s19;
	s4 =	sld [smem:$0x7E7]  }
0x37: {  	s15 =	smul.u32 $0x5000, s16;
	s0 =	sshrl.u32 s7, $0x2;
	[dreg:$0x15] =	wrdreg s28  }
0x38: {  	s0 =	sadd.s32 s0, s19;
	s16 =	sshrl.u32 s12, $0x2;
	[dreg:$0x17] =	wrdreg s9  }
0x39: {  	s26 =	smul.u32 $0x2710, s3;
	[dreg:$0x18] =	wrdreg s0;
	s21 =	sadd.s32 s16, s19  }
0x3a: {  	s31 =	simm.s32 $0x5;
	s0 =	smul.u32 $0x5000, s20;
	[smem:$0x7EB] =	sst s21  }
0x3b: {  	s29 =	simm.s32 $0x200;
	s5 =	smul.u32 $0x5000, s25;
	s21 =	sld [smem:$0x7F8]  }
0x3c: {  	s6 =	simm.s32 $0x8;
	s20 =	smul.u32 $0x5000, s18;
	[smem:$0x7FC] =	sst s26  }
0x3d: {  	s2 =	smul.u32 $0x5000, s4;
	s0 =	sshrl.u32 s0, $0x2;
	s7 =	sshrl.u32 s5, $0x2  }
0x3e: {  	s5 =	smul.u32 $0x5000, s8;
	s25 =	sshrl.u32 s20, $0x2;
	s8 =	sshrl.u32 s26, $0x3  }
0x3f: {  	s0 =	sadd.s32 s0, s19;
	s9 =	sadd.s32 s7, s19;
	s2 =	sshrl.u32 s2, $0x2  }
0x40: {  	s4 =	sadd.s32 s25, s19;
	s7 =	smul.u32 $0x27100, s3;
	[dreg:$0x1c] =	wrdreg s0  }
0x41: {  	s3 =	sadd.s32 s17, s8;
	s25 =	sadd.s32 $0x190, s26;
	[dreg:$0x1d] =	wrdreg s9  }
0x42: {  	s0 =	smul.u32 $0x5000, s10;
	s11 =	sshrl.u32 s5, $0x2;
	[smem:$0x7ED] =	sst s4  }
0x43: {  	s2 =	sadd.s32 s2, s19;
	s9 =	sadd.s32 $0x50, s26;
	[smem:$0x7F0] =	sst s3  }
0x44: {  	s10 =	sadd.s32 s22, s8;
	[smem:$0x7FB] =	sst s25;
	s3 =	simm.s32 $0x6  }
0x45: {  	s4 =	simm.s32 $0x7C00;
	s8 =	simm.s32 $0xA;
	[dreg:$0x1e] =	wrdreg s2  }
0x46: {  	s13 =	sadd.s32 s11, s19;
	s2 =	sshrl.u32 s15, $0x2;
	[smem:$0x7EF] =	sst s10  }
0x47: {  	s11 =	sshrl.u32 s9, $0x3;
	s15 =	sadd.s32 $0xA0, s26;
	s10 =	simm.s32 $0x400  }
0x48: {  	[dreg:$0x1f] =	wrdreg s13;
	s0 =	sshrl.u32 s0, $0x2;
	s2 =	sadd.s32 s2, s19  }
0x49: {  	s12 =	sadd.s32 s22, s11;
	s13 =	sshll.u32 s9, $0x4;
	[smem:$0x7EC] =	sst s2  }
0x4a: {  	s16 =	sshrl.u32 s15, $0x3;
	s0 =	sadd.s32 s0, s19;
	[smem:$0x7F2] =	sst s12  }
0x4b: {  	s9 =	simm.s32 $0x3;
	s2 =	sadd.s32 s23, s7;
	[smem:$0x7EA] =	sst s0  }
0x4c: {  	s18 =	sadd.s32 s22, s16;
	s12 =	simm.s32 $0xE;
	[smem:$0x7F1] =	sst s2  }
0x4d: {  	s0 =	sshrl.u32 s24, $0x2;
	s2 =	sshll.u32 s15, $0x4;
	[smem:$0x7F5] =	sst s18  }
0x4e: {  	s24 =	sadd.s32 $0x140, s26;
	s26 =	sadd.s32 $0x1E0, s26;
	s18 =	simm.s32 $0xB  }
0x4f: {  	s15 =	simm.s32 $0x4;
	s0 =	sadd.s32 s0, s19;
	[smem:$0x7FA] =	sst s24  }
0x50: {  	s20 =	sadd.s32 s23, s2;
	[smem:$0x7FD] =	sst s26;
	s2 =	simm.s32 $0x2  }
0x51: {  	s24 =	simm.s32 $0xD;
	s26 =	simm.s32 $0xF;
	[smem:$0x7EE] =	sst s0  }
0x52: {  	s0 =	sadd.s32 s17, s11;
	[smem:$0x7F7] =	sst s20;
	s20 =	simm.s32 $0x11  }
0x53: {  	s11 =	simm.s32 $0x7;
	[smem:$0x7F3] =	sst s0;
	s0 =	sadd.s32 s23, s13  }
0x54: {  	s13 =	simm.s32 $0xC;
	[smem:$0x7F4] =	sst s0;
	s0 =	sadd.s32 s17, s16  }
0x55: {  	s16 =	simm.s32 $0x50;
	[smem:$0x7F6] =	sst s0;
	s0 =	smax.u32 s21, $0x1  }
0x56: {  	v0 =	vimm.f32 $0.0e+00;
	s21 =	simm.s32 $0x0;
	[smem:$0x7F9] =	sst s0;
	s0 =	simm.s32 $0x9  }
.LBB2_1:
0x57: {  	[smem:$0x7E4] =	sst s21;
	s5 =	simm.s32 $0x0;
	s7 =	simm.s32 $0x200  }
.LBB2_2:
0x58: {  	p1 =	sne.s32 s7, $0x4E00;
	[tilespmem:s5+$0xA470] =	vst v0  }
0x59: {  	[tilespmem:s5+$0xA400] =	vst v0  }
0x5a: {  	[tilespmem:s5+$0xA410] =	vst v0  }
.Ltmp0:
0x5b: {  	[tilespmem:s5+$0xA420] =	vst v0;
	(pc) =	sbr.rel @p1 .LBB2_2-.Ltmp0, $4  }
0x5c: {  	[tilespmem:s5+$0xA430] =	vst v0  }
0x5d: {  	[tilespmem:s5+$0xA440] =	vst v0  }
0x5e: {  	[tilespmem:s5+$0xA450] =	vst v0  }
0x5f: {  	[tilespmem:s5+$0xA460] =	vst v0;
	s5 =	sshra.s32 s7, $0x2;
	s7 =	sadd.s32 $0x200, s7  }
0x60: {  	[tilespmem:s5+$0xA470] =	vst v0  }
0x61: {  	[tilespmem:s5+$0xA400] =	vst v0  }
0x62: {  	[tilespmem:s5+$0xA410] =	vst v0  }
0x63: {  	[tilespmem:s5+$0xA420] =	vst v0  }
0x64: {  	[tilespmem:s5+$0xA430] =	vst v0  }
0x65: {  	[tilespmem:s5+$0xA440] =	vst v0  }
0x66: {  	[tilespmem:s5+$0xA450] =	vst v0  }
0x67: {  	[tilespmem:s5+$0xA460] =	vst v0;
	s7 =	simm.s32 $0xA400  }
0x68: {  	[spmem:s28] =	stream.linear.scatter [tilespmem:s7], [sflag:$0x11], $0x1400, $0x38;
	[tilespmem:$0x1F080] =	vst v63  }
0x69: {  	_ =	swait.ge [sflag:s20], $0x1400  }
0x6a: {  	[sflag:s20] =	ssyncset.done $0x0  }
0x6b: {  	s21 =	rddreg [dreg:$0x16];
	[sflag:s20] =	ssyncadd.s32 $0xFFFFEC00  }
0x6c: {  	[spmem:s21] =	stream.linear.scatter [tilespmem:s7], [sflag:$0x11], $0x1400, $0x38;
	[tilespmem:$0x1F080] =	vst v63  }
0x6d: {  	_ =	swait.ge [sflag:s20], $0x1400  }
0x6e: {  	[sflag:s20] =	ssyncset.done $0x0  }
0x6f: {  	s25 =	rddreg [dreg:$0x17];
	[sflag:s20] =	ssyncadd.s32 $0xFFFFEC00  }
0x70: {  	[spmem:s25] =	stream.linear.scatter [tilespmem:s7], [sflag:$0x11], $0x1400, $0x38;
	[tilespmem:$0x1F080] =	vst v63  }
0x71: {  	_ =	swait.ge [sflag:s20], $0x1400  }
0x72: {  	[sflag:s20] =	ssyncset.done $0x0  }
0x73: {  	s21 =	rddreg [dreg:$0x18];
	[sflag:s20] =	ssyncadd.s32 $0xFFFFEC00  }
0x74: {  	[spmem:s21] =	stream.linear.scatter [tilespmem:s7], [sflag:$0x11], $0x1400, $0x38;
	[tilespmem:$0x1F080] =	vst v63  }
0x75: {  	_ =	swait.ge [sflag:s20], $0x1400  }
0x76: {  	[sflag:s20] =	ssyncset.done $0x0  }
0x77: {  	s25 =	rddreg [dreg:$0x19];
	[sflag:s20] =	ssyncadd.s32 $0xFFFFEC00  }
0x78: {  	[spmem:s25] =	stream.linear.scatter [tilespmem:s7], [sflag:$0x11], $0x1400, $0x38;
	[tilespmem:$0x1F080] =	vst v63  }
0x79: {  	_ =	swait.ge [sflag:s20], $0x1400  }
0x7a: {  	[sflag:s20] =	ssyncset.done $0x0  }
0x7b: {  	s21 =	rddreg [dreg:$0x1a];
	[sflag:s20] =	ssyncadd.s32 $0xFFFFEC00  }
0x7c: {  	[spmem:s21] =	stream.linear.scatter [tilespmem:s7], [sflag:$0x11], $0x1400, $0x38;
	[tilespmem:$0x1F080] =	vst v63  }
0x7d: {  	_ =	swait.ge [sflag:s20], $0x1400  }
0x7e: {  	[sflag:s20] =	ssyncset.done $0x0  }
0x7f: {  	s25 =	rddreg [dreg:$0x1b];
	[sflag:s20] =	ssyncadd.s32 $0xFFFFEC00  }
0x80: {  	[spmem:s25] =	stream.linear.scatter [tilespmem:s7], [sflag:$0x11], $0x1400, $0x38;
	[tilespmem:$0x1F080] =	vst v63  }
0x81: {  	_ =	swait.ge [sflag:s20], $0x1400  }
0x82: {  	[sflag:s20] =	ssyncset.done $0x0  }
0x83: {  	s21 =	rddreg [dreg:$0x1c];
	[sflag:s20] =	ssyncadd.s32 $0xFFFFEC00  }
0x84: {  	[spmem:s21] =	stream.linear.scatter [tilespmem:s7], [sflag:$0x11], $0x1400, $0x38;
	[tilespmem:$0x1F080] =	vst v63  }
0x85: {  	_ =	swait.ge [sflag:s20], $0x1400  }
0x86: {  	[sflag:s20] =	ssyncset.done $0x0  }
0x87: {  	s25 =	rddreg [dreg:$0x1d];
	[sflag:s20] =	ssyncadd.s32 $0xFFFFEC00  }
0x88: {  	[spmem:s25] =	stream.linear.scatter [tilespmem:s7], [sflag:$0x11], $0x1400, $0x38;
	[tilespmem:$0x1F080] =	vst v63  }
0x89: {  	_ =	swait.ge [sflag:s20], $0x1400  }
0x8a: {  	[sflag:s20] =	ssyncset.done $0x0  }
0x8b: {  	s21 =	rddreg [dreg:$0x1e];
	[sflag:s20] =	ssyncadd.s32 $0xFFFFEC00  }
0x8c: {  	[spmem:s21] =	stream.linear.scatter [tilespmem:s7], [sflag:$0x11], $0x1400, $0x38;
	[tilespmem:$0x1F080] =	vst v63  }
0x8d: {  	_ =	swait.ge [sflag:s20], $0x1400  }
0x8e: {  	[sflag:s20] =	ssyncset.done $0x0  }
0x8f: {  	s25 =	rddreg [dreg:$0x1f];
	[sflag:s20] =	ssyncadd.s32 $0xFFFFEC00  }
0x90: {  	[spmem:s25] =	stream.linear.scatter [tilespmem:s7], [sflag:$0x11], $0x1400, $0x38;
	[tilespmem:$0x1F080] =	vst v63  }
0x91: {  	_ =	swait.ge [sflag:s20], $0x1400  }
0x92: {  	s21 =	sld [smem:$0x7EA]  }
0x93: {  	[sflag:s20] =	ssyncset.done $0x0  }
0x94: {  	[sflag:s20] =	ssyncadd.s32 $0xFFFFEC00  }
0x95: {  	[spmem:s21] =	stream.linear.scatter [tilespmem:s7], [sflag:$0x11], $0x1400, $0x38;
	[tilespmem:$0x1F080] =	vst v63  }
0x96: {  	_ =	swait.ge [sflag:s20], $0x1400  }
0x97: {  	s25 =	sld [smem:$0x7EB]  }
0x98: {  	[sflag:s20] =	ssyncset.done $0x0  }
0x99: {  	[sflag:s20] =	ssyncadd.s32 $0xFFFFEC00  }
0x9a: {  	[spmem:s25] =	stream.linear.scatter [tilespmem:s7], [sflag:$0x11], $0x1400, $0x38;
	[tilespmem:$0x1F080] =	vst v63  }
0x9b: {  	_ =	swait.ge [sflag:s20], $0x1400  }
0x9c: {  	s21 =	sld [smem:$0x7EC]  }
0x9d: {  	[sflag:s20] =	ssyncset.done $0x0  }
0x9e: {  	[sflag:s20] =	ssyncadd.s32 $0xFFFFEC00  }
0x9f: {  	[spmem:s21] =	stream.linear.scatter [tilespmem:s7], [sflag:$0x11], $0x1400, $0x38;
	[tilespmem:$0x1F080] =	vst v63  }
0xa0: {  	_ =	swait.ge [sflag:s20], $0x1400  }
0xa1: {  	s25 =	sld [smem:$0x7ED]  }
0xa2: {  	[sflag:s20] =	ssyncset.done $0x0  }
0xa3: {  	[sflag:s20] =	ssyncadd.s32 $0xFFFFEC00  }
0xa4: {  	[spmem:s25] =	stream.linear.scatter [tilespmem:s7], [sflag:$0x11], $0x1400, $0x38;
	[tilespmem:$0x1F080] =	vst v63  }
0xa5: {  	_ =	swait.ge [sflag:s20], $0x1400  }
0xa6: {  	s7 =	sld [smem:$0x7EE]  }
0xa7: {  	[sflag:s20] =	ssyncset.done $0x0  }
0xa8: {  	s5 =	simm.s32 @!p0 $0xA400;
	[sflag:s20] =	ssyncadd.s32 $0xFFFFEC00  }
0xa9: {  	[spmem:s7] =	stream.linear.scatter @!p0 [tilespmem:s5], [sflag:$0x11], $0x1400, $0x38;
	[tilespmem:$0x1F080] =	vst v63  }
0xaa: {  	s5 =	simm.s32 @!p0 $0x11  }
0xab: {  	_ =	swait.ge @!p0 [sflag:s5], $0x1400  }
0xac: {  	[sflag:s5] =	ssyncset.done @!p0 $0x0  }
0xad: {  	[sflag:s5] =	ssyncadd.s32 @!p0 $0xFFFFEC00  }
0xae: {  	[bflag:$0x0] =	sbarrier.arrive $0xFFFF  }
0xaf: {  	s21 =	sld [smem:$0x7EF];
	_ =	sdelay $0x1  }
0xb0: {  	s28 =	simm.s32 $0x0;
	s25 =	sld [smem:$0x7F0]  }
0xb1: {  	[tilespmem:s28], [sflag:$0x1] =	stream.linear.gather [hbm4b:s21+s28], $0x50, $0x38;
	[tilespmem:$0x1F080] =	vst v63  }
0xb2: {  	s7 =	sld [smem:$0x7F1]  }
0xb3: {  	[tilespmem:s29], [sflag:$0x1] =	stream.linear.gather [hbm4b:s25+s28], $0x50, $0x38;
	[tilespmem:$0x1F080] =	vst v63  }
0xb4: {  	s21 =	sld [smem:$0x7F2]  }
0xb5: {  	[tilespmem:s10], [sflag:$0x5] =	stream.linear.gather [hbm4b:s7+s28], $0x2800, $0x38;
	[tilespmem:$0x1F080] =	vst v63  }
0xb6: {  	s25 =	simm.s32 $0x80  }
0xb7: {  	[tilespmem:s25], [sflag:$0x2] =	stream.linear.gather [hbm4b:s21+s28], $0x50, $0x38;
	[tilespmem:$0x1F080] =	vst v63  }
0xb8: {  	s21 =	sld [smem:$0x7F3];
	_ =	sdelay $0x1  }
0xb9: {  	s25 =	simm.s32 $0x280  }
0xba: {  	[tilespmem:s25], [sflag:$0x2] =	stream.linear.gather [hbm4b:s21+s28], $0x50, $0x38;
	[tilespmem:$0x1F080] =	vst v63  }
0xbb: {  	s21 =	sld [smem:$0x7F4];
	_ =	sdelay $0x1  }
0xbc: {  	s25 =	simm.s32 $0x2C00  }
0xbd: {  	[tilespmem:s25], [sflag:$0x6] =	stream.linear.gather [hbm4b:s21+s28], $0x2800, $0x38;
	[tilespmem:$0x1F080] =	vst v63  }
0xbe: {  	s21 =	sld [smem:$0x7F5];
	_ =	sdelay $0x1  }
0xbf: {  	s25 =	simm.s32 $0x100  }
0xc0: {  	[tilespmem:s25], [sflag:$0x3] =	stream.linear.gather [hbm4b:s21+s28], $0x50, $0x38;
	[tilespmem:$0x1F080] =	vst v63  }
0xc1: {  	s21 =	sld [smem:$0x7F6];
	_ =	sdelay $0x1  }
0xc2: {  	s25 =	simm.s32 $0x300  }
0xc3: {  	[tilespmem:s25], [sflag:$0x3] =	stream.linear.gather [hbm4b:s21+s28], $0x50, $0x38;
	[tilespmem:$0x1F080] =	vst v63  }
0xc4: {  	s21 =	sld [smem:$0x7F7];
	_ =	sdelay $0x1  }
0xc5: {  	s25 =	simm.s32 $0x5400  }
0xc6: {  	[tilespmem:s25], [sflag:$0x7] =	stream.linear.gather [hbm4b:s21+s28], $0x2800, $0x38;
	[tilespmem:$0x1F080] =	vst v63  }
0xc7: {  	_ =	swait.ge [sflag:s30], $0x50  }
0xc8: {  	[sflag:s30] =	ssyncset.done $0x0  }
0xc9: {  	[sflag:s30] =	ssyncadd.s32 $0xFFFFFFB0  }
0xca: {  	_ =	swait.ge [sflag:s30], $0x50  }
0xcb: {  	[sflag:s30] =	ssyncset.done $0x0  }
0xcc: {  	[sflag:s30] =	ssyncadd.s32 $0xFFFFFFB0  }
0xcd: {  	_ =	swait.ge [sflag:s31], $0x2800  }
0xce: {  	[sflag:s31] =	ssyncset.done $0x0  }
0xcf: {  	[sflag:s31] =	ssyncadd.s32 $0xFFFFD800  }
0xd0: {  	[tilespmem:s10], [sflag:$0x9] =	stream.indirect.gather.add.f32 [hbm:s14], $0x80, s28, s16, $0xb8;
	[tilespmem:$0x1F080] =	vst v63  }
.LBB2_4:
0xd1: {  	_ =	swait.ge [sflag:s0], $0x2800  }
0xd2: {  	[sflag:s0] =	ssyncset.done $0x0  }
0xd3: {  	[sflag:s0] =	ssyncadd.s32 $0xFFFFD800  }
0xd4: {  	_ =	swait.ge [sflag:s2], $0x50  }
0xd5: {  	[sflag:s2] =	ssyncset.done $0x0  }
0xd6: {  	[sflag:s2] =	ssyncadd.s32 $0xFFFFFFB0  }
0xd7: {  	_ =	swait.ge [sflag:s2], $0x50  }
0xd8: {  	[sflag:s2] =	ssyncset.done $0x0  }
0xd9: {  	[sflag:s2] =	ssyncadd.s32 $0xFFFFFFB0  }
0xda: {  	_ =	swait.ge [sflag:s3], $0x2800  }
0xdb: {  	[sflag:s3] =	ssyncset.done $0x0  }
0xdc: {  	s5 =	simm.s32 $0x80;
	s7 =	simm.s32 $0x2C00;
	[sflag:s3] =	ssyncadd.s32 $0xFFFFD800  }
0xdd: {  	[tilespmem:s7], [sflag:$0xA] =	stream.indirect.gather.add.f32 [hbm:s14], $0x80, s5, s16, $0xb8;
	[tilespmem:$0x1F080] =	vst v63  }
0xde: {  	s5 =	simm.s32 $0x500  }
0xdf: {  	v1 =	vld [tilespmem:s5+$0xFFFFFF10]  }
0xe0: {  	v7 =	vld [tilespmem:s5+$0xF0]  }
0xe1: {  	v2 =	vld [tilespmem:s5+$0xFFFFFF20]  }
0xe2: {  	v8 =	vld [tilespmem:s5+$0xFFFFFF80]  }
0xe3: {  	v3 =	vld [tilespmem:s5+$0xFFFFFF30]  }
0xe4: {  	v9 =	vld [tilespmem:s5+$0xFFFFFF90];
	v1 =	vmax.f32 v1, $0.0e+00  }
0xe5: {  	v4 =	vld [tilespmem:s5+$0xFFFFFF40];
	v7 =	vmax.f32 v7, $0.0e+00;
	[tilespmem:s5+$0xFFFFFF10] =	vst v1  }
0xe6: {  	v5 =	vld [tilespmem:s5+$0xFFFFFF50];
	v2 =	vmax.f32 v2, $0.0e+00;
	[tilespmem:s5+$0xF0] =	vst v7  }
0xe7: {  	v6 =	vld [tilespmem:s5+$0xFFFFFF60];
	[tilespmem:s5+$0xFFFFFF20] =	vst v2;
	v2 =	vmax.f32 v8, $0.0e+00  }
0xe8: {  	v1 =	vld [tilespmem:s5+$0xFFFFFF70];
	[tilespmem:s5+$0xFFFFFF80] =	vst v2;
	v2 =	vmax.f32 v3, $0.0e+00  }
0xe9: {  	v10 =	vld [tilespmem:s5+$0xFFFFFFA0];
	[tilespmem:s5+$0xFFFFFF30] =	vst v2;
	v2 =	vmax.f32 v9, $0.0e+00  }
0xea: {  	v11 =	vld [tilespmem:s5+$0xFFFFFFB0];
	[tilespmem:s5+$0xFFFFFF90] =	vst v2;
	v2 =	vmax.f32 v4, $0.0e+00  }
0xeb: {  	v7 =	vld [tilespmem:s5+$0xFFFFFFC0];
	[tilespmem:s5+$0xFFFFFF40] =	vst v2;
	v2 =	vmax.f32 v5, $0.0e+00  }
0xec: {  	v5 =	vld [tilespmem:s5+$0x0];
	[tilespmem:s5+$0xFFFFFF50] =	vst v2;
	v2 =	vmax.f32 v6, $0.0e+00  }
0xed: {  	v8 =	vld [tilespmem:s5+$0xFFFFFFD0];
	v1 =	vmax.f32 v1, $0.0e+00;
	[tilespmem:s5+$0xFFFFFF60] =	vst v2  }
0xee: {  	v2 =	vld [tilespmem:s5+$0x10];
	[tilespmem:s5+$0xFFFFFF70] =	vst v1;
	v1 =	vmax.f32 v10, $0.0e+00  }
0xef: {  	v3 =	vld [tilespmem:s5+$0xFFFFFFE0];
	[tilespmem:s5+$0xFFFFFFA0] =	vst v1;
	v1 =	vmax.f32 v11, $0.0e+00  }
0xf0: {  	v4 =	vld [tilespmem:s5+$0xFFFFFFF0];
	[tilespmem:s5+$0xFFFFFFB0] =	vst v1;
	v1 =	vmax.f32 v7, $0.0e+00  }
0xf1: {  	v6 =	vld [tilespmem:s5+$0x20];
	[tilespmem:s5+$0xFFFFFFC0] =	vst v1;
	v1 =	vmax.f32 v5, $0.0e+00  }
0xf2: {  	v5 =	vld [tilespmem:s5+$0x50];
	[tilespmem:s5+$0x0] =	vst v1;
	v1 =	vmax.f32 v8, $0.0e+00  }
0xf3: {  	v63 =	vld [tilespmem:s5+$0x30];
	[tilespmem:s5+$0xFFFFFFD0] =	vst v1;
	v1 =	vmax.f32 v2, $0.0e+00  }
0xf4: {  	v7 =	vld [tilespmem:s5+$0x40];
	[tilespmem:s5+$0x10] =	vst v1;
	v1 =	vmax.f32 v3, $0.0e+00  }
0xf5: {  	v2 =	vld [tilespmem:s5+$0x60];
	[tilespmem:s5+$0xFFFFFFE0] =	vst v1;
	v1 =	vmax.f32 v4, $0.0e+00  }
0xf6: {  	v3 =	vld [tilespmem:s5+$0x80];
	[tilespmem:s5+$0xFFFFFFF0] =	vst v1;
	v1 =	vmax.f32 v6, $0.0e+00  }
0xf7: {  	v4 =	vld [tilespmem:s5+$0x70];
	v5 =	vmax.f32 v5, $0.0e+00;
	[tilespmem:s5+$0x20] =	vst v1  }
0xf8: {  	v6 =	vld [tilespmem:s5+$0x90];
	v1 =	vmax.f32 v63, $0.0e+00;
	[tilespmem:s5+$0x50] =	vst v5  }
0xf9: {  	[tilespmem:s5+$0x30] =	vst v1;
	v1 =	vmax.f32 v7, $0.0e+00;
	v7 =	vld [tilespmem:s5+$0xA0]  }
0xfa: {  	v5 =	vmax.f32 v2, $0.0e+00;
	[tilespmem:s5+$0x40] =	vst v1;
	v1 =	vld [tilespmem:s5+$0xB0]  }
0xfb: {  	v2 =	vld [tilespmem:s5+$0xC0];
	[tilespmem:s5+$0x60] =	vst v5;
	v5 =	vmax.f32 v3, $0.0e+00  }
0xfc: {  	v3 =	vld [tilespmem:s5+$0xD0];
	v4 =	vmax.f32 v4, $0.0e+00;
	[tilespmem:s5+$0x80] =	vst v5  }
0xfd: {  	[tilespmem:s5+$0x70] =	vst v4;
	v6 =	vmax.f32 v6, $0.0e+00;
	v4 =	vld [tilespmem:s5+$0xE0]  }
0xfe: {  	s25 =	simm.s32 $0x700;
	s7 =	simm.s32 $0x0;
	v5 =	vld [tilespmem:s5+$0xFFFFFF00];
	[tilespmem:s5+$0x90] =	vst v6;
	v6 =	vmax.f32 v7, $0.0e+00  }
.LBB2_5:
0xff: {  	v7 =	vld [tilespmem:s25+$0xF0];
	s7 =	sadd.s32 $0x4, s7;
	[tilespmem:s5+$0xA0] =	vst v6;
	v1 =	vmax.f32 v1, $0.0e+00  }
0x100: {  	v6 =	vld [tilespmem:s25+$0xFFFFFF10];
	p1 =	slt.u32 s7, $0x4C;
	[tilespmem:s5+$0xB0] =	vst v1;
	v1 =	vmax.f32 v2, $0.0e+00  }
0x101: {  	v2 =	vld [tilespmem:s25+$0xFFFFFF20];
	[tilespmem:s5+$0xC0] =	vst v1;
	v1 =	vmax.f32 v3, $0.0e+00  }
0x102: {  	v3 =	vld [tilespmem:s25+$0xFFFFFF30];
	[tilespmem:s5+$0xD0] =	vst v1;
	v1 =	vmax.f32 v4, $0.0e+00  }
0x103: {  	v4 =	vld [tilespmem:s25+$0xFFFFFF40];
	v5 =	vmax.f32 v5, $0.0e+00;
	[tilespmem:s5+$0xE0] =	vst v1  }
0x104: {  	v1 =	vld [tilespmem:s25+$0xFFFFFF50];
	v7 =	vmax.f32 v7, $0.0e+00;
	[tilespmem:s5+$0xFFFFFF00] =	vst v5;
	s5 =	smov.u32 s25  }
0x105: {  	v5 =	vmax.f32 v6, $0.0e+00;
	v6 =	vld [tilespmem:s25+$0xFFFFFF60];
	[tilespmem:s25+$0xF0] =	vst v7  }
0x106: {  	[tilespmem:s25+$0xFFFFFF10] =	vst v5;
	v2 =	vmax.f32 v2, $0.0e+00;
	v5 =	vld [tilespmem:s25+$0xFFFFFF70]  }
0x107: {  	[tilespmem:s25+$0xFFFFFF20] =	vst v2;
	v2 =	vmax.f32 v3, $0.0e+00;
	v3 =	vld [tilespmem:s25+$0xFFFFFF80]  }
0x108: {  	[tilespmem:s25+$0xFFFFFF30] =	vst v2;
	v2 =	vmax.f32 v4, $0.0e+00;
	v4 =	vld [tilespmem:s25+$0xFFFFFF90]  }
0x109: {  	[tilespmem:s25+$0xFFFFFF40] =	vst v2;
	v1 =	vmax.f32 v1, $0.0e+00;
	v2 =	vld [tilespmem:s25+$0xFFFFFFA0]  }
0x10a: {  	[tilespmem:s25+$0xFFFFFF50] =	vst v1;
	v1 =	vmax.f32 v6, $0.0e+00;
	v6 =	vld [tilespmem:s25+$0xFFFFFFB0]  }
0x10b: {  	[tilespmem:s25+$0xFFFFFF60] =	vst v1;
	v1 =	vmax.f32 v5, $0.0e+00;
	v5 =	vld [tilespmem:s25+$0xFFFFFFC0]  }
0x10c: {  	[tilespmem:s25+$0xFFFFFF70] =	vst v1;
	v1 =	vmax.f32 v3, $0.0e+00;
	v3 =	vld [tilespmem:s25+$0xFFFFFFD0]  }
0x10d: {  	[tilespmem:s25+$0xFFFFFF80] =	vst v1;
	v1 =	vmax.f32 v4, $0.0e+00;
	v4 =	vld [tilespmem:s25+$0xFFFFFFE0]  }
0x10e: {  	[tilespmem:s25+$0xFFFFFF90] =	vst v1;
	v1 =	vmax.f32 v2, $0.0e+00;
	v2 =	vld [tilespmem:s25+$0xFFFFFFF0]  }
0x10f: {  	[tilespmem:s25+$0xFFFFFFA0] =	vst v1;
	v1 =	vmax.f32 v6, $0.0e+00;
	v6 =	vld [tilespmem:s25+$0x0]  }
0x110: {  	[tilespmem:s25+$0xFFFFFFB0] =	vst v1;
	v1 =	vmax.f32 v5, $0.0e+00;
	v5 =	vld [tilespmem:s25+$0x10]  }
0x111: {  	[tilespmem:s25+$0xFFFFFFC0] =	vst v1;
	v1 =	vmax.f32 v3, $0.0e+00;
	v3 =	vld [tilespmem:s25+$0x20]  }
0x112: {  	[tilespmem:s25+$0xFFFFFFD0] =	vst v1;
	v1 =	vmax.f32 v4, $0.0e+00;
	v4 =	vld [tilespmem:s25+$0x30]  }
0x113: {  	[tilespmem:s25+$0xFFFFFFE0] =	vst v1;
	v1 =	vmax.f32 v2, $0.0e+00;
	v2 =	vld [tilespmem:s25+$0x40]  }
0x114: {  	[tilespmem:s25+$0xFFFFFFF0] =	vst v1;
	v1 =	vmax.f32 v6, $0.0e+00;
	v6 =	vld [tilespmem:s25+$0x50]  }
0x115: {  	[tilespmem:s25+$0x0] =	vst v1;
	v1 =	vmax.f32 v5, $0.0e+00;
	v5 =	vld [tilespmem:s25+$0x60]  }
0x116: {  	[tilespmem:s25+$0x10] =	vst v1;
	v1 =	vmax.f32 v3, $0.0e+00;
	v3 =	vld [tilespmem:s25+$0x70]  }
0x117: {  	[tilespmem:s25+$0x20] =	vst v1;
	v1 =	vmax.f32 v4, $0.0e+00;
	v4 =	vld [tilespmem:s25+$0x80]  }
0x118: {  	[tilespmem:s25+$0x30] =	vst v1;
	v1 =	vmax.f32 v2, $0.0e+00;
	v7 =	vld [tilespmem:s25+$0x90]  }
0x119: {  	[tilespmem:s25+$0x40] =	vst v1;
	v1 =	vmax.f32 v6, $0.0e+00;
	v6 =	vld [tilespmem:s25+$0xA0]  }
.Ltmp1:
0x11a: {  	[tilespmem:s25+$0x50] =	vst v1;
	v2 =	vmax.f32 v5, $0.0e+00;
	v1 =	vld [tilespmem:s25+$0xB0];
	(pc) =	sbr.rel @p1 .LBB2_5-.Ltmp1, $4  }
0x11b: {  	[tilespmem:s25+$0x60] =	vst v2;
	v3 =	vmax.f32 v3, $0.0e+00;
	v2 =	vld [tilespmem:s25+$0xC0]  }
0x11c: {  	[tilespmem:s25+$0x70] =	vst v3;
	v4 =	vmax.f32 v4, $0.0e+00;
	v3 =	vld [tilespmem:s25+$0xD0]  }
0x11d: {  	[tilespmem:s25+$0x80] =	vst v4;
	v7 =	vmax.f32 v7, $0.0e+00;
	v4 =	vld [tilespmem:s25+$0xE0]  }
0x11e: {  	s25 =	sadd.s32 $0x200, s25;
	v5 =	vld [tilespmem:s5+$0xFFFFFF00];
	[tilespmem:s5+$0x90] =	vst v7;
	v6 =	vmax.f32 v6, $0.0e+00  }
0x11f: {  	[tilespmem:s5+$0xA0] =	vst v6;
	v1 =	vmax.f32 v1, $0.0e+00  }
0x120: {  	[tilespmem:s5+$0xB0] =	vst v1;
	v1 =	vmax.f32 v2, $0.0e+00  }
0x121: {  	[tilespmem:s5+$0xC0] =	vst v1;
	v1 =	vmax.f32 v3, $0.0e+00  }
0x122: {  	[tilespmem:s5+$0xD0] =	vst v1;
	v1 =	vmax.f32 v4, $0.0e+00  }
0x123: {  	p1 =	seq.s32 s28, $0x0;
	v2 =	vmax.f32 v5, $0.0e+00;
	[tilespmem:s5+$0xE0] =	vst v1  }
0x124: {  	s7 =	simm.s32 @!p1 $0x10;
	[tilespmem:s5+$0xFFFFFF00] =	vst v2  }
0x125: {  	[spmem:s19] =	stream.indirect.scatter.add.f32 [tilespmem:s10], [sflag:$0xD], $0x80, s29, s16, $0xb8;
	[tilespmem:$0x1F080] =	vst v63  }
0x126: {  	s5 =	smul.u32 @!p1 $0x140, s28;
	_ =	swait.ge @!p1 [sflag:s7], $0x2800  }
0x127: {  	s21 =	sld [smem:$0x7FC]  }
0x128: {  	s5 =	sadd.s32 @!p1 $0xF0, s5  }
0x129: {  	s5 =	simm.s32 @p1 $0xF0  }
0x12a: {  	s5 =	sadd.s32 s21, s5  }
0x12b: {  	[sflag:s7] =	ssyncset.done @!p1 $0x0;
	s21 =	sshll.u32 s5, $0x4  }
0x12c: {  	[sflag:s7] =	ssyncadd.s32 @!p1 $0xFFFFD800;
	s5 =	sshrl.u32 s5, $0x3;
	s25 =	sadd.s32 s23, s21  }
0x12d: {  	[tilespmem:s4], [sflag:$0x8] =	stream.linear.gather [hbm4b:s25+s1], $0x2800, $0x38;
	[tilespmem:$0x1F080] =	vst v63  }
0x12e: {  	s21 =	sadd.s32 s22, s5;
	s25 =	simm.s32 $0x180  }
0x12f: {  	[tilespmem:s25], [sflag:$0x4] =	stream.linear.gather [hbm4b:s21+s1], $0x50, $0x38;
	[tilespmem:$0x1F080] =	vst v63  }
0x130: {  	s5 =	sadd.s32 s17, s5;
	s25 =	simm.s32 $0x380  }
0x131: {  	[tilespmem:s25], [sflag:$0x4] =	stream.linear.gather [hbm4b:s5+s1], $0x50, $0x38;
	[tilespmem:$0x1F080] =	vst v63  }
0x132: {  	_ =	swait.ge [sflag:s8], $0x2800  }
0x133: {  	[sflag:s8] =	ssyncset.done $0x0  }
0x134: {  	[sflag:s8] =	ssyncadd.s32 $0xFFFFD800  }
0x135: {  	_ =	swait.ge [sflag:s9], $0x50  }
0x136: {  	[sflag:s9] =	ssyncset.done $0x0  }
0x137: {  	[sflag:s9] =	ssyncadd.s32 $0xFFFFFFB0  }
0x138: {  	_ =	swait.ge [sflag:s9], $0x50  }
0x139: {  	[sflag:s9] =	ssyncset.done $0x0  }
0x13a: {  	[sflag:s9] =	ssyncadd.s32 $0xFFFFFFB0  }
0x13b: {  	_ =	swait.ge [sflag:s11], $0x2800  }
0x13c: {  	s21 =	simm.s32 $0x100;
	[sflag:s11] =	ssyncset.done $0x0  }
0x13d: {  	s25 =	simm.s32 $0x5400;
	s5 =	simm.s32 $0x2D00;
	[sflag:s11] =	ssyncadd.s32 $0xFFFFD800  }
0x13e: {  	[tilespmem:s25], [sflag:$0xB] =	stream.indirect.gather.add.f32 [hbm:s14], $0x80, s21, s16, $0xb8;
	[tilespmem:$0x1F080] =	vst v63  }
0x13f: {  	v1 =	vld [tilespmem:s5+$0xFFFFFF10]  }
0x140: {  	v7 =	vld [tilespmem:s5+$0xF0]  }
0x141: {  	v2 =	vld [tilespmem:s5+$0xFFFFFF20]  }
0x142: {  	v8 =	vld [tilespmem:s5+$0xFFFFFF80]  }
0x143: {  	v3 =	vld [tilespmem:s5+$0xFFFFFF30]  }
0x144: {  	v9 =	vld [tilespmem:s5+$0xFFFFFF90];
	v1 =	vmax.f32 v1, $0.0e+00  }
0x145: {  	v4 =	vld [tilespmem:s5+$0xFFFFFF40];
	v7 =	vmax.f32 v7, $0.0e+00;
	[tilespmem:s5+$0xFFFFFF10] =	vst v1  }
0x146: {  	v5 =	vld [tilespmem:s5+$0xFFFFFF50];
	v2 =	vmax.f32 v2, $0.0e+00;
	[tilespmem:s5+$0xF0] =	vst v7  }
0x147: {  	v6 =	vld [tilespmem:s5+$0xFFFFFF60];
	[tilespmem:s5+$0xFFFFFF20] =	vst v2;
	v2 =	vmax.f32 v8, $0.0e+00  }
0x148: {  	v1 =	vld [tilespmem:s5+$0xFFFFFF70];
	[tilespmem:s5+$0xFFFFFF80] =	vst v2;
	v2 =	vmax.f32 v3, $0.0e+00  }
0x149: {  	v10 =	vld [tilespmem:s5+$0xFFFFFFA0];
	[tilespmem:s5+$0xFFFFFF30] =	vst v2;
	v2 =	vmax.f32 v9, $0.0e+00  }
0x14a: {  	v11 =	vld [tilespmem:s5+$0xFFFFFFB0];
	[tilespmem:s5+$0xFFFFFF90] =	vst v2;
	v2 =	vmax.f32 v4, $0.0e+00  }
0x14b: {  	v7 =	vld [tilespmem:s5+$0xFFFFFFC0];
	[tilespmem:s5+$0xFFFFFF40] =	vst v2;
	v2 =	vmax.f32 v5, $0.0e+00  }
0x14c: {  	v5 =	vld [tilespmem:s5+$0x0];
	[tilespmem:s5+$0xFFFFFF50] =	vst v2;
	v2 =	vmax.f32 v6, $0.0e+00  }
0x14d: {  	v8 =	vld [tilespmem:s5+$0xFFFFFFD0];
	v1 =	vmax.f32 v1, $0.0e+00;
	[tilespmem:s5+$0xFFFFFF60] =	vst v2  }
0x14e: {  	v2 =	vld [tilespmem:s5+$0x10];
	[tilespmem:s5+$0xFFFFFF70] =	vst v1;
	v1 =	vmax.f32 v10, $0.0e+00  }
0x14f: {  	v3 =	vld [tilespmem:s5+$0xFFFFFFE0];
	[tilespmem:s5+$0xFFFFFFA0] =	vst v1;
	v1 =	vmax.f32 v11, $0.0e+00  }
0x150: {  	v4 =	vld [tilespmem:s5+$0xFFFFFFF0];
	[tilespmem:s5+$0xFFFFFFB0] =	vst v1;
	v1 =	vmax.f32 v7, $0.0e+00  }
0x151: {  	v6 =	vld [tilespmem:s5+$0x20];
	[tilespmem:s5+$0xFFFFFFC0] =	vst v1;
	v1 =	vmax.f32 v5, $0.0e+00  }
0x152: {  	v5 =	vld [tilespmem:s5+$0x50];
	[tilespmem:s5+$0x0] =	vst v1;
	v1 =	vmax.f32 v8, $0.0e+00  }
0x153: {  	v63 =	vld [tilespmem:s5+$0x30];
	[tilespmem:s5+$0xFFFFFFD0] =	vst v1;
	v1 =	vmax.f32 v2, $0.0e+00  }
0x154: {  	v7 =	vld [tilespmem:s5+$0x40];
	[tilespmem:s5+$0x10] =	vst v1;
	v1 =	vmax.f32 v3, $0.0e+00  }
0x155: {  	v2 =	vld [tilespmem:s5+$0x60];
	[tilespmem:s5+$0xFFFFFFE0] =	vst v1;
	v1 =	vmax.f32 v4, $0.0e+00  }
0x156: {  	v3 =	vld [tilespmem:s5+$0x80];
	[tilespmem:s5+$0xFFFFFFF0] =	vst v1;
	v1 =	vmax.f32 v6, $0.0e+00  }
0x157: {  	v4 =	vld [tilespmem:s5+$0x70];
	v5 =	vmax.f32 v5, $0.0e+00;
	[tilespmem:s5+$0x20] =	vst v1  }
0x158: {  	v6 =	vld [tilespmem:s5+$0x90];
	v1 =	vmax.f32 v63, $0.0e+00;
	[tilespmem:s5+$0x50] =	vst v5  }
0x159: {  	[tilespmem:s5+$0x30] =	vst v1;
	v1 =	vmax.f32 v7, $0.0e+00;
	v7 =	vld [tilespmem:s5+$0xA0]  }
0x15a: {  	v5 =	vmax.f32 v2, $0.0e+00;
	[tilespmem:s5+$0x40] =	vst v1;
	v1 =	vld [tilespmem:s5+$0xB0]  }
0x15b: {  	v2 =	vld [tilespmem:s5+$0xC0];
	[tilespmem:s5+$0x60] =	vst v5;
	v5 =	vmax.f32 v3, $0.0e+00  }
0x15c: {  	v3 =	vld [tilespmem:s5+$0xD0];
	v4 =	vmax.f32 v4, $0.0e+00;
	[tilespmem:s5+$0x80] =	vst v5  }
0x15d: {  	[tilespmem:s5+$0x70] =	vst v4;
	v6 =	vmax.f32 v6, $0.0e+00;
	v4 =	vld [tilespmem:s5+$0xE0]  }
0x15e: {  	s7 =	simm.s32 $0x0;
	s25 =	simm.s32 $0x2F00;
	v5 =	vld [tilespmem:s5+$0xFFFFFF00];
	[tilespmem:s5+$0x90] =	vst v6;
	v6 =	vmax.f32 v7, $0.0e+00  }
.LBB2_7:
0x15f: {  	v7 =	vld [tilespmem:s25+$0xF0];
	s7 =	sadd.s32 $0x4, s7;
	[tilespmem:s5+$0xA0] =	vst v6;
	v1 =	vmax.f32 v1, $0.0e+00  }
0x160: {  	v6 =	vld [tilespmem:s25+$0xFFFFFF10];
	p1 =	slt.u32 s7, $0x4C;
	[tilespmem:s5+$0xB0] =	vst v1;
	v1 =	vmax.f32 v2, $0.0e+00  }
0x161: {  	v2 =	vld [tilespmem:s25+$0xFFFFFF20];
	[tilespmem:s5+$0xC0] =	vst v1;
	v1 =	vmax.f32 v3, $0.0e+00  }
0x162: {  	v3 =	vld [tilespmem:s25+$0xFFFFFF30];
	[tilespmem:s5+$0xD0] =	vst v1;
	v1 =	vmax.f32 v4, $0.0e+00  }
0x163: {  	v4 =	vld [tilespmem:s25+$0xFFFFFF40];
	v5 =	vmax.f32 v5, $0.0e+00;
	[tilespmem:s5+$0xE0] =	vst v1  }
0x164: {  	v1 =	vld [tilespmem:s25+$0xFFFFFF50];
	v7 =	vmax.f32 v7, $0.0e+00;
	[tilespmem:s5+$0xFFFFFF00] =	vst v5;
	s5 =	smov.u32 s25  }
0x165: {  	v5 =	vmax.f32 v6, $0.0e+00;
	v6 =	vld [tilespmem:s25+$0xFFFFFF60];
	[tilespmem:s25+$0xF0] =	vst v7  }
0x166: {  	[tilespmem:s25+$0xFFFFFF10] =	vst v5;
	v2 =	vmax.f32 v2, $0.0e+00;
	v5 =	vld [tilespmem:s25+$0xFFFFFF70]  }
0x167: {  	[tilespmem:s25+$0xFFFFFF20] =	vst v2;
	v2 =	vmax.f32 v3, $0.0e+00;
	v3 =	vld [tilespmem:s25+$0xFFFFFF80]  }
0x168: {  	[tilespmem:s25+$0xFFFFFF30] =	vst v2;
	v2 =	vmax.f32 v4, $0.0e+00;
	v4 =	vld [tilespmem:s25+$0xFFFFFF90]  }
0x169: {  	[tilespmem:s25+$0xFFFFFF40] =	vst v2;
	v1 =	vmax.f32 v1, $0.0e+00;
	v2 =	vld [tilespmem:s25+$0xFFFFFFA0]  }
0x16a: {  	[tilespmem:s25+$0xFFFFFF50] =	vst v1;
	v1 =	vmax.f32 v6, $0.0e+00;
	v6 =	vld [tilespmem:s25+$0xFFFFFFB0]  }
0x16b: {  	[tilespmem:s25+$0xFFFFFF60] =	vst v1;
	v1 =	vmax.f32 v5, $0.0e+00;
	v5 =	vld [tilespmem:s25+$0xFFFFFFC0]  }
0x16c: {  	[tilespmem:s25+$0xFFFFFF70] =	vst v1;
	v1 =	vmax.f32 v3, $0.0e+00;
	v3 =	vld [tilespmem:s25+$0xFFFFFFD0]  }
0x16d: {  	[tilespmem:s25+$0xFFFFFF80] =	vst v1;
	v1 =	vmax.f32 v4, $0.0e+00;
	v4 =	vld [tilespmem:s25+$0xFFFFFFE0]  }
0x16e: {  	[tilespmem:s25+$0xFFFFFF90] =	vst v1;
	v1 =	vmax.f32 v2, $0.0e+00;
	v2 =	vld [tilespmem:s25+$0xFFFFFFF0]  }
0x16f: {  	[tilespmem:s25+$0xFFFFFFA0] =	vst v1;
	v1 =	vmax.f32 v6, $0.0e+00;
	v6 =	vld [tilespmem:s25+$0x0]  }
0x170: {  	[tilespmem:s25+$0xFFFFFFB0] =	vst v1;
	v1 =	vmax.f32 v5, $0.0e+00;
	v5 =	vld [tilespmem:s25+$0x10]  }
0x171: {  	[tilespmem:s25+$0xFFFFFFC0] =	vst v1;
	v1 =	vmax.f32 v3, $0.0e+00;
	v3 =	vld [tilespmem:s25+$0x20]  }
0x172: {  	[tilespmem:s25+$0xFFFFFFD0] =	vst v1;
	v1 =	vmax.f32 v4, $0.0e+00;
	v4 =	vld [tilespmem:s25+$0x30]  }
0x173: {  	[tilespmem:s25+$0xFFFFFFE0] =	vst v1;
	v1 =	vmax.f32 v2, $0.0e+00;
	v2 =	vld [tilespmem:s25+$0x40]  }
0x174: {  	[tilespmem:s25+$0xFFFFFFF0] =	vst v1;
	v1 =	vmax.f32 v6, $0.0e+00;
	v6 =	vld [tilespmem:s25+$0x50]  }
0x175: {  	[tilespmem:s25+$0x0] =	vst v1;
	v1 =	vmax.f32 v5, $0.0e+00;
	v5 =	vld [tilespmem:s25+$0x60]  }
0x176: {  	[tilespmem:s25+$0x10] =	vst v1;
	v1 =	vmax.f32 v3, $0.0e+00;
	v3 =	vld [tilespmem:s25+$0x70]  }
0x177: {  	[tilespmem:s25+$0x20] =	vst v1;
	v1 =	vmax.f32 v4, $0.0e+00;
	v4 =	vld [tilespmem:s25+$0x80]  }
0x178: {  	[tilespmem:s25+$0x30] =	vst v1;
	v1 =	vmax.f32 v2, $0.0e+00;
	v7 =	vld [tilespmem:s25+$0x90]  }
0x179: {  	[tilespmem:s25+$0x40] =	vst v1;
	v1 =	vmax.f32 v6, $0.0e+00;
	v6 =	vld [tilespmem:s25+$0xA0]  }
.Ltmp2:
0x17a: {  	[tilespmem:s25+$0x50] =	vst v1;
	v2 =	vmax.f32 v5, $0.0e+00;
	v1 =	vld [tilespmem:s25+$0xB0];
	(pc) =	sbr.rel @p1 .LBB2_7-.Ltmp2, $4  }
0x17b: {  	[tilespmem:s25+$0x60] =	vst v2;
	v3 =	vmax.f32 v3, $0.0e+00;
	v2 =	vld [tilespmem:s25+$0xC0]  }
0x17c: {  	[tilespmem:s25+$0x70] =	vst v3;
	v4 =	vmax.f32 v4, $0.0e+00;
	v3 =	vld [tilespmem:s25+$0xD0]  }
0x17d: {  	[tilespmem:s25+$0x80] =	vst v4;
	v7 =	vmax.f32 v7, $0.0e+00;
	v4 =	vld [tilespmem:s25+$0xE0]  }
0x17e: {  	s25 =	sadd.s32 $0x200, s25;
	v5 =	vld [tilespmem:s5+$0xFFFFFF00];
	[tilespmem:s5+$0x90] =	vst v7;
	v6 =	vmax.f32 v6, $0.0e+00  }
0x17f: {  	[tilespmem:s5+$0xA0] =	vst v6;
	v1 =	vmax.f32 v1, $0.0e+00  }
0x180: {  	[tilespmem:s5+$0xB0] =	vst v1;
	v1 =	vmax.f32 v2, $0.0e+00  }
0x181: {  	[tilespmem:s5+$0xC0] =	vst v1;
	v1 =	vmax.f32 v3, $0.0e+00  }
0x182: {  	[tilespmem:s5+$0xD0] =	vst v1;
	v1 =	vmax.f32 v4, $0.0e+00  }
0x183: {  	v2 =	vmax.f32 v5, $0.0e+00;
	[tilespmem:s5+$0xE0] =	vst v1  }
0x184: {  	s7 =	simm.s32 $0x280;
	s21 =	simm.s32 $0x2C00;
	[tilespmem:s5+$0xFFFFFF00] =	vst v2  }
0x185: {  	[spmem:s19] =	stream.indirect.scatter.add.f32 [tilespmem:s21], [sflag:$0xE], $0x80, s7, s16, $0xb8;
	[tilespmem:$0x1F080] =	vst v63  }
0x186: {  	_ =	swait.ge [sflag:s24], $0x2800  }
0x187: {  	s21 =	sld [smem:$0x7FA]  }
0x188: {  	s5 =	smul.u32 $0x140, s28;
	_ =	sdelay $0x1  }
0x189: {  	s7 =	sadd.s32 s5, s21  }
0x18a: {  	[sflag:s24] =	ssyncset.done $0x0;
	s25 =	sshll.u32 s7, $0x4  }
0x18b: {  	[sflag:s24] =	ssyncadd.s32 $0xFFFFD800;
	s7 =	sshrl.u32 s7, $0x3;
	s21 =	sadd.s32 s23, s25  }
0x18c: {  	[tilespmem:s10], [sflag:$0x5] =	stream.linear.gather [hbm4b:s21+s1], $0x2800, $0x38;
	[tilespmem:$0x1F080] =	vst v63  }
0x18d: {  	s25 =	sadd.s32 s22, s7  }
0x18e: {  	[tilespmem:s1], [sflag:$0x1] =	stream.linear.gather [hbm4b:s25+s1], $0x50, $0x38;
	[tilespmem:$0x1F080] =	vst v63  }
0x18f: {  	s7 =	sadd.s32 s17, s7  }
0x190: {  	[tilespmem:s29], [sflag:$0x1] =	stream.linear.gather [hbm4b:s7+s1], $0x50, $0x38;
	[tilespmem:$0x1F080] =	vst v63  }
0x191: {  	_ =	swait.ge [sflag:s18], $0x2800  }
0x192: {  	[sflag:s18] =	ssyncset.done $0x0  }
0x193: {  	[sflag:s18] =	ssyncadd.s32 $0xFFFFD800  }
0x194: {  	_ =	swait.ge [sflag:s15], $0x50  }
0x195: {  	[sflag:s15] =	ssyncset.done $0x0  }
0x196: {  	[sflag:s15] =	ssyncadd.s32 $0xFFFFFFB0  }
0x197: {  	_ =	swait.ge [sflag:s15], $0x50  }
0x198: {  	[sflag:s15] =	ssyncset.done $0x0  }
0x199: {  	[sflag:s15] =	ssyncadd.s32 $0xFFFFFFB0  }
0x19a: {  	_ =	swait.ge [sflag:s6], $0x2800  }
0x19b: {  	[sflag:s6] =	ssyncset.done $0x0  }
0x19c: {  	s29 =	simm.s32 $0x180;
	s7 =	simm.s32 $0x5500;
	[sflag:s6] =	ssyncadd.s32 $0xFFFFD800  }
0x19d: {  	[tilespmem:s4], [sflag:$0xC] =	stream.indirect.gather.add.f32 [hbm:s14], $0x80, s29, s16, $0xb8;
	[tilespmem:$0x1F080] =	vst v63  }
0x19e: {  	v1 =	vld [tilespmem:s7+$0xFFFFFF10]  }
0x19f: {  	v7 =	vld [tilespmem:s7+$0xF0]  }
0x1a0: {  	v2 =	vld [tilespmem:s7+$0xFFFFFF20]  }
0x1a1: {  	v8 =	vld [tilespmem:s7+$0xFFFFFF80]  }
0x1a2: {  	v3 =	vld [tilespmem:s7+$0xFFFFFF30]  }
0x1a3: {  	v9 =	vld [tilespmem:s7+$0xFFFFFF90];
	v1 =	vmax.f32 v1, $0.0e+00  }
0x1a4: {  	v4 =	vld [tilespmem:s7+$0xFFFFFF40];
	v7 =	vmax.f32 v7, $0.0e+00;
	[tilespmem:s7+$0xFFFFFF10] =	vst v1  }
0x1a5: {  	v5 =	vld [tilespmem:s7+$0xFFFFFF50];
	v2 =	vmax.f32 v2, $0.0e+00;
	[tilespmem:s7+$0xF0] =	vst v7  }
0x1a6: {  	v6 =	vld [tilespmem:s7+$0xFFFFFF60];
	[tilespmem:s7+$0xFFFFFF20] =	vst v2;
	v2 =	vmax.f32 v8, $0.0e+00  }
0x1a7: {  	v1 =	vld [tilespmem:s7+$0xFFFFFF70];
	[tilespmem:s7+$0xFFFFFF80] =	vst v2;
	v2 =	vmax.f32 v3, $0.0e+00  }
0x1a8: {  	v10 =	vld [tilespmem:s7+$0xFFFFFFA0];
	[tilespmem:s7+$0xFFFFFF30] =	vst v2;
	v2 =	vmax.f32 v9, $0.0e+00  }
0x1a9: {  	v11 =	vld [tilespmem:s7+$0xFFFFFFB0];
	[tilespmem:s7+$0xFFFFFF90] =	vst v2;
	v2 =	vmax.f32 v4, $0.0e+00  }
0x1aa: {  	v7 =	vld [tilespmem:s7+$0xFFFFFFC0];
	[tilespmem:s7+$0xFFFFFF40] =	vst v2;
	v2 =	vmax.f32 v5, $0.0e+00  }
0x1ab: {  	v5 =	vld [tilespmem:s7+$0x0];
	[tilespmem:s7+$0xFFFFFF50] =	vst v2;
	v2 =	vmax.f32 v6, $0.0e+00  }
0x1ac: {  	v8 =	vld [tilespmem:s7+$0xFFFFFFD0];
	v1 =	vmax.f32 v1, $0.0e+00;
	[tilespmem:s7+$0xFFFFFF60] =	vst v2  }
0x1ad: {  	v2 =	vld [tilespmem:s7+$0x10];
	[tilespmem:s7+$0xFFFFFF70] =	vst v1;
	v1 =	vmax.f32 v10, $0.0e+00  }
0x1ae: {  	v3 =	vld [tilespmem:s7+$0xFFFFFFE0];
	[tilespmem:s7+$0xFFFFFFA0] =	vst v1;
	v1 =	vmax.f32 v11, $0.0e+00  }
0x1af: {  	v4 =	vld [tilespmem:s7+$0xFFFFFFF0];
	[tilespmem:s7+$0xFFFFFFB0] =	vst v1;
	v1 =	vmax.f32 v7, $0.0e+00  }
0x1b0: {  	v6 =	vld [tilespmem:s7+$0x20];
	[tilespmem:s7+$0xFFFFFFC0] =	vst v1;
	v1 =	vmax.f32 v5, $0.0e+00  }
0x1b1: {  	v5 =	vld [tilespmem:s7+$0x50];
	[tilespmem:s7+$0x0] =	vst v1;
	v1 =	vmax.f32 v8, $0.0e+00  }
0x1b2: {  	v63 =	vld [tilespmem:s7+$0x30];
	[tilespmem:s7+$0xFFFFFFD0] =	vst v1;
	v1 =	vmax.f32 v2, $0.0e+00  }
0x1b3: {  	v7 =	vld [tilespmem:s7+$0x40];
	[tilespmem:s7+$0x10] =	vst v1;
	v1 =	vmax.f32 v3, $0.0e+00  }
0x1b4: {  	v2 =	vld [tilespmem:s7+$0x60];
	[tilespmem:s7+$0xFFFFFFE0] =	vst v1;
	v1 =	vmax.f32 v4, $0.0e+00  }
0x1b5: {  	v3 =	vld [tilespmem:s7+$0x80];
	[tilespmem:s7+$0xFFFFFFF0] =	vst v1;
	v1 =	vmax.f32 v6, $0.0e+00  }
0x1b6: {  	v4 =	vld [tilespmem:s7+$0x70];
	v5 =	vmax.f32 v5, $0.0e+00;
	[tilespmem:s7+$0x20] =	vst v1  }
0x1b7: {  	v6 =	vld [tilespmem:s7+$0x90];
	v1 =	vmax.f32 v63, $0.0e+00;
	[tilespmem:s7+$0x50] =	vst v5  }
0x1b8: {  	[tilespmem:s7+$0x30] =	vst v1;
	v1 =	vmax.f32 v7, $0.0e+00;
	v7 =	vld [tilespmem:s7+$0xA0]  }
0x1b9: {  	v5 =	vmax.f32 v2, $0.0e+00;
	[tilespmem:s7+$0x40] =	vst v1;
	v1 =	vld [tilespmem:s7+$0xB0]  }
0x1ba: {  	v2 =	vld [tilespmem:s7+$0xC0];
	[tilespmem:s7+$0x60] =	vst v5;
	v5 =	vmax.f32 v3, $0.0e+00  }
0x1bb: {  	v3 =	vld [tilespmem:s7+$0xD0];
	v4 =	vmax.f32 v4, $0.0e+00;
	[tilespmem:s7+$0x80] =	vst v5  }
0x1bc: {  	[tilespmem:s7+$0x70] =	vst v4;
	v6 =	vmax.f32 v6, $0.0e+00;
	v4 =	vld [tilespmem:s7+$0xE0]  }
0x1bd: {  	s21 =	simm.s32 $0x5700;
	s25 =	simm.s32 $0x0;
	v5 =	vld [tilespmem:s7+$0xFFFFFF00];
	[tilespmem:s7+$0x90] =	vst v6;
	v6 =	vmax.f32 v7, $0.0e+00  }
.LBB2_9:
0x1be: {  	v7 =	vld [tilespmem:s21+$0xF0];
	s25 =	sadd.s32 $0x4, s25;
	[tilespmem:s7+$0xA0] =	vst v6;
	v1 =	vmax.f32 v1, $0.0e+00  }
0x1bf: {  	v6 =	vld [tilespmem:s21+$0xFFFFFF10];
	p1 =	slt.u32 s25, $0x4C;
	[tilespmem:s7+$0xB0] =	vst v1;
	v1 =	vmax.f32 v2, $0.0e+00  }
0x1c0: {  	v2 =	vld [tilespmem:s21+$0xFFFFFF20];
	[tilespmem:s7+$0xC0] =	vst v1;
	v1 =	vmax.f32 v3, $0.0e+00  }
0x1c1: {  	v3 =	vld [tilespmem:s21+$0xFFFFFF30];
	[tilespmem:s7+$0xD0] =	vst v1;
	v1 =	vmax.f32 v4, $0.0e+00  }
0x1c2: {  	v4 =	vld [tilespmem:s21+$0xFFFFFF40];
	v5 =	vmax.f32 v5, $0.0e+00;
	[tilespmem:s7+$0xE0] =	vst v1  }
0x1c3: {  	v1 =	vld [tilespmem:s21+$0xFFFFFF50];
	v7 =	vmax.f32 v7, $0.0e+00;
	[tilespmem:s7+$0xFFFFFF00] =	vst v5;
	s7 =	smov.u32 s21  }
0x1c4: {  	v5 =	vmax.f32 v6, $0.0e+00;
	v6 =	vld [tilespmem:s21+$0xFFFFFF60];
	[tilespmem:s21+$0xF0] =	vst v7  }
0x1c5: {  	[tilespmem:s21+$0xFFFFFF10] =	vst v5;
	v2 =	vmax.f32 v2, $0.0e+00;
	v5 =	vld [tilespmem:s21+$0xFFFFFF70]  }
0x1c6: {  	[tilespmem:s21+$0xFFFFFF20] =	vst v2;
	v2 =	vmax.f32 v3, $0.0e+00;
	v3 =	vld [tilespmem:s21+$0xFFFFFF80]  }
0x1c7: {  	[tilespmem:s21+$0xFFFFFF30] =	vst v2;
	v2 =	vmax.f32 v4, $0.0e+00;
	v4 =	vld [tilespmem:s21+$0xFFFFFF90]  }
0x1c8: {  	[tilespmem:s21+$0xFFFFFF40] =	vst v2;
	v1 =	vmax.f32 v1, $0.0e+00;
	v2 =	vld [tilespmem:s21+$0xFFFFFFA0]  }
0x1c9: {  	[tilespmem:s21+$0xFFFFFF50] =	vst v1;
	v1 =	vmax.f32 v6, $0.0e+00;
	v6 =	vld [tilespmem:s21+$0xFFFFFFB0]  }
0x1ca: {  	[tilespmem:s21+$0xFFFFFF60] =	vst v1;
	v1 =	vmax.f32 v5, $0.0e+00;
	v5 =	vld [tilespmem:s21+$0xFFFFFFC0]  }
0x1cb: {  	[tilespmem:s21+$0xFFFFFF70] =	vst v1;
	v1 =	vmax.f32 v3, $0.0e+00;
	v3 =	vld [tilespmem:s21+$0xFFFFFFD0]  }
0x1cc: {  	[tilespmem:s21+$0xFFFFFF80] =	vst v1;
	v1 =	vmax.f32 v4, $0.0e+00;
	v4 =	vld [tilespmem:s21+$0xFFFFFFE0]  }
0x1cd: {  	[tilespmem:s21+$0xFFFFFF90] =	vst v1;
	v1 =	vmax.f32 v2, $0.0e+00;
	v2 =	vld [tilespmem:s21+$0xFFFFFFF0]  }
0x1ce: {  	[tilespmem:s21+$0xFFFFFFA0] =	vst v1;
	v1 =	vmax.f32 v6, $0.0e+00;
	v6 =	vld [tilespmem:s21+$0x0]  }
0x1cf: {  	[tilespmem:s21+$0xFFFFFFB0] =	vst v1;
	v1 =	vmax.f32 v5, $0.0e+00;
	v5 =	vld [tilespmem:s21+$0x10]  }
0x1d0: {  	[tilespmem:s21+$0xFFFFFFC0] =	vst v1;
	v1 =	vmax.f32 v3, $0.0e+00;
	v3 =	vld [tilespmem:s21+$0x20]  }
0x1d1: {  	[tilespmem:s21+$0xFFFFFFD0] =	vst v1;
	v1 =	vmax.f32 v4, $0.0e+00;
	v4 =	vld [tilespmem:s21+$0x30]  }
0x1d2: {  	[tilespmem:s21+$0xFFFFFFE0] =	vst v1;
	v1 =	vmax.f32 v2, $0.0e+00;
	v2 =	vld [tilespmem:s21+$0x40]  }
0x1d3: {  	[tilespmem:s21+$0xFFFFFFF0] =	vst v1;
	v1 =	vmax.f32 v6, $0.0e+00;
	v6 =	vld [tilespmem:s21+$0x50]  }
0x1d4: {  	[tilespmem:s21+$0x0] =	vst v1;
	v1 =	vmax.f32 v5, $0.0e+00;
	v5 =	vld [tilespmem:s21+$0x60]  }
0x1d5: {  	[tilespmem:s21+$0x10] =	vst v1;
	v1 =	vmax.f32 v3, $0.0e+00;
	v3 =	vld [tilespmem:s21+$0x70]  }
0x1d6: {  	[tilespmem:s21+$0x20] =	vst v1;
	v1 =	vmax.f32 v4, $0.0e+00;
	v4 =	vld [tilespmem:s21+$0x80]  }
0x1d7: {  	[tilespmem:s21+$0x30] =	vst v1;
	v1 =	vmax.f32 v2, $0.0e+00;
	v7 =	vld [tilespmem:s21+$0x90]  }
0x1d8: {  	[tilespmem:s21+$0x40] =	vst v1;
	v1 =	vmax.f32 v6, $0.0e+00;
	v6 =	vld [tilespmem:s21+$0xA0]  }
.Ltmp3:
0x1d9: {  	[tilespmem:s21+$0x50] =	vst v1;
	v2 =	vmax.f32 v5, $0.0e+00;
	v1 =	vld [tilespmem:s21+$0xB0];
	(pc) =	sbr.rel @p1 .LBB2_9-.Ltmp3, $4  }
0x1da: {  	[tilespmem:s21+$0x60] =	vst v2;
	v3 =	vmax.f32 v3, $0.0e+00;
	v2 =	vld [tilespmem:s21+$0xC0]  }
0x1db: {  	[tilespmem:s21+$0x70] =	vst v3;
	v4 =	vmax.f32 v4, $0.0e+00;
	v3 =	vld [tilespmem:s21+$0xD0]  }
0x1dc: {  	[tilespmem:s21+$0x80] =	vst v4;
	v7 =	vmax.f32 v7, $0.0e+00;
	v4 =	vld [tilespmem:s21+$0xE0]  }
0x1dd: {  	s21 =	sadd.s32 $0x200, s21;
	v5 =	vld [tilespmem:s7+$0xFFFFFF00];
	[tilespmem:s7+$0x90] =	vst v7;
	v6 =	vmax.f32 v6, $0.0e+00  }
0x1de: {  	[tilespmem:s7+$0xA0] =	vst v6;
	v1 =	vmax.f32 v1, $0.0e+00  }
0x1df: {  	[tilespmem:s7+$0xB0] =	vst v1;
	v1 =	vmax.f32 v2, $0.0e+00  }
0x1e0: {  	[tilespmem:s7+$0xC0] =	vst v1;
	v1 =	vmax.f32 v3, $0.0e+00  }
0x1e1: {  	[tilespmem:s7+$0xD0] =	vst v1;
	v1 =	vmax.f32 v4, $0.0e+00  }
0x1e2: {  	v2 =	vmax.f32 v5, $0.0e+00;
	[tilespmem:s7+$0xE0] =	vst v1  }
0x1e3: {  	s29 =	simm.s32 $0x300;
	s21 =	simm.s32 $0x5400;
	[tilespmem:s7+$0xFFFFFF00] =	vst v2  }
0x1e4: {  	[spmem:s19] =	stream.indirect.scatter.add.f32 [tilespmem:s21], [sflag:$0xF], $0x80, s29, s16, $0xb8;
	[tilespmem:$0x1F080] =	vst v63  }
0x1e5: {  	_ =	swait.ge [sflag:s12], $0x2800  }
0x1e6: {  	s7 =	sld [smem:$0x7FB];
	_ =	sdelay $0x1  }
0x1e7: {  	p1 =	seq.s32 s28, $0x1E  }
0x1e8: {  	s25 =	simm.s32 @!p1 $0x0;
	s7 =	sadd.s32 @!p1 s5, s7  }
0x1e9: {  	s29 =	simm.s32 @!p1 $0x2C00;
	[sflag:s12] =	ssyncset.done $0x0;
	s21 =	sshll.u32 @!p1 s7, $0x4  }
0x1ea: {  	[sflag:s12] =	ssyncadd.s32 $0xFFFFD800;
	s7 =	sshrl.u32 @!p1 s7, $0x3;
	s21 =	sadd.s32 @!p1 s23, s21  }
0x1eb: {  	[tilespmem:s29], [sflag:$0x6] =	stream.linear.gather @!p1 [hbm4b:s21+s25], $0x2800, $0x38;
	[tilespmem:$0x1F080] =	vst v63  }
0x1ec: {  	s21 =	sadd.s32 @!p1 s22, s7;
	s29 =	simm.s32 @!p1 $0x80  }
0x1ed: {  	[tilespmem:s29], [sflag:$0x2] =	stream.linear.gather @!p1 [hbm4b:s21+s25], $0x50, $0x38;
	[tilespmem:$0x1F080] =	vst v63  }
0x1ee: {  	s7 =	sadd.s32 @!p1 s17, s7;
	s21 =	simm.s32 @!p1 $0x280  }
0x1ef: {  	[tilespmem:s21], [sflag:$0x2] =	stream.linear.gather @!p1 [hbm4b:s7+s25], $0x50, $0x38;
	[tilespmem:$0x1F080] =	vst v63  }
0x1f0: {  	_ =	swait.ge [sflag:s13], $0x2800  }
0x1f1: {  	[sflag:s13] =	ssyncset.done $0x0  }
0x1f2: {  	[sflag:s13] =	ssyncadd.s32 $0xFFFFD800  }
0x1f3: {  	_ =	swait.ge [sflag:s30], $0x50  }
0x1f4: {  	[sflag:s30] =	ssyncset.done $0x0  }
0x1f5: {  	[sflag:s30] =	ssyncadd.s32 $0xFFFFFFB0  }
0x1f6: {  	_ =	swait.ge [sflag:s30], $0x50  }
0x1f7: {  	[sflag:s30] =	ssyncset.done $0x0  }
0x1f8: {  	[sflag:s30] =	ssyncadd.s32 $0xFFFFFFB0  }
0x1f9: {  	_ =	swait.ge [sflag:s31], $0x2800  }
0x1fa: {  	[sflag:s31] =	ssyncset.done $0x0  }
0x1fb: {  	s7 =	simm.s32 $0x7D00;
	[sflag:s31] =	ssyncadd.s32 $0xFFFFD800  }
0x1fc: {  	[tilespmem:s10], [sflag:$0x9] =	stream.indirect.gather.add.f32 [hbm:s14], $0x80, s1, s16, $0xb8;
	[tilespmem:$0x1F080] =	vst v63  }
0x1fd: {  	v1 =	vld [tilespmem:s7+$0xFFFFFF10]  }
0x1fe: {  	v7 =	vld [tilespmem:s7+$0xF0]  }
0x1ff: {  	v2 =	vld [tilespmem:s7+$0xFFFFFF20]  }
0x200: {  	v8 =	vld [tilespmem:s7+$0xFFFFFF80]  }
0x201: {  	v3 =	vld [tilespmem:s7+$0xFFFFFF30]  }
0x202: {  	v9 =	vld [tilespmem:s7+$0xFFFFFF90];
	v1 =	vmax.f32 v1, $0.0e+00  }
0x203: {  	v4 =	vld [tilespmem:s7+$0xFFFFFF40];
	v7 =	vmax.f32 v7, $0.0e+00;
	[tilespmem:s7+$0xFFFFFF10] =	vst v1  }
0x204: {  	v5 =	vld [tilespmem:s7+$0xFFFFFF50];
	v2 =	vmax.f32 v2, $0.0e+00;
	[tilespmem:s7+$0xF0] =	vst v7  }
0x205: {  	v6 =	vld [tilespmem:s7+$0xFFFFFF60];
	[tilespmem:s7+$0xFFFFFF20] =	vst v2;
	v2 =	vmax.f32 v8, $0.0e+00  }
0x206: {  	v1 =	vld [tilespmem:s7+$0xFFFFFF70];
	[tilespmem:s7+$0xFFFFFF80] =	vst v2;
	v2 =	vmax.f32 v3, $0.0e+00  }
0x207: {  	v10 =	vld [tilespmem:s7+$0xFFFFFFA0];
	[tilespmem:s7+$0xFFFFFF30] =	vst v2;
	v2 =	vmax.f32 v9, $0.0e+00  }
0x208: {  	v11 =	vld [tilespmem:s7+$0xFFFFFFB0];
	[tilespmem:s7+$0xFFFFFF90] =	vst v2;
	v2 =	vmax.f32 v4, $0.0e+00  }
0x209: {  	v7 =	vld [tilespmem:s7+$0xFFFFFFC0];
	[tilespmem:s7+$0xFFFFFF40] =	vst v2;
	v2 =	vmax.f32 v5, $0.0e+00  }
0x20a: {  	v5 =	vld [tilespmem:s7+$0x0];
	[tilespmem:s7+$0xFFFFFF50] =	vst v2;
	v2 =	vmax.f32 v6, $0.0e+00  }
0x20b: {  	v8 =	vld [tilespmem:s7+$0xFFFFFFD0];
	v1 =	vmax.f32 v1, $0.0e+00;
	[tilespmem:s7+$0xFFFFFF60] =	vst v2  }
0x20c: {  	v2 =	vld [tilespmem:s7+$0x10];
	[tilespmem:s7+$0xFFFFFF70] =	vst v1;
	v1 =	vmax.f32 v10, $0.0e+00  }
0x20d: {  	v3 =	vld [tilespmem:s7+$0xFFFFFFE0];
	[tilespmem:s7+$0xFFFFFFA0] =	vst v1;
	v1 =	vmax.f32 v11, $0.0e+00  }
0x20e: {  	v4 =	vld [tilespmem:s7+$0xFFFFFFF0];
	[tilespmem:s7+$0xFFFFFFB0] =	vst v1;
	v1 =	vmax.f32 v7, $0.0e+00  }
0x20f: {  	v6 =	vld [tilespmem:s7+$0x20];
	[tilespmem:s7+$0xFFFFFFC0] =	vst v1;
	v1 =	vmax.f32 v5, $0.0e+00  }
0x210: {  	v5 =	vld [tilespmem:s7+$0x50];
	[tilespmem:s7+$0x0] =	vst v1;
	v1 =	vmax.f32 v8, $0.0e+00  }
0x211: {  	v63 =	vld [tilespmem:s7+$0x30];
	[tilespmem:s7+$0xFFFFFFD0] =	vst v1;
	v1 =	vmax.f32 v2, $0.0e+00  }
0x212: {  	v7 =	vld [tilespmem:s7+$0x40];
	[tilespmem:s7+$0x10] =	vst v1;
	v1 =	vmax.f32 v3, $0.0e+00  }
0x213: {  	v2 =	vld [tilespmem:s7+$0x60];
	[tilespmem:s7+$0xFFFFFFE0] =	vst v1;
	v1 =	vmax.f32 v4, $0.0e+00  }
0x214: {  	v3 =	vld [tilespmem:s7+$0x80];
	[tilespmem:s7+$0xFFFFFFF0] =	vst v1;
	v1 =	vmax.f32 v6, $0.0e+00  }
0x215: {  	v4 =	vld [tilespmem:s7+$0x70];
	v5 =	vmax.f32 v5, $0.0e+00;
	[tilespmem:s7+$0x20] =	vst v1  }
0x216: {  	v6 =	vld [tilespmem:s7+$0x90];
	v1 =	vmax.f32 v63, $0.0e+00;
	[tilespmem:s7+$0x50] =	vst v5  }
0x217: {  	[tilespmem:s7+$0x30] =	vst v1;
	v1 =	vmax.f32 v7, $0.0e+00;
	v7 =	vld [tilespmem:s7+$0xA0]  }
0x218: {  	v5 =	vmax.f32 v2, $0.0e+00;
	[tilespmem:s7+$0x40] =	vst v1;
	v1 =	vld [tilespmem:s7+$0xB0]  }
0x219: {  	v2 =	vld [tilespmem:s7+$0xC0];
	[tilespmem:s7+$0x60] =	vst v5;
	v5 =	vmax.f32 v3, $0.0e+00  }
0x21a: {  	v3 =	vld [tilespmem:s7+$0xD0];
	v4 =	vmax.f32 v4, $0.0e+00;
	[tilespmem:s7+$0x80] =	vst v5  }
0x21b: {  	[tilespmem:s7+$0x70] =	vst v4;
	v6 =	vmax.f32 v6, $0.0e+00;
	v4 =	vld [tilespmem:s7+$0xE0]  }
0x21c: {  	s25 =	simm.s32 $0x0;
	s21 =	simm.s32 $0x7F00;
	v5 =	vld [tilespmem:s7+$0xFFFFFF00];
	[tilespmem:s7+$0x90] =	vst v6;
	v6 =	vmax.f32 v7, $0.0e+00  }
.LBB2_11:
0x21d: {  	v7 =	vld [tilespmem:s21+$0xF0];
	s25 =	sadd.s32 $0x4, s25;
	[tilespmem:s7+$0xA0] =	vst v6;
	v1 =	vmax.f32 v1, $0.0e+00  }
0x21e: {  	v6 =	vld [tilespmem:s21+$0xFFFFFF10];
	p2 =	slt.u32 s25, $0x4C;
	[tilespmem:s7+$0xB0] =	vst v1;
	v1 =	vmax.f32 v2, $0.0e+00  }
0x21f: {  	v2 =	vld [tilespmem:s21+$0xFFFFFF20];
	[tilespmem:s7+$0xC0] =	vst v1;
	v1 =	vmax.f32 v3, $0.0e+00  }
0x220: {  	v3 =	vld [tilespmem:s21+$0xFFFFFF30];
	[tilespmem:s7+$0xD0] =	vst v1;
	v1 =	vmax.f32 v4, $0.0e+00  }
0x221: {  	v4 =	vld [tilespmem:s21+$0xFFFFFF40];
	v5 =	vmax.f32 v5, $0.0e+00;
	[tilespmem:s7+$0xE0] =	vst v1  }
0x222: {  	v1 =	vld [tilespmem:s21+$0xFFFFFF50];
	v7 =	vmax.f32 v7, $0.0e+00;
	[tilespmem:s7+$0xFFFFFF00] =	vst v5;
	s7 =	smov.u32 s21  }
0x223: {  	v5 =	vmax.f32 v6, $0.0e+00;
	v6 =	vld [tilespmem:s21+$0xFFFFFF60];
	[tilespmem:s21+$0xF0] =	vst v7  }
0x224: {  	[tilespmem:s21+$0xFFFFFF10] =	vst v5;
	v2 =	vmax.f32 v2, $0.0e+00;
	v5 =	vld [tilespmem:s21+$0xFFFFFF70]  }
0x225: {  	[tilespmem:s21+$0xFFFFFF20] =	vst v2;
	v2 =	vmax.f32 v3, $0.0e+00;
	v3 =	vld [tilespmem:s21+$0xFFFFFF80]  }
0x226: {  	[tilespmem:s21+$0xFFFFFF30] =	vst v2;
	v2 =	vmax.f32 v4, $0.0e+00;
	v4 =	vld [tilespmem:s21+$0xFFFFFF90]  }
0x227: {  	[tilespmem:s21+$0xFFFFFF40] =	vst v2;
	v1 =	vmax.f32 v1, $0.0e+00;
	v2 =	vld [tilespmem:s21+$0xFFFFFFA0]  }
0x228: {  	[tilespmem:s21+$0xFFFFFF50] =	vst v1;
	v1 =	vmax.f32 v6, $0.0e+00;
	v6 =	vld [tilespmem:s21+$0xFFFFFFB0]  }
0x229: {  	[tilespmem:s21+$0xFFFFFF60] =	vst v1;
	v1 =	vmax.f32 v5, $0.0e+00;
	v5 =	vld [tilespmem:s21+$0xFFFFFFC0]  }
0x22a: {  	[tilespmem:s21+$0xFFFFFF70] =	vst v1;
	v1 =	vmax.f32 v3, $0.0e+00;
	v3 =	vld [tilespmem:s21+$0xFFFFFFD0]  }
0x22b: {  	[tilespmem:s21+$0xFFFFFF80] =	vst v1;
	v1 =	vmax.f32 v4, $0.0e+00;
	v4 =	vld [tilespmem:s21+$0xFFFFFFE0]  }
0x22c: {  	[tilespmem:s21+$0xFFFFFF90] =	vst v1;
	v1 =	vmax.f32 v2, $0.0e+00;
	v2 =	vld [tilespmem:s21+$0xFFFFFFF0]  }
0x22d: {  	[tilespmem:s21+$0xFFFFFFA0] =	vst v1;
	v1 =	vmax.f32 v6, $0.0e+00;
	v6 =	vld [tilespmem:s21+$0x0]  }
0x22e: {  	[tilespmem:s21+$0xFFFFFFB0] =	vst v1;
	v1 =	vmax.f32 v5, $0.0e+00;
	v5 =	vld [tilespmem:s21+$0x10]  }
0x22f: {  	[tilespmem:s21+$0xFFFFFFC0] =	vst v1;
	v1 =	vmax.f32 v3, $0.0e+00;
	v3 =	vld [tilespmem:s21+$0x20]  }
0x230: {  	[tilespmem:s21+$0xFFFFFFD0] =	vst v1;
	v1 =	vmax.f32 v4, $0.0e+00;
	v4 =	vld [tilespmem:s21+$0x30]  }
0x231: {  	[tilespmem:s21+$0xFFFFFFE0] =	vst v1;
	v1 =	vmax.f32 v2, $0.0e+00;
	v2 =	vld [tilespmem:s21+$0x40]  }
0x232: {  	[tilespmem:s21+$0xFFFFFFF0] =	vst v1;
	v1 =	vmax.f32 v6, $0.0e+00;
	v6 =	vld [tilespmem:s21+$0x50]  }
0x233: {  	[tilespmem:s21+$0x0] =	vst v1;
	v1 =	vmax.f32 v5, $0.0e+00;
	v5 =	vld [tilespmem:s21+$0x60]  }
0x234: {  	[tilespmem:s21+$0x10] =	vst v1;
	v1 =	vmax.f32 v3, $0.0e+00;
	v3 =	vld [tilespmem:s21+$0x70]  }
0x235: {  	[tilespmem:s21+$0x20] =	vst v1;
	v1 =	vmax.f32 v4, $0.0e+00;
	v4 =	vld [tilespmem:s21+$0x80]  }
0x236: {  	[tilespmem:s21+$0x30] =	vst v1;
	v1 =	vmax.f32 v2, $0.0e+00;
	v7 =	vld [tilespmem:s21+$0x90]  }
0x237: {  	[tilespmem:s21+$0x40] =	vst v1;
	v1 =	vmax.f32 v6, $0.0e+00;
	v6 =	vld [tilespmem:s21+$0xA0]  }
.Ltmp4:
0x238: {  	[tilespmem:s21+$0x50] =	vst v1;
	v2 =	vmax.f32 v5, $0.0e+00;
	v1 =	vld [tilespmem:s21+$0xB0];
	(pc) =	sbr.rel @p2 .LBB2_11-.Ltmp4, $4  }
0x239: {  	[tilespmem:s21+$0x60] =	vst v2;
	v3 =	vmax.f32 v3, $0.0e+00;
	v2 =	vld [tilespmem:s21+$0xC0]  }
0x23a: {  	[tilespmem:s21+$0x70] =	vst v3;
	v4 =	vmax.f32 v4, $0.0e+00;
	v3 =	vld [tilespmem:s21+$0xD0]  }
0x23b: {  	[tilespmem:s21+$0x80] =	vst v4;
	v7 =	vmax.f32 v7, $0.0e+00;
	v4 =	vld [tilespmem:s21+$0xE0]  }
0x23c: {  	s21 =	sadd.s32 $0x200, s21;
	v5 =	vld [tilespmem:s7+$0xFFFFFF00];
	[tilespmem:s7+$0x90] =	vst v7;
	v6 =	vmax.f32 v6, $0.0e+00  }
0x23d: {  	[tilespmem:s7+$0xA0] =	vst v6;
	v1 =	vmax.f32 v1, $0.0e+00  }
0x23e: {  	[tilespmem:s7+$0xB0] =	vst v1;
	v1 =	vmax.f32 v2, $0.0e+00  }
0x23f: {  	[tilespmem:s7+$0xC0] =	vst v1;
	v1 =	vmax.f32 v3, $0.0e+00  }
0x240: {  	[tilespmem:s7+$0xD0] =	vst v1;
	v1 =	vmax.f32 v4, $0.0e+00  }
0x241: {  	v2 =	vmax.f32 v5, $0.0e+00;
	[tilespmem:s7+$0xE0] =	vst v1  }
.Ltmp5:
0x242: {  	s29 =	simm.s32 $0x380;
	[tilespmem:s7+$0xFFFFFF00] =	vst v2;
	(pc) =	sbr.rel @p1 .LBB2_14-.Ltmp5, $4  }
0x243: {  	[spmem:s19] =	stream.indirect.scatter.add.f32 [tilespmem:s4], [sflag:$0x10], $0x80, s29, s16, $0xb8;
	[tilespmem:$0x1F080] =	vst v63  }
0x244: {  	_ =	swait.ge [sflag:s26], $0x2800  }
0x245: {  	[sflag:s26] =	ssyncset.done $0x0  }
0x246: {  	[sflag:s26] =	ssyncadd.s32 $0xFFFFD800  }
0x247: {  	s7 =	sld [smem:$0x7FD];
	_ =	sdelay $0x2  }
0x248: {  	s5 =	sadd.s32 s5, s7  }
0x249: {  	s7 =	sshll.u32 s5, $0x4  }
0x24a: {  	s21 =	simm.s32 $0x5400;
	s7 =	sadd.s32 s23, s7  }
0x24b: {  	[tilespmem:s21], [sflag:$0x7] =	stream.linear.gather [hbm4b:s7+s1], $0x2800, $0x38;
	[tilespmem:$0x1F080] =	vst v63  }
.Ltmp6:
0x24c: {  	s5 =	sshrl.u32 s5, $0x3;
	(pc) =	sbr.rel .LBB2_4-.Ltmp6, $4  }
0x24d: {  	s25 =	simm.s32 $0x100;
	s28 =	sadd.s32 $0x1, s28;
	s21 =	sadd.s32 s22, s5  }
0x24e: {  	[tilespmem:s25], [sflag:$0x3] =	stream.linear.gather [hbm4b:s21+s1], $0x50, $0x38;
	[tilespmem:$0x1F080] =	vst v63  }
0x24f: {  	s29 =	simm.s32 $0x200;
	s5 =	sadd.s32 s17, s5;
	s25 =	simm.s32 $0x300  }
0x250: {  	[tilespmem:s25], [sflag:$0x3] =	stream.linear.gather [hbm4b:s5+s1], $0x50, $0x38;
	[tilespmem:$0x1F080] =	vst v63  }
.LBB2_14:
0x251: {  	_ =	swait.ge [sflag:s0], $0x2800  }
0x252: {  	[sflag:s0] =	ssyncset.done $0x0  }
0x253: {  	s5 =	simm.s32 $0x500;
	[sflag:s0] =	ssyncadd.s32 $0xFFFFD800  }
0x254: {  	v1 =	vld [tilespmem:s5+$0xFFFFFF10]  }
0x255: {  	v7 =	vld [tilespmem:s5+$0xF0]  }
0x256: {  	v2 =	vld [tilespmem:s5+$0xFFFFFF20]  }
0x257: {  	v8 =	vld [tilespmem:s5+$0xFFFFFF80]  }
0x258: {  	v3 =	vld [tilespmem:s5+$0xFFFFFF30]  }
0x259: {  	v9 =	vld [tilespmem:s5+$0xFFFFFF90];
	v1 =	vmax.f32 v1, $0.0e+00  }
0x25a: {  	v4 =	vld [tilespmem:s5+$0xFFFFFF40];
	v7 =	vmax.f32 v7, $0.0e+00;
	[tilespmem:s5+$0xFFFFFF10] =	vst v1  }
0x25b: {  	v5 =	vld [tilespmem:s5+$0xFFFFFF50];
	v2 =	vmax.f32 v2, $0.0e+00;
	[tilespmem:s5+$0xF0] =	vst v7  }
0x25c: {  	v6 =	vld [tilespmem:s5+$0xFFFFFF60];
	[tilespmem:s5+$0xFFFFFF20] =	vst v2;
	v2 =	vmax.f32 v8, $0.0e+00  }
0x25d: {  	v1 =	vld [tilespmem:s5+$0xFFFFFF70];
	[tilespmem:s5+$0xFFFFFF80] =	vst v2;
	v2 =	vmax.f32 v3, $0.0e+00  }
0x25e: {  	v10 =	vld [tilespmem:s5+$0xFFFFFFA0];
	[tilespmem:s5+$0xFFFFFF30] =	vst v2;
	v2 =	vmax.f32 v9, $0.0e+00  }
0x25f: {  	v11 =	vld [tilespmem:s5+$0xFFFFFFB0];
	[tilespmem:s5+$0xFFFFFF90] =	vst v2;
	v2 =	vmax.f32 v4, $0.0e+00  }
0x260: {  	v7 =	vld [tilespmem:s5+$0xFFFFFFC0];
	[tilespmem:s5+$0xFFFFFF40] =	vst v2;
	v2 =	vmax.f32 v5, $0.0e+00  }
0x261: {  	v5 =	vld [tilespmem:s5+$0x0];
	[tilespmem:s5+$0xFFFFFF50] =	vst v2;
	v2 =	vmax.f32 v6, $0.0e+00  }
0x262: {  	v8 =	vld [tilespmem:s5+$0xFFFFFFD0];
	v1 =	vmax.f32 v1, $0.0e+00;
	[tilespmem:s5+$0xFFFFFF60] =	vst v2  }
0x263: {  	v2 =	vld [tilespmem:s5+$0x10];
	[tilespmem:s5+$0xFFFFFF70] =	vst v1;
	v1 =	vmax.f32 v10, $0.0e+00  }
0x264: {  	v3 =	vld [tilespmem:s5+$0xFFFFFFE0];
	[tilespmem:s5+$0xFFFFFFA0] =	vst v1;
	v1 =	vmax.f32 v11, $0.0e+00  }
0x265: {  	v4 =	vld [tilespmem:s5+$0xFFFFFFF0];
	[tilespmem:s5+$0xFFFFFFB0] =	vst v1;
	v1 =	vmax.f32 v7, $0.0e+00  }
0x266: {  	v6 =	vld [tilespmem:s5+$0x20];
	[tilespmem:s5+$0xFFFFFFC0] =	vst v1;
	v1 =	vmax.f32 v5, $0.0e+00  }
0x267: {  	v5 =	vld [tilespmem:s5+$0x50];
	[tilespmem:s5+$0x0] =	vst v1;
	v1 =	vmax.f32 v8, $0.0e+00  }
0x268: {  	v63 =	vld [tilespmem:s5+$0x30];
	[tilespmem:s5+$0xFFFFFFD0] =	vst v1;
	v1 =	vmax.f32 v2, $0.0e+00  }
0x269: {  	v7 =	vld [tilespmem:s5+$0x40];
	[tilespmem:s5+$0x10] =	vst v1;
	v1 =	vmax.f32 v3, $0.0e+00  }
0x26a: {  	v2 =	vld [tilespmem:s5+$0x60];
	[tilespmem:s5+$0xFFFFFFE0] =	vst v1;
	v1 =	vmax.f32 v4, $0.0e+00  }
0x26b: {  	v3 =	vld [tilespmem:s5+$0x80];
	[tilespmem:s5+$0xFFFFFFF0] =	vst v1;
	v1 =	vmax.f32 v6, $0.0e+00  }
0x26c: {  	v4 =	vld [tilespmem:s5+$0x70];
	v5 =	vmax.f32 v5, $0.0e+00;
	[tilespmem:s5+$0x20] =	vst v1  }
0x26d: {  	v6 =	vld [tilespmem:s5+$0x90];
	v1 =	vmax.f32 v63, $0.0e+00;
	[tilespmem:s5+$0x50] =	vst v5  }
0x26e: {  	[tilespmem:s5+$0x30] =	vst v1;
	v1 =	vmax.f32 v7, $0.0e+00;
	v7 =	vld [tilespmem:s5+$0xA0]  }
0x26f: {  	v5 =	vmax.f32 v2, $0.0e+00;
	[tilespmem:s5+$0x40] =	vst v1;
	v1 =	vld [tilespmem:s5+$0xB0]  }
0x270: {  	v2 =	vld [tilespmem:s5+$0xC0];
	[tilespmem:s5+$0x60] =	vst v5;
	v5 =	vmax.f32 v3, $0.0e+00  }
0x271: {  	v3 =	vld [tilespmem:s5+$0xD0];
	v4 =	vmax.f32 v4, $0.0e+00;
	[tilespmem:s5+$0x80] =	vst v5  }
0x272: {  	[tilespmem:s5+$0x70] =	vst v4;
	v6 =	vmax.f32 v6, $0.0e+00;
	v4 =	vld [tilespmem:s5+$0xE0]  }
0x273: {  	s7 =	simm.s32 $0x0;
	s21 =	simm.s32 $0x700;
	s29 =	simm.s32 $0x200;
	v5 =	vld [tilespmem:s5+$0xFFFFFF00];
	[tilespmem:s5+$0x90] =	vst v6;
	v6 =	vmax.f32 v7, $0.0e+00  }
.LBB2_15:
0x274: {  	v7 =	vld [tilespmem:s21+$0xF0];
	s7 =	sadd.s32 $0x4, s7;
	[tilespmem:s5+$0xA0] =	vst v6;
	v1 =	vmax.f32 v1, $0.0e+00  }
0x275: {  	v6 =	vld [tilespmem:s21+$0xFFFFFF10];
	p1 =	slt.u32 s7, $0x4C;
	[tilespmem:s5+$0xB0] =	vst v1;
	v1 =	vmax.f32 v2, $0.0e+00  }
0x276: {  	v2 =	vld [tilespmem:s21+$0xFFFFFF20];
	[tilespmem:s5+$0xC0] =	vst v1;
	v1 =	vmax.f32 v3, $0.0e+00  }
0x277: {  	v3 =	vld [tilespmem:s21+$0xFFFFFF30];
	[tilespmem:s5+$0xD0] =	vst v1;
	v1 =	vmax.f32 v4, $0.0e+00  }
0x278: {  	v4 =	vld [tilespmem:s21+$0xFFFFFF40];
	v5 =	vmax.f32 v5, $0.0e+00;
	[tilespmem:s5+$0xE0] =	vst v1  }
0x279: {  	v1 =	vld [tilespmem:s21+$0xFFFFFF50];
	v7 =	vmax.f32 v7, $0.0e+00;
	[tilespmem:s5+$0xFFFFFF00] =	vst v5;
	s5 =	smov.u32 s21  }
0x27a: {  	v5 =	vmax.f32 v6, $0.0e+00;
	v6 =	vld [tilespmem:s21+$0xFFFFFF60];
	[tilespmem:s21+$0xF0] =	vst v7  }
0x27b: {  	[tilespmem:s21+$0xFFFFFF10] =	vst v5;
	v2 =	vmax.f32 v2, $0.0e+00;
	v5 =	vld [tilespmem:s21+$0xFFFFFF70]  }
0x27c: {  	[tilespmem:s21+$0xFFFFFF20] =	vst v2;
	v2 =	vmax.f32 v3, $0.0e+00;
	v3 =	vld [tilespmem:s21+$0xFFFFFF80]  }
0x27d: {  	[tilespmem:s21+$0xFFFFFF30] =	vst v2;
	v2 =	vmax.f32 v4, $0.0e+00;
	v4 =	vld [tilespmem:s21+$0xFFFFFF90]  }
0x27e: {  	[tilespmem:s21+$0xFFFFFF40] =	vst v2;
	v1 =	vmax.f32 v1, $0.0e+00;
	v2 =	vld [tilespmem:s21+$0xFFFFFFA0]  }
0x27f: {  	[tilespmem:s21+$0xFFFFFF50] =	vst v1;
	v1 =	vmax.f32 v6, $0.0e+00;
	v6 =	vld [tilespmem:s21+$0xFFFFFFB0]  }
0x280: {  	[tilespmem:s21+$0xFFFFFF60] =	vst v1;
	v1 =	vmax.f32 v5, $0.0e+00;
	v5 =	vld [tilespmem:s21+$0xFFFFFFC0]  }
0x281: {  	[tilespmem:s21+$0xFFFFFF70] =	vst v1;
	v1 =	vmax.f32 v3, $0.0e+00;
	v3 =	vld [tilespmem:s21+$0xFFFFFFD0]  }
0x282: {  	[tilespmem:s21+$0xFFFFFF80] =	vst v1;
	v1 =	vmax.f32 v4, $0.0e+00;
	v4 =	vld [tilespmem:s21+$0xFFFFFFE0]  }
0x283: {  	[tilespmem:s21+$0xFFFFFF90] =	vst v1;
	v1 =	vmax.f32 v2, $0.0e+00;
	v2 =	vld [tilespmem:s21+$0xFFFFFFF0]  }
0x284: {  	[tilespmem:s21+$0xFFFFFFA0] =	vst v1;
	v1 =	vmax.f32 v6, $0.0e+00;
	v6 =	vld [tilespmem:s21+$0x0]  }
0x285: {  	[tilespmem:s21+$0xFFFFFFB0] =	vst v1;
	v1 =	vmax.f32 v5, $0.0e+00;
	v5 =	vld [tilespmem:s21+$0x10]  }
0x286: {  	[tilespmem:s21+$0xFFFFFFC0] =	vst v1;
	v1 =	vmax.f32 v3, $0.0e+00;
	v3 =	vld [tilespmem:s21+$0x20]  }
0x287: {  	[tilespmem:s21+$0xFFFFFFD0] =	vst v1;
	v1 =	vmax.f32 v4, $0.0e+00;
	v4 =	vld [tilespmem:s21+$0x30]  }
0x288: {  	[tilespmem:s21+$0xFFFFFFE0] =	vst v1;
	v1 =	vmax.f32 v2, $0.0e+00;
	v2 =	vld [tilespmem:s21+$0x40]  }
0x289: {  	[tilespmem:s21+$0xFFFFFFF0] =	vst v1;
	v1 =	vmax.f32 v6, $0.0e+00;
	v6 =	vld [tilespmem:s21+$0x50]  }
0x28a: {  	[tilespmem:s21+$0x0] =	vst v1;
	v1 =	vmax.f32 v5, $0.0e+00;
	v5 =	vld [tilespmem:s21+$0x60]  }
0x28b: {  	[tilespmem:s21+$0x10] =	vst v1;
	v1 =	vmax.f32 v3, $0.0e+00;
	v3 =	vld [tilespmem:s21+$0x70]  }
0x28c: {  	[tilespmem:s21+$0x20] =	vst v1;
	v1 =	vmax.f32 v4, $0.0e+00;
	v4 =	vld [tilespmem:s21+$0x80]  }
0x28d: {  	[tilespmem:s21+$0x30] =	vst v1;
	v1 =	vmax.f32 v2, $0.0e+00;
	v7 =	vld [tilespmem:s21+$0x90]  }
0x28e: {  	[tilespmem:s21+$0x40] =	vst v1;
	v1 =	vmax.f32 v6, $0.0e+00;
	v6 =	vld [tilespmem:s21+$0xA0]  }
.Ltmp7:
0x28f: {  	[tilespmem:s21+$0x50] =	vst v1;
	v2 =	vmax.f32 v5, $0.0e+00;
	v1 =	vld [tilespmem:s21+$0xB0];
	(pc) =	sbr.rel @p1 .LBB2_15-.Ltmp7, $4  }
0x290: {  	[tilespmem:s21+$0x60] =	vst v2;
	v3 =	vmax.f32 v3, $0.0e+00;
	v2 =	vld [tilespmem:s21+$0xC0]  }
0x291: {  	[tilespmem:s21+$0x70] =	vst v3;
	v4 =	vmax.f32 v4, $0.0e+00;
	v3 =	vld [tilespmem:s21+$0xD0]  }
0x292: {  	[tilespmem:s21+$0x80] =	vst v4;
	v7 =	vmax.f32 v7, $0.0e+00;
	v4 =	vld [tilespmem:s21+$0xE0]  }
0x293: {  	s21 =	sadd.s32 $0x200, s21;
	v5 =	vld [tilespmem:s5+$0xFFFFFF00];
	[tilespmem:s5+$0x90] =	vst v7;
	v6 =	vmax.f32 v6, $0.0e+00  }
0x294: {  	[tilespmem:s5+$0xA0] =	vst v6;
	v1 =	vmax.f32 v1, $0.0e+00  }
0x295: {  	[tilespmem:s5+$0xB0] =	vst v1;
	v1 =	vmax.f32 v2, $0.0e+00  }
0x296: {  	[tilespmem:s5+$0xC0] =	vst v1;
	v1 =	vmax.f32 v3, $0.0e+00  }
0x297: {  	[tilespmem:s5+$0xD0] =	vst v1;
	v1 =	vmax.f32 v4, $0.0e+00  }
0x298: {  	v2 =	vmax.f32 v5, $0.0e+00;
	[tilespmem:s5+$0xE0] =	vst v1  }
0x299: {  	s21 =	simm.s32 $0x10;
	[tilespmem:s5+$0xFFFFFF00] =	vst v2  }
0x29a: {  	[spmem:s19] =	stream.indirect.scatter.add.f32 [tilespmem:s10], [sflag:$0xD], $0x80, s29, s16, $0xb8;
	[tilespmem:$0x1F080] =	vst v63  }
0x29b: {  	_ =	swait.ge [sflag:s21], $0x2800  }
0x29c: {  	[sflag:s21] =	ssyncset.done $0x0  }
0x29d: {  	[sflag:s21] =	ssyncadd.s32 $0xFFFFD800  }
0x29e: {  	_ =	swait.ge [sflag:s24], $0x2800  }
0x29f: {  	[sflag:s24] =	ssyncset.done $0x0  }
0x2a0: {  	[sflag:s24] =	ssyncadd.s32 $0xFFFFD800  }
0x2a1: {  	[bflag:$0x0] =	sbarrier.arrive $0xFFFF  }
0x2a2: {  	s7 =	simm.s32 $0xA400;
	s28 =	rddreg [dreg:$0x15]  }
0x2a3: {  	[tilespmem:s7], [sflag:$0x11] =	stream.linear.gather [spmem:s28], $0x1400, $0x38;
	[tilespmem:$0x1F080] =	vst v63  }
0x2a4: {  	_ =	swait.ge [sflag:s20], $0x1400  }
0x2a5: {  	[sflag:s20] =	ssyncset.done $0x0  }
0x2a6: {  	s25 =	rddreg [dreg:$0x5];
	[sflag:s20] =	ssyncadd.s32 $0xFFFFEC00  }
0x2a7: {  	[hbm4b:s25+s1] =	stream.linear.scatter [tilespmem:s7], [sflag:$0x11], $0x1400, $0x38;
	[tilespmem:$0x1F080] =	vst v63  }
0x2a8: {  	_ =	swait.ge [sflag:s20], $0x1400  }
0x2a9: {  	[sflag:s20] =	ssyncset.done $0x0  }
0x2aa: {  	s21 =	rddreg [dreg:$0x16];
	[sflag:s20] =	ssyncadd.s32 $0xFFFFEC00  }
0x2ab: {  	[tilespmem:s7], [sflag:$0x11] =	stream.linear.gather [spmem:s21], $0x1400, $0x38;
	[tilespmem:$0x1F080] =	vst v63  }
0x2ac: {  	_ =	swait.ge [sflag:s20], $0x1400  }
0x2ad: {  	[sflag:s20] =	ssyncset.done $0x0  }
0x2ae: {  	s25 =	rddreg [dreg:$0x6];
	[sflag:s20] =	ssyncadd.s32 $0xFFFFEC00  }
0x2af: {  	[hbm4b:s25+s1] =	stream.linear.scatter [tilespmem:s7], [sflag:$0x11], $0x1400, $0x38;
	[tilespmem:$0x1F080] =	vst v63  }
0x2b0: {  	_ =	swait.ge [sflag:s20], $0x1400  }
0x2b1: {  	[sflag:s20] =	ssyncset.done $0x0  }
0x2b2: {  	s21 =	rddreg [dreg:$0x17];
	[sflag:s20] =	ssyncadd.s32 $0xFFFFEC00  }
0x2b3: {  	[tilespmem:s7], [sflag:$0x11] =	stream.linear.gather [spmem:s21], $0x1400, $0x38;
	[tilespmem:$0x1F080] =	vst v63  }
0x2b4: {  	_ =	swait.ge [sflag:s20], $0x1400  }
0x2b5: {  	[sflag:s20] =	ssyncset.done $0x0  }
0x2b6: {  	s25 =	rddreg [dreg:$0x7];
	[sflag:s20] =	ssyncadd.s32 $0xFFFFEC00  }
0x2b7: {  	[hbm4b:s25+s1] =	stream.linear.scatter [tilespmem:s7], [sflag:$0x11], $0x1400, $0x38;
	[tilespmem:$0x1F080] =	vst v63  }
0x2b8: {  	_ =	swait.ge [sflag:s20], $0x1400  }
0x2b9: {  	[sflag:s20] =	ssyncset.done $0x0  }
0x2ba: {  	s21 =	rddreg [dreg:$0x18];
	[sflag:s20] =	ssyncadd.s32 $0xFFFFEC00  }
0x2bb: {  	[tilespmem:s7], [sflag:$0x11] =	stream.linear.gather [spmem:s21], $0x1400, $0x38;
	[tilespmem:$0x1F080] =	vst v63  }
0x2bc: {  	_ =	swait.ge [sflag:s20], $0x1400  }
0x2bd: {  	[sflag:s20] =	ssyncset.done $0x0  }
0x2be: {  	s25 =	rddreg [dreg:$0x8];
	[sflag:s20] =	ssyncadd.s32 $0xFFFFEC00  }
0x2bf: {  	[hbm4b:s25+s1] =	stream.linear.scatter [tilespmem:s7], [sflag:$0x11], $0x1400, $0x38;
	[tilespmem:$0x1F080] =	vst v63  }
0x2c0: {  	_ =	swait.ge [sflag:s20], $0x1400  }
0x2c1: {  	[sflag:s20] =	ssyncset.done $0x0  }
0x2c2: {  	s21 =	rddreg [dreg:$0x19];
	[sflag:s20] =	ssyncadd.s32 $0xFFFFEC00  }
0x2c3: {  	[tilespmem:s7], [sflag:$0x11] =	stream.linear.gather [spmem:s21], $0x1400, $0x38;
	[tilespmem:$0x1F080] =	vst v63  }
0x2c4: {  	_ =	swait.ge [sflag:s20], $0x1400  }
0x2c5: {  	[sflag:s20] =	ssyncset.done $0x0  }
0x2c6: {  	s25 =	rddreg [dreg:$0x9];
	[sflag:s20] =	ssyncadd.s32 $0xFFFFEC00  }
0x2c7: {  	[hbm4b:s25+s1] =	stream.linear.scatter [tilespmem:s7], [sflag:$0x11], $0x1400, $0x38;
	[tilespmem:$0x1F080] =	vst v63  }
0x2c8: {  	_ =	swait.ge [sflag:s20], $0x1400  }
0x2c9: {  	[sflag:s20] =	ssyncset.done $0x0  }
0x2ca: {  	s21 =	rddreg [dreg:$0x1a];
	[sflag:s20] =	ssyncadd.s32 $0xFFFFEC00  }
0x2cb: {  	[tilespmem:s7], [sflag:$0x11] =	stream.linear.gather [spmem:s21], $0x1400, $0x38;
	[tilespmem:$0x1F080] =	vst v63  }
0x2cc: {  	_ =	swait.ge [sflag:s20], $0x1400  }
0x2cd: {  	[sflag:s20] =	ssyncset.done $0x0  }
0x2ce: {  	s25 =	rddreg [dreg:$0xa];
	[sflag:s20] =	ssyncadd.s32 $0xFFFFEC00  }
0x2cf: {  	[hbm4b:s25+s1] =	stream.linear.scatter [tilespmem:s7], [sflag:$0x11], $0x1400, $0x38;
	[tilespmem:$0x1F080] =	vst v63  }
0x2d0: {  	_ =	swait.ge [sflag:s20], $0x1400  }
0x2d1: {  	[sflag:s20] =	ssyncset.done $0x0  }
0x2d2: {  	s21 =	rddreg [dreg:$0x1b];
	[sflag:s20] =	ssyncadd.s32 $0xFFFFEC00  }
0x2d3: {  	[tilespmem:s7], [sflag:$0x11] =	stream.linear.gather [spmem:s21], $0x1400, $0x38;
	[tilespmem:$0x1F080] =	vst v63  }
0x2d4: {  	_ =	swait.ge [sflag:s20], $0x1400  }
0x2d5: {  	[sflag:s20] =	ssyncset.done $0x0  }
0x2d6: {  	s25 =	rddreg [dreg:$0xb];
	[sflag:s20] =	ssyncadd.s32 $0xFFFFEC00  }
0x2d7: {  	[hbm4b:s25+s1] =	stream.linear.scatter [tilespmem:s7], [sflag:$0x11], $0x1400, $0x38;
	[tilespmem:$0x1F080] =	vst v63  }
0x2d8: {  	_ =	swait.ge [sflag:s20], $0x1400  }
0x2d9: {  	[sflag:s20] =	ssyncset.done $0x0  }
0x2da: {  	s21 =	rddreg [dreg:$0x1c];
	[sflag:s20] =	ssyncadd.s32 $0xFFFFEC00  }
0x2db: {  	[tilespmem:s7], [sflag:$0x11] =	stream.linear.gather [spmem:s21], $0x1400, $0x38;
	[tilespmem:$0x1F080] =	vst v63  }
0x2dc: {  	_ =	swait.ge [sflag:s20], $0x1400  }
0x2dd: {  	[sflag:s20] =	ssyncset.done $0x0  }
0x2de: {  	s25 =	rddreg [dreg:$0xc];
	[sflag:s20] =	ssyncadd.s32 $0xFFFFEC00  }
0x2df: {  	[hbm4b:s25+s1] =	stream.linear.scatter [tilespmem:s7], [sflag:$0x11], $0x1400, $0x38;
	[tilespmem:$0x1F080] =	vst v63  }
0x2e0: {  	_ =	swait.ge [sflag:s20], $0x1400  }
0x2e1: {  	[sflag:s20] =	ssyncset.done $0x0  }
0x2e2: {  	s21 =	rddreg [dreg:$0x1d];
	[sflag:s20] =	ssyncadd.s32 $0xFFFFEC00  }
0x2e3: {  	[tilespmem:s7], [sflag:$0x11] =	stream.linear.gather [spmem:s21], $0x1400, $0x38;
	[tilespmem:$0x1F080] =	vst v63  }
0x2e4: {  	_ =	swait.ge [sflag:s20], $0x1400  }
0x2e5: {  	[sflag:s20] =	ssyncset.done $0x0  }
0x2e6: {  	s25 =	rddreg [dreg:$0xd];
	[sflag:s20] =	ssyncadd.s32 $0xFFFFEC00  }
0x2e7: {  	[hbm4b:s25+s1] =	stream.linear.scatter [tilespmem:s7], [sflag:$0x11], $0x1400, $0x38;
	[tilespmem:$0x1F080] =	vst v63  }
0x2e8: {  	_ =	swait.ge [sflag:s20], $0x1400  }
0x2e9: {  	[sflag:s20] =	ssyncset.done $0x0  }
0x2ea: {  	s21 =	rddreg [dreg:$0x1e];
	[sflag:s20] =	ssyncadd.s32 $0xFFFFEC00  }
0x2eb: {  	[tilespmem:s7], [sflag:$0x11] =	stream.linear.gather [spmem:s21], $0x1400, $0x38;
	[tilespmem:$0x1F080] =	vst v63  }
0x2ec: {  	_ =	swait.ge [sflag:s20], $0x1400  }
0x2ed: {  	[sflag:s20] =	ssyncset.done $0x0  }
0x2ee: {  	s25 =	rddreg [dreg:$0xe];
	[sflag:s20] =	ssyncadd.s32 $0xFFFFEC00  }
0x2ef: {  	[hbm4b:s25+s1] =	stream.linear.scatter [tilespmem:s7], [sflag:$0x11], $0x1400, $0x38;
	[tilespmem:$0x1F080] =	vst v63  }
0x2f0: {  	_ =	swait.ge [sflag:s20], $0x1400  }
0x2f1: {  	[sflag:s20] =	ssyncset.done $0x0  }
0x2f2: {  	s21 =	rddreg [dreg:$0x1f];
	[sflag:s20] =	ssyncadd.s32 $0xFFFFEC00  }
0x2f3: {  	[tilespmem:s7], [sflag:$0x11] =	stream.linear.gather [spmem:s21], $0x1400, $0x38;
	[tilespmem:$0x1F080] =	vst v63  }
0x2f4: {  	_ =	swait.ge [sflag:s20], $0x1400  }
0x2f5: {  	[sflag:s20] =	ssyncset.done $0x0  }
0x2f6: {  	s25 =	rddreg [dreg:$0xf];
	[sflag:s20] =	ssyncadd.s32 $0xFFFFEC00  }
0x2f7: {  	[hbm4b:s25+s1] =	stream.linear.scatter [tilespmem:s7], [sflag:$0x11], $0x1400, $0x38;
	[tilespmem:$0x1F080] =	vst v63  }
0x2f8: {  	_ =	swait.ge [sflag:s20], $0x1400  }
0x2f9: {  	s21 =	sld [smem:$0x7EA]  }
0x2fa: {  	[sflag:s20] =	ssyncset.done $0x0  }
0x2fb: {  	[sflag:s20] =	ssyncadd.s32 $0xFFFFEC00  }
0x2fc: {  	[tilespmem:s7], [sflag:$0x11] =	stream.linear.gather [spmem:s21], $0x1400, $0x38;
	[tilespmem:$0x1F080] =	vst v63  }
0x2fd: {  	_ =	swait.ge [sflag:s20], $0x1400  }
0x2fe: {  	[sflag:s20] =	ssyncset.done $0x0  }
0x2ff: {  	s25 =	rddreg [dreg:$0x10];
	[sflag:s20] =	ssyncadd.s32 $0xFFFFEC00  }
0x300: {  	[hbm4b:s25+s1] =	stream.linear.scatter [tilespmem:s7], [sflag:$0x11], $0x1400, $0x38;
	[tilespmem:$0x1F080] =	vst v63  }
0x301: {  	_ =	swait.ge [sflag:s20], $0x1400  }
0x302: {  	s21 =	sld [smem:$0x7EB]  }
0x303: {  	[sflag:s20] =	ssyncset.done $0x0  }
0x304: {  	[sflag:s20] =	ssyncadd.s32 $0xFFFFEC00  }
0x305: {  	[tilespmem:s7], [sflag:$0x11] =	stream.linear.gather [spmem:s21], $0x1400, $0x38;
	[tilespmem:$0x1F080] =	vst v63  }
0x306: {  	_ =	swait.ge [sflag:s20], $0x1400  }
0x307: {  	[sflag:s20] =	ssyncset.done $0x0  }
0x308: {  	s25 =	rddreg [dreg:$0x11];
	[sflag:s20] =	ssyncadd.s32 $0xFFFFEC00  }
0x309: {  	[hbm4b:s25+s1] =	stream.linear.scatter [tilespmem:s7], [sflag:$0x11], $0x1400, $0x38;
	[tilespmem:$0x1F080] =	vst v63  }
0x30a: {  	_ =	swait.ge [sflag:s20], $0x1400  }
0x30b: {  	s21 =	sld [smem:$0x7EC]  }
0x30c: {  	[sflag:s20] =	ssyncset.done $0x0  }
0x30d: {  	[sflag:s20] =	ssyncadd.s32 $0xFFFFEC00  }
0x30e: {  	[tilespmem:s7], [sflag:$0x11] =	stream.linear.gather [spmem:s21], $0x1400, $0x38;
	[tilespmem:$0x1F080] =	vst v63  }
0x30f: {  	_ =	swait.ge [sflag:s20], $0x1400  }
0x310: {  	[sflag:s20] =	ssyncset.done $0x0  }
0x311: {  	s25 =	rddreg [dreg:$0x12];
	[sflag:s20] =	ssyncadd.s32 $0xFFFFEC00  }
0x312: {  	[hbm4b:s25+s1] =	stream.linear.scatter [tilespmem:s7], [sflag:$0x11], $0x1400, $0x38;
	[tilespmem:$0x1F080] =	vst v63  }
0x313: {  	_ =	swait.ge [sflag:s20], $0x1400  }
0x314: {  	s21 =	sld [smem:$0x7ED]  }
0x315: {  	[sflag:s20] =	ssyncset.done $0x0  }
0x316: {  	[sflag:s20] =	ssyncadd.s32 $0xFFFFEC00  }
0x317: {  	[tilespmem:s7], [sflag:$0x11] =	stream.linear.gather [spmem:s21], $0x1400, $0x38;
	[tilespmem:$0x1F080] =	vst v63  }
0x318: {  	_ =	swait.ge [sflag:s20], $0x1400  }
0x319: {  	[sflag:s20] =	ssyncset.done $0x0  }
0x31a: {  	s25 =	rddreg [dreg:$0x13];
	[sflag:s20] =	ssyncadd.s32 $0xFFFFEC00  }
0x31b: {  	[hbm4b:s25+s1] =	stream.linear.scatter [tilespmem:s7], [sflag:$0x11], $0x1400, $0x38;
	[tilespmem:$0x1F080] =	vst v63  }
0x31c: {  	_ =	swait.ge [sflag:s20], $0x1400  }
0x31d: {  	s7 =	sld [smem:$0x7EE]  }
0x31e: {  	[sflag:s20] =	ssyncset.done $0x0  }
0x31f: {  	s5 =	simm.s32 @!p0 $0xA400;
	[sflag:s20] =	ssyncadd.s32 $0xFFFFEC00  }
0x320: {  	[tilespmem:s5], [sflag:$0x11] =	stream.linear.gather @!p0 [spmem:s7], $0x1400, $0x38;
	[tilespmem:$0x1F080] =	vst v63  }
0x321: {  	s7 =	simm.s32 @!p0 $0x11  }
0x322: {  	_ =	swait.ge @!p0 [sflag:s7], $0x1400  }
0x323: {  	[sflag:s7] =	ssyncset.done @!p0 $0x0  }
0x324: {  	s21 =	simm.s32 @!p0 $0x0;
	s25 =	rddreg [dreg:$0x14];
	[sflag:s7] =	ssyncadd.s32 @!p0 $0xFFFFEC00  }
0x325: {  	[hbm4b:s25+s21] =	stream.linear.scatter @!p0 [tilespmem:s5], [sflag:$0x11], $0x1400, $0x38;
	[tilespmem:$0x1F080] =	vst v63  }
0x326: {  	_ =	swait.ge @!p0 [sflag:s7], $0x1400  }
0x327: {  	s5 =	sld [smem:$0x7E4]  }
0x328: {  	s25 =	sld [smem:$0x7F9];
	_ =	sdelay $0x1  }
0x329: {  	s21 =	sadd.s32 $0x1, s5  }
0x32a: {  	p1 =	sne.s32 s21, s25  }
.Ltmp8:
0x32b: {  	_ = 	snop;
	(pc) =	sbr.rel @p1 .LBB2_1-.Ltmp8, $3  }
0x32c: {  	_ =	sdelay $0x1  }
0x32d: {  	[sflag:s7] =	ssyncset.done @!p0 $0x0  }
0x32e: {  	[sflag:s7] =	ssyncadd.s32 @!p0 $0xFFFFEC00  }
0x32f: {  	_ =	sfence.sel $0x180000  }
0x330: {  	[bflag:$0x0] =	sbarrier.arrive $0xFFFF  }
0x331: {  	_ =	strace $0x90000047  }
0x332: {  	s0 =	stileid.u32;
	[bflag:$0x2] =	sbarrier.arrive $0xFFFF  }
0x333: {  	p0 =	sne.s32 s0, $0x0;
	s0 =	rddreg [dreg:$0x4]  }
0x334: {  	s0 =	sadd.s32 @!p0 $0x100000, s0  }
0x335: {  	[sflag:s0] =	ssyncadd.tile.s32 @!p0 $0x1;
	_ =	shalt  }
.Lfunc_end2:
_tile_overlayer_lowered:
.L_overlay_start_2:
0x336: {  	(tag) =	ssettag $0x2  }
0x337: {  	s0 =	rddreg [dreg:$0x0];
	s2 =	stileid.u32  }
0x338: {  	s1 =	rddreg [dreg:$0x1];
	p0 =	sne.s32 s2, $0x0  }
0x339: {  	s3 =	rddreg [dreg:$0x2];
	[bflag:$0x3] =	sbarrier.arrive $0xFFFF;
	s2 =	simm.s32 @!p0 $0x1C11  }
0x33a: {  	[timem:s3], [sflag:s2] =	dma.local @!p0 [hbm:s0], s1  }
0x33b: {  	s0 =	simm.s32 @!p0 $0x11  }
0x33c: {  	_ =	swait.ge @!p0 [sflag:s0], s1  }
0x33d: {  	s1 =	ssub.s32 @!p0 $0x0, s1;
	[sflag:s0] =	ssyncset.done @!p0 $0x0  }
0x33e: {  	[sflag:s0] =	ssyncadd.s32 @!p0 s1  }
0x33f: {  	[bflag:$0x3] =	sbarrier.arrive $0xFFFF  }
0x340: {  	_ =	shalt  }

</sc_bundles>
